<compile_context>
chip_gen: v7x
topology: tpu7x:2x2x1
jax: 0.10.2.dev20260603
libtpu: 0.0.44.dev20260713+nightly
codegen_flags: <defaults>
</compile_context>

<pallas_src>
import functools

import jax
import jax.numpy as jnp
from jax import lax
from jax.experimental import pallas as pl
from jax.experimental.pallas import tpu as pltpu
from jax.experimental.pallas import tpu_sc as plsc

_N = 10000
_C = 128
_E = 320000
_NW = 32
_PER_W = _E // _NW
_CH = 128
_NCH = _PER_W // _CH
_TAIL = _PER_W - _NCH * _CH
_RPT = 624

_mesh = plsc.VectorSubcoreMesh(core_axis_name="c", subcore_axis_name="s")


_RING = 13


@functools.partial(
    pl.kernel,
    out_type=jax.ShapeDtypeStruct((2, _N), jnp.float32),
    scratch_types=[
        pltpu.VMEM_SHARED((_N,), jnp.float32),
        pltpu.VMEM((_CH,), jnp.float32),
        pltpu.VMEM((_NCH, 1, _CH), jnp.int32),
        pltpu.VMEM((1, _TAIL), jnp.int32),
        pltpu.SemaphoreType.DMA,
    ],
    mesh=_mesh,
)
def _sc_degree(dstf_hbm, dstt_hbm, zeros_hbm, ones_hbm, out_hbm, shared_deg,
               ones_v, didx3d, didx_t, sem_sc):
    cid = lax.axis_index("c")
    sid = lax.axis_index("s")
    w = cid * 16 + sid

    @pl.when(sid == 0)
    def _():
        pltpu.sync_copy(zeros_hbm, shared_deg)

    pltpu.sync_copy(ones_hbm, ones_v)
    pltpu.sync_copy(dstf_hbm.at[w], didx3d)
    pltpu.sync_copy(dstt_hbm.at[w], didx_t)
    plsc.subcore_barrier()

    def _wait_one():
        pltpu.make_async_copy(ones_v, shared_deg.at[didx3d.at[0, 0]],
                              sem_sc).wait()

    def ring(g, _):
        for k in range(_RING):
            pltpu.async_copy(ones_v, shared_deg.at[didx3d.at[g * _RING + k, 0]],
                             sem_sc, add=True)

        @pl.when(g > 0)
        def _():
            for k in range(_RING):
                _wait_one()

        return 0

    lax.fori_loop(0, _NCH // _RING, ring, 0)
    for k in range(_RING):
        _wait_one()
    pltpu.sync_copy(ones_v.at[pl.ds(0, _TAIL)], shared_deg.at[didx_t.at[0]],
                    add=True)
    plsc.subcore_barrier()

    @pl.when(sid == 0)
    def _():
        pltpu.sync_copy(shared_deg, out_hbm.at[cid])


@functools.partial(
    pl.kernel,
    out_type=jax.ShapeDtypeStruct((2, _N, _C), jnp.float32),
    scratch_types=[
        pltpu.VMEM_SHARED((_N, _C), jnp.float32),
        pltpu.VMEM((_CH,), jnp.int32),
        pltpu.VMEM((_CH,), jnp.int32),
        pltpu.VMEM((_CH,), jnp.int32),
        pltpu.VMEM((_CH,), jnp.int32),
        pltpu.VMEM((_TAIL,), jnp.int32),
        pltpu.VMEM((_TAIL,), jnp.int32),
        pltpu.VMEM((_CH, _C), jnp.float32),
        pltpu.VMEM((_CH, _C), jnp.float32),
        pltpu.SemaphoreType.DMA,
        pltpu.SemaphoreType.DMA,
        pltpu.SemaphoreType.DMA,
        pltpu.SemaphoreType.DMA,
        pltpu.SemaphoreType.DMA,
        pltpu.SemaphoreType.DMA,
    ],
    mesh=_mesh,
)
def _sc_segsum(ys_hbm, src_hbm, dst_hbm, zeros_hbm, out_hbm, shared_acc,
               sidx_a, sidx_b, didx_a, didx_b, sidx_t, didx_t, rows_a,
               rows_b, sem_sa, sem_sb, sem_da, sem_db, sem_a, sem_b):
    cid = lax.axis_index("c")
    sid = lax.axis_index("s")
    w = cid * 16 + sid

    @pl.when(sid < 15)
    def _():
        pltpu.sync_copy(zeros_hbm.at[pl.ds(sid * _RPT, _RPT)],
                        shared_acc.at[pl.ds(sid * _RPT, _RPT)])

    @pl.when(sid == 15)
    def _():
        pltpu.sync_copy(zeros_hbm.at[pl.ds(15 * _RPT, _N - 15 * _RPT)],
                        shared_acc.at[pl.ds(15 * _RPT, _N - 15 * _RPT)])

    base = (cid * 16 + sid) * _PER_W

    def _issue_idx(i, sidx, sem_s, didx, sem_d):
        off = base + i * _CH
        pltpu.async_copy(src_hbm.at[pl.ds(off, _CH)], sidx, sem_s)
        pltpu.async_copy(dst_hbm.at[pl.ds(off, _CH)], didx, sem_d)

    def _wait(src_like, dst, sem):
        pltpu.make_async_copy(src_like, dst, sem).wait()

    _issue_idx(0, sidx_a, sem_sa, didx_a, sem_da)
    _issue_idx(1, sidx_b, sem_sb, didx_b, sem_db)
    _wait(src_hbm.at[pl.ds(0, _CH)], sidx_a, sem_sa)
    pltpu.async_copy(ys_hbm.at[sidx_a], rows_a, sem_a)
    _wait(src_hbm.at[pl.ds(0, _CH)], sidx_b, sem_sb)
    pltpu.async_copy(ys_hbm.at[sidx_b], rows_b, sem_b)
    plsc.subcore_barrier()

    def _step(i, sidx, sem_s, didx, sem_d, rows, sem_g):
        _wait(ys_hbm.at[pl.ds(0, _CH)], rows, sem_g)
        off2 = base + (i + 2) * _CH
        pltpu.async_copy(src_hbm.at[pl.ds(off2, _CH)], sidx, sem_s)
        _wait(src_hbm.at[pl.ds(0, _CH)], didx, sem_d)
        pltpu.sync_copy(rows, shared_acc.at[didx], add=True)
        pltpu.async_copy(dst_hbm.at[pl.ds(off2, _CH)], didx, sem_d)
        _wait(src_hbm.at[pl.ds(0, _CH)], sidx, sem_s)
        pltpu.async_copy(ys_hbm.at[sidx], rows, sem_g)

    def body(i, _):
        @pl.when(i % 2 == 0)
        def _():
            _step(i, sidx_a, sem_sa, didx_a, sem_da, rows_a, sem_a)

        @pl.when(i % 2 == 1)
        def _():
            _step(i, sidx_b, sem_sb, didx_b, sem_db, rows_b, sem_b)

        return 0

    lax.fori_loop(0, _NCH - 2, body, 0)

    def _drain(didx, sem_d, rows, sem_g):
        _wait(ys_hbm.at[pl.ds(0, _CH)], rows, sem_g)
        _wait(src_hbm.at[pl.ds(0, _CH)], didx, sem_d)
        pltpu.sync_copy(rows, shared_acc.at[didx], add=True)

    _drain(didx_a, sem_da, rows_a, sem_a)
    _drain(didx_b, sem_db, rows_b, sem_b)

    o_t = base + _NCH * _CH
    pltpu.async_copy(src_hbm.at[pl.ds(o_t, _TAIL)], sidx_t, sem_sa)
    pltpu.async_copy(dst_hbm.at[pl.ds(o_t, _TAIL)], didx_t, sem_da)
    _wait(src_hbm.at[pl.ds(0, _TAIL)], sidx_t, sem_sa)
    pltpu.async_copy(ys_hbm.at[sidx_t], rows_a.at[pl.ds(0, _TAIL)],
                     sem_a).wait()
    _wait(dst_hbm.at[pl.ds(0, _TAIL)], didx_t, sem_da)
    pltpu.sync_copy(rows_a.at[pl.ds(0, _TAIL)], shared_acc.at[didx_t],
                    add=True)
    plsc.subcore_barrier()

    @pl.when(sid < 15)
    def _():
        pltpu.sync_copy(shared_acc.at[pl.ds(sid * _RPT, _RPT)],
                        out_hbm.at[cid, pl.ds(sid * _RPT, _RPT)])

    @pl.when(sid == 15)
    def _():
        pltpu.sync_copy(shared_acc.at[pl.ds(15 * _RPT, _N - 15 * _RPT)],
                        out_hbm.at[cid, pl.ds(15 * _RPT, _N - 15 * _RPT)])


def _dis_body(deg_ref, out_ref):
    d = deg_ref[0:1, :] + deg_ref[1:2, :] + 1.0
    out_ref[...] = lax.rsqrt(d)


def _tc_dis(deg2):
    return pl.pallas_call(
        _dis_body,
        out_shape=jax.ShapeDtypeStruct((1, _N), jnp.float32),
    )(deg2)


_R = 2000


def _matmul_body(h_ref, w_ref, xw_ref):
    xw_ref[...] = jnp.dot(h_ref[...], w_ref[...],
                          preferred_element_type=jnp.float32)


def _tc_matmul(h, w):
    grid = (_N // _R,)
    return pl.pallas_call(
        _matmul_body,
        grid=grid,
        in_specs=[
            pl.BlockSpec((_R, _C), lambda i: (i, 0)),
            pl.BlockSpec((_C, _C), lambda i: (0, 0)),
        ],
        out_specs=pl.BlockSpec((_R, _C), lambda i: (i, 0)),
        out_shape=jax.ShapeDtypeStruct((_N, _C), jnp.float32),
    )(h, w)


def _scale_body(xw_ref, dis_ref, ys_ref):
    ys_ref[...] = xw_ref[...] * dis_ref[...]


def _tc_scale(xw, dis_col):
    grid = (_N // _R,)
    return pl.pallas_call(
        _scale_body,
        grid=grid,
        in_specs=[
            pl.BlockSpec((_R, _C), lambda i: (i, 0)),
            pl.BlockSpec((_R, 1), lambda i: (i, 0)),
        ],
        out_specs=pl.BlockSpec((_R, _C), lambda i: (i, 0)),
        out_shape=jax.ShapeDtypeStruct((_N, _C), jnp.float32),
    )(xw, dis_col)


def _layer_mid_body(a0_ref, a1_ref, ys_ref, dis_ref, b_ref, w_ref,
                    out_ref, ysn_ref):
    d = dis_ref[...]
    agg = (a0_ref[...] + a1_ref[...] + ys_ref[...]) * d + b_ref[...]
    out = jnp.maximum(agg, 0.0)
    out_ref[...] = out
    xwn = jnp.dot(out, w_ref[...], preferred_element_type=jnp.float32)
    ysn_ref[...] = xwn * d


def _tc_layer_mid(a0, a1, ys, dis_col, b_row, w_next):
    grid = (_N // _R,)
    return pl.pallas_call(
        _layer_mid_body,
        grid=grid,
        in_specs=[
            pl.BlockSpec((_R, _C), lambda i: (i, 0)),
            pl.BlockSpec((_R, _C), lambda i: (i, 0)),
            pl.BlockSpec((_R, _C), lambda i: (i, 0)),
            pl.BlockSpec((_R, 1), lambda i: (i, 0)),
            pl.BlockSpec((1, _C), lambda i: (0, 0)),
            pl.BlockSpec((_C, _C), lambda i: (0, 0)),
        ],
        out_specs=[
            pl.BlockSpec((_R, _C), lambda i: (i, 0)),
            pl.BlockSpec((_R, _C), lambda i: (i, 0)),
        ],
        out_shape=[
            jax.ShapeDtypeStruct((_N, _C), jnp.float32),
            jax.ShapeDtypeStruct((_N, _C), jnp.float32),
        ],
    )(a0, a1, ys, dis_col, b_row, w_next)


def _layer_last_body(a0_ref, a1_ref, ys_ref, dis_ref, b_ref, out_ref):
    d = dis_ref[...]
    agg = (a0_ref[...] + a1_ref[...] + ys_ref[...]) * d + b_ref[...]
    out_ref[...] = jnp.maximum(agg, 0.0)


def _tc_layer_last(a0, a1, ys, dis_col, b_row):
    grid = (_N // _R,)
    return pl.pallas_call(
        _layer_last_body,
        grid=grid,
        in_specs=[
            pl.BlockSpec((_R, _C), lambda i: (i, 0)),
            pl.BlockSpec((_R, _C), lambda i: (i, 0)),
            pl.BlockSpec((_R, _C), lambda i: (i, 0)),
            pl.BlockSpec((_R, 1), lambda i: (i, 0)),
            pl.BlockSpec((1, _C), lambda i: (0, 0)),
        ],
        out_specs=pl.BlockSpec((_R, _C), lambda i: (i, 0)),
        out_shape=jax.ShapeDtypeStruct((_N, _C), jnp.float32),
    )(a0, a1, ys, dis_col, b_row)


_G = _R // 8


def _readout_body(o1_ref, o2_ref, o3_ref, o4_ref, o5_ref, st_ref, act_ref,
                  l1_ref, la_ref, l1b_ref, l2_ref, l2b_ref, l3_ref, l3b_ref,
                  out_ref):
    f32 = jnp.float32
    x1 = jnp.dot(o1_ref[...], l1_ref[0], preferred_element_type=f32)
    x1 += jnp.dot(o2_ref[...], l1_ref[1], preferred_element_type=f32)
    x1 += jnp.dot(o3_ref[...], l1_ref[2], preferred_element_type=f32)
    x1 += jnp.dot(o4_ref[...], l1_ref[3], preferred_element_type=f32)
    x1 += jnp.dot(o5_ref[...], l1_ref[4], preferred_element_type=f32)
    x1 += jnp.dot(st_ref[...], l1_ref[5], preferred_element_type=f32)
    x1 += act_ref[...] * la_ref[...] + l1b_ref[...]
    x1 = jnp.maximum(x1, 0.0)
    x2 = jnp.maximum(
        jnp.dot(x1, l2_ref[...], preferred_element_type=f32) + l2b_ref[...],
        0.0)
    s = jnp.dot(x2, l3_ref[...], preferred_element_type=f32)
    rows = lax.broadcasted_iota(jnp.int32, (_G, _R), 1)
    grp = lax.broadcasted_iota(jnp.int32, (_G, _R), 0)
    pmat = jnp.where(rows // 8 == grp, 1.0, 0.0).astype(f32)
    res = jnp.dot(pmat, s, preferred_element_type=f32) + l3b_ref[...]
    out_ref[...] = res[None]


def _tc_readout(o1, o2, o3, o4, o5, st, act_col, l1s, la_row, l1b_row, l2t,
                l2b_row, l3col, l3b11):
    grid = (_N // _R,)
    rc = pl.BlockSpec((_R, _C), lambda i: (i, 0))
    return pl.pallas_call(
        _readout_body,
        grid=grid,
        in_specs=[
            rc, rc, rc, rc, rc, rc,
            pl.BlockSpec((_R, 1), lambda i: (i, 0)),
            pl.BlockSpec((6, _C, 32), lambda i: (0, 0, 0)),
            pl.BlockSpec((1, 32), lambda i: (0, 0)),
            pl.BlockSpec((1, 32), lambda i: (0, 0)),
            pl.BlockSpec((32, 32), lambda i: (0, 0)),
            pl.BlockSpec((1, 32), lambda i: (0, 0)),
            pl.BlockSpec((32, 1), lambda i: (0, 0)),
            pl.BlockSpec((1, 1), lambda i: (0, 0)),
        ],
        out_specs=pl.BlockSpec((1, _G, 1), lambda i: (i, 0, 0)),
        out_shape=jax.ShapeDtypeStruct((_N // _R, _G, 1), jnp.float32),
    )(o1, o2, o3, o4, o5, st, act_col, l1s, la_row, l1b_row, l2t, l2b_row,
      l3col, l3b11)


def kernel(state, edge_index, action, W1, b1, W2, b2, W3, b3, lin1W, lin1b,
           lin2W, lin2b, lin3W, lin3b):
    src = edge_index[0]
    dst = edge_index[1]
    dstw = dst.reshape(_NW, _PER_W)
    dstf = dstw[:, :_NCH * _CH].reshape(_NW, _NCH, 1, _CH)
    dstt = dstw[:, _NCH * _CH:].reshape(_NW, 1, _TAIL)
    zeros_n = jnp.zeros((_N,), jnp.float32)
    zeros_nc = jnp.zeros((_N, _C), jnp.float32)
    ones_ch = jnp.ones((_CH,), jnp.float32)

    xw1 = _tc_matmul(state, W1)
    deg2 = _sc_degree(dstf, dstt, zeros_n, ones_ch)
    dis_col = _tc_dis(deg2).reshape(_N, 1)

    def segsum(ys):
        acc = _sc_segsum(ys, src, dst, zeros_nc)
        return acc[0], acc[1]

    ys1 = _tc_scale(xw1, dis_col)
    a0, a1 = segsum(ys1)
    out1, ys2 = _tc_layer_mid(a0, a1, ys1, dis_col, b1.reshape(1, _C), W2)
    a0, a1 = segsum(ys2)
    out2, ys3 = _tc_layer_mid(a0, a1, ys2, dis_col, b2.reshape(1, _C), W3)
    a0, a1 = segsum(ys3)
    out3, ys4 = _tc_layer_mid(a0, a1, ys3, dis_col, b3.reshape(1, _C), W3)
    a0, a1 = segsum(ys4)
    out4, ys5 = _tc_layer_mid(a0, a1, ys4, dis_col, b3.reshape(1, _C), W3)
    a0, a1 = segsum(ys5)
    out5 = _tc_layer_last(a0, a1, ys5, dis_col, b3.reshape(1, _C))

    l1s = jnp.stack([
        lin1W[:, 0 * _C:1 * _C].T, lin1W[:, 1 * _C:2 * _C].T,
        lin1W[:, 2 * _C:3 * _C].T, lin1W[:, 3 * _C:4 * _C].T,
        lin1W[:, 4 * _C:5 * _C].T, lin1W[:, 5 * _C:6 * _C].T,
    ])
    la_row = lin1W[:, 6 * _C].reshape(1, 32)
    act_col = action.reshape(_N, 1)
    y = _tc_readout(out1, out2, out3, out4, out5, state, act_col, l1s,
                    la_row, lin1b.reshape(1, 32), lin2W.T,
                    lin2b.reshape(1, 32), lin3W.T, lin3b.reshape(1, 1))
    return y.reshape(_N // 8)

# --- scband reference (transcript-rebuilt; emitter-appended) ---
"""Pipeline reference for scband-gnncritic-11845519803074 (READ-ONLY COPY).

The authoritative reference and input builder live on the scoring server;
editing this copy changes nothing except your own understanding.
"""

import jax, jax.numpy as jnp
import numpy as np

N = 10000
E = 320000
C = 128
ACT = 8
H = 32
CONCAT = 6 * C + 1


def setup_inputs(seed: int = 0) -> dict:
    key = jax.random.key(seed)
    ks = jax.random.split(key, 16)
    s = 1.0 / np.sqrt(C)
    inp = {}
    inp['state'] = jax.random.normal(ks[0], (N, C), dtype=jnp.float32)
    inp['edge_index'] = jax.random.randint(ks[1], (2, E), 0, N, dtype=jnp.int32)
    inp['action'] = jax.random.normal(ks[2], (N // ACT, ACT), dtype=jnp.float32)
    # GCNConv params (conv4/conv5 are defined in the module but never used:
    # forward calls conv3 three times, a bug faithfully reproduced here)
    inp['W1'] = jax.random.uniform(ks[3], (C, C), jnp.float32, -s, s)
    inp['b1'] = jnp.zeros((C,), jnp.float32)
    inp['W2'] = jax.random.uniform(ks[4], (C, C), jnp.float32, -s, s)
    inp['b2'] = jnp.zeros((C,), jnp.float32)
    inp['W3'] = jax.random.uniform(ks[5], (C, C), jnp.float32, -s, s)
    inp['b3'] = jnp.zeros((C,), jnp.float32)
    s1 = 1.0 / np.sqrt(CONCAT)
    inp['lin1W'] = jax.random.uniform(ks[6], (H, CONCAT), jnp.float32, -s1, s1)
    inp['lin1b'] = jax.random.uniform(ks[7], (H,), jnp.float32, -s1, s1)
    s2 = 1.0 / np.sqrt(H)
    inp['lin2W'] = jax.random.uniform(ks[8], (H, H), jnp.float32, -s2, s2)
    inp['lin2b'] = jax.random.uniform(ks[9], (H,), jnp.float32, -s2, s2)
    inp['lin3W'] = jax.random.uniform(ks[10], (1, H), jnp.float32, -s2, s2)
    inp['lin3b'] = jax.random.uniform(ks[11], (1,), jnp.float32, -s2, s2)
    return inp


def gcn_conv(x, edge_index, W, b):
    # PyG GCNConv: add self-loops, symmetric norm D^-1/2 (A+I) D^-1/2 X W + b
    loop = jnp.arange(N, dtype=edge_index.dtype)
    src = jnp.concatenate([edge_index[0], loop])
    dst = jnp.concatenate([edge_index[1], loop])
    deg = jnp.zeros((N,), jnp.float32).at[dst].add(1.0)
    dis = jnp.where(deg > 0, deg ** -0.5, 0.0)
    norm = dis[src] * dis[dst]
    xw = x @ W
    msg = xw[src] * norm[:, None]
    out = jnp.zeros_like(xw).at[dst].add(msg)
    return out + b


def reference(state, edge_index, action, W1, b1, W2, b2, W3, b3, lin1W, lin1b, lin2W, lin2b, lin3W, lin3b):
    out1 = jax.nn.relu(gcn_conv(state, edge_index, W1, b1))
    out2 = jax.nn.relu(gcn_conv(out1, edge_index, W2, b2))
    out3 = jax.nn.relu(gcn_conv(out2, edge_index, W3, b3))
    out4 = jax.nn.relu(gcn_conv(out3, edge_index, W3, b3))
    out5 = jax.nn.relu(gcn_conv(out4, edge_index, W3, b3))
    r = lambda t: t.reshape(-1, ACT, C)
    concat = jnp.concatenate([r(out1), r(out2), r(out3), r(out4), r(out5), r(state), action[..., None]], axis=-1)
    x = jax.nn.relu(concat @ lin1W.T + lin1b)
    x = jax.nn.relu(x @ lin2W.T + lin2b)
    x = jnp.sum(x, axis=1)
    x = (x @ lin3W.T + lin3b).squeeze(-1)
    return x

if __name__ == "__main__":
    import jax
    _d = setup_inputs()
    print(jax.jit(kernel)(*tuple(_d.values())))

</pallas_src>

<mosaic_0001>
#map = affine_map<(d0, d1) -> (0, 0)>
#map1 = affine_map<(d0, d1) -> (0)>
#map2 = affine_map<(d0, d1) -> (0, 0, 0)>
module attributes {stable_mosaic.version = 14 : i64} {
  func.func @_sc_segsum(%arg0: i32, %arg1: i32, %arg2: memref<10000x128xf32, #tpu.memory_space<hbm>>, %arg3: memref<320000xi32, #tpu.memory_space<hbm>>, %arg4: memref<320000xi32, #tpu.memory_space<hbm>>, %arg5: memref<10000x128xf32, #tpu.memory_space<hbm>>, %arg6: memref<2x10000x128xf32, #tpu.memory_space<hbm>>, %arg7: memref<10000x128xf32, #tpu.memory_space<vmem_shared>>, %arg8: memref<128xi32, #tpu.memory_space<vmem>>, %arg9: memref<128xi32, #tpu.memory_space<vmem>>, %arg10: memref<128xi32, #tpu.memory_space<vmem>>, %arg11: memref<128xi32, #tpu.memory_space<vmem>>, %arg12: memref<16xi32, #tpu.memory_space<vmem>>, %arg13: memref<16xi32, #tpu.memory_space<vmem>>, %arg14: memref<128x128xf32, #tpu.memory_space<vmem>>, %arg15: memref<128x128xf32, #tpu.memory_space<vmem>>, %arg16: memref<!tpu.dma_semaphore, #tpu.memory_space<semaphore_mem>>, %arg17: memref<!tpu.dma_semaphore, #tpu.memory_space<semaphore_mem>>, %arg18: memref<!tpu.dma_semaphore, #tpu.memory_space<semaphore_mem>>, %arg19: memref<!tpu.dma_semaphore, #tpu.memory_space<semaphore_mem>>, %arg20: memref<!tpu.dma_semaphore, #tpu.memory_space<semaphore_mem>>, %arg21: memref<!tpu.dma_semaphore, #tpu.memory_space<semaphore_mem>>) attributes {dimension_semantics = [#tpu.dimension_semantics<core_parallel>, #tpu.dimension_semantics<subcore_parallel>], iteration_bounds = array<i64: 2, 16>, scalar_prefetch = 0 : i64, scratch_operands = 15 : i64, tpu.core_type = #tpu.core_type<sc_vector_subcore>, window_params = [{transform_indices = #map}, {transform_indices = #map1}, {transform_indices = #map1}, {transform_indices = #map}, {transform_indices = #map2}]} {
    %mul3A = arith.constant 16 : i32
    %mul3A_0 = arith.muli %arg0, %mul3A : i32
    %add3A = arith.addi %mul3A_0, %arg1 : i32
    %lt3A = arith.constant 15 : i32
    %lt3A_1 = arith.cmpi slt, %arg1, %lt3A : i32
    %convert_element_type3A = arith.extui %lt3A_1 : i1 to i32
    %cond3A = arith.constant 0 : i32
    %cond3A_2 = arith.cmpi ne, %convert_element_type3A, %cond3A : i32
    scf.if %cond3A_2 {
      %mul3A_99 = arith.constant 624 : i32
      %mul3A_100 = arith.muli %arg1, %mul3A_99 : i32
      %mul3A_101 = arith.constant 624 : i32
      %mul3A_102 = arith.muli %arg1, %mul3A_101 : i32
      "tpu.region"() ({
        %run_scoped3A = tpu.sem_alloc : memref<!tpu.dma_semaphore, #tpu.memory_space<semaphore_mem>>
        %dma_start3A_103 = arith.constant 0 : i32
        %dma_start3A_104 = tpu.memref_slice %arg7[%mul3A_102, %dma_start3A_103] : memref<10000x128xf32, #tpu.memory_space<vmem_shared>> -> memref<624x128xf32, #tpu.memory_space<vmem_shared>>
        %dma_start3A_105 = arith.constant 0 : i32
        %dma_start3A_106 = tpu.memref_slice %arg5[%mul3A_100, %dma_start3A_105] : memref<10000x128xf32, #tpu.memory_space<hbm>> -> memref<624x128xf32, #tpu.memory_space<hbm>>
        tpu.enqueue_dma source(%dma_start3A_106 : memref<624x128xf32, #tpu.memory_space<hbm>>) target(%dma_start3A_104 : memref<624x128xf32, #tpu.memory_space<vmem_shared>>) target_semaphore(%run_scoped3A : memref<!tpu.dma_semaphore, #tpu.memory_space<semaphore_mem>>)
        %dma_wait3A_107 = arith.constant 0 : i32
        %dma_wait3A_108 = tpu.memref_slice %arg7[%mul3A_102, %dma_wait3A_107] : memref<10000x128xf32, #tpu.memory_space<vmem_shared>> -> memref<624x128xf32, #tpu.memory_space<vmem_shared>>
        %dma_wait3A_109 = arith.constant 0 : i32
        %dma_wait3A_110 = tpu.memref_slice %arg5[%mul3A_100, %dma_wait3A_109] : memref<10000x128xf32, #tpu.memory_space<hbm>> -> memref<624x128xf32, #tpu.memory_space<hbm>>
        tpu.wait_dma2 semaphore(%run_scoped3A : memref<!tpu.dma_semaphore, #tpu.memory_space<semaphore_mem>>) src(%dma_wait3A_110 : memref<624x128xf32, #tpu.memory_space<hbm>>) dst(%dma_wait3A_108 : memref<624x128xf32, #tpu.memory_space<vmem_shared>>)
        tpu.yield
      }) : () -> ()
    } else {
    }
    %eq3A = arith.constant 15 : i32
    %eq3A_3 = arith.cmpi eq, %arg1, %eq3A : i32
    %convert_element_type3A_4 = arith.extui %eq3A_3 : i1 to i32
    %cond3A_5 = arith.constant 0 : i32
    %cond3A_6 = arith.cmpi ne, %convert_element_type3A_4, %cond3A_5 : i32
    scf.if %cond3A_6 {
      "tpu.region"() ({
        %run_scoped3A = tpu.sem_alloc : memref<!tpu.dma_semaphore, #tpu.memory_space<semaphore_mem>>
        %dma_start3A_99 = arith.constant 9360 : i32
        %dma_start3A_100 = arith.constant 0 : i32
        %dma_start3A_101 = tpu.memref_slice %arg7[%dma_start3A_99, %dma_start3A_100] : memref<10000x128xf32, #tpu.memory_space<vmem_shared>> -> memref<640x128xf32, #tpu.memory_space<vmem_shared>>
        %dma_start3A_102 = arith.constant 9360 : i32
        %dma_start3A_103 = arith.constant 0 : i32
        %dma_start3A_104 = tpu.memref_slice %arg5[%dma_start3A_102, %dma_start3A_103] : memref<10000x128xf32, #tpu.memory_space<hbm>> -> memref<640x128xf32, #tpu.memory_space<hbm>>
        tpu.enqueue_dma source(%dma_start3A_104 : memref<640x128xf32, #tpu.memory_space<hbm>>) target(%dma_start3A_101 : memref<640x128xf32, #tpu.memory_space<vmem_shared>>) target_semaphore(%run_scoped3A : memref<!tpu.dma_semaphore, #tpu.memory_space<semaphore_mem>>)
        %dma_wait3A_105 = arith.constant 9360 : i32
        %dma_wait3A_106 = arith.constant 0 : i32
        %dma_wait3A_107 = tpu.memref_slice %arg7[%dma_wait3A_105, %dma_wait3A_106] : memref<10000x128xf32, #tpu.memory_space<vmem_shared>> -> memref<640x128xf32, #tpu.memory_space<vmem_shared>>
        %dma_wait3A_108 = arith.constant 9360 : i32
        %dma_wait3A_109 = arith.constant 0 : i32
        %dma_wait3A_110 = tpu.memref_slice %arg5[%dma_wait3A_108, %dma_wait3A_109] : memref<10000x128xf32, #tpu.memory_space<hbm>> -> memref<640x128xf32, #tpu.memory_space<hbm>>
        tpu.wait_dma2 semaphore(%run_scoped3A : memref<!tpu.dma_semaphore, #tpu.memory_space<semaphore_mem>>) src(%dma_wait3A_110 : memref<640x128xf32, #tpu.memory_space<hbm>>) dst(%dma_wait3A_107 : memref<640x128xf32, #tpu.memory_space<vmem_shared>>)
        tpu.yield
      }) : () -> ()
    } else {
    }
    %mul3A_7 = arith.constant 16 : i32
    %mul3A_8 = arith.muli %arg0, %mul3A_7 : i32
    %add3A_9 = arith.addi %mul3A_8, %arg1 : i32
    %mul3A_10 = arith.constant 10000 : i32
    %mul3A_11 = arith.muli %add3A_9, %mul3A_10 : i32
    %add3A_12 = arith.constant 0 : i32
    %add3A_13 = arith.addi %mul3A_11, %add3A_12 : i32
    %dma_start3A = tpu.memref_slice %arg3[%add3A_13] : memref<320000xi32, #tpu.memory_space<hbm>> -> memref<128xi32, #tpu.memory_space<hbm>>
    %dma_start3A_14 = tpu.memref_slice %arg3[%add3A_13] : memref<320000xi32, #tpu.memory_space<hbm>> -> memref<128xi32, #tpu.memory_space<hbm>>
    tpu.enqueue_dma source(%dma_start3A_14 : memref<128xi32, #tpu.memory_space<hbm>>) target(%arg8 : memref<128xi32, #tpu.memory_space<vmem>>) target_semaphore(%arg16 : memref<!tpu.dma_semaphore, #tpu.memory_space<semaphore_mem>>)
    %dma_start3A_15 = tpu.memref_slice %arg4[%add3A_13] : memref<320000xi32, #tpu.memory_space<hbm>> -> memref<128xi32, #tpu.memory_space<hbm>>
    %dma_start3A_16 = tpu.memref_slice %arg4[%add3A_13] : memref<320000xi32, #tpu.memory_space<hbm>> -> memref<128xi32, #tpu.memory_space<hbm>>
    tpu.enqueue_dma source(%dma_start3A_16 : memref<128xi32, #tpu.memory_space<hbm>>) target(%arg10 : memref<128xi32, #tpu.memory_space<vmem>>) target_semaphore(%arg18 : memref<!tpu.dma_semaphore, #tpu.memory_space<semaphore_mem>>)
    %add3A_17 = arith.constant 128 : i32
    %add3A_18 = arith.addi %mul3A_11, %add3A_17 : i32
    %dma_start3A_19 = tpu.memref_slice %arg3[%add3A_18] : memref<320000xi32, #tpu.memory_space<hbm>> -> memref<128xi32, #tpu.memory_space<hbm>>
    %dma_start3A_20 = tpu.memref_slice %arg3[%add3A_18] : memref<320000xi32, #tpu.memory_space<hbm>> -> memref<128xi32, #tpu.memory_space<hbm>>
    tpu.enqueue_dma source(%dma_start3A_20 : memref<128xi32, #tpu.memory_space<hbm>>) target(%arg9 : memref<128xi32, #tpu.memory_space<vmem>>) target_semaphore(%arg17 : memref<!tpu.dma_semaphore, #tpu.memory_space<semaphore_mem>>)
    %dma_start3A_21 = tpu.memref_slice %arg4[%add3A_18] : memref<320000xi32, #tpu.memory_space<hbm>> -> memref<128xi32, #tpu.memory_space<hbm>>
    %dma_start3A_22 = tpu.memref_slice %arg4[%add3A_18] : memref<320000xi32, #tpu.memory_space<hbm>> -> memref<128xi32, #tpu.memory_space<hbm>>
    tpu.enqueue_dma source(%dma_start3A_22 : memref<128xi32, #tpu.memory_space<hbm>>) target(%arg11 : memref<128xi32, #tpu.memory_space<vmem>>) target_semaphore(%arg19 : memref<!tpu.dma_semaphore, #tpu.memory_space<semaphore_mem>>)
    %dma_wait3A = arith.constant 0 : i32
    %dma_wait3A_23 = tpu.memref_slice %arg3[%dma_wait3A] : memref<320000xi32, #tpu.memory_space<hbm>> -> memref<128xi32, #tpu.memory_space<hbm>>
    %dma_wait3A_24 = arith.constant 0 : i32
    %dma_wait3A_25 = tpu.memref_slice %arg3[%dma_wait3A_24] : memref<320000xi32, #tpu.memory_space<hbm>> -> memref<128xi32, #tpu.memory_space<hbm>>
    tpu.wait_dma2 semaphore(%arg16 : memref<!tpu.dma_semaphore, #tpu.memory_space<semaphore_mem>>) src(%dma_wait3A_25 : memref<128xi32, #tpu.memory_space<hbm>>) dst(%arg8 : memref<128xi32, #tpu.memory_space<vmem>>)
    %dma_start3A_26 = arith.constant 0 : i32
    %dma_start3A_27 = arith.constant 0 : i32
    %dma_start3A_28 = tpu.memref_slice %arg2[%dma_start3A_26, %dma_start3A_27] : memref<10000x128xf32, #tpu.memory_space<hbm>> -> memref<10000x128xf32, #tpu.memory_space<hbm>>
    tpu.enqueue_indirect_dma source(%dma_start3A_28 : memref<10000x128xf32, #tpu.memory_space<hbm>>) target(%arg14 : memref<128x128xf32, #tpu.memory_space<vmem>>) offsets(%arg8 : memref<128xi32, #tpu.memory_space<vmem>>) semaphore(%arg20 : memref<!tpu.dma_semaphore, #tpu.memory_space<semaphore_mem>>)
    %dma_wait3A_29 = arith.constant 0 : i32
    %dma_wait3A_30 = tpu.memref_slice %arg3[%dma_wait3A_29] : memref<320000xi32, #tpu.memory_space<hbm>> -> memref<128xi32, #tpu.memory_space<hbm>>
    %dma_wait3A_31 = arith.constant 0 : i32
    %dma_wait3A_32 = tpu.memref_slice %arg3[%dma_wait3A_31] : memref<320000xi32, #tpu.memory_space<hbm>> -> memref<128xi32, #tpu.memory_space<hbm>>
    tpu.wait_dma2 semaphore(%arg17 : memref<!tpu.dma_semaphore, #tpu.memory_space<semaphore_mem>>) src(%dma_wait3A_32 : memref<128xi32, #tpu.memory_space<hbm>>) dst(%arg9 : memref<128xi32, #tpu.memory_space<vmem>>)
    %dma_start3A_33 = arith.constant 0 : i32
    %dma_start3A_34 = arith.constant 0 : i32
    %dma_start3A_35 = tpu.memref_slice %arg2[%dma_start3A_33, %dma_start3A_34] : memref<10000x128xf32, #tpu.memory_space<hbm>> -> memref<10000x128xf32, #tpu.memory_space<hbm>>
    tpu.enqueue_indirect_dma source(%dma_start3A_35 : memref<10000x128xf32, #tpu.memory_space<hbm>>) target(%arg15 : memref<128x128xf32, #tpu.memory_space<vmem>>) offsets(%arg9 : memref<128xi32, #tpu.memory_space<vmem>>) semaphore(%arg21 : memref<!tpu.dma_semaphore, #tpu.memory_space<semaphore_mem>>)
    %barrier3A = arith.constant 0 : index
    tpu.barrier barrier_id(%barrier3A)
    %scan3A = arith.constant 0 : i32
    %scan3A_36 = arith.constant 0 : i32
    %scan3A_37 = arith.constant 76 : i32
    %scan3A_38 = arith.addi %scan3A_36, %scan3A_37 : i32
    %scan3A_39 = arith.constant 1 : i32
    %scan3A_40 = scf.for %scan3A_99 = %scan3A_36 to %scan3A_38 step %scan3A_39 iter_args(%scan3A_100 = %scan3A) -> (i32)  : i32 {
      %jit3A = arith.constant 2 : i32
      %eq3A_101 = arith.constant 0 : i32
      %eq3A_102 = arith.cmpi eq, %jit3A, %eq3A_101 : i32
      %jit3A_103 = arith.constant 1 : i32
      %select_n3A = arith.select %eq3A_102, %jit3A_103, %jit3A : i32
      %rem3A = arith.remsi %scan3A_99, %select_n3A : i32
      %ne3A = arith.constant 0 : i32
      %ne3A_104 = arith.cmpi ne, %rem3A, %ne3A : i32
      %lt3A_105 = arith.constant 0 : i32
      %lt3A_106 = arith.cmpi slt, %rem3A, %lt3A_105 : i32
      %lt3A_107 = arith.constant 0 : i32
      %lt3A_108 = arith.cmpi slt, %select_n3A, %lt3A_107 : i32
      %ne3A_109 = arith.xori %lt3A_106, %lt3A_108 : i1
      %and3A = arith.andi %ne3A_109, %ne3A_104 : i1
      %add3A_110 = arith.addi %rem3A, %select_n3A : i32
      %select_n3A_111 = arith.select %and3A, %add3A_110, %rem3A : i32
      %eq3A_112 = arith.constant 0 : i32
      %eq3A_113 = arith.cmpi eq, %select_n3A_111, %eq3A_112 : i32
      %convert_element_type3A_114 = arith.extui %eq3A_113 : i1 to i32
      %cond3A_115 = arith.constant 0 : i32
      %cond3A_116 = arith.cmpi ne, %convert_element_type3A_114, %cond3A_115 : i32
      scf.if %cond3A_116 {
        %dma_wait3A_139 = arith.constant 0 : i32
        %dma_wait3A_140 = arith.constant 0 : i32
        %dma_wait3A_141 = tpu.memref_slice %arg2[%dma_wait3A_139, %dma_wait3A_140] : memref<10000x128xf32, #tpu.memory_space<hbm>> -> memref<128x128xf32, #tpu.memory_space<hbm>>
        %dma_wait3A_142 = arith.constant 0 : i32
        %dma_wait3A_143 = arith.constant 0 : i32
        %dma_wait3A_144 = tpu.memref_slice %arg2[%dma_wait3A_142, %dma_wait3A_143] : memref<10000x128xf32, #tpu.memory_space<hbm>> -> memref<128x128xf32, #tpu.memory_space<hbm>>
        tpu.wait_dma2 semaphore(%arg20 : memref<!tpu.dma_semaphore, #tpu.memory_space<semaphore_mem>>) src(%dma_wait3A_144 : memref<128x128xf32, #tpu.memory_space<hbm>>) dst(%arg14 : memref<128x128xf32, #tpu.memory_space<vmem>>)
        %add3A_145 = arith.constant 2 : i32
        %add3A_146 = arith.addi %scan3A_99, %add3A_145 : i32
        %mul3A_147 = arith.constant 128 : i32
        %mul3A_148 = arith.muli %add3A_146, %mul3A_147 : i32
        %add3A_149 = arith.addi %mul3A_11, %mul3A_148 : i32
        %dma_start3A_150 = tpu.memref_slice %arg3[%add3A_149] : memref<320000xi32, #tpu.memory_space<hbm>> -> memref<128xi32, #tpu.memory_space<hbm>>
        %dma_start3A_151 = tpu.memref_slice %arg3[%add3A_149] : memref<320000xi32, #tpu.memory_space<hbm>> -> memref<128xi32, #tpu.memory_space<hbm>>
        tpu.enqueue_dma source(%dma_start3A_151 : memref<128xi32, #tpu.memory_space<hbm>>) target(%arg8 : memref<128xi32, #tpu.memory_space<vmem>>) target_semaphore(%arg16 : memref<!tpu.dma_semaphore, #tpu.memory_space<semaphore_mem>>)
        %dma_wait3A_152 = arith.constant 0 : i32
        %dma_wait3A_153 = tpu.memref_slice %arg3[%dma_wait3A_152] : memref<320000xi32, #tpu.memory_space<hbm>> -> memref<128xi32, #tpu.memory_space<hbm>>
        %dma_wait3A_154 = arith.constant 0 : i32
        %dma_wait3A_155 = tpu.memref_slice %arg3[%dma_wait3A_154] : memref<320000xi32, #tpu.memory_space<hbm>> -> memref<128xi32, #tpu.memory_space<hbm>>
        tpu.wait_dma2 semaphore(%arg18 : memref<!tpu.dma_semaphore, #tpu.memory_space<semaphore_mem>>) src(%dma_wait3A_155 : memref<128xi32, #tpu.memory_space<hbm>>) dst(%arg10 : memref<128xi32, #tpu.memory_space<vmem>>)
        "tpu.region"() ({
          %run_scoped3A = tpu.sem_alloc : memref<!tpu.dma_semaphore, #tpu.memory_space<semaphore_mem>>
          %dma_start3A_165 = arith.constant 0 : i32
          %dma_start3A_166 = arith.constant 0 : i32
          %dma_start3A_167 = tpu.memref_slice %arg7[%dma_start3A_165, %dma_start3A_166] : memref<10000x128xf32, #tpu.memory_space<vmem_shared>> -> memref<10000x128xf32, #tpu.memory_space<vmem_shared>>
          tpu.enqueue_indirect_dma source(%arg14 : memref<128x128xf32, #tpu.memory_space<vmem>>) target(%dma_start3A_167 : memref<10000x128xf32, #tpu.memory_space<vmem_shared>>) offsets(%arg10 : memref<128xi32, #tpu.memory_space<vmem>>) semaphore(%run_scoped3A : memref<!tpu.dma_semaphore, #tpu.memory_space<semaphore_mem>>) {add = true}
          %dma_wait3A_168 = arith.constant 0 : i32
          %dma_wait3A_169 = arith.constant 0 : i32
          %dma_wait3A_170 = tpu.memref_slice %arg7[%dma_wait3A_168, %dma_wait3A_169] : memref<10000x128xf32, #tpu.memory_space<vmem_shared>> -> memref<10000x128xf32, #tpu.memory_space<vmem_shared>>
          tpu.wait_indirect_dma semaphore(%run_scoped3A : memref<!tpu.dma_semaphore, #tpu.memory_space<semaphore_mem>>) src(%arg14 : memref<128x128xf32, #tpu.memory_space<vmem>>) dst(%dma_wait3A_170 : memref<10000x128xf32, #tpu.memory_space<vmem_shared>>)
          tpu.yield
        }) : () -> ()
        %dma_start3A_156 = tpu.memref_slice %arg4[%add3A_149] : memref<320000xi32, #tpu.memory_space<hbm>> -> memref<128xi32, #tpu.memory_space<hbm>>
        %dma_start3A_157 = tpu.memref_slice %arg4[%add3A_149] : memref<320000xi32, #tpu.memory_space<hbm>> -> memref<128xi32, #tpu.memory_space<hbm>>
        tpu.enqueue_dma source(%dma_start3A_157 : memref<128xi32, #tpu.memory_space<hbm>>) target(%arg10 : memref<128xi32, #tpu.memory_space<vmem>>) target_semaphore(%arg18 : memref<!tpu.dma_semaphore, #tpu.memory_space<semaphore_mem>>)
        %dma_wait3A_158 = arith.constant 0 : i32
        %dma_wait3A_159 = tpu.memref_slice %arg3[%dma_wait3A_158] : memref<320000xi32, #tpu.memory_space<hbm>> -> memref<128xi32, #tpu.memory_space<hbm>>
        %dma_wait3A_160 = arith.constant 0 : i32
        %dma_wait3A_161 = tpu.memref_slice %arg3[%dma_wait3A_160] : memref<320000xi32, #tpu.memory_space<hbm>> -> memref<128xi32, #tpu.memory_space<hbm>>
        tpu.wait_dma2 semaphore(%arg16 : memref<!tpu.dma_semaphore, #tpu.memory_space<semaphore_mem>>) src(%dma_wait3A_161 : memref<128xi32, #tpu.memory_space<hbm>>) dst(%arg8 : memref<128xi32, #tpu.memory_space<vmem>>)
        %dma_start3A_162 = arith.constant 0 : i32
        %dma_start3A_163 = arith.constant 0 : i32
        %dma_start3A_164 = tpu.memref_slice %arg2[%dma_start3A_162, %dma_start3A_163] : memref<10000x128xf32, #tpu.memory_space<hbm>> -> memref<10000x128xf32, #tpu.memory_space<hbm>>
        tpu.enqueue_indirect_dma source(%dma_start3A_164 : memref<10000x128xf32, #tpu.memory_space<hbm>>) target(%arg14 : memref<128x128xf32, #tpu.memory_space<vmem>>) offsets(%arg8 : memref<128xi32, #tpu.memory_space<vmem>>) semaphore(%arg20 : memref<!tpu.dma_semaphore, #tpu.memory_space<semaphore_mem>>)
      } else {
      }
      %jit3A_117 = arith.constant 2 : i32
      %eq3A_118 = arith.constant 0 : i32
      %eq3A_119 = arith.cmpi eq, %jit3A_117, %eq3A_118 : i32
      %jit3A_120 = arith.constant 1 : i32
      %select_n3A_121 = arith.select %eq3A_119, %jit3A_120, %jit3A_117 : i32
      %rem3A_122 = arith.remsi %scan3A_99, %select_n3A_121 : i32
      %ne3A_123 = arith.constant 0 : i32
      %ne3A_124 = arith.cmpi ne, %rem3A_122, %ne3A_123 : i32
      %lt3A_125 = arith.constant 0 : i32
      %lt3A_126 = arith.cmpi slt, %rem3A_122, %lt3A_125 : i32
      %lt3A_127 = arith.constant 0 : i32
      %lt3A_128 = arith.cmpi slt, %select_n3A_121, %lt3A_127 : i32
      %ne3A_129 = arith.xori %lt3A_126, %lt3A_128 : i1
      %and3A_130 = arith.andi %ne3A_129, %ne3A_124 : i1
      %add3A_131 = arith.addi %rem3A_122, %select_n3A_121 : i32
      %select_n3A_132 = arith.select %and3A_130, %add3A_131, %rem3A_122 : i32
      %eq3A_133 = arith.constant 1 : i32
      %eq3A_134 = arith.cmpi eq, %select_n3A_132, %eq3A_133 : i32
      %convert_element_type3A_135 = arith.extui %eq3A_134 : i1 to i32
      %cond3A_136 = arith.constant 0 : i32
      %cond3A_137 = arith.cmpi ne, %convert_element_type3A_135, %cond3A_136 : i32
      scf.if %cond3A_137 {
        %dma_wait3A_139 = arith.constant 0 : i32
        %dma_wait3A_140 = arith.constant 0 : i32
        %dma_wait3A_141 = tpu.memref_slice %arg2[%dma_wait3A_139, %dma_wait3A_140] : memref<10000x128xf32, #tpu.memory_space<hbm>> -> memref<128x128xf32, #tpu.memory_space<hbm>>
        %dma_wait3A_142 = arith.constant 0 : i32
        %dma_wait3A_143 = arith.constant 0 : i32
        %dma_wait3A_144 = tpu.memref_slice %arg2[%dma_wait3A_142, %dma_wait3A_143] : memref<10000x128xf32, #tpu.memory_space<hbm>> -> memref<128x128xf32, #tpu.memory_space<hbm>>
        tpu.wait_dma2 semaphore(%arg21 : memref<!tpu.dma_semaphore, #tpu.memory_space<semaphore_mem>>) src(%dma_wait3A_144 : memref<128x128xf32, #tpu.memory_space<hbm>>) dst(%arg15 : memref<128x128xf32, #tpu.memory_space<vmem>>)
        %add3A_145 = arith.constant 2 : i32
        %add3A_146 = arith.addi %scan3A_99, %add3A_145 : i32
        %mul3A_147 = arith.constant 128 : i32
        %mul3A_148 = arith.muli %add3A_146, %mul3A_147 : i32
        %add3A_149 = arith.addi %mul3A_11, %mul3A_148 : i32
        %dma_start3A_150 = tpu.memref_slice %arg3[%add3A_149] : memref<320000xi32, #tpu.memory_space<hbm>> -> memref<128xi32, #tpu.memory_space<hbm>>
        %dma_start3A_151 = tpu.memref_slice %arg3[%add3A_149] : memref<320000xi32, #tpu.memory_space<hbm>> -> memref<128xi32, #tpu.memory_space<hbm>>
        tpu.enqueue_dma source(%dma_start3A_151 : memref<128xi32, #tpu.memory_space<hbm>>) target(%arg9 : memref<128xi32, #tpu.memory_space<vmem>>) target_semaphore(%arg17 : memref<!tpu.dma_semaphore, #tpu.memory_space<semaphore_mem>>)
        %dma_wait3A_152 = arith.constant 0 : i32
        %dma_wait3A_153 = tpu.memref_slice %arg3[%dma_wait3A_152] : memref<320000xi32, #tpu.memory_space<hbm>> -> memref<128xi32, #tpu.memory_space<hbm>>
        %dma_wait3A_154 = arith.constant 0 : i32
        %dma_wait3A_155 = tpu.memref_slice %arg3[%dma_wait3A_154] : memref<320000xi32, #tpu.memory_space<hbm>> -> memref<128xi32, #tpu.memory_space<hbm>>
        tpu.wait_dma2 semaphore(%arg19 : memref<!tpu.dma_semaphore, #tpu.memory_space<semaphore_mem>>) src(%dma_wait3A_155 : memref<128xi32, #tpu.memory_space<hbm>>) dst(%arg11 : memref<128xi32, #tpu.memory_space<vmem>>)
        "tpu.region"() ({
          %run_scoped3A = tpu.sem_alloc : memref<!tpu.dma_semaphore, #tpu.memory_space<semaphore_mem>>
          %dma_start3A_165 = arith.constant 0 : i32
          %dma_start3A_166 = arith.constant 0 : i32
          %dma_start3A_167 = tpu.memref_slice %arg7[%dma_start3A_165, %dma_start3A_166] : memref<10000x128xf32, #tpu.memory_space<vmem_shared>> -> memref<10000x128xf32, #tpu.memory_space<vmem_shared>>
          tpu.enqueue_indirect_dma source(%arg15 : memref<128x128xf32, #tpu.memory_space<vmem>>) target(%dma_start3A_167 : memref<10000x128xf32, #tpu.memory_space<vmem_shared>>) offsets(%arg11 : memref<128xi32, #tpu.memory_space<vmem>>) semaphore(%run_scoped3A : memref<!tpu.dma_semaphore, #tpu.memory_space<semaphore_mem>>) {add = true}
          %dma_wait3A_168 = arith.constant 0 : i32
          %dma_wait3A_169 = arith.constant 0 : i32
          %dma_wait3A_170 = tpu.memref_slice %arg7[%dma_wait3A_168, %dma_wait3A_169] : memref<10000x128xf32, #tpu.memory_space<vmem_shared>> -> memref<10000x128xf32, #tpu.memory_space<vmem_shared>>
          tpu.wait_indirect_dma semaphore(%run_scoped3A : memref<!tpu.dma_semaphore, #tpu.memory_space<semaphore_mem>>) src(%arg15 : memref<128x128xf32, #tpu.memory_space<vmem>>) dst(%dma_wait3A_170 : memref<10000x128xf32, #tpu.memory_space<vmem_shared>>)
          tpu.yield
        }) : () -> ()
        %dma_start3A_156 = tpu.memref_slice %arg4[%add3A_149] : memref<320000xi32, #tpu.memory_space<hbm>> -> memref<128xi32, #tpu.memory_space<hbm>>
        %dma_start3A_157 = tpu.memref_slice %arg4[%add3A_149] : memref<320000xi32, #tpu.memory_space<hbm>> -> memref<128xi32, #tpu.memory_space<hbm>>
        tpu.enqueue_dma source(%dma_start3A_157 : memref<128xi32, #tpu.memory_space<hbm>>) target(%arg11 : memref<128xi32, #tpu.memory_space<vmem>>) target_semaphore(%arg19 : memref<!tpu.dma_semaphore, #tpu.memory_space<semaphore_mem>>)
        %dma_wait3A_158 = arith.constant 0 : i32
        %dma_wait3A_159 = tpu.memref_slice %arg3[%dma_wait3A_158] : memref<320000xi32, #tpu.memory_space<hbm>> -> memref<128xi32, #tpu.memory_space<hbm>>
        %dma_wait3A_160 = arith.constant 0 : i32
        %dma_wait3A_161 = tpu.memref_slice %arg3[%dma_wait3A_160] : memref<320000xi32, #tpu.memory_space<hbm>> -> memref<128xi32, #tpu.memory_space<hbm>>
        tpu.wait_dma2 semaphore(%arg17 : memref<!tpu.dma_semaphore, #tpu.memory_space<semaphore_mem>>) src(%dma_wait3A_161 : memref<128xi32, #tpu.memory_space<hbm>>) dst(%arg9 : memref<128xi32, #tpu.memory_space<vmem>>)
        %dma_start3A_162 = arith.constant 0 : i32
        %dma_start3A_163 = arith.constant 0 : i32
        %dma_start3A_164 = tpu.memref_slice %arg2[%dma_start3A_162, %dma_start3A_163] : memref<10000x128xf32, #tpu.memory_space<hbm>> -> memref<10000x128xf32, #tpu.memory_space<hbm>>
        tpu.enqueue_indirect_dma source(%dma_start3A_164 : memref<10000x128xf32, #tpu.memory_space<hbm>>) target(%arg15 : memref<128x128xf32, #tpu.memory_space<vmem>>) offsets(%arg9 : memref<128xi32, #tpu.memory_space<vmem>>) semaphore(%arg21 : memref<!tpu.dma_semaphore, #tpu.memory_space<semaphore_mem>>)
      } else {
      }
      %scan3A_138 = arith.constant 0 : i32
      scf.yield %scan3A_138 : i32
    }
    %scan3A_41 = arith.constant 76 : i32
    %dma_wait3A_42 = arith.constant 0 : i32
    %dma_wait3A_43 = arith.constant 0 : i32
    %dma_wait3A_44 = tpu.memref_slice %arg2[%dma_wait3A_42, %dma_wait3A_43] : memref<10000x128xf32, #tpu.memory_space<hbm>> -> memref<128x128xf32, #tpu.memory_space<hbm>>
    %dma_wait3A_45 = arith.constant 0 : i32
    %dma_wait3A_46 = arith.constant 0 : i32
    %dma_wait3A_47 = tpu.memref_slice %arg2[%dma_wait3A_45, %dma_wait3A_46] : memref<10000x128xf32, #tpu.memory_space<hbm>> -> memref<128x128xf32, #tpu.memory_space<hbm>>
    tpu.wait_dma2 semaphore(%arg20 : memref<!tpu.dma_semaphore, #tpu.memory_space<semaphore_mem>>) src(%dma_wait3A_47 : memref<128x128xf32, #tpu.memory_space<hbm>>) dst(%arg14 : memref<128x128xf32, #tpu.memory_space<vmem>>)
    %dma_wait3A_48 = arith.constant 0 : i32
    %dma_wait3A_49 = tpu.memref_slice %arg3[%dma_wait3A_48] : memref<320000xi32, #tpu.memory_space<hbm>> -> memref<128xi32, #tpu.memory_space<hbm>>
    %dma_wait3A_50 = arith.constant 0 : i32
    %dma_wait3A_51 = tpu.memref_slice %arg3[%dma_wait3A_50] : memref<320000xi32, #tpu.memory_space<hbm>> -> memref<128xi32, #tpu.memory_space<hbm>>
    tpu.wait_dma2 semaphore(%arg18 : memref<!tpu.dma_semaphore, #tpu.memory_space<semaphore_mem>>) src(%dma_wait3A_51 : memref<128xi32, #tpu.memory_space<hbm>>) dst(%arg10 : memref<128xi32, #tpu.memory_space<vmem>>)
    "tpu.region"() ({
      %run_scoped3A = tpu.sem_alloc : memref<!tpu.dma_semaphore, #tpu.memory_space<semaphore_mem>>
      %dma_start3A_99 = arith.constant 0 : i32
      %dma_start3A_100 = arith.constant 0 : i32
      %dma_start3A_101 = tpu.memref_slice %arg7[%dma_start3A_99, %dma_start3A_100] : memref<10000x128xf32, #tpu.memory_space<vmem_shared>> -> memref<10000x128xf32, #tpu.memory_space<vmem_shared>>
      tpu.enqueue_indirect_dma source(%arg14 : memref<128x128xf32, #tpu.memory_space<vmem>>) target(%dma_start3A_101 : memref<10000x128xf32, #tpu.memory_space<vmem_shared>>) offsets(%arg10 : memref<128xi32, #tpu.memory_space<vmem>>) semaphore(%run_scoped3A : memref<!tpu.dma_semaphore, #tpu.memory_space<semaphore_mem>>) {add = true}
      %dma_wait3A_102 = arith.constant 0 : i32
      %dma_wait3A_103 = arith.constant 0 : i32
      %dma_wait3A_104 = tpu.memref_slice %arg7[%dma_wait3A_102, %dma_wait3A_103] : memref<10000x128xf32, #tpu.memory_space<vmem_shared>> -> memref<10000x128xf32, #tpu.memory_space<vmem_shared>>
      tpu.wait_indirect_dma semaphore(%run_scoped3A : memref<!tpu.dma_semaphore, #tpu.memory_space<semaphore_mem>>) src(%arg14 : memref<128x128xf32, #tpu.memory_space<vmem>>) dst(%dma_wait3A_104 : memref<10000x128xf32, #tpu.memory_space<vmem_shared>>)
      tpu.yield
    }) : () -> ()
    %dma_wait3A_52 = arith.constant 0 : i32
    %dma_wait3A_53 = arith.constant 0 : i32
    %dma_wait3A_54 = tpu.memref_slice %arg2[%dma_wait3A_52, %dma_wait3A_53] : memref<10000x128xf32, #tpu.memory_space<hbm>> -> memref<128x128xf32, #tpu.memory_space<hbm>>
    %dma_wait3A_55 = arith.constant 0 : i32
    %dma_wait3A_56 = arith.constant 0 : i32
    %dma_wait3A_57 = tpu.memref_slice %arg2[%dma_wait3A_55, %dma_wait3A_56] : memref<10000x128xf32, #tpu.memory_space<hbm>> -> memref<128x128xf32, #tpu.memory_space<hbm>>
    tpu.wait_dma2 semaphore(%arg21 : memref<!tpu.dma_semaphore, #tpu.memory_space<semaphore_mem>>) src(%dma_wait3A_57 : memref<128x128xf32, #tpu.memory_space<hbm>>) dst(%arg15 : memref<128x128xf32, #tpu.memory_space<vmem>>)
    %dma_wait3A_58 = arith.constant 0 : i32
    %dma_wait3A_59 = tpu.memref_slice %arg3[%dma_wait3A_58] : memref<320000xi32, #tpu.memory_space<hbm>> -> memref<128xi32, #tpu.memory_space<hbm>>
    %dma_wait3A_60 = arith.constant 0 : i32
    %dma_wait3A_61 = tpu.memref_slice %arg3[%dma_wait3A_60] : memref<320000xi32, #tpu.memory_space<hbm>> -> memref<128xi32, #tpu.memory_space<hbm>>
    tpu.wait_dma2 semaphore(%arg19 : memref<!tpu.dma_semaphore, #tpu.memory_space<semaphore_mem>>) src(%dma_wait3A_61 : memref<128xi32, #tpu.memory_space<hbm>>) dst(%arg11 : memref<128xi32, #tpu.memory_space<vmem>>)
    "tpu.region"() ({
      %run_scoped3A = tpu.sem_alloc : memref<!tpu.dma_semaphore, #tpu.memory_space<semaphore_mem>>
      %dma_start3A_99 = arith.constant 0 : i32
      %dma_start3A_100 = arith.constant 0 : i32
      %dma_start3A_101 = tpu.memref_slice %arg7[%dma_start3A_99, %dma_start3A_100] : memref<10000x128xf32, #tpu.memory_space<vmem_shared>> -> memref<10000x128xf32, #tpu.memory_space<vmem_shared>>
      tpu.enqueue_indirect_dma source(%arg15 : memref<128x128xf32, #tpu.memory_space<vmem>>) target(%dma_start3A_101 : memref<10000x128xf32, #tpu.memory_space<vmem_shared>>) offsets(%arg11 : memref<128xi32, #tpu.memory_space<vmem>>) semaphore(%run_scoped3A : memref<!tpu.dma_semaphore, #tpu.memory_space<semaphore_mem>>) {add = true}
      %dma_wait3A_102 = arith.constant 0 : i32
      %dma_wait3A_103 = arith.constant 0 : i32
      %dma_wait3A_104 = tpu.memref_slice %arg7[%dma_wait3A_102, %dma_wait3A_103] : memref<10000x128xf32, #tpu.memory_space<vmem_shared>> -> memref<10000x128xf32, #tpu.memory_space<vmem_shared>>
      tpu.wait_indirect_dma semaphore(%run_scoped3A : memref<!tpu.dma_semaphore, #tpu.memory_space<semaphore_mem>>) src(%arg15 : memref<128x128xf32, #tpu.memory_space<vmem>>) dst(%dma_wait3A_104 : memref<10000x128xf32, #tpu.memory_space<vmem_shared>>)
      tpu.yield
    }) : () -> ()
    %add3A_62 = arith.constant 9984 : i32
    %add3A_63 = arith.addi %mul3A_11, %add3A_62 : i32
    %dma_start3A_64 = tpu.memref_slice %arg3[%add3A_63] : memref<320000xi32, #tpu.memory_space<hbm>> -> memref<16xi32, #tpu.memory_space<hbm>>
    %dma_start3A_65 = tpu.memref_slice %arg3[%add3A_63] : memref<320000xi32, #tpu.memory_space<hbm>> -> memref<16xi32, #tpu.memory_space<hbm>>
    tpu.enqueue_dma source(%dma_start3A_65 : memref<16xi32, #tpu.memory_space<hbm>>) target(%arg12 : memref<16xi32, #tpu.memory_space<vmem>>) target_semaphore(%arg16 : memref<!tpu.dma_semaphore, #tpu.memory_space<semaphore_mem>>)
    %dma_start3A_66 = tpu.memref_slice %arg4[%add3A_63] : memref<320000xi32, #tpu.memory_space<hbm>> -> memref<16xi32, #tpu.memory_space<hbm>>
    %dma_start3A_67 = tpu.memref_slice %arg4[%add3A_63] : memref<320000xi32, #tpu.memory_space<hbm>> -> memref<16xi32, #tpu.memory_space<hbm>>
    tpu.enqueue_dma source(%dma_start3A_67 : memref<16xi32, #tpu.memory_space<hbm>>) target(%arg13 : memref<16xi32, #tpu.memory_space<vmem>>) target_semaphore(%arg18 : memref<!tpu.dma_semaphore, #tpu.memory_space<semaphore_mem>>)
    %dma_wait3A_68 = arith.constant 0 : i32
    %dma_wait3A_69 = tpu.memref_slice %arg3[%dma_wait3A_68] : memref<320000xi32, #tpu.memory_space<hbm>> -> memref<16xi32, #tpu.memory_space<hbm>>
    %dma_wait3A_70 = arith.constant 0 : i32
    %dma_wait3A_71 = tpu.memref_slice %arg3[%dma_wait3A_70] : memref<320000xi32, #tpu.memory_space<hbm>> -> memref<16xi32, #tpu.memory_space<hbm>>
    tpu.wait_dma2 semaphore(%arg16 : memref<!tpu.dma_semaphore, #tpu.memory_space<semaphore_mem>>) src(%dma_wait3A_71 : memref<16xi32, #tpu.memory_space<hbm>>) dst(%arg12 : memref<16xi32, #tpu.memory_space<vmem>>)
    %dma_start3A_72 = arith.constant 0 : i32
    %dma_start3A_73 = arith.constant 0 : i32
    %dma_start3A_74 = tpu.memref_slice %arg14[%dma_start3A_72, %dma_start3A_73] : memref<128x128xf32, #tpu.memory_space<vmem>> -> memref<16x128xf32, #tpu.memory_space<vmem>>
    %dma_start3A_75 = arith.constant 0 : i32
    %dma_start3A_76 = arith.constant 0 : i32
    %dma_start3A_77 = tpu.memref_slice %arg2[%dma_start3A_75, %dma_start3A_76] : memref<10000x128xf32, #tpu.memory_space<hbm>> -> memref<10000x128xf32, #tpu.memory_space<hbm>>
    tpu.enqueue_indirect_dma source(%dma_start3A_77 : memref<10000x128xf32, #tpu.memory_space<hbm>>) target(%dma_start3A_74 : memref<16x128xf32, #tpu.memory_space<vmem>>) offsets(%arg12 : memref<16xi32, #tpu.memory_space<vmem>>) semaphore(%arg20 : memref<!tpu.dma_semaphore, #tpu.memory_space<semaphore_mem>>)
    %dma_wait3A_78 = arith.constant 0 : i32
    %dma_wait3A_79 = arith.constant 0 : i32
    %dma_wait3A_80 = tpu.memref_slice %arg14[%dma_wait3A_78, %dma_wait3A_79] : memref<128x128xf32, #tpu.memory_space<vmem>> -> memref<16x128xf32, #tpu.memory_space<vmem>>
    %dma_wait3A_81 = arith.constant 0 : i32
    %dma_wait3A_82 = arith.constant 0 : i32
    %dma_wait3A_83 = tpu.memref_slice %arg2[%dma_wait3A_81, %dma_wait3A_82] : memref<10000x128xf32, #tpu.memory_space<hbm>> -> memref<10000x128xf32, #tpu.memory_space<hbm>>
    tpu.wait_indirect_dma semaphore(%arg20 : memref<!tpu.dma_semaphore, #tpu.memory_space<semaphore_mem>>) src(%dma_wait3A_83 : memref<10000x128xf32, #tpu.memory_space<hbm>>) dst(%dma_wait3A_80 : memref<16x128xf32, #tpu.memory_space<vmem>>)
    %dma_wait3A_84 = arith.constant 0 : i32
    %dma_wait3A_85 = tpu.memref_slice %arg4[%dma_wait3A_84] : memref<320000xi32, #tpu.memory_space<hbm>> -> memref<16xi32, #tpu.memory_space<hbm>>
    %dma_wait3A_86 = arith.constant 0 : i32
    %dma_wait3A_87 = tpu.memref_slice %arg4[%dma_wait3A_86] : memref<320000xi32, #tpu.memory_space<hbm>> -> memref<16xi32, #tpu.memory_space<hbm>>
    tpu.wait_dma2 semaphore(%arg18 : memref<!tpu.dma_semaphore, #tpu.memory_space<semaphore_mem>>) src(%dma_wait3A_87 : memref<16xi32, #tpu.memory_space<hbm>>) dst(%arg13 : memref<16xi32, #tpu.memory_space<vmem>>)
    "tpu.region"() ({
      %run_scoped3A = tpu.sem_alloc : memref<!tpu.dma_semaphore, #tpu.memory_space<semaphore_mem>>
      %dma_start3A_99 = arith.constant 0 : i32
      %dma_start3A_100 = arith.constant 0 : i32
      %dma_start3A_101 = tpu.memref_slice %arg14[%dma_start3A_99, %dma_start3A_100] : memref<128x128xf32, #tpu.memory_space<vmem>> -> memref<16x128xf32, #tpu.memory_space<vmem>>
      %dma_start3A_102 = arith.constant 0 : i32
      %dma_start3A_103 = arith.constant 0 : i32
      %dma_start3A_104 = tpu.memref_slice %arg7[%dma_start3A_102, %dma_start3A_103] : memref<10000x128xf32, #tpu.memory_space<vmem_shared>> -> memref<10000x128xf32, #tpu.memory_space<vmem_shared>>
      tpu.enqueue_indirect_dma source(%dma_start3A_101 : memref<16x128xf32, #tpu.memory_space<vmem>>) target(%dma_start3A_104 : memref<10000x128xf32, #tpu.memory_space<vmem_shared>>) offsets(%arg13 : memref<16xi32, #tpu.memory_space<vmem>>) semaphore(%run_scoped3A : memref<!tpu.dma_semaphore, #tpu.memory_space<semaphore_mem>>) {add = true}
      %dma_wait3A_105 = arith.constant 0 : i32
      %dma_wait3A_106 = arith.constant 0 : i32
      %dma_wait3A_107 = tpu.memref_slice %arg14[%dma_wait3A_105, %dma_wait3A_106] : memref<128x128xf32, #tpu.memory_space<vmem>> -> memref<16x128xf32, #tpu.memory_space<vmem>>
      %dma_wait3A_108 = arith.constant 0 : i32
      %dma_wait3A_109 = arith.constant 0 : i32
      %dma_wait3A_110 = tpu.memref_slice %arg7[%dma_wait3A_108, %dma_wait3A_109] : memref<10000x128xf32, #tpu.memory_space<vmem_shared>> -> memref<10000x128xf32, #tpu.memory_space<vmem_shared>>
      tpu.wait_indirect_dma semaphore(%run_scoped3A : memref<!tpu.dma_semaphore, #tpu.memory_space<semaphore_mem>>) src(%dma_wait3A_107 : memref<16x128xf32, #tpu.memory_space<vmem>>) dst(%dma_wait3A_110 : memref<10000x128xf32, #tpu.memory_space<vmem_shared>>)
      tpu.yield
    }) : () -> ()
    %barrier3A_88 = arith.constant 0 : index
    tpu.barrier barrier_id(%barrier3A_88)
    %lt3A_89 = arith.constant 15 : i32
    %lt3A_90 = arith.cmpi slt, %arg1, %lt3A_89 : i32
    %convert_element_type3A_91 = arith.extui %lt3A_90 : i1 to i32
    %cond3A_92 = arith.constant 0 : i32
    %cond3A_93 = arith.cmpi ne, %convert_element_type3A_91, %cond3A_92 : i32
    scf.if %cond3A_93 {
      %mul3A_99 = arith.constant 624 : i32
      %mul3A_100 = arith.muli %arg1, %mul3A_99 : i32
      %mul3A_101 = arith.constant 624 : i32
      %mul3A_102 = arith.muli %arg1, %mul3A_101 : i32
      "tpu.region"() ({
        %run_scoped3A = tpu.sem_alloc : memref<!tpu.dma_semaphore, #tpu.memory_space<semaphore_mem>>
        %dma_start3A_103 = arith.constant 0 : i32
        %dma_start3A_104 = tpu.memref_slice %arg6[%arg0, %mul3A_102, %dma_start3A_103] : memref<2x10000x128xf32, #tpu.memory_space<hbm>> -> memref<1x624x128xf32, #tpu.memory_space<hbm>>
        %dma_start3A_105 = tpu.memref_squeeze %dma_start3A_104 : memref<1x624x128xf32, #tpu.memory_space<hbm>> -> memref<624x128xf32, #tpu.memory_space<hbm>>
        %dma_start3A_106 = arith.constant 0 : i32
        %dma_start3A_107 = tpu.memref_slice %arg7[%mul3A_100, %dma_start3A_106] : memref<10000x128xf32, #tpu.memory_space<vmem_shared>> -> memref<624x128xf32, #tpu.memory_space<vmem_shared>>
        tpu.enqueue_dma source(%dma_start3A_107 : memref<624x128xf32, #tpu.memory_space<vmem_shared>>) target(%dma_start3A_105 : memref<624x128xf32, #tpu.memory_space<hbm>>) target_semaphore(%run_scoped3A : memref<!tpu.dma_semaphore, #tpu.memory_space<semaphore_mem>>)
        %dma_wait3A_108 = arith.constant 0 : i32
        %dma_wait3A_109 = tpu.memref_slice %arg6[%arg0, %mul3A_102, %dma_wait3A_108] : memref<2x10000x128xf32, #tpu.memory_space<hbm>> -> memref<1x624x128xf32, #tpu.memory_space<hbm>>
        %dma_wait3A_110 = tpu.memref_squeeze %dma_wait3A_109 : memref<1x624x128xf32, #tpu.memory_space<hbm>> -> memref<624x128xf32, #tpu.memory_space<hbm>>
        %dma_wait3A_111 = arith.constant 0 : i32
        %dma_wait3A_112 = tpu.memref_slice %arg7[%mul3A_100, %dma_wait3A_111] : memref<10000x128xf32, #tpu.memory_space<vmem_shared>> -> memref<624x128xf32, #tpu.memory_space<vmem_shared>>
        tpu.wait_dma2 semaphore(%run_scoped3A : memref<!tpu.dma_semaphore, #tpu.memory_space<semaphore_mem>>) src(%dma_wait3A_112 : memref<624x128xf32, #tpu.memory_space<vmem_shared>>) dst(%dma_wait3A_110 : memref<624x128xf32, #tpu.memory_space<hbm>>)
        tpu.yield
      }) : () -> ()
    } else {
    }
    %eq3A_94 = arith.constant 15 : i32
    %eq3A_95 = arith.cmpi eq, %arg1, %eq3A_94 : i32
    %convert_element_type3A_96 = arith.extui %eq3A_95 : i1 to i32
    %cond3A_97 = arith.constant 0 : i32
    %cond3A_98 = arith.cmpi ne, %convert_element_type3A_96, %cond3A_97 : i32
    scf.if %cond3A_98 {
      "tpu.region"() ({
        %run_scoped3A = tpu.sem_alloc : memref<!tpu.dma_semaphore, #tpu.memory_space<semaphore_mem>>
        %dma_start3A_99 = arith.constant 9360 : i32
        %dma_start3A_100 = arith.constant 0 : i32
        %dma_start3A_101 = tpu.memref_slice %arg6[%arg0, %dma_start3A_99, %dma_start3A_100] : memref<2x10000x128xf32, #tpu.memory_space<hbm>> -> memref<1x640x128xf32, #tpu.memory_space<hbm>>
        %dma_start3A_102 = tpu.memref_squeeze %dma_start3A_101 : memref<1x640x128xf32, #tpu.memory_space<hbm>> -> memref<640x128xf32, #tpu.memory_space<hbm>>
        %dma_start3A_103 = arith.constant 9360 : i32
        %dma_start3A_104 = arith.constant 0 : i32
        %dma_start3A_105 = tpu.memref_slice %arg7[%dma_start3A_103, %dma_start3A_104] : memref<10000x128xf32, #tpu.memory_space<vmem_shared>> -> memref<640x128xf32, #tpu.memory_space<vmem_shared>>
        tpu.enqueue_dma source(%dma_start3A_105 : memref<640x128xf32, #tpu.memory_space<vmem_shared>>) target(%dma_start3A_102 : memref<640x128xf32, #tpu.memory_space<hbm>>) target_semaphore(%run_scoped3A : memref<!tpu.dma_semaphore, #tpu.memory_space<semaphore_mem>>)
        %dma_wait3A_106 = arith.constant 9360 : i32
        %dma_wait3A_107 = arith.constant 0 : i32
        %dma_wait3A_108 = tpu.memref_slice %arg6[%arg0, %dma_wait3A_106, %dma_wait3A_107] : memref<2x10000x128xf32, #tpu.memory_space<hbm>> -> memref<1x640x128xf32, #tpu.memory_space<hbm>>
        %dma_wait3A_109 = tpu.memref_squeeze %dma_wait3A_108 : memref<1x640x128xf32, #tpu.memory_space<hbm>> -> memref<640x128xf32, #tpu.memory_space<hbm>>
        %dma_wait3A_110 = arith.constant 9360 : i32
        %dma_wait3A_111 = arith.constant 0 : i32
        %dma_wait3A_112 = tpu.memref_slice %arg7[%dma_wait3A_110, %dma_wait3A_111] : memref<10000x128xf32, #tpu.memory_space<vmem_shared>> -> memref<640x128xf32, #tpu.memory_space<vmem_shared>>
        tpu.wait_dma2 semaphore(%run_scoped3A : memref<!tpu.dma_semaphore, #tpu.memory_space<semaphore_mem>>) src(%dma_wait3A_112 : memref<640x128xf32, #tpu.memory_space<vmem_shared>>) dst(%dma_wait3A_109 : memref<640x128xf32, #tpu.memory_space<hbm>>)
        tpu.yield
      }) : () -> ()
    } else {
    }
    return
  }
}

#map = affine_map<(d0, d1) -> (0, 0, 0, 0)>
#map1 = affine_map<(d0, d1) -> (0, 0, 0)>
#map2 = affine_map<(d0, d1) -> (0)>
#map3 = affine_map<(d0, d1) -> (0, 0)>
module attributes {stable_mosaic.version = 14 : i64} {
  func.func @_sc_degree(%arg0: i32, %arg1: i32, %arg2: memref<32x78x1x128xi32, #tpu.memory_space<hbm>>, %arg3: memref<32x1x16xi32, #tpu.memory_space<hbm>>, %arg4: memref<10000xf32, #tpu.memory_space<hbm>>, %arg5: memref<128xf32, #tpu.memory_space<hbm>>, %arg6: memref<2x10000xf32, #tpu.memory_space<hbm>>, %arg7: memref<10000xf32, #tpu.memory_space<vmem_shared>>, %arg8: memref<128xf32, #tpu.memory_space<vmem>>, %arg9: memref<78x1x128xi32, #tpu.memory_space<vmem>>, %arg10: memref<1x16xi32, #tpu.memory_space<vmem>>, %arg11: memref<!tpu.dma_semaphore, #tpu.memory_space<semaphore_mem>>) attributes {dimension_semantics = [#tpu.dimension_semantics<core_parallel>, #tpu.dimension_semantics<subcore_parallel>], iteration_bounds = array<i64: 2, 16>, scalar_prefetch = 0 : i64, scratch_operands = 5 : i64, tpu.core_type = #tpu.core_type<sc_vector_subcore>, window_params = [{transform_indices = #map}, {transform_indices = #map1}, {transform_indices = #map2}, {transform_indices = #map2}, {transform_indices = #map3}]} {
    %mul3A = arith.constant 16 : i32
    %mul3A_0 = arith.muli %arg0, %mul3A : i32
    %add3A = arith.addi %mul3A_0, %arg1 : i32
    %eq3A = arith.constant 0 : i32
    %eq3A_1 = arith.cmpi eq, %arg1, %eq3A : i32
    %convert_element_type3A = arith.extui %eq3A_1 : i1 to i32
    %cond3A = arith.constant 0 : i32
    %cond3A_2 = arith.cmpi ne, %convert_element_type3A, %cond3A : i32
    scf.if %cond3A_2 {
      "tpu.region"() ({
        %run_scoped3A_105 = tpu.sem_alloc : memref<!tpu.dma_semaphore, #tpu.memory_space<semaphore_mem>>
        tpu.enqueue_dma source(%arg4 : memref<10000xf32, #tpu.memory_space<hbm>>) target(%arg7 : memref<10000xf32, #tpu.memory_space<vmem_shared>>) target_semaphore(%run_scoped3A_105 : memref<!tpu.dma_semaphore, #tpu.memory_space<semaphore_mem>>)
        tpu.wait_dma2 semaphore(%run_scoped3A_105 : memref<!tpu.dma_semaphore, #tpu.memory_space<semaphore_mem>>) src(%arg4 : memref<10000xf32, #tpu.memory_space<hbm>>) dst(%arg7 : memref<10000xf32, #tpu.memory_space<vmem_shared>>)
        tpu.yield
      }) : () -> ()
    } else {
    }
    "tpu.region"() ({
      %run_scoped3A_105 = tpu.sem_alloc : memref<!tpu.dma_semaphore, #tpu.memory_space<semaphore_mem>>
      tpu.enqueue_dma source(%arg5 : memref<128xf32, #tpu.memory_space<hbm>>) target(%arg8 : memref<128xf32, #tpu.memory_space<vmem>>) target_semaphore(%run_scoped3A_105 : memref<!tpu.dma_semaphore, #tpu.memory_space<semaphore_mem>>)
      tpu.wait_dma2 semaphore(%run_scoped3A_105 : memref<!tpu.dma_semaphore, #tpu.memory_space<semaphore_mem>>) src(%arg5 : memref<128xf32, #tpu.memory_space<hbm>>) dst(%arg8 : memref<128xf32, #tpu.memory_space<vmem>>)
      tpu.yield
    }) : () -> ()
    "tpu.region"() ({
      %run_scoped3A_105 = tpu.sem_alloc : memref<!tpu.dma_semaphore, #tpu.memory_space<semaphore_mem>>
      %dma_start3A = arith.constant 0 : i32
      %dma_start3A_106 = arith.constant 0 : i32
      %dma_start3A_107 = arith.constant 0 : i32
      %dma_start3A_108 = tpu.memref_slice %arg2[%add3A, %dma_start3A, %dma_start3A_106, %dma_start3A_107] : memref<32x78x1x128xi32, #tpu.memory_space<hbm>> -> memref<1x78x1x128xi32, #tpu.memory_space<hbm>>
      %dma_start3A_109 = tpu.memref_squeeze %dma_start3A_108 : memref<1x78x1x128xi32, #tpu.memory_space<hbm>> -> memref<78x1x128xi32, #tpu.memory_space<hbm>>
      %dma_start3A_110 = arith.constant 0 : i32
      %dma_start3A_111 = arith.constant 0 : i32
      %dma_start3A_112 = arith.constant 0 : i32
      %dma_start3A_113 = tpu.memref_slice %arg2[%add3A, %dma_start3A_110, %dma_start3A_111, %dma_start3A_112] : memref<32x78x1x128xi32, #tpu.memory_space<hbm>> -> memref<1x78x1x128xi32, #tpu.memory_space<hbm>>
      %dma_start3A_114 = tpu.memref_squeeze %dma_start3A_113 : memref<1x78x1x128xi32, #tpu.memory_space<hbm>> -> memref<78x1x128xi32, #tpu.memory_space<hbm>>
      tpu.enqueue_dma source(%dma_start3A_114 : memref<78x1x128xi32, #tpu.memory_space<hbm>>) target(%arg9 : memref<78x1x128xi32, #tpu.memory_space<vmem>>) target_semaphore(%run_scoped3A_105 : memref<!tpu.dma_semaphore, #tpu.memory_space<semaphore_mem>>)
      %dma_wait3A_115 = arith.constant 0 : i32
      %dma_wait3A_116 = arith.constant 0 : i32
      %dma_wait3A_117 = arith.constant 0 : i32
      %dma_wait3A_118 = tpu.memref_slice %arg2[%add3A, %dma_wait3A_115, %dma_wait3A_116, %dma_wait3A_117] : memref<32x78x1x128xi32, #tpu.memory_space<hbm>> -> memref<1x78x1x128xi32, #tpu.memory_space<hbm>>
      %dma_wait3A_119 = tpu.memref_squeeze %dma_wait3A_118 : memref<1x78x1x128xi32, #tpu.memory_space<hbm>> -> memref<78x1x128xi32, #tpu.memory_space<hbm>>
      %dma_wait3A_120 = arith.constant 0 : i32
      %dma_wait3A_121 = arith.constant 0 : i32
      %dma_wait3A_122 = arith.constant 0 : i32
      %dma_wait3A_123 = tpu.memref_slice %arg2[%add3A, %dma_wait3A_120, %dma_wait3A_121, %dma_wait3A_122] : memref<32x78x1x128xi32, #tpu.memory_space<hbm>> -> memref<1x78x1x128xi32, #tpu.memory_space<hbm>>
      %dma_wait3A_124 = tpu.memref_squeeze %dma_wait3A_123 : memref<1x78x1x128xi32, #tpu.memory_space<hbm>> -> memref<78x1x128xi32, #tpu.memory_space<hbm>>
      tpu.wait_dma2 semaphore(%run_scoped3A_105 : memref<!tpu.dma_semaphore, #tpu.memory_space<semaphore_mem>>) src(%dma_wait3A_124 : memref<78x1x128xi32, #tpu.memory_space<hbm>>) dst(%arg9 : memref<78x1x128xi32, #tpu.memory_space<vmem>>)
      tpu.yield
    }) : () -> ()
    "tpu.region"() ({
      %run_scoped3A_105 = tpu.sem_alloc : memref<!tpu.dma_semaphore, #tpu.memory_space<semaphore_mem>>
      %dma_start3A = arith.constant 0 : i32
      %dma_start3A_106 = arith.constant 0 : i32
      %dma_start3A_107 = tpu.memref_slice %arg3[%add3A, %dma_start3A, %dma_start3A_106] : memref<32x1x16xi32, #tpu.memory_space<hbm>> -> memref<1x1x16xi32, #tpu.memory_space<hbm>>
      %dma_start3A_108 = tpu.memref_squeeze %dma_start3A_107 : memref<1x1x16xi32, #tpu.memory_space<hbm>> -> memref<1x16xi32, #tpu.memory_space<hbm>>
      %dma_start3A_109 = arith.constant 0 : i32
      %dma_start3A_110 = arith.constant 0 : i32
      %dma_start3A_111 = tpu.memref_slice %arg3[%add3A, %dma_start3A_109, %dma_start3A_110] : memref<32x1x16xi32, #tpu.memory_space<hbm>> -> memref<1x1x16xi32, #tpu.memory_space<hbm>>
      %dma_start3A_112 = tpu.memref_squeeze %dma_start3A_111 : memref<1x1x16xi32, #tpu.memory_space<hbm>> -> memref<1x16xi32, #tpu.memory_space<hbm>>
      tpu.enqueue_dma source(%dma_start3A_112 : memref<1x16xi32, #tpu.memory_space<hbm>>) target(%arg10 : memref<1x16xi32, #tpu.memory_space<vmem>>) target_semaphore(%run_scoped3A_105 : memref<!tpu.dma_semaphore, #tpu.memory_space<semaphore_mem>>)
      %dma_wait3A_113 = arith.constant 0 : i32
      %dma_wait3A_114 = arith.constant 0 : i32
      %dma_wait3A_115 = tpu.memref_slice %arg3[%add3A, %dma_wait3A_113, %dma_wait3A_114] : memref<32x1x16xi32, #tpu.memory_space<hbm>> -> memref<1x1x16xi32, #tpu.memory_space<hbm>>
      %dma_wait3A_116 = tpu.memref_squeeze %dma_wait3A_115 : memref<1x1x16xi32, #tpu.memory_space<hbm>> -> memref<1x16xi32, #tpu.memory_space<hbm>>
      %dma_wait3A_117 = arith.constant 0 : i32
      %dma_wait3A_118 = arith.constant 0 : i32
      %dma_wait3A_119 = tpu.memref_slice %arg3[%add3A, %dma_wait3A_117, %dma_wait3A_118] : memref<32x1x16xi32, #tpu.memory_space<hbm>> -> memref<1x1x16xi32, #tpu.memory_space<hbm>>
      %dma_wait3A_120 = tpu.memref_squeeze %dma_wait3A_119 : memref<1x1x16xi32, #tpu.memory_space<hbm>> -> memref<1x16xi32, #tpu.memory_space<hbm>>
      tpu.wait_dma2 semaphore(%run_scoped3A_105 : memref<!tpu.dma_semaphore, #tpu.memory_space<semaphore_mem>>) src(%dma_wait3A_120 : memref<1x16xi32, #tpu.memory_space<hbm>>) dst(%arg10 : memref<1x16xi32, #tpu.memory_space<vmem>>)
      tpu.yield
    }) : () -> ()
    %barrier3A = arith.constant 0 : index
    tpu.barrier barrier_id(%barrier3A)
    %scan3A = arith.constant 0 : i32
    %scan3A_3 = arith.constant 0 : i32
    %scan3A_4 = arith.constant 6 : i32
    %scan3A_5 = arith.addi %scan3A_3, %scan3A_4 : i32
    %scan3A_6 = arith.constant 1 : i32
    %scan3A_7 = scf.for %scan3A_105 = %scan3A_3 to %scan3A_5 step %scan3A_6 iter_args(%scan3A_106 = %scan3A) -> (i32)  : i32 {
      %mul3A_107 = arith.constant 13 : i32
      %mul3A_108 = arith.muli %scan3A_105, %mul3A_107 : i32
      %add3A_109 = arith.constant 0 : i32
      %add3A_110 = arith.addi %mul3A_108, %add3A_109 : i32
      %dma_start3A = arith.constant 0 : i32
      %dma_start3A_111 = arith.constant 0 : i32
      %dma_start3A_112 = tpu.memref_slice %arg9[%add3A_110, %dma_start3A, %dma_start3A_111] : memref<78x1x128xi32, #tpu.memory_space<vmem>> -> memref<1x1x128xi32, #tpu.memory_space<vmem>>
      %dma_start3A_113 = tpu.memref_squeeze %dma_start3A_112 : memref<1x1x128xi32, #tpu.memory_space<vmem>> -> memref<128xi32, #tpu.memory_space<vmem>>
      %dma_start3A_114 = arith.constant 0 : i32
      %dma_start3A_115 = tpu.memref_slice %arg7[%dma_start3A_114] : memref<10000xf32, #tpu.memory_space<vmem_shared>> -> memref<10000xf32, #tpu.memory_space<vmem_shared>>
      tpu.enqueue_indirect_dma source(%arg8 : memref<128xf32, #tpu.memory_space<vmem>>) target(%dma_start3A_115 : memref<10000xf32, #tpu.memory_space<vmem_shared>>) offsets(%dma_start3A_113 : memref<128xi32, #tpu.memory_space<vmem>>) semaphore(%arg11 : memref<!tpu.dma_semaphore, #tpu.memory_space<semaphore_mem>>) {add = true}
      %mul3A_116 = arith.constant 13 : i32
      %mul3A_117 = arith.muli %scan3A_105, %mul3A_116 : i32
      %add3A_118 = arith.constant 1 : i32
      %add3A_119 = arith.addi %mul3A_117, %add3A_118 : i32
      %dma_start3A_120 = arith.constant 0 : i32
      %dma_start3A_121 = arith.constant 0 : i32
      %dma_start3A_122 = tpu.memref_slice %arg9[%add3A_119, %dma_start3A_120, %dma_start3A_121] : memref<78x1x128xi32, #tpu.memory_space<vmem>> -> memref<1x1x128xi32, #tpu.memory_space<vmem>>
      %dma_start3A_123 = tpu.memref_squeeze %dma_start3A_122 : memref<1x1x128xi32, #tpu.memory_space<vmem>> -> memref<128xi32, #tpu.memory_space<vmem>>
      %dma_start3A_124 = arith.constant 0 : i32
      %dma_start3A_125 = tpu.memref_slice %arg7[%dma_start3A_124] : memref<10000xf32, #tpu.memory_space<vmem_shared>> -> memref<10000xf32, #tpu.memory_space<vmem_shared>>
      tpu.enqueue_indirect_dma source(%arg8 : memref<128xf32, #tpu.memory_space<vmem>>) target(%dma_start3A_125 : memref<10000xf32, #tpu.memory_space<vmem_shared>>) offsets(%dma_start3A_123 : memref<128xi32, #tpu.memory_space<vmem>>) semaphore(%arg11 : memref<!tpu.dma_semaphore, #tpu.memory_space<semaphore_mem>>) {add = true}
      %mul3A_126 = arith.constant 13 : i32
      %mul3A_127 = arith.muli %scan3A_105, %mul3A_126 : i32
      %add3A_128 = arith.constant 2 : i32
      %add3A_129 = arith.addi %mul3A_127, %add3A_128 : i32
      %dma_start3A_130 = arith.constant 0 : i32
      %dma_start3A_131 = arith.constant 0 : i32
      %dma_start3A_132 = tpu.memref_slice %arg9[%add3A_129, %dma_start3A_130, %dma_start3A_131] : memref<78x1x128xi32, #tpu.memory_space<vmem>> -> memref<1x1x128xi32, #tpu.memory_space<vmem>>
      %dma_start3A_133 = tpu.memref_squeeze %dma_start3A_132 : memref<1x1x128xi32, #tpu.memory_space<vmem>> -> memref<128xi32, #tpu.memory_space<vmem>>
      %dma_start3A_134 = arith.constant 0 : i32
      %dma_start3A_135 = tpu.memref_slice %arg7[%dma_start3A_134] : memref<10000xf32, #tpu.memory_space<vmem_shared>> -> memref<10000xf32, #tpu.memory_space<vmem_shared>>
      tpu.enqueue_indirect_dma source(%arg8 : memref<128xf32, #tpu.memory_space<vmem>>) target(%dma_start3A_135 : memref<10000xf32, #tpu.memory_space<vmem_shared>>) offsets(%dma_start3A_133 : memref<128xi32, #tpu.memory_space<vmem>>) semaphore(%arg11 : memref<!tpu.dma_semaphore, #tpu.memory_space<semaphore_mem>>) {add = true}
      %mul3A_136 = arith.constant 13 : i32
      %mul3A_137 = arith.muli %scan3A_105, %mul3A_136 : i32
      %add3A_138 = arith.constant 3 : i32
      %add3A_139 = arith.addi %mul3A_137, %add3A_138 : i32
      %dma_start3A_140 = arith.constant 0 : i32
      %dma_start3A_141 = arith.constant 0 : i32
      %dma_start3A_142 = tpu.memref_slice %arg9[%add3A_139, %dma_start3A_140, %dma_start3A_141] : memref<78x1x128xi32, #tpu.memory_space<vmem>> -> memref<1x1x128xi32, #tpu.memory_space<vmem>>
      %dma_start3A_143 = tpu.memref_squeeze %dma_start3A_142 : memref<1x1x128xi32, #tpu.memory_space<vmem>> -> memref<128xi32, #tpu.memory_space<vmem>>
      %dma_start3A_144 = arith.constant 0 : i32
      %dma_start3A_145 = tpu.memref_slice %arg7[%dma_start3A_144] : memref<10000xf32, #tpu.memory_space<vmem_shared>> -> memref<10000xf32, #tpu.memory_space<vmem_shared>>
      tpu.enqueue_indirect_dma source(%arg8 : memref<128xf32, #tpu.memory_space<vmem>>) target(%dma_start3A_145 : memref<10000xf32, #tpu.memory_space<vmem_shared>>) offsets(%dma_start3A_143 : memref<128xi32, #tpu.memory_space<vmem>>) semaphore(%arg11 : memref<!tpu.dma_semaphore, #tpu.memory_space<semaphore_mem>>) {add = true}
      %mul3A_146 = arith.constant 13 : i32
      %mul3A_147 = arith.muli %scan3A_105, %mul3A_146 : i32
      %add3A_148 = arith.constant 4 : i32
      %add3A_149 = arith.addi %mul3A_147, %add3A_148 : i32
      %dma_start3A_150 = arith.constant 0 : i32
      %dma_start3A_151 = arith.constant 0 : i32
      %dma_start3A_152 = tpu.memref_slice %arg9[%add3A_149, %dma_start3A_150, %dma_start3A_151] : memref<78x1x128xi32, #tpu.memory_space<vmem>> -> memref<1x1x128xi32, #tpu.memory_space<vmem>>
      %dma_start3A_153 = tpu.memref_squeeze %dma_start3A_152 : memref<1x1x128xi32, #tpu.memory_space<vmem>> -> memref<128xi32, #tpu.memory_space<vmem>>
      %dma_start3A_154 = arith.constant 0 : i32
      %dma_start3A_155 = tpu.memref_slice %arg7[%dma_start3A_154] : memref<10000xf32, #tpu.memory_space<vmem_shared>> -> memref<10000xf32, #tpu.memory_space<vmem_shared>>
      tpu.enqueue_indirect_dma source(%arg8 : memref<128xf32, #tpu.memory_space<vmem>>) target(%dma_start3A_155 : memref<10000xf32, #tpu.memory_space<vmem_shared>>) offsets(%dma_start3A_153 : memref<128xi32, #tpu.memory_space<vmem>>) semaphore(%arg11 : memref<!tpu.dma_semaphore, #tpu.memory_space<semaphore_mem>>) {add = true}
      %mul3A_156 = arith.constant 13 : i32
      %mul3A_157 = arith.muli %scan3A_105, %mul3A_156 : i32
      %add3A_158 = arith.constant 5 : i32
      %add3A_159 = arith.addi %mul3A_157, %add3A_158 : i32
      %dma_start3A_160 = arith.constant 0 : i32
      %dma_start3A_161 = arith.constant 0 : i32
      %dma_start3A_162 = tpu.memref_slice %arg9[%add3A_159, %dma_start3A_160, %dma_start3A_161] : memref<78x1x128xi32, #tpu.memory_space<vmem>> -> memref<1x1x128xi32, #tpu.memory_space<vmem>>
      %dma_start3A_163 = tpu.memref_squeeze %dma_start3A_162 : memref<1x1x128xi32, #tpu.memory_space<vmem>> -> memref<128xi32, #tpu.memory_space<vmem>>
      %dma_start3A_164 = arith.constant 0 : i32
      %dma_start3A_165 = tpu.memref_slice %arg7[%dma_start3A_164] : memref<10000xf32, #tpu.memory_space<vmem_shared>> -> memref<10000xf32, #tpu.memory_space<vmem_shared>>
      tpu.enqueue_indirect_dma source(%arg8 : memref<128xf32, #tpu.memory_space<vmem>>) target(%dma_start3A_165 : memref<10000xf32, #tpu.memory_space<vmem_shared>>) offsets(%dma_start3A_163 : memref<128xi32, #tpu.memory_space<vmem>>) semaphore(%arg11 : memref<!tpu.dma_semaphore, #tpu.memory_space<semaphore_mem>>) {add = true}
      %mul3A_166 = arith.constant 13 : i32
      %mul3A_167 = arith.muli %scan3A_105, %mul3A_166 : i32
      %add3A_168 = arith.constant 6 : i32
      %add3A_169 = arith.addi %mul3A_167, %add3A_168 : i32
      %dma_start3A_170 = arith.constant 0 : i32
      %dma_start3A_171 = arith.constant 0 : i32
      %dma_start3A_172 = tpu.memref_slice %arg9[%add3A_169, %dma_start3A_170, %dma_start3A_171] : memref<78x1x128xi32, #tpu.memory_space<vmem>> -> memref<1x1x128xi32, #tpu.memory_space<vmem>>
      %dma_start3A_173 = tpu.memref_squeeze %dma_start3A_172 : memref<1x1x128xi32, #tpu.memory_space<vmem>> -> memref<128xi32, #tpu.memory_space<vmem>>
      %dma_start3A_174 = arith.constant 0 : i32
      %dma_start3A_175 = tpu.memref_slice %arg7[%dma_start3A_174] : memref<10000xf32, #tpu.memory_space<vmem_shared>> -> memref<10000xf32, #tpu.memory_space<vmem_shared>>
      tpu.enqueue_indirect_dma source(%arg8 : memref<128xf32, #tpu.memory_space<vmem>>) target(%dma_start3A_175 : memref<10000xf32, #tpu.memory_space<vmem_shared>>) offsets(%dma_start3A_173 : memref<128xi32, #tpu.memory_space<vmem>>) semaphore(%arg11 : memref<!tpu.dma_semaphore, #tpu.memory_space<semaphore_mem>>) {add = true}
      %mul3A_176 = arith.constant 13 : i32
      %mul3A_177 = arith.muli %scan3A_105, %mul3A_176 : i32
      %add3A_178 = arith.constant 7 : i32
      %add3A_179 = arith.addi %mul3A_177, %add3A_178 : i32
      %dma_start3A_180 = arith.constant 0 : i32
      %dma_start3A_181 = arith.constant 0 : i32
      %dma_start3A_182 = tpu.memref_slice %arg9[%add3A_179, %dma_start3A_180, %dma_start3A_181] : memref<78x1x128xi32, #tpu.memory_space<vmem>> -> memref<1x1x128xi32, #tpu.memory_space<vmem>>
      %dma_start3A_183 = tpu.memref_squeeze %dma_start3A_182 : memref<1x1x128xi32, #tpu.memory_space<vmem>> -> memref<128xi32, #tpu.memory_space<vmem>>
      %dma_start3A_184 = arith.constant 0 : i32
      %dma_start3A_185 = tpu.memref_slice %arg7[%dma_start3A_184] : memref<10000xf32, #tpu.memory_space<vmem_shared>> -> memref<10000xf32, #tpu.memory_space<vmem_shared>>
      tpu.enqueue_indirect_dma source(%arg8 : memref<128xf32, #tpu.memory_space<vmem>>) target(%dma_start3A_185 : memref<10000xf32, #tpu.memory_space<vmem_shared>>) offsets(%dma_start3A_183 : memref<128xi32, #tpu.memory_space<vmem>>) semaphore(%arg11 : memref<!tpu.dma_semaphore, #tpu.memory_space<semaphore_mem>>) {add = true}
      %mul3A_186 = arith.constant 13 : i32
      %mul3A_187 = arith.muli %scan3A_105, %mul3A_186 : i32
      %add3A_188 = arith.constant 8 : i32
      %add3A_189 = arith.addi %mul3A_187, %add3A_188 : i32
      %dma_start3A_190 = arith.constant 0 : i32
      %dma_start3A_191 = arith.constant 0 : i32
      %dma_start3A_192 = tpu.memref_slice %arg9[%add3A_189, %dma_start3A_190, %dma_start3A_191] : memref<78x1x128xi32, #tpu.memory_space<vmem>> -> memref<1x1x128xi32, #tpu.memory_space<vmem>>
      %dma_start3A_193 = tpu.memref_squeeze %dma_start3A_192 : memref<1x1x128xi32, #tpu.memory_space<vmem>> -> memref<128xi32, #tpu.memory_space<vmem>>
      %dma_start3A_194 = arith.constant 0 : i32
      %dma_start3A_195 = tpu.memref_slice %arg7[%dma_start3A_194] : memref<10000xf32, #tpu.memory_space<vmem_shared>> -> memref<10000xf32, #tpu.memory_space<vmem_shared>>
      tpu.enqueue_indirect_dma source(%arg8 : memref<128xf32, #tpu.memory_space<vmem>>) target(%dma_start3A_195 : memref<10000xf32, #tpu.memory_space<vmem_shared>>) offsets(%dma_start3A_193 : memref<128xi32, #tpu.memory_space<vmem>>) semaphore(%arg11 : memref<!tpu.dma_semaphore, #tpu.memory_space<semaphore_mem>>) {add = true}
      %mul3A_196 = arith.constant 13 : i32
      %mul3A_197 = arith.muli %scan3A_105, %mul3A_196 : i32
      %add3A_198 = arith.constant 9 : i32
      %add3A_199 = arith.addi %mul3A_197, %add3A_198 : i32
      %dma_start3A_200 = arith.constant 0 : i32
      %dma_start3A_201 = arith.constant 0 : i32
      %dma_start3A_202 = tpu.memref_slice %arg9[%add3A_199, %dma_start3A_200, %dma_start3A_201] : memref<78x1x128xi32, #tpu.memory_space<vmem>> -> memref<1x1x128xi32, #tpu.memory_space<vmem>>
      %dma_start3A_203 = tpu.memref_squeeze %dma_start3A_202 : memref<1x1x128xi32, #tpu.memory_space<vmem>> -> memref<128xi32, #tpu.memory_space<vmem>>
      %dma_start3A_204 = arith.constant 0 : i32
      %dma_start3A_205 = tpu.memref_slice %arg7[%dma_start3A_204] : memref<10000xf32, #tpu.memory_space<vmem_shared>> -> memref<10000xf32, #tpu.memory_space<vmem_shared>>
      tpu.enqueue_indirect_dma source(%arg8 : memref<128xf32, #tpu.memory_space<vmem>>) target(%dma_start3A_205 : memref<10000xf32, #tpu.memory_space<vmem_shared>>) offsets(%dma_start3A_203 : memref<128xi32, #tpu.memory_space<vmem>>) semaphore(%arg11 : memref<!tpu.dma_semaphore, #tpu.memory_space<semaphore_mem>>) {add = true}
      %mul3A_206 = arith.constant 13 : i32
      %mul3A_207 = arith.muli %scan3A_105, %mul3A_206 : i32
      %add3A_208 = arith.constant 10 : i32
      %add3A_209 = arith.addi %mul3A_207, %add3A_208 : i32
      %dma_start3A_210 = arith.constant 0 : i32
      %dma_start3A_211 = arith.constant 0 : i32
      %dma_start3A_212 = tpu.memref_slice %arg9[%add3A_209, %dma_start3A_210, %dma_start3A_211] : memref<78x1x128xi32, #tpu.memory_space<vmem>> -> memref<1x1x128xi32, #tpu.memory_space<vmem>>
      %dma_start3A_213 = tpu.memref_squeeze %dma_start3A_212 : memref<1x1x128xi32, #tpu.memory_space<vmem>> -> memref<128xi32, #tpu.memory_space<vmem>>
      %dma_start3A_214 = arith.constant 0 : i32
      %dma_start3A_215 = tpu.memref_slice %arg7[%dma_start3A_214] : memref<10000xf32, #tpu.memory_space<vmem_shared>> -> memref<10000xf32, #tpu.memory_space<vmem_shared>>
      tpu.enqueue_indirect_dma source(%arg8 : memref<128xf32, #tpu.memory_space<vmem>>) target(%dma_start3A_215 : memref<10000xf32, #tpu.memory_space<vmem_shared>>) offsets(%dma_start3A_213 : memref<128xi32, #tpu.memory_space<vmem>>) semaphore(%arg11 : memref<!tpu.dma_semaphore, #tpu.memory_space<semaphore_mem>>) {add = true}
      %mul3A_216 = arith.constant 13 : i32
      %mul3A_217 = arith.muli %scan3A_105, %mul3A_216 : i32
      %add3A_218 = arith.constant 11 : i32
      %add3A_219 = arith.addi %mul3A_217, %add3A_218 : i32
      %dma_start3A_220 = arith.constant 0 : i32
      %dma_start3A_221 = arith.constant 0 : i32
      %dma_start3A_222 = tpu.memref_slice %arg9[%add3A_219, %dma_start3A_220, %dma_start3A_221] : memref<78x1x128xi32, #tpu.memory_space<vmem>> -> memref<1x1x128xi32, #tpu.memory_space<vmem>>
      %dma_start3A_223 = tpu.memref_squeeze %dma_start3A_222 : memref<1x1x128xi32, #tpu.memory_space<vmem>> -> memref<128xi32, #tpu.memory_space<vmem>>
      %dma_start3A_224 = arith.constant 0 : i32
      %dma_start3A_225 = tpu.memref_slice %arg7[%dma_start3A_224] : memref<10000xf32, #tpu.memory_space<vmem_shared>> -> memref<10000xf32, #tpu.memory_space<vmem_shared>>
      tpu.enqueue_indirect_dma source(%arg8 : memref<128xf32, #tpu.memory_space<vmem>>) target(%dma_start3A_225 : memref<10000xf32, #tpu.memory_space<vmem_shared>>) offsets(%dma_start3A_223 : memref<128xi32, #tpu.memory_space<vmem>>) semaphore(%arg11 : memref<!tpu.dma_semaphore, #tpu.memory_space<semaphore_mem>>) {add = true}
      %mul3A_226 = arith.constant 13 : i32
      %mul3A_227 = arith.muli %scan3A_105, %mul3A_226 : i32
      %add3A_228 = arith.constant 12 : i32
      %add3A_229 = arith.addi %mul3A_227, %add3A_228 : i32
      %dma_start3A_230 = arith.constant 0 : i32
      %dma_start3A_231 = arith.constant 0 : i32
      %dma_start3A_232 = tpu.memref_slice %arg9[%add3A_229, %dma_start3A_230, %dma_start3A_231] : memref<78x1x128xi32, #tpu.memory_space<vmem>> -> memref<1x1x128xi32, #tpu.memory_space<vmem>>
      %dma_start3A_233 = tpu.memref_squeeze %dma_start3A_232 : memref<1x1x128xi32, #tpu.memory_space<vmem>> -> memref<128xi32, #tpu.memory_space<vmem>>
      %dma_start3A_234 = arith.constant 0 : i32
      %dma_start3A_235 = tpu.memref_slice %arg7[%dma_start3A_234] : memref<10000xf32, #tpu.memory_space<vmem_shared>> -> memref<10000xf32, #tpu.memory_space<vmem_shared>>
      tpu.enqueue_indirect_dma source(%arg8 : memref<128xf32, #tpu.memory_space<vmem>>) target(%dma_start3A_235 : memref<10000xf32, #tpu.memory_space<vmem_shared>>) offsets(%dma_start3A_233 : memref<128xi32, #tpu.memory_space<vmem>>) semaphore(%arg11 : memref<!tpu.dma_semaphore, #tpu.memory_space<semaphore_mem>>) {add = true}
      %gt3A = arith.constant 0 : i32
      %gt3A_236 = arith.cmpi sgt, %scan3A_105, %gt3A : i32
      %convert_element_type3A_237 = arith.extui %gt3A_236 : i1 to i32
      %cond3A_238 = arith.constant 0 : i32
      %cond3A_239 = arith.cmpi ne, %convert_element_type3A_237, %cond3A_238 : i32
      scf.if %cond3A_239 {
        %dma_wait3A_241 = arith.constant 0 : i32
        %dma_wait3A_242 = arith.constant 0 : i32
        %dma_wait3A_243 = arith.constant 0 : i32
        %dma_wait3A_244 = tpu.memref_slice %arg9[%dma_wait3A_241, %dma_wait3A_242, %dma_wait3A_243] : memref<78x1x128xi32, #tpu.memory_space<vmem>> -> memref<1x1x128xi32, #tpu.memory_space<vmem>>
        %dma_wait3A_245 = tpu.memref_squeeze %dma_wait3A_244 : memref<1x1x128xi32, #tpu.memory_space<vmem>> -> memref<128xi32, #tpu.memory_space<vmem>>
        %dma_wait3A_246 = arith.constant 0 : i32
        %dma_wait3A_247 = tpu.memref_slice %arg7[%dma_wait3A_246] : memref<10000xf32, #tpu.memory_space<vmem_shared>> -> memref<10000xf32, #tpu.memory_space<vmem_shared>>
        tpu.wait_indirect_dma semaphore(%arg11 : memref<!tpu.dma_semaphore, #tpu.memory_space<semaphore_mem>>) src(%arg8 : memref<128xf32, #tpu.memory_space<vmem>>) dst(%dma_wait3A_247 : memref<10000xf32, #tpu.memory_space<vmem_shared>>)
        %dma_wait3A_248 = arith.constant 0 : i32
        %dma_wait3A_249 = arith.constant 0 : i32
        %dma_wait3A_250 = arith.constant 0 : i32
        %dma_wait3A_251 = tpu.memref_slice %arg9[%dma_wait3A_248, %dma_wait3A_249, %dma_wait3A_250] : memref<78x1x128xi32, #tpu.memory_space<vmem>> -> memref<1x1x128xi32, #tpu.memory_space<vmem>>
        %dma_wait3A_252 = tpu.memref_squeeze %dma_wait3A_251 : memref<1x1x128xi32, #tpu.memory_space<vmem>> -> memref<128xi32, #tpu.memory_space<vmem>>
        %dma_wait3A_253 = arith.constant 0 : i32
        %dma_wait3A_254 = tpu.memref_slice %arg7[%dma_wait3A_253] : memref<10000xf32, #tpu.memory_space<vmem_shared>> -> memref<10000xf32, #tpu.memory_space<vmem_shared>>
        tpu.wait_indirect_dma semaphore(%arg11 : memref<!tpu.dma_semaphore, #tpu.memory_space<semaphore_mem>>) src(%arg8 : memref<128xf32, #tpu.memory_space<vmem>>) dst(%dma_wait3A_254 : memref<10000xf32, #tpu.memory_space<vmem_shared>>)
        %dma_wait3A_255 = arith.constant 0 : i32
        %dma_wait3A_256 = arith.constant 0 : i32
        %dma_wait3A_257 = arith.constant 0 : i32
        %dma_wait3A_258 = tpu.memref_slice %arg9[%dma_wait3A_255, %dma_wait3A_256, %dma_wait3A_257] : memref<78x1x128xi32, #tpu.memory_space<vmem>> -> memref<1x1x128xi32, #tpu.memory_space<vmem>>
        %dma_wait3A_259 = tpu.memref_squeeze %dma_wait3A_258 : memref<1x1x128xi32, #tpu.memory_space<vmem>> -> memref<128xi32, #tpu.memory_space<vmem>>
        %dma_wait3A_260 = arith.constant 0 : i32
        %dma_wait3A_261 = tpu.memref_slice %arg7[%dma_wait3A_260] : memref<10000xf32, #tpu.memory_space<vmem_shared>> -> memref<10000xf32, #tpu.memory_space<vmem_shared>>
        tpu.wait_indirect_dma semaphore(%arg11 : memref<!tpu.dma_semaphore, #tpu.memory_space<semaphore_mem>>) src(%arg8 : memref<128xf32, #tpu.memory_space<vmem>>) dst(%dma_wait3A_261 : memref<10000xf32, #tpu.memory_space<vmem_shared>>)
        %dma_wait3A_262 = arith.constant 0 : i32
        %dma_wait3A_263 = arith.constant 0 : i32
        %dma_wait3A_264 = arith.constant 0 : i32
        %dma_wait3A_265 = tpu.memref_slice %arg9[%dma_wait3A_262, %dma_wait3A_263, %dma_wait3A_264] : memref<78x1x128xi32, #tpu.memory_space<vmem>> -> memref<1x1x128xi32, #tpu.memory_space<vmem>>
        %dma_wait3A_266 = tpu.memref_squeeze %dma_wait3A_265 : memref<1x1x128xi32, #tpu.memory_space<vmem>> -> memref<128xi32, #tpu.memory_space<vmem>>
        %dma_wait3A_267 = arith.constant 0 : i32
        %dma_wait3A_268 = tpu.memref_slice %arg7[%dma_wait3A_267] : memref<10000xf32, #tpu.memory_space<vmem_shared>> -> memref<10000xf32, #tpu.memory_space<vmem_shared>>
        tpu.wait_indirect_dma semaphore(%arg11 : memref<!tpu.dma_semaphore, #tpu.memory_space<semaphore_mem>>) src(%arg8 : memref<128xf32, #tpu.memory_space<vmem>>) dst(%dma_wait3A_268 : memref<10000xf32, #tpu.memory_space<vmem_shared>>)
        %dma_wait3A_269 = arith.constant 0 : i32
        %dma_wait3A_270 = arith.constant 0 : i32
        %dma_wait3A_271 = arith.constant 0 : i32
        %dma_wait3A_272 = tpu.memref_slice %arg9[%dma_wait3A_269, %dma_wait3A_270, %dma_wait3A_271] : memref<78x1x128xi32, #tpu.memory_space<vmem>> -> memref<1x1x128xi32, #tpu.memory_space<vmem>>
        %dma_wait3A_273 = tpu.memref_squeeze %dma_wait3A_272 : memref<1x1x128xi32, #tpu.memory_space<vmem>> -> memref<128xi32, #tpu.memory_space<vmem>>
        %dma_wait3A_274 = arith.constant 0 : i32
        %dma_wait3A_275 = tpu.memref_slice %arg7[%dma_wait3A_274] : memref<10000xf32, #tpu.memory_space<vmem_shared>> -> memref<10000xf32, #tpu.memory_space<vmem_shared>>
        tpu.wait_indirect_dma semaphore(%arg11 : memref<!tpu.dma_semaphore, #tpu.memory_space<semaphore_mem>>) src(%arg8 : memref<128xf32, #tpu.memory_space<vmem>>) dst(%dma_wait3A_275 : memref<10000xf32, #tpu.memory_space<vmem_shared>>)
        %dma_wait3A_276 = arith.constant 0 : i32
        %dma_wait3A_277 = arith.constant 0 : i32
        %dma_wait3A_278 = arith.constant 0 : i32
        %dma_wait3A_279 = tpu.memref_slice %arg9[%dma_wait3A_276, %dma_wait3A_277, %dma_wait3A_278] : memref<78x1x128xi32, #tpu.memory_space<vmem>> -> memref<1x1x128xi32, #tpu.memory_space<vmem>>
        %dma_wait3A_280 = tpu.memref_squeeze %dma_wait3A_279 : memref<1x1x128xi32, #tpu.memory_space<vmem>> -> memref<128xi32, #tpu.memory_space<vmem>>
        %dma_wait3A_281 = arith.constant 0 : i32
        %dma_wait3A_282 = tpu.memref_slice %arg7[%dma_wait3A_281] : memref<10000xf32, #tpu.memory_space<vmem_shared>> -> memref<10000xf32, #tpu.memory_space<vmem_shared>>
        tpu.wait_indirect_dma semaphore(%arg11 : memref<!tpu.dma_semaphore, #tpu.memory_space<semaphore_mem>>) src(%arg8 : memref<128xf32, #tpu.memory_space<vmem>>) dst(%dma_wait3A_282 : memref<10000xf32, #tpu.memory_space<vmem_shared>>)
        %dma_wait3A_283 = arith.constant 0 : i32
        %dma_wait3A_284 = arith.constant 0 : i32
        %dma_wait3A_285 = arith.constant 0 : i32
        %dma_wait3A_286 = tpu.memref_slice %arg9[%dma_wait3A_283, %dma_wait3A_284, %dma_wait3A_285] : memref<78x1x128xi32, #tpu.memory_space<vmem>> -> memref<1x1x128xi32, #tpu.memory_space<vmem>>
        %dma_wait3A_287 = tpu.memref_squeeze %dma_wait3A_286 : memref<1x1x128xi32, #tpu.memory_space<vmem>> -> memref<128xi32, #tpu.memory_space<vmem>>
        %dma_wait3A_288 = arith.constant 0 : i32
        %dma_wait3A_289 = tpu.memref_slice %arg7[%dma_wait3A_288] : memref<10000xf32, #tpu.memory_space<vmem_shared>> -> memref<10000xf32, #tpu.memory_space<vmem_shared>>
        tpu.wait_indirect_dma semaphore(%arg11 : memref<!tpu.dma_semaphore, #tpu.memory_space<semaphore_mem>>) src(%arg8 : memref<128xf32, #tpu.memory_space<vmem>>) dst(%dma_wait3A_289 : memref<10000xf32, #tpu.memory_space<vmem_shared>>)
        %dma_wait3A_290 = arith.constant 0 : i32
        %dma_wait3A_291 = arith.constant 0 : i32
        %dma_wait3A_292 = arith.constant 0 : i32
        %dma_wait3A_293 = tpu.memref_slice %arg9[%dma_wait3A_290, %dma_wait3A_291, %dma_wait3A_292] : memref<78x1x128xi32, #tpu.memory_space<vmem>> -> memref<1x1x128xi32, #tpu.memory_space<vmem>>
        %dma_wait3A_294 = tpu.memref_squeeze %dma_wait3A_293 : memref<1x1x128xi32, #tpu.memory_space<vmem>> -> memref<128xi32, #tpu.memory_space<vmem>>
        %dma_wait3A_295 = arith.constant 0 : i32
        %dma_wait3A_296 = tpu.memref_slice %arg7[%dma_wait3A_295] : memref<10000xf32, #tpu.memory_space<vmem_shared>> -> memref<10000xf32, #tpu.memory_space<vmem_shared>>
        tpu.wait_indirect_dma semaphore(%arg11 : memref<!tpu.dma_semaphore, #tpu.memory_space<semaphore_mem>>) src(%arg8 : memref<128xf32, #tpu.memory_space<vmem>>) dst(%dma_wait3A_296 : memref<10000xf32, #tpu.memory_space<vmem_shared>>)
        %dma_wait3A_297 = arith.constant 0 : i32
        %dma_wait3A_298 = arith.constant 0 : i32
        %dma_wait3A_299 = arith.constant 0 : i32
        %dma_wait3A_300 = tpu.memref_slice %arg9[%dma_wait3A_297, %dma_wait3A_298, %dma_wait3A_299] : memref<78x1x128xi32, #tpu.memory_space<vmem>> -> memref<1x1x128xi32, #tpu.memory_space<vmem>>
        %dma_wait3A_301 = tpu.memref_squeeze %dma_wait3A_300 : memref<1x1x128xi32, #tpu.memory_space<vmem>> -> memref<128xi32, #tpu.memory_space<vmem>>
        %dma_wait3A_302 = arith.constant 0 : i32
        %dma_wait3A_303 = tpu.memref_slice %arg7[%dma_wait3A_302] : memref<10000xf32, #tpu.memory_space<vmem_shared>> -> memref<10000xf32, #tpu.memory_space<vmem_shared>>
        tpu.wait_indirect_dma semaphore(%arg11 : memref<!tpu.dma_semaphore, #tpu.memory_space<semaphore_mem>>) src(%arg8 : memref<128xf32, #tpu.memory_space<vmem>>) dst(%dma_wait3A_303 : memref<10000xf32, #tpu.memory_space<vmem_shared>>)
        %dma_wait3A_304 = arith.constant 0 : i32
        %dma_wait3A_305 = arith.constant 0 : i32
        %dma_wait3A_306 = arith.constant 0 : i32
        %dma_wait3A_307 = tpu.memref_slice %arg9[%dma_wait3A_304, %dma_wait3A_305, %dma_wait3A_306] : memref<78x1x128xi32, #tpu.memory_space<vmem>> -> memref<1x1x128xi32, #tpu.memory_space<vmem>>
        %dma_wait3A_308 = tpu.memref_squeeze %dma_wait3A_307 : memref<1x1x128xi32, #tpu.memory_space<vmem>> -> memref<128xi32, #tpu.memory_space<vmem>>
        %dma_wait3A_309 = arith.constant 0 : i32
        %dma_wait3A_310 = tpu.memref_slice %arg7[%dma_wait3A_309] : memref<10000xf32, #tpu.memory_space<vmem_shared>> -> memref<10000xf32, #tpu.memory_space<vmem_shared>>
        tpu.wait_indirect_dma semaphore(%arg11 : memref<!tpu.dma_semaphore, #tpu.memory_space<semaphore_mem>>) src(%arg8 : memref<128xf32, #tpu.memory_space<vmem>>) dst(%dma_wait3A_310 : memref<10000xf32, #tpu.memory_space<vmem_shared>>)
        %dma_wait3A_311 = arith.constant 0 : i32
        %dma_wait3A_312 = arith.constant 0 : i32
        %dma_wait3A_313 = arith.constant 0 : i32
        %dma_wait3A_314 = tpu.memref_slice %arg9[%dma_wait3A_311, %dma_wait3A_312, %dma_wait3A_313] : memref<78x1x128xi32, #tpu.memory_space<vmem>> -> memref<1x1x128xi32, #tpu.memory_space<vmem>>
        %dma_wait3A_315 = tpu.memref_squeeze %dma_wait3A_314 : memref<1x1x128xi32, #tpu.memory_space<vmem>> -> memref<128xi32, #tpu.memory_space<vmem>>
        %dma_wait3A_316 = arith.constant 0 : i32
        %dma_wait3A_317 = tpu.memref_slice %arg7[%dma_wait3A_316] : memref<10000xf32, #tpu.memory_space<vmem_shared>> -> memref<10000xf32, #tpu.memory_space<vmem_shared>>
        tpu.wait_indirect_dma semaphore(%arg11 : memref<!tpu.dma_semaphore, #tpu.memory_space<semaphore_mem>>) src(%arg8 : memref<128xf32, #tpu.memory_space<vmem>>) dst(%dma_wait3A_317 : memref<10000xf32, #tpu.memory_space<vmem_shared>>)
        %dma_wait3A_318 = arith.constant 0 : i32
        %dma_wait3A_319 = arith.constant 0 : i32
        %dma_wait3A_320 = arith.constant 0 : i32
        %dma_wait3A_321 = tpu.memref_slice %arg9[%dma_wait3A_318, %dma_wait3A_319, %dma_wait3A_320] : memref<78x1x128xi32, #tpu.memory_space<vmem>> -> memref<1x1x128xi32, #tpu.memory_space<vmem>>
        %dma_wait3A_322 = tpu.memref_squeeze %dma_wait3A_321 : memref<1x1x128xi32, #tpu.memory_space<vmem>> -> memref<128xi32, #tpu.memory_space<vmem>>
        %dma_wait3A_323 = arith.constant 0 : i32
        %dma_wait3A_324 = tpu.memref_slice %arg7[%dma_wait3A_323] : memref<10000xf32, #tpu.memory_space<vmem_shared>> -> memref<10000xf32, #tpu.memory_space<vmem_shared>>
        tpu.wait_indirect_dma semaphore(%arg11 : memref<!tpu.dma_semaphore, #tpu.memory_space<semaphore_mem>>) src(%arg8 : memref<128xf32, #tpu.memory_space<vmem>>) dst(%dma_wait3A_324 : memref<10000xf32, #tpu.memory_space<vmem_shared>>)
        %dma_wait3A_325 = arith.constant 0 : i32
        %dma_wait3A_326 = arith.constant 0 : i32
        %dma_wait3A_327 = arith.constant 0 : i32
        %dma_wait3A_328 = tpu.memref_slice %arg9[%dma_wait3A_325, %dma_wait3A_326, %dma_wait3A_327] : memref<78x1x128xi32, #tpu.memory_space<vmem>> -> memref<1x1x128xi32, #tpu.memory_space<vmem>>
        %dma_wait3A_329 = tpu.memref_squeeze %dma_wait3A_328 : memref<1x1x128xi32, #tpu.memory_space<vmem>> -> memref<128xi32, #tpu.memory_space<vmem>>
        %dma_wait3A_330 = arith.constant 0 : i32
        %dma_wait3A_331 = tpu.memref_slice %arg7[%dma_wait3A_330] : memref<10000xf32, #tpu.memory_space<vmem_shared>> -> memref<10000xf32, #tpu.memory_space<vmem_shared>>
        tpu.wait_indirect_dma semaphore(%arg11 : memref<!tpu.dma_semaphore, #tpu.memory_space<semaphore_mem>>) src(%arg8 : memref<128xf32, #tpu.memory_space<vmem>>) dst(%dma_wait3A_331 : memref<10000xf32, #tpu.memory_space<vmem_shared>>)
      } else {
      }
      %scan3A_240 = arith.constant 0 : i32
      scf.yield %scan3A_240 : i32
    }
    %scan3A_8 = arith.constant 6 : i32
    %dma_wait3A = arith.constant 0 : i32
    %dma_wait3A_9 = arith.constant 0 : i32
    %dma_wait3A_10 = arith.constant 0 : i32
    %dma_wait3A_11 = tpu.memref_slice %arg9[%dma_wait3A, %dma_wait3A_9, %dma_wait3A_10] : memref<78x1x128xi32, #tpu.memory_space<vmem>> -> memref<1x1x128xi32, #tpu.memory_space<vmem>>
    %dma_wait3A_12 = tpu.memref_squeeze %dma_wait3A_11 : memref<1x1x128xi32, #tpu.memory_space<vmem>> -> memref<128xi32, #tpu.memory_space<vmem>>
    %dma_wait3A_13 = arith.constant 0 : i32
    %dma_wait3A_14 = tpu.memref_slice %arg7[%dma_wait3A_13] : memref<10000xf32, #tpu.memory_space<vmem_shared>> -> memref<10000xf32, #tpu.memory_space<vmem_shared>>
    tpu.wait_indirect_dma semaphore(%arg11 : memref<!tpu.dma_semaphore, #tpu.memory_space<semaphore_mem>>) src(%arg8 : memref<128xf32, #tpu.memory_space<vmem>>) dst(%dma_wait3A_14 : memref<10000xf32, #tpu.memory_space<vmem_shared>>)
    %dma_wait3A_15 = arith.constant 0 : i32
    %dma_wait3A_16 = arith.constant 0 : i32
    %dma_wait3A_17 = arith.constant 0 : i32
    %dma_wait3A_18 = tpu.memref_slice %arg9[%dma_wait3A_15, %dma_wait3A_16, %dma_wait3A_17] : memref<78x1x128xi32, #tpu.memory_space<vmem>> -> memref<1x1x128xi32, #tpu.memory_space<vmem>>
    %dma_wait3A_19 = tpu.memref_squeeze %dma_wait3A_18 : memref<1x1x128xi32, #tpu.memory_space<vmem>> -> memref<128xi32, #tpu.memory_space<vmem>>
    %dma_wait3A_20 = arith.constant 0 : i32
    %dma_wait3A_21 = tpu.memref_slice %arg7[%dma_wait3A_20] : memref<10000xf32, #tpu.memory_space<vmem_shared>> -> memref<10000xf32, #tpu.memory_space<vmem_shared>>
    tpu.wait_indirect_dma semaphore(%arg11 : memref<!tpu.dma_semaphore, #tpu.memory_space<semaphore_mem>>) src(%arg8 : memref<128xf32, #tpu.memory_space<vmem>>) dst(%dma_wait3A_21 : memref<10000xf32, #tpu.memory_space<vmem_shared>>)
    %dma_wait3A_22 = arith.constant 0 : i32
    %dma_wait3A_23 = arith.constant 0 : i32
    %dma_wait3A_24 = arith.constant 0 : i32
    %dma_wait3A_25 = tpu.memref_slice %arg9[%dma_wait3A_22, %dma_wait3A_23, %dma_wait3A_24] : memref<78x1x128xi32, #tpu.memory_space<vmem>> -> memref<1x1x128xi32, #tpu.memory_space<vmem>>
    %dma_wait3A_26 = tpu.memref_squeeze %dma_wait3A_25 : memref<1x1x128xi32, #tpu.memory_space<vmem>> -> memref<128xi32, #tpu.memory_space<vmem>>
    %dma_wait3A_27 = arith.constant 0 : i32
    %dma_wait3A_28 = tpu.memref_slice %arg7[%dma_wait3A_27] : memref<10000xf32, #tpu.memory_space<vmem_shared>> -> memref<10000xf32, #tpu.memory_space<vmem_shared>>
    tpu.wait_indirect_dma semaphore(%arg11 : memref<!tpu.dma_semaphore, #tpu.memory_space<semaphore_mem>>) src(%arg8 : memref<128xf32, #tpu.memory_space<vmem>>) dst(%dma_wait3A_28 : memref<10000xf32, #tpu.memory_space<vmem_shared>>)
    %dma_wait3A_29 = arith.constant 0 : i32
    %dma_wait3A_30 = arith.constant 0 : i32
    %dma_wait3A_31 = arith.constant 0 : i32
    %dma_wait3A_32 = tpu.memref_slice %arg9[%dma_wait3A_29, %dma_wait3A_30, %dma_wait3A_31] : memref<78x1x128xi32, #tpu.memory_space<vmem>> -> memref<1x1x128xi32, #tpu.memory_space<vmem>>
    %dma_wait3A_33 = tpu.memref_squeeze %dma_wait3A_32 : memref<1x1x128xi32, #tpu.memory_space<vmem>> -> memref<128xi32, #tpu.memory_space<vmem>>
    %dma_wait3A_34 = arith.constant 0 : i32
    %dma_wait3A_35 = tpu.memref_slice %arg7[%dma_wait3A_34] : memref<10000xf32, #tpu.memory_space<vmem_shared>> -> memref<10000xf32, #tpu.memory_space<vmem_shared>>
    tpu.wait_indirect_dma semaphore(%arg11 : memref<!tpu.dma_semaphore, #tpu.memory_space<semaphore_mem>>) src(%arg8 : memref<128xf32, #tpu.memory_space<vmem>>) dst(%dma_wait3A_35 : memref<10000xf32, #tpu.memory_space<vmem_shared>>)
    %dma_wait3A_36 = arith.constant 0 : i32
    %dma_wait3A_37 = arith.constant 0 : i32
    %dma_wait3A_38 = arith.constant 0 : i32
    %dma_wait3A_39 = tpu.memref_slice %arg9[%dma_wait3A_36, %dma_wait3A_37, %dma_wait3A_38] : memref<78x1x128xi32, #tpu.memory_space<vmem>> -> memref<1x1x128xi32, #tpu.memory_space<vmem>>
    %dma_wait3A_40 = tpu.memref_squeeze %dma_wait3A_39 : memref<1x1x128xi32, #tpu.memory_space<vmem>> -> memref<128xi32, #tpu.memory_space<vmem>>
    %dma_wait3A_41 = arith.constant 0 : i32
    %dma_wait3A_42 = tpu.memref_slice %arg7[%dma_wait3A_41] : memref<10000xf32, #tpu.memory_space<vmem_shared>> -> memref<10000xf32, #tpu.memory_space<vmem_shared>>
    tpu.wait_indirect_dma semaphore(%arg11 : memref<!tpu.dma_semaphore, #tpu.memory_space<semaphore_mem>>) src(%arg8 : memref<128xf32, #tpu.memory_space<vmem>>) dst(%dma_wait3A_42 : memref<10000xf32, #tpu.memory_space<vmem_shared>>)
    %dma_wait3A_43 = arith.constant 0 : i32
    %dma_wait3A_44 = arith.constant 0 : i32
    %dma_wait3A_45 = arith.constant 0 : i32
    %dma_wait3A_46 = tpu.memref_slice %arg9[%dma_wait3A_43, %dma_wait3A_44, %dma_wait3A_45] : memref<78x1x128xi32, #tpu.memory_space<vmem>> -> memref<1x1x128xi32, #tpu.memory_space<vmem>>
    %dma_wait3A_47 = tpu.memref_squeeze %dma_wait3A_46 : memref<1x1x128xi32, #tpu.memory_space<vmem>> -> memref<128xi32, #tpu.memory_space<vmem>>
    %dma_wait3A_48 = arith.constant 0 : i32
    %dma_wait3A_49 = tpu.memref_slice %arg7[%dma_wait3A_48] : memref<10000xf32, #tpu.memory_space<vmem_shared>> -> memref<10000xf32, #tpu.memory_space<vmem_shared>>
    tpu.wait_indirect_dma semaphore(%arg11 : memref<!tpu.dma_semaphore, #tpu.memory_space<semaphore_mem>>) src(%arg8 : memref<128xf32, #tpu.memory_space<vmem>>) dst(%dma_wait3A_49 : memref<10000xf32, #tpu.memory_space<vmem_shared>>)
    %dma_wait3A_50 = arith.constant 0 : i32
    %dma_wait3A_51 = arith.constant 0 : i32
    %dma_wait3A_52 = arith.constant 0 : i32
    %dma_wait3A_53 = tpu.memref_slice %arg9[%dma_wait3A_50, %dma_wait3A_51, %dma_wait3A_52] : memref<78x1x128xi32, #tpu.memory_space<vmem>> -> memref<1x1x128xi32, #tpu.memory_space<vmem>>
    %dma_wait3A_54 = tpu.memref_squeeze %dma_wait3A_53 : memref<1x1x128xi32, #tpu.memory_space<vmem>> -> memref<128xi32, #tpu.memory_space<vmem>>
    %dma_wait3A_55 = arith.constant 0 : i32
    %dma_wait3A_56 = tpu.memref_slice %arg7[%dma_wait3A_55] : memref<10000xf32, #tpu.memory_space<vmem_shared>> -> memref<10000xf32, #tpu.memory_space<vmem_shared>>
    tpu.wait_indirect_dma semaphore(%arg11 : memref<!tpu.dma_semaphore, #tpu.memory_space<semaphore_mem>>) src(%arg8 : memref<128xf32, #tpu.memory_space<vmem>>) dst(%dma_wait3A_56 : memref<10000xf32, #tpu.memory_space<vmem_shared>>)
    %dma_wait3A_57 = arith.constant 0 : i32
    %dma_wait3A_58 = arith.constant 0 : i32
    %dma_wait3A_59 = arith.constant 0 : i32
    %dma_wait3A_60 = tpu.memref_slice %arg9[%dma_wait3A_57, %dma_wait3A_58, %dma_wait3A_59] : memref<78x1x128xi32, #tpu.memory_space<vmem>> -> memref<1x1x128xi32, #tpu.memory_space<vmem>>
    %dma_wait3A_61 = tpu.memref_squeeze %dma_wait3A_60 : memref<1x1x128xi32, #tpu.memory_space<vmem>> -> memref<128xi32, #tpu.memory_space<vmem>>
    %dma_wait3A_62 = arith.constant 0 : i32
    %dma_wait3A_63 = tpu.memref_slice %arg7[%dma_wait3A_62] : memref<10000xf32, #tpu.memory_space<vmem_shared>> -> memref<10000xf32, #tpu.memory_space<vmem_shared>>
    tpu.wait_indirect_dma semaphore(%arg11 : memref<!tpu.dma_semaphore, #tpu.memory_space<semaphore_mem>>) src(%arg8 : memref<128xf32, #tpu.memory_space<vmem>>) dst(%dma_wait3A_63 : memref<10000xf32, #tpu.memory_space<vmem_shared>>)
    %dma_wait3A_64 = arith.constant 0 : i32
    %dma_wait3A_65 = arith.constant 0 : i32
    %dma_wait3A_66 = arith.constant 0 : i32
    %dma_wait3A_67 = tpu.memref_slice %arg9[%dma_wait3A_64, %dma_wait3A_65, %dma_wait3A_66] : memref<78x1x128xi32, #tpu.memory_space<vmem>> -> memref<1x1x128xi32, #tpu.memory_space<vmem>>
    %dma_wait3A_68 = tpu.memref_squeeze %dma_wait3A_67 : memref<1x1x128xi32, #tpu.memory_space<vmem>> -> memref<128xi32, #tpu.memory_space<vmem>>
    %dma_wait3A_69 = arith.constant 0 : i32
    %dma_wait3A_70 = tpu.memref_slice %arg7[%dma_wait3A_69] : memref<10000xf32, #tpu.memory_space<vmem_shared>> -> memref<10000xf32, #tpu.memory_space<vmem_shared>>
    tpu.wait_indirect_dma semaphore(%arg11 : memref<!tpu.dma_semaphore, #tpu.memory_space<semaphore_mem>>) src(%arg8 : memref<128xf32, #tpu.memory_space<vmem>>) dst(%dma_wait3A_70 : memref<10000xf32, #tpu.memory_space<vmem_shared>>)
    %dma_wait3A_71 = arith.constant 0 : i32
    %dma_wait3A_72 = arith.constant 0 : i32
    %dma_wait3A_73 = arith.constant 0 : i32
    %dma_wait3A_74 = tpu.memref_slice %arg9[%dma_wait3A_71, %dma_wait3A_72, %dma_wait3A_73] : memref<78x1x128xi32, #tpu.memory_space<vmem>> -> memref<1x1x128xi32, #tpu.memory_space<vmem>>
    %dma_wait3A_75 = tpu.memref_squeeze %dma_wait3A_74 : memref<1x1x128xi32, #tpu.memory_space<vmem>> -> memref<128xi32, #tpu.memory_space<vmem>>
    %dma_wait3A_76 = arith.constant 0 : i32
    %dma_wait3A_77 = tpu.memref_slice %arg7[%dma_wait3A_76] : memref<10000xf32, #tpu.memory_space<vmem_shared>> -> memref<10000xf32, #tpu.memory_space<vmem_shared>>
    tpu.wait_indirect_dma semaphore(%arg11 : memref<!tpu.dma_semaphore, #tpu.memory_space<semaphore_mem>>) src(%arg8 : memref<128xf32, #tpu.memory_space<vmem>>) dst(%dma_wait3A_77 : memref<10000xf32, #tpu.memory_space<vmem_shared>>)
    %dma_wait3A_78 = arith.constant 0 : i32
    %dma_wait3A_79 = arith.constant 0 : i32
    %dma_wait3A_80 = arith.constant 0 : i32
    %dma_wait3A_81 = tpu.memref_slice %arg9[%dma_wait3A_78, %dma_wait3A_79, %dma_wait3A_80] : memref<78x1x128xi32, #tpu.memory_space<vmem>> -> memref<1x1x128xi32, #tpu.memory_space<vmem>>
    %dma_wait3A_82 = tpu.memref_squeeze %dma_wait3A_81 : memref<1x1x128xi32, #tpu.memory_space<vmem>> -> memref<128xi32, #tpu.memory_space<vmem>>
    %dma_wait3A_83 = arith.constant 0 : i32
    %dma_wait3A_84 = tpu.memref_slice %arg7[%dma_wait3A_83] : memref<10000xf32, #tpu.memory_space<vmem_shared>> -> memref<10000xf32, #tpu.memory_space<vmem_shared>>
    tpu.wait_indirect_dma semaphore(%arg11 : memref<!tpu.dma_semaphore, #tpu.memory_space<semaphore_mem>>) src(%arg8 : memref<128xf32, #tpu.memory_space<vmem>>) dst(%dma_wait3A_84 : memref<10000xf32, #tpu.memory_space<vmem_shared>>)
    %dma_wait3A_85 = arith.constant 0 : i32
    %dma_wait3A_86 = arith.constant 0 : i32
    %dma_wait3A_87 = arith.constant 0 : i32
    %dma_wait3A_88 = tpu.memref_slice %arg9[%dma_wait3A_85, %dma_wait3A_86, %dma_wait3A_87] : memref<78x1x128xi32, #tpu.memory_space<vmem>> -> memref<1x1x128xi32, #tpu.memory_space<vmem>>
    %dma_wait3A_89 = tpu.memref_squeeze %dma_wait3A_88 : memref<1x1x128xi32, #tpu.memory_space<vmem>> -> memref<128xi32, #tpu.memory_space<vmem>>
    %dma_wait3A_90 = arith.constant 0 : i32
    %dma_wait3A_91 = tpu.memref_slice %arg7[%dma_wait3A_90] : memref<10000xf32, #tpu.memory_space<vmem_shared>> -> memref<10000xf32, #tpu.memory_space<vmem_shared>>
    tpu.wait_indirect_dma semaphore(%arg11 : memref<!tpu.dma_semaphore, #tpu.memory_space<semaphore_mem>>) src(%arg8 : memref<128xf32, #tpu.memory_space<vmem>>) dst(%dma_wait3A_91 : memref<10000xf32, #tpu.memory_space<vmem_shared>>)
    %dma_wait3A_92 = arith.constant 0 : i32
    %dma_wait3A_93 = arith.constant 0 : i32
    %dma_wait3A_94 = arith.constant 0 : i32
    %dma_wait3A_95 = tpu.memref_slice %arg9[%dma_wait3A_92, %dma_wait3A_93, %dma_wait3A_94] : memref<78x1x128xi32, #tpu.memory_space<vmem>> -> memref<1x1x128xi32, #tpu.memory_space<vmem>>
    %dma_wait3A_96 = tpu.memref_squeeze %dma_wait3A_95 : memref<1x1x128xi32, #tpu.memory_space<vmem>> -> memref<128xi32, #tpu.memory_space<vmem>>
    %dma_wait3A_97 = arith.constant 0 : i32
    %dma_wait3A_98 = tpu.memref_slice %arg7[%dma_wait3A_97] : memref<10000xf32, #tpu.memory_space<vmem_shared>> -> memref<10000xf32, #tpu.memory_space<vmem_shared>>
    tpu.wait_indirect_dma semaphore(%arg11 : memref<!tpu.dma_semaphore, #tpu.memory_space<semaphore_mem>>) src(%arg8 : memref<128xf32, #tpu.memory_space<vmem>>) dst(%dma_wait3A_98 : memref<10000xf32, #tpu.memory_space<vmem_shared>>)
    %run_scoped3A = arith.constant 0 : i32
    "tpu.region"() ({
      %run_scoped3A_105 = tpu.sem_alloc : memref<!tpu.dma_semaphore, #tpu.memory_space<semaphore_mem>>
      %dma_start3A = arith.constant 0 : i32
      %dma_start3A_106 = tpu.memref_slice %arg8[%dma_start3A] : memref<128xf32, #tpu.memory_space<vmem>> -> memref<16xf32, #tpu.memory_space<vmem>>
      %dma_start3A_107 = arith.constant 0 : i32
      %dma_start3A_108 = tpu.memref_slice %arg10[%run_scoped3A, %dma_start3A_107] : memref<1x16xi32, #tpu.memory_space<vmem>> -> memref<1x16xi32, #tpu.memory_space<vmem>>
      %dma_start3A_109 = tpu.memref_squeeze %dma_start3A_108 : memref<1x16xi32, #tpu.memory_space<vmem>> -> memref<16xi32, #tpu.memory_space<vmem>>
      %dma_start3A_110 = arith.constant 0 : i32
      %dma_start3A_111 = tpu.memref_slice %arg7[%dma_start3A_110] : memref<10000xf32, #tpu.memory_space<vmem_shared>> -> memref<10000xf32, #tpu.memory_space<vmem_shared>>
      tpu.enqueue_indirect_dma source(%dma_start3A_106 : memref<16xf32, #tpu.memory_space<vmem>>) target(%dma_start3A_111 : memref<10000xf32, #tpu.memory_space<vmem_shared>>) offsets(%dma_start3A_109 : memref<16xi32, #tpu.memory_space<vmem>>) semaphore(%run_scoped3A_105 : memref<!tpu.dma_semaphore, #tpu.memory_space<semaphore_mem>>) {add = true}
      %dma_wait3A_112 = arith.constant 0 : i32
      %dma_wait3A_113 = tpu.memref_slice %arg8[%dma_wait3A_112] : memref<128xf32, #tpu.memory_space<vmem>> -> memref<16xf32, #tpu.memory_space<vmem>>
      %dma_wait3A_114 = arith.constant 0 : i32
      %dma_wait3A_115 = tpu.memref_slice %arg10[%run_scoped3A, %dma_wait3A_114] : memref<1x16xi32, #tpu.memory_space<vmem>> -> memref<1x16xi32, #tpu.memory_space<vmem>>
      %dma_wait3A_116 = tpu.memref_squeeze %dma_wait3A_115 : memref<1x16xi32, #tpu.memory_space<vmem>> -> memref<16xi32, #tpu.memory_space<vmem>>
      %dma_wait3A_117 = arith.constant 0 : i32
      %dma_wait3A_118 = tpu.memref_slice %arg7[%dma_wait3A_117] : memref<10000xf32, #tpu.memory_space<vmem_shared>> -> memref<10000xf32, #tpu.memory_space<vmem_shared>>
      tpu.wait_indirect_dma semaphore(%run_scoped3A_105 : memref<!tpu.dma_semaphore, #tpu.memory_space<semaphore_mem>>) src(%dma_wait3A_113 : memref<16xf32, #tpu.memory_space<vmem>>) dst(%dma_wait3A_118 : memref<10000xf32, #tpu.memory_space<vmem_shared>>)
      tpu.yield
    }) : () -> ()
    %barrier3A_99 = arith.constant 0 : index
    tpu.barrier barrier_id(%barrier3A_99)
    %eq3A_100 = arith.constant 0 : i32
    %eq3A_101 = arith.cmpi eq, %arg1, %eq3A_100 : i32
    %convert_element_type3A_102 = arith.extui %eq3A_101 : i1 to i32
    %cond3A_103 = arith.constant 0 : i32
    %cond3A_104 = arith.cmpi ne, %convert_element_type3A_102, %cond3A_103 : i32
    scf.if %cond3A_104 {
      "tpu.region"() ({
        %run_scoped3A_105 = tpu.sem_alloc : memref<!tpu.dma_semaphore, #tpu.memory_space<semaphore_mem>>
        %dma_start3A = arith.constant 0 : i32
        %dma_start3A_106 = tpu.memref_slice %arg6[%arg0, %dma_start3A] : memref<2x10000xf32, #tpu.memory_space<hbm>> -> memref<1x10000xf32, #tpu.memory_space<hbm>>
        %dma_start3A_107 = tpu.memref_squeeze %dma_start3A_106 : memref<1x10000xf32, #tpu.memory_space<hbm>> -> memref<10000xf32, #tpu.memory_space<hbm>>
        tpu.enqueue_dma source(%arg7 : memref<10000xf32, #tpu.memory_space<vmem_shared>>) target(%dma_start3A_107 : memref<10000xf32, #tpu.memory_space<hbm>>) target_semaphore(%run_scoped3A_105 : memref<!tpu.dma_semaphore, #tpu.memory_space<semaphore_mem>>)
        %dma_wait3A_108 = arith.constant 0 : i32
        %dma_wait3A_109 = tpu.memref_slice %arg6[%arg0, %dma_wait3A_108] : memref<2x10000xf32, #tpu.memory_space<hbm>> -> memref<1x10000xf32, #tpu.memory_space<hbm>>
        %dma_wait3A_110 = tpu.memref_squeeze %dma_wait3A_109 : memref<1x10000xf32, #tpu.memory_space<hbm>> -> memref<10000xf32, #tpu.memory_space<hbm>>
        tpu.wait_dma2 semaphore(%run_scoped3A_105 : memref<!tpu.dma_semaphore, #tpu.memory_space<semaphore_mem>>) src(%arg7 : memref<10000xf32, #tpu.memory_space<vmem_shared>>) dst(%dma_wait3A_110 : memref<10000xf32, #tpu.memory_space<hbm>>)
        tpu.yield
      }) : () -> ()
    } else {
    }
    return
  }
}

#map = affine_map<(d0, d1) -> (0, 0)>
#map1 = affine_map<(d0, d1) -> (0)>
#map2 = affine_map<(d0, d1) -> (0, 0, 0)>
module attributes {stable_mosaic.version = 14 : i64} {
  func.func @_sc_segsum(%arg0: i32, %arg1: i32, %arg2: memref<10000x128xf32, #tpu.memory_space<hbm>>, %arg3: memref<320000xi32, #tpu.memory_space<hbm>>, %arg4: memref<320000xi32, #tpu.memory_space<hbm>>, %arg5: memref<10000x128xf32, #tpu.memory_space<hbm>>, %arg6: memref<2x10000x128xf32, #tpu.memory_space<hbm>>, %arg7: memref<10000x128xf32, #tpu.memory_space<vmem_shared>>, %arg8: memref<128xi32, #tpu.memory_space<vmem>>, %arg9: memref<128xi32, #tpu.memory_space<vmem>>, %arg10: memref<128xi32, #tpu.memory_space<vmem>>, %arg11: memref<128xi32, #tpu.memory_space<vmem>>, %arg12: memref<16xi32, #tpu.memory_space<vmem>>, %arg13: memref<16xi32, #tpu.memory_space<vmem>>, %arg14: memref<128x128xf32, #tpu.memory_space<vmem>>, %arg15: memref<128x128xf32, #tpu.memory_space<vmem>>, %arg16: memref<!tpu.dma_semaphore, #tpu.memory_space<semaphore_mem>>, %arg17: memref<!tpu.dma_semaphore, #tpu.memory_space<semaphore_mem>>, %arg18: memref<!tpu.dma_semaphore, #tpu.memory_space<semaphore_mem>>, %arg19: memref<!tpu.dma_semaphore, #tpu.memory_space<semaphore_mem>>, %arg20: memref<!tpu.dma_semaphore, #tpu.memory_space<semaphore_mem>>, %arg21: memref<!tpu.dma_semaphore, #tpu.memory_space<semaphore_mem>>) attributes {dimension_semantics = [#tpu.dimension_semantics<core_parallel>, #tpu.dimension_semantics<subcore_parallel>], iteration_bounds = array<i64: 2, 16>, scalar_prefetch = 0 : i64, scratch_operands = 15 : i64, tpu.core_type = #tpu.core_type<sc_vector_subcore>, window_params = [{transform_indices = #map}, {transform_indices = #map1}, {transform_indices = #map1}, {transform_indices = #map}, {transform_indices = #map2}]} {
    %mul3A = arith.constant 16 : i32
    %mul3A_0 = arith.muli %arg0, %mul3A : i32
    %add3A = arith.addi %mul3A_0, %arg1 : i32
    %lt3A = arith.constant 15 : i32
    %lt3A_1 = arith.cmpi slt, %arg1, %lt3A : i32
    %convert_element_type3A = arith.extui %lt3A_1 : i1 to i32
    %cond3A = arith.constant 0 : i32
    %cond3A_2 = arith.cmpi ne, %convert_element_type3A, %cond3A : i32
    scf.if %cond3A_2 {
      %mul3A_99 = arith.constant 624 : i32
      %mul3A_100 = arith.muli %arg1, %mul3A_99 : i32
      %mul3A_101 = arith.constant 624 : i32
      %mul3A_102 = arith.muli %arg1, %mul3A_101 : i32
      "tpu.region"() ({
        %run_scoped3A = tpu.sem_alloc : memref<!tpu.dma_semaphore, #tpu.memory_space<semaphore_mem>>
        %dma_start3A_103 = arith.constant 0 : i32
        %dma_start3A_104 = tpu.memref_slice %arg7[%mul3A_102, %dma_start3A_103] : memref<10000x128xf32, #tpu.memory_space<vmem_shared>> -> memref<624x128xf32, #tpu.memory_space<vmem_shared>>
        %dma_start3A_105 = arith.constant 0 : i32
        %dma_start3A_106 = tpu.memref_slice %arg5[%mul3A_100, %dma_start3A_105] : memref<10000x128xf32, #tpu.memory_space<hbm>> -> memref<624x128xf32, #tpu.memory_space<hbm>>
        tpu.enqueue_dma source(%dma_start3A_106 : memref<624x128xf32, #tpu.memory_space<hbm>>) target(%dma_start3A_104 : memref<624x128xf32, #tpu.memory_space<vmem_shared>>) target_semaphore(%run_scoped3A : memref<!tpu.dma_semaphore, #tpu.memory_space<semaphore_mem>>)
        %dma_wait3A_107 = arith.constant 0 : i32
        %dma_wait3A_108 = tpu.memref_slice %arg7[%mul3A_102, %dma_wait3A_107] : memref<10000x128xf32, #tpu.memory_space<vmem_shared>> -> memref<624x128xf32, #tpu.memory_space<vmem_shared>>
        %dma_wait3A_109 = arith.constant 0 : i32
        %dma_wait3A_110 = tpu.memref_slice %arg5[%mul3A_100, %dma_wait3A_109] : memref<10000x128xf32, #tpu.memory_space<hbm>> -> memref<624x128xf32, #tpu.memory_space<hbm>>
        tpu.wait_dma2 semaphore(%run_scoped3A : memref<!tpu.dma_semaphore, #tpu.memory_space<semaphore_mem>>) src(%dma_wait3A_110 : memref<624x128xf32, #tpu.memory_space<hbm>>) dst(%dma_wait3A_108 : memref<624x128xf32, #tpu.memory_space<vmem_shared>>)
        tpu.yield
      }) : () -> ()
    } else {
    }
    %eq3A = arith.constant 15 : i32
    %eq3A_3 = arith.cmpi eq, %arg1, %eq3A : i32
    %convert_element_type3A_4 = arith.extui %eq3A_3 : i1 to i32
    %cond3A_5 = arith.constant 0 : i32
    %cond3A_6 = arith.cmpi ne, %convert_element_type3A_4, %cond3A_5 : i32
    scf.if %cond3A_6 {
      "tpu.region"() ({
        %run_scoped3A = tpu.sem_alloc : memref<!tpu.dma_semaphore, #tpu.memory_space<semaphore_mem>>
        %dma_start3A_99 = arith.constant 9360 : i32
        %dma_start3A_100 = arith.constant 0 : i32
        %dma_start3A_101 = tpu.memref_slice %arg7[%dma_start3A_99, %dma_start3A_100] : memref<10000x128xf32, #tpu.memory_space<vmem_shared>> -> memref<640x128xf32, #tpu.memory_space<vmem_shared>>
        %dma_start3A_102 = arith.constant 9360 : i32
        %dma_start3A_103 = arith.constant 0 : i32
        %dma_start3A_104 = tpu.memref_slice %arg5[%dma_start3A_102, %dma_start3A_103] : memref<10000x128xf32, #tpu.memory_space<hbm>> -> memref<640x128xf32, #tpu.memory_space<hbm>>
        tpu.enqueue_dma source(%dma_start3A_104 : memref<640x128xf32, #tpu.memory_space<hbm>>) target(%dma_start3A_101 : memref<640x128xf32, #tpu.memory_space<vmem_shared>>) target_semaphore(%run_scoped3A : memref<!tpu.dma_semaphore, #tpu.memory_space<semaphore_mem>>)
        %dma_wait3A_105 = arith.constant 9360 : i32
        %dma_wait3A_106 = arith.constant 0 : i32
        %dma_wait3A_107 = tpu.memref_slice %arg7[%dma_wait3A_105, %dma_wait3A_106] : memref<10000x128xf32, #tpu.memory_space<vmem_shared>> -> memref<640x128xf32, #tpu.memory_space<vmem_shared>>
        %dma_wait3A_108 = arith.constant 9360 : i32
        %dma_wait3A_109 = arith.constant 0 : i32
        %dma_wait3A_110 = tpu.memref_slice %arg5[%dma_wait3A_108, %dma_wait3A_109] : memref<10000x128xf32, #tpu.memory_space<hbm>> -> memref<640x128xf32, #tpu.memory_space<hbm>>
        tpu.wait_dma2 semaphore(%run_scoped3A : memref<!tpu.dma_semaphore, #tpu.memory_space<semaphore_mem>>) src(%dma_wait3A_110 : memref<640x128xf32, #tpu.memory_space<hbm>>) dst(%dma_wait3A_107 : memref<640x128xf32, #tpu.memory_space<vmem_shared>>)
        tpu.yield
      }) : () -> ()
    } else {
    }
    %mul3A_7 = arith.constant 16 : i32
    %mul3A_8 = arith.muli %arg0, %mul3A_7 : i32
    %add3A_9 = arith.addi %mul3A_8, %arg1 : i32
    %mul3A_10 = arith.constant 10000 : i32
    %mul3A_11 = arith.muli %add3A_9, %mul3A_10 : i32
    %add3A_12 = arith.constant 0 : i32
    %add3A_13 = arith.addi %mul3A_11, %add3A_12 : i32
    %dma_start3A = tpu.memref_slice %arg3[%add3A_13] : memref<320000xi32, #tpu.memory_space<hbm>> -> memref<128xi32, #tpu.memory_space<hbm>>
    %dma_start3A_14 = tpu.memref_slice %arg3[%add3A_13] : memref<320000xi32, #tpu.memory_space<hbm>> -> memref<128xi32, #tpu.memory_space<hbm>>
    tpu.enqueue_dma source(%dma_start3A_14 : memref<128xi32, #tpu.memory_space<hbm>>) target(%arg8 : memref<128xi32, #tpu.memory_space<vmem>>) target_semaphore(%arg16 : memref<!tpu.dma_semaphore, #tpu.memory_space<semaphore_mem>>)
    %dma_start3A_15 = tpu.memref_slice %arg4[%add3A_13] : memref<320000xi32, #tpu.memory_space<hbm>> -> memref<128xi32, #tpu.memory_space<hbm>>
    %dma_start3A_16 = tpu.memref_slice %arg4[%add3A_13] : memref<320000xi32, #tpu.memory_space<hbm>> -> memref<128xi32, #tpu.memory_space<hbm>>
    tpu.enqueue_dma source(%dma_start3A_16 : memref<128xi32, #tpu.memory_space<hbm>>) target(%arg10 : memref<128xi32, #tpu.memory_space<vmem>>) target_semaphore(%arg18 : memref<!tpu.dma_semaphore, #tpu.memory_space<semaphore_mem>>)
    %add3A_17 = arith.constant 128 : i32
    %add3A_18 = arith.addi %mul3A_11, %add3A_17 : i32
    %dma_start3A_19 = tpu.memref_slice %arg3[%add3A_18] : memref<320000xi32, #tpu.memory_space<hbm>> -> memref<128xi32, #tpu.memory_space<hbm>>
    %dma_start3A_20 = tpu.memref_slice %arg3[%add3A_18] : memref<320000xi32, #tpu.memory_space<hbm>> -> memref<128xi32, #tpu.memory_space<hbm>>
    tpu.enqueue_dma source(%dma_start3A_20 : memref<128xi32, #tpu.memory_space<hbm>>) target(%arg9 : memref<128xi32, #tpu.memory_space<vmem>>) target_semaphore(%arg17 : memref<!tpu.dma_semaphore, #tpu.memory_space<semaphore_mem>>)
    %dma_start3A_21 = tpu.memref_slice %arg4[%add3A_18] : memref<320000xi32, #tpu.memory_space<hbm>> -> memref<128xi32, #tpu.memory_space<hbm>>
    %dma_start3A_22 = tpu.memref_slice %arg4[%add3A_18] : memref<320000xi32, #tpu.memory_space<hbm>> -> memref<128xi32, #tpu.memory_space<hbm>>
    tpu.enqueue_dma source(%dma_start3A_22 : memref<128xi32, #tpu.memory_space<hbm>>) target(%arg11 : memref<128xi32, #tpu.memory_space<vmem>>) target_semaphore(%arg19 : memref<!tpu.dma_semaphore, #tpu.memory_space<semaphore_mem>>)
    %dma_wait3A = arith.constant 0 : i32
    %dma_wait3A_23 = tpu.memref_slice %arg3[%dma_wait3A] : memref<320000xi32, #tpu.memory_space<hbm>> -> memref<128xi32, #tpu.memory_space<hbm>>
    %dma_wait3A_24 = arith.constant 0 : i32
    %dma_wait3A_25 = tpu.memref_slice %arg3[%dma_wait3A_24] : memref<320000xi32, #tpu.memory_space<hbm>> -> memref<128xi32, #tpu.memory_space<hbm>>
    tpu.wait_dma2 semaphore(%arg16 : memref<!tpu.dma_semaphore, #tpu.memory_space<semaphore_mem>>) src(%dma_wait3A_25 : memref<128xi32, #tpu.memory_space<hbm>>) dst(%arg8 : memref<128xi32, #tpu.memory_space<vmem>>)
    %dma_start3A_26 = arith.constant 0 : i32
    %dma_start3A_27 = arith.constant 0 : i32
    %dma_start3A_28 = tpu.memref_slice %arg2[%dma_start3A_26, %dma_start3A_27] : memref<10000x128xf32, #tpu.memory_space<hbm>> -> memref<10000x128xf32, #tpu.memory_space<hbm>>
    tpu.enqueue_indirect_dma source(%dma_start3A_28 : memref<10000x128xf32, #tpu.memory_space<hbm>>) target(%arg14 : memref<128x128xf32, #tpu.memory_space<vmem>>) offsets(%arg8 : memref<128xi32, #tpu.memory_space<vmem>>) semaphore(%arg20 : memref<!tpu.dma_semaphore, #tpu.memory_space<semaphore_mem>>)
    %dma_wait3A_29 = arith.constant 0 : i32
    %dma_wait3A_30 = tpu.memref_slice %arg3[%dma_wait3A_29] : memref<320000xi32, #tpu.memory_space<hbm>> -> memref<128xi32, #tpu.memory_space<hbm>>
    %dma_wait3A_31 = arith.constant 0 : i32
    %dma_wait3A_32 = tpu.memref_slice %arg3[%dma_wait3A_31] : memref<320000xi32, #tpu.memory_space<hbm>> -> memref<128xi32, #tpu.memory_space<hbm>>
    tpu.wait_dma2 semaphore(%arg17 : memref<!tpu.dma_semaphore, #tpu.memory_space<semaphore_mem>>) src(%dma_wait3A_32 : memref<128xi32, #tpu.memory_space<hbm>>) dst(%arg9 : memref<128xi32, #tpu.memory_space<vmem>>)
    %dma_start3A_33 = arith.constant 0 : i32
    %dma_start3A_34 = arith.constant 0 : i32
    %dma_start3A_35 = tpu.memref_slice %arg2[%dma_start3A_33, %dma_start3A_34] : memref<10000x128xf32, #tpu.memory_space<hbm>> -> memref<10000x128xf32, #tpu.memory_space<hbm>>
    tpu.enqueue_indirect_dma source(%dma_start3A_35 : memref<10000x128xf32, #tpu.memory_space<hbm>>) target(%arg15 : memref<128x128xf32, #tpu.memory_space<vmem>>) offsets(%arg9 : memref<128xi32, #tpu.memory_space<vmem>>) semaphore(%arg21 : memref<!tpu.dma_semaphore, #tpu.memory_space<semaphore_mem>>)
    %barrier3A = arith.constant 0 : index
    tpu.barrier barrier_id(%barrier3A)
    %scan3A = arith.constant 0 : i32
    %scan3A_36 = arith.constant 0 : i32
    %scan3A_37 = arith.constant 76 : i32
    %scan3A_38 = arith.addi %scan3A_36, %scan3A_37 : i32
    %scan3A_39 = arith.constant 1 : i32
    %scan3A_40 = scf.for %scan3A_99 = %scan3A_36 to %scan3A_38 step %scan3A_39 iter_args(%scan3A_100 = %scan3A) -> (i32)  : i32 {
      %jit3A = arith.constant 2 : i32
      %eq3A_101 = arith.constant 0 : i32
      %eq3A_102 = arith.cmpi eq, %jit3A, %eq3A_101 : i32
      %jit3A_103 = arith.constant 1 : i32
      %select_n3A = arith.select %eq3A_102, %jit3A_103, %jit3A : i32
      %rem3A = arith.remsi %scan3A_99, %select_n3A : i32
      %ne3A = arith.constant 0 : i32
      %ne3A_104 = arith.cmpi ne, %rem3A, %ne3A : i32
      %lt3A_105 = arith.constant 0 : i32
      %lt3A_106 = arith.cmpi slt, %rem3A, %lt3A_105 : i32
      %lt3A_107 = arith.constant 0 : i32
      %lt3A_108 = arith.cmpi slt, %select_n3A, %lt3A_107 : i32
      %ne3A_109 = arith.xori %lt3A_106, %lt3A_108 : i1
      %and3A = arith.andi %ne3A_109, %ne3A_104 : i1
      %add3A_110 = arith.addi %rem3A, %select_n3A : i32
      %select_n3A_111 = arith.select %and3A, %add3A_110, %rem3A : i32
      %eq3A_112 = arith.constant 0 : i32
      %eq3A_113 = arith.cmpi eq, %select_n3A_111, %eq3A_112 : i32
      %convert_element_type3A_114 = arith.extui %eq3A_113 : i1 to i32
      %cond3A_115 = arith.constant 0 : i32
      %cond3A_116 = arith.cmpi ne, %convert_element_type3A_114, %cond3A_115 : i32
      scf.if %cond3A_116 {
        %dma_wait3A_139 = arith.constant 0 : i32
        %dma_wait3A_140 = arith.constant 0 : i32
        %dma_wait3A_141 = tpu.memref_slice %arg2[%dma_wait3A_139, %dma_wait3A_140] : memref<10000x128xf32, #tpu.memory_space<hbm>> -> memref<128x128xf32, #tpu.memory_space<hbm>>
        %dma_wait3A_142 = arith.constant 0 : i32
        %dma_wait3A_143 = arith.constant 0 : i32
        %dma_wait3A_144 = tpu.memref_slice %arg2[%dma_wait3A_142, %dma_wait3A_143] : memref<10000x128xf32, #tpu.memory_space<hbm>> -> memref<128x128xf32, #tpu.memory_space<hbm>>
        tpu.wait_dma2 semaphore(%arg20 : memref<!tpu.dma_semaphore, #tpu.memory_space<semaphore_mem>>) src(%dma_wait3A_144 : memref<128x128xf32, #tpu.memory_space<hbm>>) dst(%arg14 : memref<128x128xf32, #tpu.memory_space<vmem>>)
        %add3A_145 = arith.constant 2 : i32
        %add3A_146 = arith.addi %scan3A_99, %add3A_145 : i32
        %mul3A_147 = arith.constant 128 : i32
        %mul3A_148 = arith.muli %add3A_146, %mul3A_147 : i32
        %add3A_149 = arith.addi %mul3A_11, %mul3A_148 : i32
        %dma_start3A_150 = tpu.memref_slice %arg3[%add3A_149] : memref<320000xi32, #tpu.memory_space<hbm>> -> memref<128xi32, #tpu.memory_space<hbm>>
        %dma_start3A_151 = tpu.memref_slice %arg3[%add3A_149] : memref<320000xi32, #tpu.memory_space<hbm>> -> memref<128xi32, #tpu.memory_space<hbm>>
        tpu.enqueue_dma source(%dma_start3A_151 : memref<128xi32, #tpu.memory_space<hbm>>) target(%arg8 : memref<128xi32, #tpu.memory_space<vmem>>) target_semaphore(%arg16 : memref<!tpu.dma_semaphore, #tpu.memory_space<semaphore_mem>>)
        %dma_wait3A_152 = arith.constant 0 : i32
        %dma_wait3A_153 = tpu.memref_slice %arg3[%dma_wait3A_152] : memref<320000xi32, #tpu.memory_space<hbm>> -> memref<128xi32, #tpu.memory_space<hbm>>
        %dma_wait3A_154 = arith.constant 0 : i32
        %dma_wait3A_155 = tpu.memref_slice %arg3[%dma_wait3A_154] : memref<320000xi32, #tpu.memory_space<hbm>> -> memref<128xi32, #tpu.memory_space<hbm>>
        tpu.wait_dma2 semaphore(%arg18 : memref<!tpu.dma_semaphore, #tpu.memory_space<semaphore_mem>>) src(%dma_wait3A_155 : memref<128xi32, #tpu.memory_space<hbm>>) dst(%arg10 : memref<128xi32, #tpu.memory_space<vmem>>)
        "tpu.region"() ({
          %run_scoped3A = tpu.sem_alloc : memref<!tpu.dma_semaphore, #tpu.memory_space<semaphore_mem>>
          %dma_start3A_165 = arith.constant 0 : i32
          %dma_start3A_166 = arith.constant 0 : i32
          %dma_start3A_167 = tpu.memref_slice %arg7[%dma_start3A_165, %dma_start3A_166] : memref<10000x128xf32, #tpu.memory_space<vmem_shared>> -> memref<10000x128xf32, #tpu.memory_space<vmem_shared>>
          tpu.enqueue_indirect_dma source(%arg14 : memref<128x128xf32, #tpu.memory_space<vmem>>) target(%dma_start3A_167 : memref<10000x128xf32, #tpu.memory_space<vmem_shared>>) offsets(%arg10 : memref<128xi32, #tpu.memory_space<vmem>>) semaphore(%run_scoped3A : memref<!tpu.dma_semaphore, #tpu.memory_space<semaphore_mem>>) {add = true}
          %dma_wait3A_168 = arith.constant 0 : i32
          %dma_wait3A_169 = arith.constant 0 : i32
          %dma_wait3A_170 = tpu.memref_slice %arg7[%dma_wait3A_168, %dma_wait3A_169] : memref<10000x128xf32, #tpu.memory_space<vmem_shared>> -> memref<10000x128xf32, #tpu.memory_space<vmem_shared>>
          tpu.wait_indirect_dma semaphore(%run_scoped3A : memref<!tpu.dma_semaphore, #tpu.memory_space<semaphore_mem>>) src(%arg14 : memref<128x128xf32, #tpu.memory_space<vmem>>) dst(%dma_wait3A_170 : memref<10000x128xf32, #tpu.memory_space<vmem_shared>>)
          tpu.yield
        }) : () -> ()
        %dma_start3A_156 = tpu.memref_slice %arg4[%add3A_149] : memref<320000xi32, #tpu.memory_space<hbm>> -> memref<128xi32, #tpu.memory_space<hbm>>
        %dma_start3A_157 = tpu.memref_slice %arg4[%add3A_149] : memref<320000xi32, #tpu.memory_space<hbm>> -> memref<128xi32, #tpu.memory_space<hbm>>
        tpu.enqueue_dma source(%dma_start3A_157 : memref<128xi32, #tpu.memory_space<hbm>>) target(%arg10 : memref<128xi32, #tpu.memory_space<vmem>>) target_semaphore(%arg18 : memref<!tpu.dma_semaphore, #tpu.memory_space<semaphore_mem>>)
        %dma_wait3A_158 = arith.constant 0 : i32
        %dma_wait3A_159 = tpu.memref_slice %arg3[%dma_wait3A_158] : memref<320000xi32, #tpu.memory_space<hbm>> -> memref<128xi32, #tpu.memory_space<hbm>>
        %dma_wait3A_160 = arith.constant 0 : i32
        %dma_wait3A_161 = tpu.memref_slice %arg3[%dma_wait3A_160] : memref<320000xi32, #tpu.memory_space<hbm>> -> memref<128xi32, #tpu.memory_space<hbm>>
        tpu.wait_dma2 semaphore(%arg16 : memref<!tpu.dma_semaphore, #tpu.memory_space<semaphore_mem>>) src(%dma_wait3A_161 : memref<128xi32, #tpu.memory_space<hbm>>) dst(%arg8 : memref<128xi32, #tpu.memory_space<vmem>>)
        %dma_start3A_162 = arith.constant 0 : i32
        %dma_start3A_163 = arith.constant 0 : i32
        %dma_start3A_164 = tpu.memref_slice %arg2[%dma_start3A_162, %dma_start3A_163] : memref<10000x128xf32, #tpu.memory_space<hbm>> -> memref<10000x128xf32, #tpu.memory_space<hbm>>
        tpu.enqueue_indirect_dma source(%dma_start3A_164 : memref<10000x128xf32, #tpu.memory_space<hbm>>) target(%arg14 : memref<128x128xf32, #tpu.memory_space<vmem>>) offsets(%arg8 : memref<128xi32, #tpu.memory_space<vmem>>) semaphore(%arg20 : memref<!tpu.dma_semaphore, #tpu.memory_space<semaphore_mem>>)
      } else {
      }
      %jit3A_117 = arith.constant 2 : i32
      %eq3A_118 = arith.constant 0 : i32
      %eq3A_119 = arith.cmpi eq, %jit3A_117, %eq3A_118 : i32
      %jit3A_120 = arith.constant 1 : i32
      %select_n3A_121 = arith.select %eq3A_119, %jit3A_120, %jit3A_117 : i32
      %rem3A_122 = arith.remsi %scan3A_99, %select_n3A_121 : i32
      %ne3A_123 = arith.constant 0 : i32
      %ne3A_124 = arith.cmpi ne, %rem3A_122, %ne3A_123 : i32
      %lt3A_125 = arith.constant 0 : i32
      %lt3A_126 = arith.cmpi slt, %rem3A_122, %lt3A_125 : i32
      %lt3A_127 = arith.constant 0 : i32
      %lt3A_128 = arith.cmpi slt, %select_n3A_121, %lt3A_127 : i32
      %ne3A_129 = arith.xori %lt3A_126, %lt3A_128 : i1
      %and3A_130 = arith.andi %ne3A_129, %ne3A_124 : i1
      %add3A_131 = arith.addi %rem3A_122, %select_n3A_121 : i32
      %select_n3A_132 = arith.select %and3A_130, %add3A_131, %rem3A_122 : i32
      %eq3A_133 = arith.constant 1 : i32
      %eq3A_134 = arith.cmpi eq, %select_n3A_132, %eq3A_133 : i32
      %convert_element_type3A_135 = arith.extui %eq3A_134 : i1 to i32
      %cond3A_136 = arith.constant 0 : i32
      %cond3A_137 = arith.cmpi ne, %convert_element_type3A_135, %cond3A_136 : i32
      scf.if %cond3A_137 {
        %dma_wait3A_139 = arith.constant 0 : i32
        %dma_wait3A_140 = arith.constant 0 : i32
        %dma_wait3A_141 = tpu.memref_slice %arg2[%dma_wait3A_139, %dma_wait3A_140] : memref<10000x128xf32, #tpu.memory_space<hbm>> -> memref<128x128xf32, #tpu.memory_space<hbm>>
        %dma_wait3A_142 = arith.constant 0 : i32
        %dma_wait3A_143 = arith.constant 0 : i32
        %dma_wait3A_144 = tpu.memref_slice %arg2[%dma_wait3A_142, %dma_wait3A_143] : memref<10000x128xf32, #tpu.memory_space<hbm>> -> memref<128x128xf32, #tpu.memory_space<hbm>>
        tpu.wait_dma2 semaphore(%arg21 : memref<!tpu.dma_semaphore, #tpu.memory_space<semaphore_mem>>) src(%dma_wait3A_144 : memref<128x128xf32, #tpu.memory_space<hbm>>) dst(%arg15 : memref<128x128xf32, #tpu.memory_space<vmem>>)
        %add3A_145 = arith.constant 2 : i32
        %add3A_146 = arith.addi %scan3A_99, %add3A_145 : i32
        %mul3A_147 = arith.constant 128 : i32
        %mul3A_148 = arith.muli %add3A_146, %mul3A_147 : i32
        %add3A_149 = arith.addi %mul3A_11, %mul3A_148 : i32
        %dma_start3A_150 = tpu.memref_slice %arg3[%add3A_149] : memref<320000xi32, #tpu.memory_space<hbm>> -> memref<128xi32, #tpu.memory_space<hbm>>
        %dma_start3A_151 = tpu.memref_slice %arg3[%add3A_149] : memref<320000xi32, #tpu.memory_space<hbm>> -> memref<128xi32, #tpu.memory_space<hbm>>
        tpu.enqueue_dma source(%dma_start3A_151 : memref<128xi32, #tpu.memory_space<hbm>>) target(%arg9 : memref<128xi32, #tpu.memory_space<vmem>>) target_semaphore(%arg17 : memref<!tpu.dma_semaphore, #tpu.memory_space<semaphore_mem>>)
        %dma_wait3A_152 = arith.constant 0 : i32
        %dma_wait3A_153 = tpu.memref_slice %arg3[%dma_wait3A_152] : memref<320000xi32, #tpu.memory_space<hbm>> -> memref<128xi32, #tpu.memory_space<hbm>>
        %dma_wait3A_154 = arith.constant 0 : i32
        %dma_wait3A_155 = tpu.memref_slice %arg3[%dma_wait3A_154] : memref<320000xi32, #tpu.memory_space<hbm>> -> memref<128xi32, #tpu.memory_space<hbm>>
        tpu.wait_dma2 semaphore(%arg19 : memref<!tpu.dma_semaphore, #tpu.memory_space<semaphore_mem>>) src(%dma_wait3A_155 : memref<128xi32, #tpu.memory_space<hbm>>) dst(%arg11 : memref<128xi32, #tpu.memory_space<vmem>>)
        "tpu.region"() ({
          %run_scoped3A = tpu.sem_alloc : memref<!tpu.dma_semaphore, #tpu.memory_space<semaphore_mem>>
          %dma_start3A_165 = arith.constant 0 : i32
          %dma_start3A_166 = arith.constant 0 : i32
          %dma_start3A_167 = tpu.memref_slice %arg7[%dma_start3A_165, %dma_start3A_166] : memref<10000x128xf32, #tpu.memory_space<vmem_shared>> -> memref<10000x128xf32, #tpu.memory_space<vmem_shared>>
          tpu.enqueue_indirect_dma source(%arg15 : memref<128x128xf32, #tpu.memory_space<vmem>>) target(%dma_start3A_167 : memref<10000x128xf32, #tpu.memory_space<vmem_shared>>) offsets(%arg11 : memref<128xi32, #tpu.memory_space<vmem>>) semaphore(%run_scoped3A : memref<!tpu.dma_semaphore, #tpu.memory_space<semaphore_mem>>) {add = true}
          %dma_wait3A_168 = arith.constant 0 : i32
          %dma_wait3A_169 = arith.constant 0 : i32
          %dma_wait3A_170 = tpu.memref_slice %arg7[%dma_wait3A_168, %dma_wait3A_169] : memref<10000x128xf32, #tpu.memory_space<vmem_shared>> -> memref<10000x128xf32, #tpu.memory_space<vmem_shared>>
          tpu.wait_indirect_dma semaphore(%run_scoped3A : memref<!tpu.dma_semaphore, #tpu.memory_space<semaphore_mem>>) src(%arg15 : memref<128x128xf32, #tpu.memory_space<vmem>>) dst(%dma_wait3A_170 : memref<10000x128xf32, #tpu.memory_space<vmem_shared>>)
          tpu.yield
        }) : () -> ()
        %dma_start3A_156 = tpu.memref_slice %arg4[%add3A_149] : memref<320000xi32, #tpu.memory_space<hbm>> -> memref<128xi32, #tpu.memory_space<hbm>>
        %dma_start3A_157 = tpu.memref_slice %arg4[%add3A_149] : memref<320000xi32, #tpu.memory_space<hbm>> -> memref<128xi32, #tpu.memory_space<hbm>>
        tpu.enqueue_dma source(%dma_start3A_157 : memref<128xi32, #tpu.memory_space<hbm>>) target(%arg11 : memref<128xi32, #tpu.memory_space<vmem>>) target_semaphore(%arg19 : memref<!tpu.dma_semaphore, #tpu.memory_space<semaphore_mem>>)
        %dma_wait3A_158 = arith.constant 0 : i32
        %dma_wait3A_159 = tpu.memref_slice %arg3[%dma_wait3A_158] : memref<320000xi32, #tpu.memory_space<hbm>> -> memref<128xi32, #tpu.memory_space<hbm>>
        %dma_wait3A_160 = arith.constant 0 : i32
        %dma_wait3A_161 = tpu.memref_slice %arg3[%dma_wait3A_160] : memref<320000xi32, #tpu.memory_space<hbm>> -> memref<128xi32, #tpu.memory_space<hbm>>
        tpu.wait_dma2 semaphore(%arg17 : memref<!tpu.dma_semaphore, #tpu.memory_space<semaphore_mem>>) src(%dma_wait3A_161 : memref<128xi32, #tpu.memory_space<hbm>>) dst(%arg9 : memref<128xi32, #tpu.memory_space<vmem>>)
        %dma_start3A_162 = arith.constant 0 : i32
        %dma_start3A_163 = arith.constant 0 : i32
        %dma_start3A_164 = tpu.memref_slice %arg2[%dma_start3A_162, %dma_start3A_163] : memref<10000x128xf32, #tpu.memory_space<hbm>> -> memref<10000x128xf32, #tpu.memory_space<hbm>>
        tpu.enqueue_indirect_dma source(%dma_start3A_164 : memref<10000x128xf32, #tpu.memory_space<hbm>>) target(%arg15 : memref<128x128xf32, #tpu.memory_space<vmem>>) offsets(%arg9 : memref<128xi32, #tpu.memory_space<vmem>>) semaphore(%arg21 : memref<!tpu.dma_semaphore, #tpu.memory_space<semaphore_mem>>)
      } else {
      }
      %scan3A_138 = arith.constant 0 : i32
      scf.yield %scan3A_138 : i32
    }
    %scan3A_41 = arith.constant 76 : i32
    %dma_wait3A_42 = arith.constant 0 : i32
    %dma_wait3A_43 = arith.constant 0 : i32
    %dma_wait3A_44 = tpu.memref_slice %arg2[%dma_wait3A_42, %dma_wait3A_43] : memref<10000x128xf32, #tpu.memory_space<hbm>> -> memref<128x128xf32, #tpu.memory_space<hbm>>
    %dma_wait3A_45 = arith.constant 0 : i32
    %dma_wait3A_46 = arith.constant 0 : i32
    %dma_wait3A_47 = tpu.memref_slice %arg2[%dma_wait3A_45, %dma_wait3A_46] : memref<10000x128xf32, #tpu.memory_space<hbm>> -> memref<128x128xf32, #tpu.memory_space<hbm>>
    tpu.wait_dma2 semaphore(%arg20 : memref<!tpu.dma_semaphore, #tpu.memory_space<semaphore_mem>>) src(%dma_wait3A_47 : memref<128x128xf32, #tpu.memory_space<hbm>>) dst(%arg14 : memref<128x128xf32, #tpu.memory_space<vmem>>)
    %dma_wait3A_48 = arith.constant 0 : i32
    %dma_wait3A_49 = tpu.memref_slice %arg3[%dma_wait3A_48] : memref<320000xi32, #tpu.memory_space<hbm>> -> memref<128xi32, #tpu.memory_space<hbm>>
    %dma_wait3A_50 = arith.constant 0 : i32
    %dma_wait3A_51 = tpu.memref_slice %arg3[%dma_wait3A_50] : memref<320000xi32, #tpu.memory_space<hbm>> -> memref<128xi32, #tpu.memory_space<hbm>>
    tpu.wait_dma2 semaphore(%arg18 : memref<!tpu.dma_semaphore, #tpu.memory_space<semaphore_mem>>) src(%dma_wait3A_51 : memref<128xi32, #tpu.memory_space<hbm>>) dst(%arg10 : memref<128xi32, #tpu.memory_space<vmem>>)
    "tpu.region"() ({
      %run_scoped3A = tpu.sem_alloc : memref<!tpu.dma_semaphore, #tpu.memory_space<semaphore_mem>>
      %dma_start3A_99 = arith.constant 0 : i32
      %dma_start3A_100 = arith.constant 0 : i32
      %dma_start3A_101 = tpu.memref_slice %arg7[%dma_start3A_99, %dma_start3A_100] : memref<10000x128xf32, #tpu.memory_space<vmem_shared>> -> memref<10000x128xf32, #tpu.memory_space<vmem_shared>>
      tpu.enqueue_indirect_dma source(%arg14 : memref<128x128xf32, #tpu.memory_space<vmem>>) target(%dma_start3A_101 : memref<10000x128xf32, #tpu.memory_space<vmem_shared>>) offsets(%arg10 : memref<128xi32, #tpu.memory_space<vmem>>) semaphore(%run_scoped3A : memref<!tpu.dma_semaphore, #tpu.memory_space<semaphore_mem>>) {add = true}
      %dma_wait3A_102 = arith.constant 0 : i32
      %dma_wait3A_103 = arith.constant 0 : i32
      %dma_wait3A_104 = tpu.memref_slice %arg7[%dma_wait3A_102, %dma_wait3A_103] : memref<10000x128xf32, #tpu.memory_space<vmem_shared>> -> memref<10000x128xf32, #tpu.memory_space<vmem_shared>>
      tpu.wait_indirect_dma semaphore(%run_scoped3A : memref<!tpu.dma_semaphore, #tpu.memory_space<semaphore_mem>>) src(%arg14 : memref<128x128xf32, #tpu.memory_space<vmem>>) dst(%dma_wait3A_104 : memref<10000x128xf32, #tpu.memory_space<vmem_shared>>)
      tpu.yield
    }) : () -> ()
    %dma_wait3A_52 = arith.constant 0 : i32
    %dma_wait3A_53 = arith.constant 0 : i32
    %dma_wait3A_54 = tpu.memref_slice %arg2[%dma_wait3A_52, %dma_wait3A_53] : memref<10000x128xf32, #tpu.memory_space<hbm>> -> memref<128x128xf32, #tpu.memory_space<hbm>>
    %dma_wait3A_55 = arith.constant 0 : i32
    %dma_wait3A_56 = arith.constant 0 : i32
    %dma_wait3A_57 = tpu.memref_slice %arg2[%dma_wait3A_55, %dma_wait3A_56] : memref<10000x128xf32, #tpu.memory_space<hbm>> -> memref<128x128xf32, #tpu.memory_space<hbm>>
    tpu.wait_dma2 semaphore(%arg21 : memref<!tpu.dma_semaphore, #tpu.memory_space<semaphore_mem>>) src(%dma_wait3A_57 : memref<128x128xf32, #tpu.memory_space<hbm>>) dst(%arg15 : memref<128x128xf32, #tpu.memory_space<vmem>>)
    %dma_wait3A_58 = arith.constant 0 : i32
    %dma_wait3A_59 = tpu.memref_slice %arg3[%dma_wait3A_58] : memref<320000xi32, #tpu.memory_space<hbm>> -> memref<128xi32, #tpu.memory_space<hbm>>
    %dma_wait3A_60 = arith.constant 0 : i32
    %dma_wait3A_61 = tpu.memref_slice %arg3[%dma_wait3A_60] : memref<320000xi32, #tpu.memory_space<hbm>> -> memref<128xi32, #tpu.memory_space<hbm>>
    tpu.wait_dma2 semaphore(%arg19 : memref<!tpu.dma_semaphore, #tpu.memory_space<semaphore_mem>>) src(%dma_wait3A_61 : memref<128xi32, #tpu.memory_space<hbm>>) dst(%arg11 : memref<128xi32, #tpu.memory_space<vmem>>)
    "tpu.region"() ({
      %run_scoped3A = tpu.sem_alloc : memref<!tpu.dma_semaphore, #tpu.memory_space<semaphore_mem>>
      %dma_start3A_99 = arith.constant 0 : i32
      %dma_start3A_100 = arith.constant 0 : i32
      %dma_start3A_101 = tpu.memref_slice %arg7[%dma_start3A_99, %dma_start3A_100] : memref<10000x128xf32, #tpu.memory_space<vmem_shared>> -> memref<10000x128xf32, #tpu.memory_space<vmem_shared>>
      tpu.enqueue_indirect_dma source(%arg15 : memref<128x128xf32, #tpu.memory_space<vmem>>) target(%dma_start3A_101 : memref<10000x128xf32, #tpu.memory_space<vmem_shared>>) offsets(%arg11 : memref<128xi32, #tpu.memory_space<vmem>>) semaphore(%run_scoped3A : memref<!tpu.dma_semaphore, #tpu.memory_space<semaphore_mem>>) {add = true}
      %dma_wait3A_102 = arith.constant 0 : i32
      %dma_wait3A_103 = arith.constant 0 : i32
      %dma_wait3A_104 = tpu.memref_slice %arg7[%dma_wait3A_102, %dma_wait3A_103] : memref<10000x128xf32, #tpu.memory_space<vmem_shared>> -> memref<10000x128xf32, #tpu.memory_space<vmem_shared>>
      tpu.wait_indirect_dma semaphore(%run_scoped3A : memref<!tpu.dma_semaphore, #tpu.memory_space<semaphore_mem>>) src(%arg15 : memref<128x128xf32, #tpu.memory_space<vmem>>) dst(%dma_wait3A_104 : memref<10000x128xf32, #tpu.memory_space<vmem_shared>>)
      tpu.yield
    }) : () -> ()
    %add3A_62 = arith.constant 9984 : i32
    %add3A_63 = arith.addi %mul3A_11, %add3A_62 : i32
    %dma_start3A_64 = tpu.memref_slice %arg3[%add3A_63] : memref<320000xi32, #tpu.memory_space<hbm>> -> memref<16xi32, #tpu.memory_space<hbm>>
    %dma_start3A_65 = tpu.memref_slice %arg3[%add3A_63] : memref<320000xi32, #tpu.memory_space<hbm>> -> memref<16xi32, #tpu.memory_space<hbm>>
    tpu.enqueue_dma source(%dma_start3A_65 : memref<16xi32, #tpu.memory_space<hbm>>) target(%arg12 : memref<16xi32, #tpu.memory_space<vmem>>) target_semaphore(%arg16 : memref<!tpu.dma_semaphore, #tpu.memory_space<semaphore_mem>>)
    %dma_start3A_66 = tpu.memref_slice %arg4[%add3A_63] : memref<320000xi32, #tpu.memory_space<hbm>> -> memref<16xi32, #tpu.memory_space<hbm>>
    %dma_start3A_67 = tpu.memref_slice %arg4[%add3A_63] : memref<320000xi32, #tpu.memory_space<hbm>> -> memref<16xi32, #tpu.memory_space<hbm>>
    tpu.enqueue_dma source(%dma_start3A_67 : memref<16xi32, #tpu.memory_space<hbm>>) target(%arg13 : memref<16xi32, #tpu.memory_space<vmem>>) target_semaphore(%arg18 : memref<!tpu.dma_semaphore, #tpu.memory_space<semaphore_mem>>)
    %dma_wait3A_68 = arith.constant 0 : i32
    %dma_wait3A_69 = tpu.memref_slice %arg3[%dma_wait3A_68] : memref<320000xi32, #tpu.memory_space<hbm>> -> memref<16xi32, #tpu.memory_space<hbm>>
    %dma_wait3A_70 = arith.constant 0 : i32
    %dma_wait3A_71 = tpu.memref_slice %arg3[%dma_wait3A_70] : memref<320000xi32, #tpu.memory_space<hbm>> -> memref<16xi32, #tpu.memory_space<hbm>>
    tpu.wait_dma2 semaphore(%arg16 : memref<!tpu.dma_semaphore, #tpu.memory_space<semaphore_mem>>) src(%dma_wait3A_71 : memref<16xi32, #tpu.memory_space<hbm>>) dst(%arg12 : memref<16xi32, #tpu.memory_space<vmem>>)
    %dma_start3A_72 = arith.constant 0 : i32
    %dma_start3A_73 = arith.constant 0 : i32
    %dma_start3A_74 = tpu.memref_slice %arg14[%dma_start3A_72, %dma_start3A_73] : memref<128x128xf32, #tpu.memory_space<vmem>> -> memref<16x128xf32, #tpu.memory_space<vmem>>
    %dma_start3A_75 = arith.constant 0 : i32
    %dma_start3A_76 = arith.constant 0 : i32
    %dma_start3A_77 = tpu.memref_slice %arg2[%dma_start3A_75, %dma_start3A_76] : memref<10000x128xf32, #tpu.memory_space<hbm>> -> memref<10000x128xf32, #tpu.memory_space<hbm>>
    tpu.enqueue_indirect_dma source(%dma_start3A_77 : memref<10000x128xf32, #tpu.memory_space<hbm>>) target(%dma_start3A_74 : memref<16x128xf32, #tpu.memory_space<vmem>>) offsets(%arg12 : memref<16xi32, #tpu.memory_space<vmem>>) semaphore(%arg20 : memref<!tpu.dma_semaphore, #tpu.memory_space<semaphore_mem>>)
    %dma_wait3A_78 = arith.constant 0 : i32
    %dma_wait3A_79 = arith.constant 0 : i32
    %dma_wait3A_80 = tpu.memref_slice %arg14[%dma_wait3A_78, %dma_wait3A_79] : memref<128x128xf32, #tpu.memory_space<vmem>> -> memref<16x128xf32, #tpu.memory_space<vmem>>
    %dma_wait3A_81 = arith.constant 0 : i32
    %dma_wait3A_82 = arith.constant 0 : i32
    %dma_wait3A_83 = tpu.memref_slice %arg2[%dma_wait3A_81, %dma_wait3A_82] : memref<10000x128xf32, #tpu.memory_space<hbm>> -> memref<10000x128xf32, #tpu.memory_space<hbm>>
    tpu.wait_indirect_dma semaphore(%arg20 : memref<!tpu.dma_semaphore, #tpu.memory_space<semaphore_mem>>) src(%dma_wait3A_83 : memref<10000x128xf32, #tpu.memory_space<hbm>>) dst(%dma_wait3A_80 : memref<16x128xf32, #tpu.memory_space<vmem>>)
    %dma_wait3A_84 = arith.constant 0 : i32
    %dma_wait3A_85 = tpu.memref_slice %arg4[%dma_wait3A_84] : memref<320000xi32, #tpu.memory_space<hbm>> -> memref<16xi32, #tpu.memory_space<hbm>>
    %dma_wait3A_86 = arith.constant 0 : i32
    %dma_wait3A_87 = tpu.memref_slice %arg4[%dma_wait3A_86] : memref<320000xi32, #tpu.memory_space<hbm>> -> memref<16xi32, #tpu.memory_space<hbm>>
    tpu.wait_dma2 semaphore(%arg18 : memref<!tpu.dma_semaphore, #tpu.memory_space<semaphore_mem>>) src(%dma_wait3A_87 : memref<16xi32, #tpu.memory_space<hbm>>) dst(%arg13 : memref<16xi32, #tpu.memory_space<vmem>>)
    "tpu.region"() ({
      %run_scoped3A = tpu.sem_alloc : memref<!tpu.dma_semaphore, #tpu.memory_space<semaphore_mem>>
      %dma_start3A_99 = arith.constant 0 : i32
      %dma_start3A_100 = arith.constant 0 : i32
      %dma_start3A_101 = tpu.memref_slice %arg14[%dma_start3A_99, %dma_start3A_100] : memref<128x128xf32, #tpu.memory_space<vmem>> -> memref<16x128xf32, #tpu.memory_space<vmem>>
      %dma_start3A_102 = arith.constant 0 : i32
      %dma_start3A_103 = arith.constant 0 : i32
      %dma_start3A_104 = tpu.memref_slice %arg7[%dma_start3A_102, %dma_start3A_103] : memref<10000x128xf32, #tpu.memory_space<vmem_shared>> -> memref<10000x128xf32, #tpu.memory_space<vmem_shared>>
      tpu.enqueue_indirect_dma source(%dma_start3A_101 : memref<16x128xf32, #tpu.memory_space<vmem>>) target(%dma_start3A_104 : memref<10000x128xf32, #tpu.memory_space<vmem_shared>>) offsets(%arg13 : memref<16xi32, #tpu.memory_space<vmem>>) semaphore(%run_scoped3A : memref<!tpu.dma_semaphore, #tpu.memory_space<semaphore_mem>>) {add = true}
      %dma_wait3A_105 = arith.constant 0 : i32
      %dma_wait3A_106 = arith.constant 0 : i32
      %dma_wait3A_107 = tpu.memref_slice %arg14[%dma_wait3A_105, %dma_wait3A_106] : memref<128x128xf32, #tpu.memory_space<vmem>> -> memref<16x128xf32, #tpu.memory_space<vmem>>
      %dma_wait3A_108 = arith.constant 0 : i32
      %dma_wait3A_109 = arith.constant 0 : i32
      %dma_wait3A_110 = tpu.memref_slice %arg7[%dma_wait3A_108, %dma_wait3A_109] : memref<10000x128xf32, #tpu.memory_space<vmem_shared>> -> memref<10000x128xf32, #tpu.memory_space<vmem_shared>>
      tpu.wait_indirect_dma semaphore(%run_scoped3A : memref<!tpu.dma_semaphore, #tpu.memory_space<semaphore_mem>>) src(%dma_wait3A_107 : memref<16x128xf32, #tpu.memory_space<vmem>>) dst(%dma_wait3A_110 : memref<10000x128xf32, #tpu.memory_space<vmem_shared>>)
      tpu.yield
    }) : () -> ()
    %barrier3A_88 = arith.constant 0 : index
    tpu.barrier barrier_id(%barrier3A_88)
    %lt3A_89 = arith.constant 15 : i32
    %lt3A_90 = arith.cmpi slt, %arg1, %lt3A_89 : i32
    %convert_element_type3A_91 = arith.extui %lt3A_90 : i1 to i32
    %cond3A_92 = arith.constant 0 : i32
    %cond3A_93 = arith.cmpi ne, %convert_element_type3A_91, %cond3A_92 : i32
    scf.if %cond3A_93 {
      %mul3A_99 = arith.constant 624 : i32
      %mul3A_100 = arith.muli %arg1, %mul3A_99 : i32
      %mul3A_101 = arith.constant 624 : i32
      %mul3A_102 = arith.muli %arg1, %mul3A_101 : i32
      "tpu.region"() ({
        %run_scoped3A = tpu.sem_alloc : memref<!tpu.dma_semaphore, #tpu.memory_space<semaphore_mem>>
        %dma_start3A_103 = arith.constant 0 : i32
        %dma_start3A_104 = tpu.memref_slice %arg6[%arg0, %mul3A_102, %dma_start3A_103] : memref<2x10000x128xf32, #tpu.memory_space<hbm>> -> memref<1x624x128xf32, #tpu.memory_space<hbm>>
        %dma_start3A_105 = tpu.memref_squeeze %dma_start3A_104 : memref<1x624x128xf32, #tpu.memory_space<hbm>> -> memref<624x128xf32, #tpu.memory_space<hbm>>
        %dma_start3A_106 = arith.constant 0 : i32
        %dma_start3A_107 = tpu.memref_slice %arg7[%mul3A_100, %dma_start3A_106] : memref<10000x128xf32, #tpu.memory_space<vmem_shared>> -> memref<624x128xf32, #tpu.memory_space<vmem_shared>>
        tpu.enqueue_dma source(%dma_start3A_107 : memref<624x128xf32, #tpu.memory_space<vmem_shared>>) target(%dma_start3A_105 : memref<624x128xf32, #tpu.memory_space<hbm>>) target_semaphore(%run_scoped3A : memref<!tpu.dma_semaphore, #tpu.memory_space<semaphore_mem>>)
        %dma_wait3A_108 = arith.constant 0 : i32
        %dma_wait3A_109 = tpu.memref_slice %arg6[%arg0, %mul3A_102, %dma_wait3A_108] : memref<2x10000x128xf32, #tpu.memory_space<hbm>> -> memref<1x624x128xf32, #tpu.memory_space<hbm>>
        %dma_wait3A_110 = tpu.memref_squeeze %dma_wait3A_109 : memref<1x624x128xf32, #tpu.memory_space<hbm>> -> memref<624x128xf32, #tpu.memory_space<hbm>>
        %dma_wait3A_111 = arith.constant 0 : i32
        %dma_wait3A_112 = tpu.memref_slice %arg7[%mul3A_100, %dma_wait3A_111] : memref<10000x128xf32, #tpu.memory_space<vmem_shared>> -> memref<624x128xf32, #tpu.memory_space<vmem_shared>>
        tpu.wait_dma2 semaphore(%run_scoped3A : memref<!tpu.dma_semaphore, #tpu.memory_space<semaphore_mem>>) src(%dma_wait3A_112 : memref<624x128xf32, #tpu.memory_space<vmem_shared>>) dst(%dma_wait3A_110 : memref<624x128xf32, #tpu.memory_space<hbm>>)
        tpu.yield
      }) : () -> ()
    } else {
    }
    %eq3A_94 = arith.constant 15 : i32
    %eq3A_95 = arith.cmpi eq, %arg1, %eq3A_94 : i32
    %convert_element_type3A_96 = arith.extui %eq3A_95 : i1 to i32
    %cond3A_97 = arith.constant 0 : i32
    %cond3A_98 = arith.cmpi ne, %convert_element_type3A_96, %cond3A_97 : i32
    scf.if %cond3A_98 {
      "tpu.region"() ({
        %run_scoped3A = tpu.sem_alloc : memref<!tpu.dma_semaphore, #tpu.memory_space<semaphore_mem>>
        %dma_start3A_99 = arith.constant 9360 : i32
        %dma_start3A_100 = arith.constant 0 : i32
        %dma_start3A_101 = tpu.memref_slice %arg6[%arg0, %dma_start3A_99, %dma_start3A_100] : memref<2x10000x128xf32, #tpu.memory_space<hbm>> -> memref<1x640x128xf32, #tpu.memory_space<hbm>>
        %dma_start3A_102 = tpu.memref_squeeze %dma_start3A_101 : memref<1x640x128xf32, #tpu.memory_space<hbm>> -> memref<640x128xf32, #tpu.memory_space<hbm>>
        %dma_start3A_103 = arith.constant 9360 : i32
        %dma_start3A_104 = arith.constant 0 : i32
        %dma_start3A_105 = tpu.memref_slice %arg7[%dma_start3A_103, %dma_start3A_104] : memref<10000x128xf32, #tpu.memory_space<vmem_shared>> -> memref<640x128xf32, #tpu.memory_space<vmem_shared>>
        tpu.enqueue_dma source(%dma_start3A_105 : memref<640x128xf32, #tpu.memory_space<vmem_shared>>) target(%dma_start3A_102 : memref<640x128xf32, #tpu.memory_space<hbm>>) target_semaphore(%run_scoped3A : memref<!tpu.dma_semaphore, #tpu.memory_space<semaphore_mem>>)
        %dma_wait3A_106 = arith.constant 9360 : i32
        %dma_wait3A_107 = arith.constant 0 : i32
        %dma_wait3A_108 = tpu.memref_slice %arg6[%arg0, %dma_wait3A_106, %dma_wait3A_107] : memref<2x10000x128xf32, #tpu.memory_space<hbm>> -> memref<1x640x128xf32, #tpu.memory_space<hbm>>
        %dma_wait3A_109 = tpu.memref_squeeze %dma_wait3A_108 : memref<1x640x128xf32, #tpu.memory_space<hbm>> -> memref<640x128xf32, #tpu.memory_space<hbm>>
        %dma_wait3A_110 = arith.constant 9360 : i32
        %dma_wait3A_111 = arith.constant 0 : i32
        %dma_wait3A_112 = tpu.memref_slice %arg7[%dma_wait3A_110, %dma_wait3A_111] : memref<10000x128xf32, #tpu.memory_space<vmem_shared>> -> memref<640x128xf32, #tpu.memory_space<vmem_shared>>
        tpu.wait_dma2 semaphore(%run_scoped3A : memref<!tpu.dma_semaphore, #tpu.memory_space<semaphore_mem>>) src(%dma_wait3A_112 : memref<640x128xf32, #tpu.memory_space<vmem_shared>>) dst(%dma_wait3A_109 : memref<640x128xf32, #tpu.memory_space<hbm>>)
        tpu.yield
      }) : () -> ()
    } else {
    }
    return
  }
}

#map = affine_map<(d0, d1) -> (0, 0)>
#map1 = affine_map<(d0, d1) -> (0)>
#map2 = affine_map<(d0, d1) -> (0, 0, 0)>
module attributes {stable_mosaic.version = 14 : i64} {
  func.func @_sc_segsum(%arg0: i32, %arg1: i32, %arg2: memref<10000x128xf32, #tpu.memory_space<hbm>>, %arg3: memref<320000xi32, #tpu.memory_space<hbm>>, %arg4: memref<320000xi32, #tpu.memory_space<hbm>>, %arg5: memref<10000x128xf32, #tpu.memory_space<hbm>>, %arg6: memref<2x10000x128xf32, #tpu.memory_space<hbm>>, %arg7: memref<10000x128xf32, #tpu.memory_space<vmem_shared>>, %arg8: memref<128xi32, #tpu.memory_space<vmem>>, %arg9: memref<128xi32, #tpu.memory_space<vmem>>, %arg10: memref<128xi32, #tpu.memory_space<vmem>>, %arg11: memref<128xi32, #tpu.memory_space<vmem>>, %arg12: memref<16xi32, #tpu.memory_space<vmem>>, %arg13: memref<16xi32, #tpu.memory_space<vmem>>, %arg14: memref<128x128xf32, #tpu.memory_space<vmem>>, %arg15: memref<128x128xf32, #tpu.memory_space<vmem>>, %arg16: memref<!tpu.dma_semaphore, #tpu.memory_space<semaphore_mem>>, %arg17: memref<!tpu.dma_semaphore, #tpu.memory_space<semaphore_mem>>, %arg18: memref<!tpu.dma_semaphore, #tpu.memory_space<semaphore_mem>>, %arg19: memref<!tpu.dma_semaphore, #tpu.memory_space<semaphore_mem>>, %arg20: memref<!tpu.dma_semaphore, #tpu.memory_space<semaphore_mem>>, %arg21: memref<!tpu.dma_semaphore, #tpu.memory_space<semaphore_mem>>) attributes {dimension_semantics = [#tpu.dimension_semantics<core_parallel>, #tpu.dimension_semantics<subcore_parallel>], iteration_bounds = array<i64: 2, 16>, scalar_prefetch = 0 : i64, scratch_operands = 15 : i64, tpu.core_type = #tpu.core_type<sc_vector_subcore>, window_params = [{transform_indices = #map}, {transform_indices = #map1}, {transform_indices = #map1}, {transform_indices = #map}, {transform_indices = #map2}]} {
    %mul3A = arith.constant 16 : i32
    %mul3A_0 = arith.muli %arg0, %mul3A : i32
    %add3A = arith.addi %mul3A_0, %arg1 : i32
    %lt3A = arith.constant 15 : i32
    %lt3A_1 = arith.cmpi slt, %arg1, %lt3A : i32
    %convert_element_type3A = arith.extui %lt3A_1 : i1 to i32
    %cond3A = arith.constant 0 : i32
    %cond3A_2 = arith.cmpi ne, %convert_element_type3A, %cond3A : i32
    scf.if %cond3A_2 {
      %mul3A_99 = arith.constant 624 : i32
      %mul3A_100 = arith.muli %arg1, %mul3A_99 : i32
      %mul3A_101 = arith.constant 624 : i32
      %mul3A_102 = arith.muli %arg1, %mul3A_101 : i32
      "tpu.region"() ({
        %run_scoped3A = tpu.sem_alloc : memref<!tpu.dma_semaphore, #tpu.memory_space<semaphore_mem>>
        %dma_start3A_103 = arith.constant 0 : i32
        %dma_start3A_104 = tpu.memref_slice %arg7[%mul3A_102, %dma_start3A_103] : memref<10000x128xf32, #tpu.memory_space<vmem_shared>> -> memref<624x128xf32, #tpu.memory_space<vmem_shared>>
        %dma_start3A_105 = arith.constant 0 : i32
        %dma_start3A_106 = tpu.memref_slice %arg5[%mul3A_100, %dma_start3A_105] : memref<10000x128xf32, #tpu.memory_space<hbm>> -> memref<624x128xf32, #tpu.memory_space<hbm>>
        tpu.enqueue_dma source(%dma_start3A_106 : memref<624x128xf32, #tpu.memory_space<hbm>>) target(%dma_start3A_104 : memref<624x128xf32, #tpu.memory_space<vmem_shared>>) target_semaphore(%run_scoped3A : memref<!tpu.dma_semaphore, #tpu.memory_space<semaphore_mem>>)
        %dma_wait3A_107 = arith.constant 0 : i32
        %dma_wait3A_108 = tpu.memref_slice %arg7[%mul3A_102, %dma_wait3A_107] : memref<10000x128xf32, #tpu.memory_space<vmem_shared>> -> memref<624x128xf32, #tpu.memory_space<vmem_shared>>
        %dma_wait3A_109 = arith.constant 0 : i32
        %dma_wait3A_110 = tpu.memref_slice %arg5[%mul3A_100, %dma_wait3A_109] : memref<10000x128xf32, #tpu.memory_space<hbm>> -> memref<624x128xf32, #tpu.memory_space<hbm>>
        tpu.wait_dma2 semaphore(%run_scoped3A : memref<!tpu.dma_semaphore, #tpu.memory_space<semaphore_mem>>) src(%dma_wait3A_110 : memref<624x128xf32, #tpu.memory_space<hbm>>) dst(%dma_wait3A_108 : memref<624x128xf32, #tpu.memory_space<vmem_shared>>)
        tpu.yield
      }) : () -> ()
    } else {
    }
    %eq3A = arith.constant 15 : i32
    %eq3A_3 = arith.cmpi eq, %arg1, %eq3A : i32
    %convert_element_type3A_4 = arith.extui %eq3A_3 : i1 to i32
    %cond3A_5 = arith.constant 0 : i32
    %cond3A_6 = arith.cmpi ne, %convert_element_type3A_4, %cond3A_5 : i32
    scf.if %cond3A_6 {
      "tpu.region"() ({
        %run_scoped3A = tpu.sem_alloc : memref<!tpu.dma_semaphore, #tpu.memory_space<semaphore_mem>>
        %dma_start3A_99 = arith.constant 9360 : i32
        %dma_start3A_100 = arith.constant 0 : i32
        %dma_start3A_101 = tpu.memref_slice %arg7[%dma_start3A_99, %dma_start3A_100] : memref<10000x128xf32, #tpu.memory_space<vmem_shared>> -> memref<640x128xf32, #tpu.memory_space<vmem_shared>>
        %dma_start3A_102 = arith.constant 9360 : i32
        %dma_start3A_103 = arith.constant 0 : i32
        %dma_start3A_104 = tpu.memref_slice %arg5[%dma_start3A_102, %dma_start3A_103] : memref<10000x128xf32, #tpu.memory_space<hbm>> -> memref<640x128xf32, #tpu.memory_space<hbm>>
        tpu.enqueue_dma source(%dma_start3A_104 : memref<640x128xf32, #tpu.memory_space<hbm>>) target(%dma_start3A_101 : memref<640x128xf32, #tpu.memory_space<vmem_shared>>) target_semaphore(%run_scoped3A : memref<!tpu.dma_semaphore, #tpu.memory_space<semaphore_mem>>)
        %dma_wait3A_105 = arith.constant 9360 : i32
        %dma_wait3A_106 = arith.constant 0 : i32
        %dma_wait3A_107 = tpu.memref_slice %arg7[%dma_wait3A_105, %dma_wait3A_106] : memref<10000x128xf32, #tpu.memory_space<vmem_shared>> -> memref<640x128xf32, #tpu.memory_space<vmem_shared>>
        %dma_wait3A_108 = arith.constant 9360 : i32
        %dma_wait3A_109 = arith.constant 0 : i32
        %dma_wait3A_110 = tpu.memref_slice %arg5[%dma_wait3A_108, %dma_wait3A_109] : memref<10000x128xf32, #tpu.memory_space<hbm>> -> memref<640x128xf32, #tpu.memory_space<hbm>>
        tpu.wait_dma2 semaphore(%run_scoped3A : memref<!tpu.dma_semaphore, #tpu.memory_space<semaphore_mem>>) src(%dma_wait3A_110 : memref<640x128xf32, #tpu.memory_space<hbm>>) dst(%dma_wait3A_107 : memref<640x128xf32, #tpu.memory_space<vmem_shared>>)
        tpu.yield
      }) : () -> ()
    } else {
    }
    %mul3A_7 = arith.constant 16 : i32
    %mul3A_8 = arith.muli %arg0, %mul3A_7 : i32
    %add3A_9 = arith.addi %mul3A_8, %arg1 : i32
    %mul3A_10 = arith.constant 10000 : i32
    %mul3A_11 = arith.muli %add3A_9, %mul3A_10 : i32
    %add3A_12 = arith.constant 0 : i32
    %add3A_13 = arith.addi %mul3A_11, %add3A_12 : i32
    %dma_start3A = tpu.memref_slice %arg3[%add3A_13] : memref<320000xi32, #tpu.memory_space<hbm>> -> memref<128xi32, #tpu.memory_space<hbm>>
    %dma_start3A_14 = tpu.memref_slice %arg3[%add3A_13] : memref<320000xi32, #tpu.memory_space<hbm>> -> memref<128xi32, #tpu.memory_space<hbm>>
    tpu.enqueue_dma source(%dma_start3A_14 : memref<128xi32, #tpu.memory_space<hbm>>) target(%arg8 : memref<128xi32, #tpu.memory_space<vmem>>) target_semaphore(%arg16 : memref<!tpu.dma_semaphore, #tpu.memory_space<semaphore_mem>>)
    %dma_start3A_15 = tpu.memref_slice %arg4[%add3A_13] : memref<320000xi32, #tpu.memory_space<hbm>> -> memref<128xi32, #tpu.memory_space<hbm>>
    %dma_start3A_16 = tpu.memref_slice %arg4[%add3A_13] : memref<320000xi32, #tpu.memory_space<hbm>> -> memref<128xi32, #tpu.memory_space<hbm>>
    tpu.enqueue_dma source(%dma_start3A_16 : memref<128xi32, #tpu.memory_space<hbm>>) target(%arg10 : memref<128xi32, #tpu.memory_space<vmem>>) target_semaphore(%arg18 : memref<!tpu.dma_semaphore, #tpu.memory_space<semaphore_mem>>)
    %add3A_17 = arith.constant 128 : i32
    %add3A_18 = arith.addi %mul3A_11, %add3A_17 : i32
    %dma_start3A_19 = tpu.memref_slice %arg3[%add3A_18] : memref<320000xi32, #tpu.memory_space<hbm>> -> memref<128xi32, #tpu.memory_space<hbm>>
    %dma_start3A_20 = tpu.memref_slice %arg3[%add3A_18] : memref<320000xi32, #tpu.memory_space<hbm>> -> memref<128xi32, #tpu.memory_space<hbm>>
    tpu.enqueue_dma source(%dma_start3A_20 : memref<128xi32, #tpu.memory_space<hbm>>) target(%arg9 : memref<128xi32, #tpu.memory_space<vmem>>) target_semaphore(%arg17 : memref<!tpu.dma_semaphore, #tpu.memory_space<semaphore_mem>>)
    %dma_start3A_21 = tpu.memref_slice %arg4[%add3A_18] : memref<320000xi32, #tpu.memory_space<hbm>> -> memref<128xi32, #tpu.memory_space<hbm>>
    %dma_start3A_22 = tpu.memref_slice %arg4[%add3A_18] : memref<320000xi32, #tpu.memory_space<hbm>> -> memref<128xi32, #tpu.memory_space<hbm>>
    tpu.enqueue_dma source(%dma_start3A_22 : memref<128xi32, #tpu.memory_space<hbm>>) target(%arg11 : memref<128xi32, #tpu.memory_space<vmem>>) target_semaphore(%arg19 : memref<!tpu.dma_semaphore, #tpu.memory_space<semaphore_mem>>)
    %dma_wait3A = arith.constant 0 : i32
    %dma_wait3A_23 = tpu.memref_slice %arg3[%dma_wait3A] : memref<320000xi32, #tpu.memory_space<hbm>> -> memref<128xi32, #tpu.memory_space<hbm>>
    %dma_wait3A_24 = arith.constant 0 : i32
    %dma_wait3A_25 = tpu.memref_slice %arg3[%dma_wait3A_24] : memref<320000xi32, #tpu.memory_space<hbm>> -> memref<128xi32, #tpu.memory_space<hbm>>
    tpu.wait_dma2 semaphore(%arg16 : memref<!tpu.dma_semaphore, #tpu.memory_space<semaphore_mem>>) src(%dma_wait3A_25 : memref<128xi32, #tpu.memory_space<hbm>>) dst(%arg8 : memref<128xi32, #tpu.memory_space<vmem>>)
    %dma_start3A_26 = arith.constant 0 : i32
    %dma_start3A_27 = arith.constant 0 : i32
    %dma_start3A_28 = tpu.memref_slice %arg2[%dma_start3A_26, %dma_start3A_27] : memref<10000x128xf32, #tpu.memory_space<hbm>> -> memref<10000x128xf32, #tpu.memory_space<hbm>>
    tpu.enqueue_indirect_dma source(%dma_start3A_28 : memref<10000x128xf32, #tpu.memory_space<hbm>>) target(%arg14 : memref<128x128xf32, #tpu.memory_space<vmem>>) offsets(%arg8 : memref<128xi32, #tpu.memory_space<vmem>>) semaphore(%arg20 : memref<!tpu.dma_semaphore, #tpu.memory_space<semaphore_mem>>)
    %dma_wait3A_29 = arith.constant 0 : i32
    %dma_wait3A_30 = tpu.memref_slice %arg3[%dma_wait3A_29] : memref<320000xi32, #tpu.memory_space<hbm>> -> memref<128xi32, #tpu.memory_space<hbm>>
    %dma_wait3A_31 = arith.constant 0 : i32
    %dma_wait3A_32 = tpu.memref_slice %arg3[%dma_wait3A_31] : memref<320000xi32, #tpu.memory_space<hbm>> -> memref<128xi32, #tpu.memory_space<hbm>>
    tpu.wait_dma2 semaphore(%arg17 : memref<!tpu.dma_semaphore, #tpu.memory_space<semaphore_mem>>) src(%dma_wait3A_32 : memref<128xi32, #tpu.memory_space<hbm>>) dst(%arg9 : memref<128xi32, #tpu.memory_space<vmem>>)
    %dma_start3A_33 = arith.constant 0 : i32
    %dma_start3A_34 = arith.constant 0 : i32
    %dma_start3A_35 = tpu.memref_slice %arg2[%dma_start3A_33, %dma_start3A_34] : memref<10000x128xf32, #tpu.memory_space<hbm>> -> memref<10000x128xf32, #tpu.memory_space<hbm>>
    tpu.enqueue_indirect_dma source(%dma_start3A_35 : memref<10000x128xf32, #tpu.memory_space<hbm>>) target(%arg15 : memref<128x128xf32, #tpu.memory_space<vmem>>) offsets(%arg9 : memref<128xi32, #tpu.memory_space<vmem>>) semaphore(%arg21 : memref<!tpu.dma_semaphore, #tpu.memory_space<semaphore_mem>>)
    %barrier3A = arith.constant 0 : index
    tpu.barrier barrier_id(%barrier3A)
    %scan3A = arith.constant 0 : i32
    %scan3A_36 = arith.constant 0 : i32
    %scan3A_37 = arith.constant 76 : i32
    %scan3A_38 = arith.addi %scan3A_36, %scan3A_37 : i32
    %scan3A_39 = arith.constant 1 : i32
    %scan3A_40 = scf.for %scan3A_99 = %scan3A_36 to %scan3A_38 step %scan3A_39 iter_args(%scan3A_100 = %scan3A) -> (i32)  : i32 {
      %jit3A = arith.constant 2 : i32
      %eq3A_101 = arith.constant 0 : i32
      %eq3A_102 = arith.cmpi eq, %jit3A, %eq3A_101 : i32
      %jit3A_103 = arith.constant 1 : i32
      %select_n3A = arith.select %eq3A_102, %jit3A_103, %jit3A : i32
      %rem3A = arith.remsi %scan3A_99, %select_n3A : i32
      %ne3A = arith.constant 0 : i32
      %ne3A_104 = arith.cmpi ne, %rem3A, %ne3A : i32
      %lt3A_105 = arith.constant 0 : i32
      %lt3A_106 = arith.cmpi slt, %rem3A, %lt3A_105 : i32
      %lt3A_107 = arith.constant 0 : i32
      %lt3A_108 = arith.cmpi slt, %select_n3A, %lt3A_107 : i32
      %ne3A_109 = arith.xori %lt3A_106, %lt3A_108 : i1
      %and3A = arith.andi %ne3A_109, %ne3A_104 : i1
      %add3A_110 = arith.addi %rem3A, %select_n3A : i32
      %select_n3A_111 = arith.select %and3A, %add3A_110, %rem3A : i32
      %eq3A_112 = arith.constant 0 : i32
      %eq3A_113 = arith.cmpi eq, %select_n3A_111, %eq3A_112 : i32
      %convert_element_type3A_114 = arith.extui %eq3A_113 : i1 to i32
      %cond3A_115 = arith.constant 0 : i32
      %cond3A_116 = arith.cmpi ne, %convert_element_type3A_114, %cond3A_115 : i32
      scf.if %cond3A_116 {
        %dma_wait3A_139 = arith.constant 0 : i32
        %dma_wait3A_140 = arith.constant 0 : i32
        %dma_wait3A_141 = tpu.memref_slice %arg2[%dma_wait3A_139, %dma_wait3A_140] : memref<10000x128xf32, #tpu.memory_space<hbm>> -> memref<128x128xf32, #tpu.memory_space<hbm>>
        %dma_wait3A_142 = arith.constant 0 : i32
        %dma_wait3A_143 = arith.constant 0 : i32
        %dma_wait3A_144 = tpu.memref_slice %arg2[%dma_wait3A_142, %dma_wait3A_143] : memref<10000x128xf32, #tpu.memory_space<hbm>> -> memref<128x128xf32, #tpu.memory_space<hbm>>
        tpu.wait_dma2 semaphore(%arg20 : memref<!tpu.dma_semaphore, #tpu.memory_space<semaphore_mem>>) src(%dma_wait3A_144 : memref<128x128xf32, #tpu.memory_space<hbm>>) dst(%arg14 : memref<128x128xf32, #tpu.memory_space<vmem>>)
        %add3A_145 = arith.constant 2 : i32
        %add3A_146 = arith.addi %scan3A_99, %add3A_145 : i32
        %mul3A_147 = arith.constant 128 : i32
        %mul3A_148 = arith.muli %add3A_146, %mul3A_147 : i32
        %add3A_149 = arith.addi %mul3A_11, %mul3A_148 : i32
        %dma_start3A_150 = tpu.memref_slice %arg3[%add3A_149] : memref<320000xi32, #tpu.memory_space<hbm>> -> memref<128xi32, #tpu.memory_space<hbm>>
        %dma_start3A_151 = tpu.memref_slice %arg3[%add3A_149] : memref<320000xi32, #tpu.memory_space<hbm>> -> memref<128xi32, #tpu.memory_space<hbm>>
        tpu.enqueue_dma source(%dma_start3A_151 : memref<128xi32, #tpu.memory_space<hbm>>) target(%arg8 : memref<128xi32, #tpu.memory_space<vmem>>) target_semaphore(%arg16 : memref<!tpu.dma_semaphore, #tpu.memory_space<semaphore_mem>>)
        %dma_wait3A_152 = arith.constant 0 : i32
        %dma_wait3A_153 = tpu.memref_slice %arg3[%dma_wait3A_152] : memref<320000xi32, #tpu.memory_space<hbm>> -> memref<128xi32, #tpu.memory_space<hbm>>
        %dma_wait3A_154 = arith.constant 0 : i32
        %dma_wait3A_155 = tpu.memref_slice %arg3[%dma_wait3A_154] : memref<320000xi32, #tpu.memory_space<hbm>> -> memref<128xi32, #tpu.memory_space<hbm>>
        tpu.wait_dma2 semaphore(%arg18 : memref<!tpu.dma_semaphore, #tpu.memory_space<semaphore_mem>>) src(%dma_wait3A_155 : memref<128xi32, #tpu.memory_space<hbm>>) dst(%arg10 : memref<128xi32, #tpu.memory_space<vmem>>)
        "tpu.region"() ({
          %run_scoped3A = tpu.sem_alloc : memref<!tpu.dma_semaphore, #tpu.memory_space<semaphore_mem>>
          %dma_start3A_165 = arith.constant 0 : i32
          %dma_start3A_166 = arith.constant 0 : i32
          %dma_start3A_167 = tpu.memref_slice %arg7[%dma_start3A_165, %dma_start3A_166] : memref<10000x128xf32, #tpu.memory_space<vmem_shared>> -> memref<10000x128xf32, #tpu.memory_space<vmem_shared>>
          tpu.enqueue_indirect_dma source(%arg14 : memref<128x128xf32, #tpu.memory_space<vmem>>) target(%dma_start3A_167 : memref<10000x128xf32, #tpu.memory_space<vmem_shared>>) offsets(%arg10 : memref<128xi32, #tpu.memory_space<vmem>>) semaphore(%run_scoped3A : memref<!tpu.dma_semaphore, #tpu.memory_space<semaphore_mem>>) {add = true}
          %dma_wait3A_168 = arith.constant 0 : i32
          %dma_wait3A_169 = arith.constant 0 : i32
          %dma_wait3A_170 = tpu.memref_slice %arg7[%dma_wait3A_168, %dma_wait3A_169] : memref<10000x128xf32, #tpu.memory_space<vmem_shared>> -> memref<10000x128xf32, #tpu.memory_space<vmem_shared>>
          tpu.wait_indirect_dma semaphore(%run_scoped3A : memref<!tpu.dma_semaphore, #tpu.memory_space<semaphore_mem>>) src(%arg14 : memref<128x128xf32, #tpu.memory_space<vmem>>) dst(%dma_wait3A_170 : memref<10000x128xf32, #tpu.memory_space<vmem_shared>>)
          tpu.yield
        }) : () -> ()
        %dma_start3A_156 = tpu.memref_slice %arg4[%add3A_149] : memref<320000xi32, #tpu.memory_space<hbm>> -> memref<128xi32, #tpu.memory_space<hbm>>
        %dma_start3A_157 = tpu.memref_slice %arg4[%add3A_149] : memref<320000xi32, #tpu.memory_space<hbm>> -> memref<128xi32, #tpu.memory_space<hbm>>
        tpu.enqueue_dma source(%dma_start3A_157 : memref<128xi32, #tpu.memory_space<hbm>>) target(%arg10 : memref<128xi32, #tpu.memory_space<vmem>>) target_semaphore(%arg18 : memref<!tpu.dma_semaphore, #tpu.memory_space<semaphore_mem>>)
        %dma_wait3A_158 = arith.constant 0 : i32
        %dma_wait3A_159 = tpu.memref_slice %arg3[%dma_wait3A_158] : memref<320000xi32, #tpu.memory_space<hbm>> -> memref<128xi32, #tpu.memory_space<hbm>>
        %dma_wait3A_160 = arith.constant 0 : i32
        %dma_wait3A_161 = tpu.memref_slice %arg3[%dma_wait3A_160] : memref<320000xi32, #tpu.memory_space<hbm>> -> memref<128xi32, #tpu.memory_space<hbm>>
        tpu.wait_dma2 semaphore(%arg16 : memref<!tpu.dma_semaphore, #tpu.memory_space<semaphore_mem>>) src(%dma_wait3A_161 : memref<128xi32, #tpu.memory_space<hbm>>) dst(%arg8 : memref<128xi32, #tpu.memory_space<vmem>>)
        %dma_start3A_162 = arith.constant 0 : i32
        %dma_start3A_163 = arith.constant 0 : i32
        %dma_start3A_164 = tpu.memref_slice %arg2[%dma_start3A_162, %dma_start3A_163] : memref<10000x128xf32, #tpu.memory_space<hbm>> -> memref<10000x128xf32, #tpu.memory_space<hbm>>
        tpu.enqueue_indirect_dma source(%dma_start3A_164 : memref<10000x128xf32, #tpu.memory_space<hbm>>) target(%arg14 : memref<128x128xf32, #tpu.memory_space<vmem>>) offsets(%arg8 : memref<128xi32, #tpu.memory_space<vmem>>) semaphore(%arg20 : memref<!tpu.dma_semaphore, #tpu.memory_space<semaphore_mem>>)
      } else {
      }
      %jit3A_117 = arith.constant 2 : i32
      %eq3A_118 = arith.constant 0 : i32
      %eq3A_119 = arith.cmpi eq, %jit3A_117, %eq3A_118 : i32
      %jit3A_120 = arith.constant 1 : i32
      %select_n3A_121 = arith.select %eq3A_119, %jit3A_120, %jit3A_117 : i32
      %rem3A_122 = arith.remsi %scan3A_99, %select_n3A_121 : i32
      %ne3A_123 = arith.constant 0 : i32
      %ne3A_124 = arith.cmpi ne, %rem3A_122, %ne3A_123 : i32
      %lt3A_125 = arith.constant 0 : i32
      %lt3A_126 = arith.cmpi slt, %rem3A_122, %lt3A_125 : i32
      %lt3A_127 = arith.constant 0 : i32
      %lt3A_128 = arith.cmpi slt, %select_n3A_121, %lt3A_127 : i32
      %ne3A_129 = arith.xori %lt3A_126, %lt3A_128 : i1
      %and3A_130 = arith.andi %ne3A_129, %ne3A_124 : i1
      %add3A_131 = arith.addi %rem3A_122, %select_n3A_121 : i32
      %select_n3A_132 = arith.select %and3A_130, %add3A_131, %rem3A_122 : i32
      %eq3A_133 = arith.constant 1 : i32
      %eq3A_134 = arith.cmpi eq, %select_n3A_132, %eq3A_133 : i32
      %convert_element_type3A_135 = arith.extui %eq3A_134 : i1 to i32
      %cond3A_136 = arith.constant 0 : i32
      %cond3A_137 = arith.cmpi ne, %convert_element_type3A_135, %cond3A_136 : i32
      scf.if %cond3A_137 {
        %dma_wait3A_139 = arith.constant 0 : i32
        %dma_wait3A_140 = arith.constant 0 : i32
        %dma_wait3A_141 = tpu.memref_slice %arg2[%dma_wait3A_139, %dma_wait3A_140] : memref<10000x128xf32, #tpu.memory_space<hbm>> -> memref<128x128xf32, #tpu.memory_space<hbm>>
        %dma_wait3A_142 = arith.constant 0 : i32
        %dma_wait3A_143 = arith.constant 0 : i32
        %dma_wait3A_144 = tpu.memref_slice %arg2[%dma_wait3A_142, %dma_wait3A_143] : memref<10000x128xf32, #tpu.memory_space<hbm>> -> memref<128x128xf32, #tpu.memory_space<hbm>>
        tpu.wait_dma2 semaphore(%arg21 : memref<!tpu.dma_semaphore, #tpu.memory_space<semaphore_mem>>) src(%dma_wait3A_144 : memref<128x128xf32, #tpu.memory_space<hbm>>) dst(%arg15 : memref<128x128xf32, #tpu.memory_space<vmem>>)
        %add3A_145 = arith.constant 2 : i32
        %add3A_146 = arith.addi %scan3A_99, %add3A_145 : i32
        %mul3A_147 = arith.constant 128 : i32
        %mul3A_148 = arith.muli %add3A_146, %mul3A_147 : i32
        %add3A_149 = arith.addi %mul3A_11, %mul3A_148 : i32
        %dma_start3A_150 = tpu.memref_slice %arg3[%add3A_149] : memref<320000xi32, #tpu.memory_space<hbm>> -> memref<128xi32, #tpu.memory_space<hbm>>
        %dma_start3A_151 = tpu.memref_slice %arg3[%add3A_149] : memref<320000xi32, #tpu.memory_space<hbm>> -> memref<128xi32, #tpu.memory_space<hbm>>
        tpu.enqueue_dma source(%dma_start3A_151 : memref<128xi32, #tpu.memory_space<hbm>>) target(%arg9 : memref<128xi32, #tpu.memory_space<vmem>>) target_semaphore(%arg17 : memref<!tpu.dma_semaphore, #tpu.memory_space<semaphore_mem>>)
        %dma_wait3A_152 = arith.constant 0 : i32
        %dma_wait3A_153 = tpu.memref_slice %arg3[%dma_wait3A_152] : memref<320000xi32, #tpu.memory_space<hbm>> -> memref<128xi32, #tpu.memory_space<hbm>>
        %dma_wait3A_154 = arith.constant 0 : i32
        %dma_wait3A_155 = tpu.memref_slice %arg3[%dma_wait3A_154] : memref<320000xi32, #tpu.memory_space<hbm>> -> memref<128xi32, #tpu.memory_space<hbm>>
        tpu.wait_dma2 semaphore(%arg19 : memref<!tpu.dma_semaphore, #tpu.memory_space<semaphore_mem>>) src(%dma_wait3A_155 : memref<128xi32, #tpu.memory_space<hbm>>) dst(%arg11 : memref<128xi32, #tpu.memory_space<vmem>>)
        "tpu.region"() ({
          %run_scoped3A = tpu.sem_alloc : memref<!tpu.dma_semaphore, #tpu.memory_space<semaphore_mem>>
          %dma_start3A_165 = arith.constant 0 : i32
          %dma_start3A_166 = arith.constant 0 : i32
          %dma_start3A_167 = tpu.memref_slice %arg7[%dma_start3A_165, %dma_start3A_166] : memref<10000x128xf32, #tpu.memory_space<vmem_shared>> -> memref<10000x128xf32, #tpu.memory_space<vmem_shared>>
          tpu.enqueue_indirect_dma source(%arg15 : memref<128x128xf32, #tpu.memory_space<vmem>>) target(%dma_start3A_167 : memref<10000x128xf32, #tpu.memory_space<vmem_shared>>) offsets(%arg11 : memref<128xi32, #tpu.memory_space<vmem>>) semaphore(%run_scoped3A : memref<!tpu.dma_semaphore, #tpu.memory_space<semaphore_mem>>) {add = true}
          %dma_wait3A_168 = arith.constant 0 : i32
          %dma_wait3A_169 = arith.constant 0 : i32
          %dma_wait3A_170 = tpu.memref_slice %arg7[%dma_wait3A_168, %dma_wait3A_169] : memref<10000x128xf32, #tpu.memory_space<vmem_shared>> -> memref<10000x128xf32, #tpu.memory_space<vmem_shared>>
          tpu.wait_indirect_dma semaphore(%run_scoped3A : memref<!tpu.dma_semaphore, #tpu.memory_space<semaphore_mem>>) src(%arg15 : memref<128x128xf32, #tpu.memory_space<vmem>>) dst(%dma_wait3A_170 : memref<10000x128xf32, #tpu.memory_space<vmem_shared>>)
          tpu.yield
        }) : () -> ()
        %dma_start3A_156 = tpu.memref_slice %arg4[%add3A_149] : memref<320000xi32, #tpu.memory_space<hbm>> -> memref<128xi32, #tpu.memory_space<hbm>>
        %dma_start3A_157 = tpu.memref_slice %arg4[%add3A_149] : memref<320000xi32, #tpu.memory_space<hbm>> -> memref<128xi32, #tpu.memory_space<hbm>>
        tpu.enqueue_dma source(%dma_start3A_157 : memref<128xi32, #tpu.memory_space<hbm>>) target(%arg11 : memref<128xi32, #tpu.memory_space<vmem>>) target_semaphore(%arg19 : memref<!tpu.dma_semaphore, #tpu.memory_space<semaphore_mem>>)
        %dma_wait3A_158 = arith.constant 0 : i32
        %dma_wait3A_159 = tpu.memref_slice %arg3[%dma_wait3A_158] : memref<320000xi32, #tpu.memory_space<hbm>> -> memref<128xi32, #tpu.memory_space<hbm>>
        %dma_wait3A_160 = arith.constant 0 : i32
        %dma_wait3A_161 = tpu.memref_slice %arg3[%dma_wait3A_160] : memref<320000xi32, #tpu.memory_space<hbm>> -> memref<128xi32, #tpu.memory_space<hbm>>
        tpu.wait_dma2 semaphore(%arg17 : memref<!tpu.dma_semaphore, #tpu.memory_space<semaphore_mem>>) src(%dma_wait3A_161 : memref<128xi32, #tpu.memory_space<hbm>>) dst(%arg9 : memref<128xi32, #tpu.memory_space<vmem>>)
        %dma_start3A_162 = arith.constant 0 : i32
        %dma_start3A_163 = arith.constant 0 : i32
        %dma_start3A_164 = tpu.memref_slice %arg2[%dma_start3A_162, %dma_start3A_163] : memref<10000x128xf32, #tpu.memory_space<hbm>> -> memref<10000x128xf32, #tpu.memory_space<hbm>>
        tpu.enqueue_indirect_dma source(%dma_start3A_164 : memref<10000x128xf32, #tpu.memory_space<hbm>>) target(%arg15 : memref<128x128xf32, #tpu.memory_space<vmem>>) offsets(%arg9 : memref<128xi32, #tpu.memory_space<vmem>>) semaphore(%arg21 : memref<!tpu.dma_semaphore, #tpu.memory_space<semaphore_mem>>)
      } else {
      }
      %scan3A_138 = arith.constant 0 : i32
      scf.yield %scan3A_138 : i32
    }
    %scan3A_41 = arith.constant 76 : i32
    %dma_wait3A_42 = arith.constant 0 : i32
    %dma_wait3A_43 = arith.constant 0 : i32
    %dma_wait3A_44 = tpu.memref_slice %arg2[%dma_wait3A_42, %dma_wait3A_43] : memref<10000x128xf32, #tpu.memory_space<hbm>> -> memref<128x128xf32, #tpu.memory_space<hbm>>
    %dma_wait3A_45 = arith.constant 0 : i32
    %dma_wait3A_46 = arith.constant 0 : i32
    %dma_wait3A_47 = tpu.memref_slice %arg2[%dma_wait3A_45, %dma_wait3A_46] : memref<10000x128xf32, #tpu.memory_space<hbm>> -> memref<128x128xf32, #tpu.memory_space<hbm>>
    tpu.wait_dma2 semaphore(%arg20 : memref<!tpu.dma_semaphore, #tpu.memory_space<semaphore_mem>>) src(%dma_wait3A_47 : memref<128x128xf32, #tpu.memory_space<hbm>>) dst(%arg14 : memref<128x128xf32, #tpu.memory_space<vmem>>)
    %dma_wait3A_48 = arith.constant 0 : i32
    %dma_wait3A_49 = tpu.memref_slice %arg3[%dma_wait3A_48] : memref<320000xi32, #tpu.memory_space<hbm>> -> memref<128xi32, #tpu.memory_space<hbm>>
    %dma_wait3A_50 = arith.constant 0 : i32
    %dma_wait3A_51 = tpu.memref_slice %arg3[%dma_wait3A_50] : memref<320000xi32, #tpu.memory_space<hbm>> -> memref<128xi32, #tpu.memory_space<hbm>>
    tpu.wait_dma2 semaphore(%arg18 : memref<!tpu.dma_semaphore, #tpu.memory_space<semaphore_mem>>) src(%dma_wait3A_51 : memref<128xi32, #tpu.memory_space<hbm>>) dst(%arg10 : memref<128xi32, #tpu.memory_space<vmem>>)
    "tpu.region"() ({
      %run_scoped3A = tpu.sem_alloc : memref<!tpu.dma_semaphore, #tpu.memory_space<semaphore_mem>>
      %dma_start3A_99 = arith.constant 0 : i32
      %dma_start3A_100 = arith.constant 0 : i32
      %dma_start3A_101 = tpu.memref_slice %arg7[%dma_start3A_99, %dma_start3A_100] : memref<10000x128xf32, #tpu.memory_space<vmem_shared>> -> memref<10000x128xf32, #tpu.memory_space<vmem_shared>>
      tpu.enqueue_indirect_dma source(%arg14 : memref<128x128xf32, #tpu.memory_space<vmem>>) target(%dma_start3A_101 : memref<10000x128xf32, #tpu.memory_space<vmem_shared>>) offsets(%arg10 : memref<128xi32, #tpu.memory_space<vmem>>) semaphore(%run_scoped3A : memref<!tpu.dma_semaphore, #tpu.memory_space<semaphore_mem>>) {add = true}
      %dma_wait3A_102 = arith.constant 0 : i32
      %dma_wait3A_103 = arith.constant 0 : i32
      %dma_wait3A_104 = tpu.memref_slice %arg7[%dma_wait3A_102, %dma_wait3A_103] : memref<10000x128xf32, #tpu.memory_space<vmem_shared>> -> memref<10000x128xf32, #tpu.memory_space<vmem_shared>>
      tpu.wait_indirect_dma semaphore(%run_scoped3A : memref<!tpu.dma_semaphore, #tpu.memory_space<semaphore_mem>>) src(%arg14 : memref<128x128xf32, #tpu.memory_space<vmem>>) dst(%dma_wait3A_104 : memref<10000x128xf32, #tpu.memory_space<vmem_shared>>)
      tpu.yield
    }) : () -> ()
    %dma_wait3A_52 = arith.constant 0 : i32
    %dma_wait3A_53 = arith.constant 0 : i32
    %dma_wait3A_54 = tpu.memref_slice %arg2[%dma_wait3A_52, %dma_wait3A_53] : memref<10000x128xf32, #tpu.memory_space<hbm>> -> memref<128x128xf32, #tpu.memory_space<hbm>>
    %dma_wait3A_55 = arith.constant 0 : i32
    %dma_wait3A_56 = arith.constant 0 : i32
    %dma_wait3A_57 = tpu.memref_slice %arg2[%dma_wait3A_55, %dma_wait3A_56] : memref<10000x128xf32, #tpu.memory_space<hbm>> -> memref<128x128xf32, #tpu.memory_space<hbm>>
    tpu.wait_dma2 semaphore(%arg21 : memref<!tpu.dma_semaphore, #tpu.memory_space<semaphore_mem>>) src(%dma_wait3A_57 : memref<128x128xf32, #tpu.memory_space<hbm>>) dst(%arg15 : memref<128x128xf32, #tpu.memory_space<vmem>>)
    %dma_wait3A_58 = arith.constant 0 : i32
    %dma_wait3A_59 = tpu.memref_slice %arg3[%dma_wait3A_58] : memref<320000xi32, #tpu.memory_space<hbm>> -> memref<128xi32, #tpu.memory_space<hbm>>
    %dma_wait3A_60 = arith.constant 0 : i32
    %dma_wait3A_61 = tpu.memref_slice %arg3[%dma_wait3A_60] : memref<320000xi32, #tpu.memory_space<hbm>> -> memref<128xi32, #tpu.memory_space<hbm>>
    tpu.wait_dma2 semaphore(%arg19 : memref<!tpu.dma_semaphore, #tpu.memory_space<semaphore_mem>>) src(%dma_wait3A_61 : memref<128xi32, #tpu.memory_space<hbm>>) dst(%arg11 : memref<128xi32, #tpu.memory_space<vmem>>)
    "tpu.region"() ({
      %run_scoped3A = tpu.sem_alloc : memref<!tpu.dma_semaphore, #tpu.memory_space<semaphore_mem>>
      %dma_start3A_99 = arith.constant 0 : i32
      %dma_start3A_100 = arith.constant 0 : i32
      %dma_start3A_101 = tpu.memref_slice %arg7[%dma_start3A_99, %dma_start3A_100] : memref<10000x128xf32, #tpu.memory_space<vmem_shared>> -> memref<10000x128xf32, #tpu.memory_space<vmem_shared>>
      tpu.enqueue_indirect_dma source(%arg15 : memref<128x128xf32, #tpu.memory_space<vmem>>) target(%dma_start3A_101 : memref<10000x128xf32, #tpu.memory_space<vmem_shared>>) offsets(%arg11 : memref<128xi32, #tpu.memory_space<vmem>>) semaphore(%run_scoped3A : memref<!tpu.dma_semaphore, #tpu.memory_space<semaphore_mem>>) {add = true}
      %dma_wait3A_102 = arith.constant 0 : i32
      %dma_wait3A_103 = arith.constant 0 : i32
      %dma_wait3A_104 = tpu.memref_slice %arg7[%dma_wait3A_102, %dma_wait3A_103] : memref<10000x128xf32, #tpu.memory_space<vmem_shared>> -> memref<10000x128xf32, #tpu.memory_space<vmem_shared>>
      tpu.wait_indirect_dma semaphore(%run_scoped3A : memref<!tpu.dma_semaphore, #tpu.memory_space<semaphore_mem>>) src(%arg15 : memref<128x128xf32, #tpu.memory_space<vmem>>) dst(%dma_wait3A_104 : memref<10000x128xf32, #tpu.memory_space<vmem_shared>>)
      tpu.yield
    }) : () -> ()
    %add3A_62 = arith.constant 9984 : i32
    %add3A_63 = arith.addi %mul3A_11, %add3A_62 : i32
    %dma_start3A_64 = tpu.memref_slice %arg3[%add3A_63] : memref<320000xi32, #tpu.memory_space<hbm>> -> memref<16xi32, #tpu.memory_space<hbm>>
    %dma_start3A_65 = tpu.memref_slice %arg3[%add3A_63] : memref<320000xi32, #tpu.memory_space<hbm>> -> memref<16xi32, #tpu.memory_space<hbm>>
    tpu.enqueue_dma source(%dma_start3A_65 : memref<16xi32, #tpu.memory_space<hbm>>) target(%arg12 : memref<16xi32, #tpu.memory_space<vmem>>) target_semaphore(%arg16 : memref<!tpu.dma_semaphore, #tpu.memory_space<semaphore_mem>>)
    %dma_start3A_66 = tpu.memref_slice %arg4[%add3A_63] : memref<320000xi32, #tpu.memory_space<hbm>> -> memref<16xi32, #tpu.memory_space<hbm>>
    %dma_start3A_67 = tpu.memref_slice %arg4[%add3A_63] : memref<320000xi32, #tpu.memory_space<hbm>> -> memref<16xi32, #tpu.memory_space<hbm>>
    tpu.enqueue_dma source(%dma_start3A_67 : memref<16xi32, #tpu.memory_space<hbm>>) target(%arg13 : memref<16xi32, #tpu.memory_space<vmem>>) target_semaphore(%arg18 : memref<!tpu.dma_semaphore, #tpu.memory_space<semaphore_mem>>)
    %dma_wait3A_68 = arith.constant 0 : i32
    %dma_wait3A_69 = tpu.memref_slice %arg3[%dma_wait3A_68] : memref<320000xi32, #tpu.memory_space<hbm>> -> memref<16xi32, #tpu.memory_space<hbm>>
    %dma_wait3A_70 = arith.constant 0 : i32
    %dma_wait3A_71 = tpu.memref_slice %arg3[%dma_wait3A_70] : memref<320000xi32, #tpu.memory_space<hbm>> -> memref<16xi32, #tpu.memory_space<hbm>>
    tpu.wait_dma2 semaphore(%arg16 : memref<!tpu.dma_semaphore, #tpu.memory_space<semaphore_mem>>) src(%dma_wait3A_71 : memref<16xi32, #tpu.memory_space<hbm>>) dst(%arg12 : memref<16xi32, #tpu.memory_space<vmem>>)
    %dma_start3A_72 = arith.constant 0 : i32
    %dma_start3A_73 = arith.constant 0 : i32
    %dma_start3A_74 = tpu.memref_slice %arg14[%dma_start3A_72, %dma_start3A_73] : memref<128x128xf32, #tpu.memory_space<vmem>> -> memref<16x128xf32, #tpu.memory_space<vmem>>
    %dma_start3A_75 = arith.constant 0 : i32
    %dma_start3A_76 = arith.constant 0 : i32
    %dma_start3A_77 = tpu.memref_slice %arg2[%dma_start3A_75, %dma_start3A_76] : memref<10000x128xf32, #tpu.memory_space<hbm>> -> memref<10000x128xf32, #tpu.memory_space<hbm>>
    tpu.enqueue_indirect_dma source(%dma_start3A_77 : memref<10000x128xf32, #tpu.memory_space<hbm>>) target(%dma_start3A_74 : memref<16x128xf32, #tpu.memory_space<vmem>>) offsets(%arg12 : memref<16xi32, #tpu.memory_space<vmem>>) semaphore(%arg20 : memref<!tpu.dma_semaphore, #tpu.memory_space<semaphore_mem>>)
    %dma_wait3A_78 = arith.constant 0 : i32
    %dma_wait3A_79 = arith.constant 0 : i32
    %dma_wait3A_80 = tpu.memref_slice %arg14[%dma_wait3A_78, %dma_wait3A_79] : memref<128x128xf32, #tpu.memory_space<vmem>> -> memref<16x128xf32, #tpu.memory_space<vmem>>
    %dma_wait3A_81 = arith.constant 0 : i32
    %dma_wait3A_82 = arith.constant 0 : i32
    %dma_wait3A_83 = tpu.memref_slice %arg2[%dma_wait3A_81, %dma_wait3A_82] : memref<10000x128xf32, #tpu.memory_space<hbm>> -> memref<10000x128xf32, #tpu.memory_space<hbm>>
    tpu.wait_indirect_dma semaphore(%arg20 : memref<!tpu.dma_semaphore, #tpu.memory_space<semaphore_mem>>) src(%dma_wait3A_83 : memref<10000x128xf32, #tpu.memory_space<hbm>>) dst(%dma_wait3A_80 : memref<16x128xf32, #tpu.memory_space<vmem>>)
    %dma_wait3A_84 = arith.constant 0 : i32
    %dma_wait3A_85 = tpu.memref_slice %arg4[%dma_wait3A_84] : memref<320000xi32, #tpu.memory_space<hbm>> -> memref<16xi32, #tpu.memory_space<hbm>>
    %dma_wait3A_86 = arith.constant 0 : i32
    %dma_wait3A_87 = tpu.memref_slice %arg4[%dma_wait3A_86] : memref<320000xi32, #tpu.memory_space<hbm>> -> memref<16xi32, #tpu.memory_space<hbm>>
    tpu.wait_dma2 semaphore(%arg18 : memref<!tpu.dma_semaphore, #tpu.memory_space<semaphore_mem>>) src(%dma_wait3A_87 : memref<16xi32, #tpu.memory_space<hbm>>) dst(%arg13 : memref<16xi32, #tpu.memory_space<vmem>>)
    "tpu.region"() ({
      %run_scoped3A = tpu.sem_alloc : memref<!tpu.dma_semaphore, #tpu.memory_space<semaphore_mem>>
      %dma_start3A_99 = arith.constant 0 : i32
      %dma_start3A_100 = arith.constant 0 : i32
      %dma_start3A_101 = tpu.memref_slice %arg14[%dma_start3A_99, %dma_start3A_100] : memref<128x128xf32, #tpu.memory_space<vmem>> -> memref<16x128xf32, #tpu.memory_space<vmem>>
      %dma_start3A_102 = arith.constant 0 : i32
      %dma_start3A_103 = arith.constant 0 : i32
      %dma_start3A_104 = tpu.memref_slice %arg7[%dma_start3A_102, %dma_start3A_103] : memref<10000x128xf32, #tpu.memory_space<vmem_shared>> -> memref<10000x128xf32, #tpu.memory_space<vmem_shared>>
      tpu.enqueue_indirect_dma source(%dma_start3A_101 : memref<16x128xf32, #tpu.memory_space<vmem>>) target(%dma_start3A_104 : memref<10000x128xf32, #tpu.memory_space<vmem_shared>>) offsets(%arg13 : memref<16xi32, #tpu.memory_space<vmem>>) semaphore(%run_scoped3A : memref<!tpu.dma_semaphore, #tpu.memory_space<semaphore_mem>>) {add = true}
      %dma_wait3A_105 = arith.constant 0 : i32
      %dma_wait3A_106 = arith.constant 0 : i32
      %dma_wait3A_107 = tpu.memref_slice %arg14[%dma_wait3A_105, %dma_wait3A_106] : memref<128x128xf32, #tpu.memory_space<vmem>> -> memref<16x128xf32, #tpu.memory_space<vmem>>
      %dma_wait3A_108 = arith.constant 0 : i32
      %dma_wait3A_109 = arith.constant 0 : i32
      %dma_wait3A_110 = tpu.memref_slice %arg7[%dma_wait3A_108, %dma_wait3A_109] : memref<10000x128xf32, #tpu.memory_space<vmem_shared>> -> memref<10000x128xf32, #tpu.memory_space<vmem_shared>>
      tpu.wait_indirect_dma semaphore(%run_scoped3A : memref<!tpu.dma_semaphore, #tpu.memory_space<semaphore_mem>>) src(%dma_wait3A_107 : memref<16x128xf32, #tpu.memory_space<vmem>>) dst(%dma_wait3A_110 : memref<10000x128xf32, #tpu.memory_space<vmem_shared>>)
      tpu.yield
    }) : () -> ()
    %barrier3A_88 = arith.constant 0 : index
    tpu.barrier barrier_id(%barrier3A_88)
    %lt3A_89 = arith.constant 15 : i32
    %lt3A_90 = arith.cmpi slt, %arg1, %lt3A_89 : i32
    %convert_element_type3A_91 = arith.extui %lt3A_90 : i1 to i32
    %cond3A_92 = arith.constant 0 : i32
    %cond3A_93 = arith.cmpi ne, %convert_element_type3A_91, %cond3A_92 : i32
    scf.if %cond3A_93 {
      %mul3A_99 = arith.constant 624 : i32
      %mul3A_100 = arith.muli %arg1, %mul3A_99 : i32
      %mul3A_101 = arith.constant 624 : i32
      %mul3A_102 = arith.muli %arg1, %mul3A_101 : i32
      "tpu.region"() ({
        %run_scoped3A = tpu.sem_alloc : memref<!tpu.dma_semaphore, #tpu.memory_space<semaphore_mem>>
        %dma_start3A_103 = arith.constant 0 : i32
        %dma_start3A_104 = tpu.memref_slice %arg6[%arg0, %mul3A_102, %dma_start3A_103] : memref<2x10000x128xf32, #tpu.memory_space<hbm>> -> memref<1x624x128xf32, #tpu.memory_space<hbm>>
        %dma_start3A_105 = tpu.memref_squeeze %dma_start3A_104 : memref<1x624x128xf32, #tpu.memory_space<hbm>> -> memref<624x128xf32, #tpu.memory_space<hbm>>
        %dma_start3A_106 = arith.constant 0 : i32
        %dma_start3A_107 = tpu.memref_slice %arg7[%mul3A_100, %dma_start3A_106] : memref<10000x128xf32, #tpu.memory_space<vmem_shared>> -> memref<624x128xf32, #tpu.memory_space<vmem_shared>>
        tpu.enqueue_dma source(%dma_start3A_107 : memref<624x128xf32, #tpu.memory_space<vmem_shared>>) target(%dma_start3A_105 : memref<624x128xf32, #tpu.memory_space<hbm>>) target_semaphore(%run_scoped3A : memref<!tpu.dma_semaphore, #tpu.memory_space<semaphore_mem>>)
        %dma_wait3A_108 = arith.constant 0 : i32
        %dma_wait3A_109 = tpu.memref_slice %arg6[%arg0, %mul3A_102, %dma_wait3A_108] : memref<2x10000x128xf32, #tpu.memory_space<hbm>> -> memref<1x624x128xf32, #tpu.memory_space<hbm>>
        %dma_wait3A_110 = tpu.memref_squeeze %dma_wait3A_109 : memref<1x624x128xf32, #tpu.memory_space<hbm>> -> memref<624x128xf32, #tpu.memory_space<hbm>>
        %dma_wait3A_111 = arith.constant 0 : i32
        %dma_wait3A_112 = tpu.memref_slice %arg7[%mul3A_100, %dma_wait3A_111] : memref<10000x128xf32, #tpu.memory_space<vmem_shared>> -> memref<624x128xf32, #tpu.memory_space<vmem_shared>>
        tpu.wait_dma2 semaphore(%run_scoped3A : memref<!tpu.dma_semaphore, #tpu.memory_space<semaphore_mem>>) src(%dma_wait3A_112 : memref<624x128xf32, #tpu.memory_space<vmem_shared>>) dst(%dma_wait3A_110 : memref<624x128xf32, #tpu.memory_space<hbm>>)
        tpu.yield
      }) : () -> ()
    } else {
    }
    %eq3A_94 = arith.constant 15 : i32
    %eq3A_95 = arith.cmpi eq, %arg1, %eq3A_94 : i32
    %convert_element_type3A_96 = arith.extui %eq3A_95 : i1 to i32
    %cond3A_97 = arith.constant 0 : i32
    %cond3A_98 = arith.cmpi ne, %convert_element_type3A_96, %cond3A_97 : i32
    scf.if %cond3A_98 {
      "tpu.region"() ({
        %run_scoped3A = tpu.sem_alloc : memref<!tpu.dma_semaphore, #tpu.memory_space<semaphore_mem>>
        %dma_start3A_99 = arith.constant 9360 : i32
        %dma_start3A_100 = arith.constant 0 : i32
        %dma_start3A_101 = tpu.memref_slice %arg6[%arg0, %dma_start3A_99, %dma_start3A_100] : memref<2x10000x128xf32, #tpu.memory_space<hbm>> -> memref<1x640x128xf32, #tpu.memory_space<hbm>>
        %dma_start3A_102 = tpu.memref_squeeze %dma_start3A_101 : memref<1x640x128xf32, #tpu.memory_space<hbm>> -> memref<640x128xf32, #tpu.memory_space<hbm>>
        %dma_start3A_103 = arith.constant 9360 : i32
        %dma_start3A_104 = arith.constant 0 : i32
        %dma_start3A_105 = tpu.memref_slice %arg7[%dma_start3A_103, %dma_start3A_104] : memref<10000x128xf32, #tpu.memory_space<vmem_shared>> -> memref<640x128xf32, #tpu.memory_space<vmem_shared>>
        tpu.enqueue_dma source(%dma_start3A_105 : memref<640x128xf32, #tpu.memory_space<vmem_shared>>) target(%dma_start3A_102 : memref<640x128xf32, #tpu.memory_space<hbm>>) target_semaphore(%run_scoped3A : memref<!tpu.dma_semaphore, #tpu.memory_space<semaphore_mem>>)
        %dma_wait3A_106 = arith.constant 9360 : i32
        %dma_wait3A_107 = arith.constant 0 : i32
        %dma_wait3A_108 = tpu.memref_slice %arg6[%arg0, %dma_wait3A_106, %dma_wait3A_107] : memref<2x10000x128xf32, #tpu.memory_space<hbm>> -> memref<1x640x128xf32, #tpu.memory_space<hbm>>
        %dma_wait3A_109 = tpu.memref_squeeze %dma_wait3A_108 : memref<1x640x128xf32, #tpu.memory_space<hbm>> -> memref<640x128xf32, #tpu.memory_space<hbm>>
        %dma_wait3A_110 = arith.constant 9360 : i32
        %dma_wait3A_111 = arith.constant 0 : i32
        %dma_wait3A_112 = tpu.memref_slice %arg7[%dma_wait3A_110, %dma_wait3A_111] : memref<10000x128xf32, #tpu.memory_space<vmem_shared>> -> memref<640x128xf32, #tpu.memory_space<vmem_shared>>
        tpu.wait_dma2 semaphore(%run_scoped3A : memref<!tpu.dma_semaphore, #tpu.memory_space<semaphore_mem>>) src(%dma_wait3A_112 : memref<640x128xf32, #tpu.memory_space<vmem_shared>>) dst(%dma_wait3A_109 : memref<640x128xf32, #tpu.memory_space<hbm>>)
        tpu.yield
      }) : () -> ()
    } else {
    }
    return
  }
}

#map = affine_map<(d0, d1) -> (0, 0)>
#map1 = affine_map<(d0, d1) -> (0)>
#map2 = affine_map<(d0, d1) -> (0, 0, 0)>
module attributes {stable_mosaic.version = 14 : i64} {
  func.func @_sc_segsum(%arg0: i32, %arg1: i32, %arg2: memref<10000x128xf32, #tpu.memory_space<hbm>>, %arg3: memref<320000xi32, #tpu.memory_space<hbm>>, %arg4: memref<320000xi32, #tpu.memory_space<hbm>>, %arg5: memref<10000x128xf32, #tpu.memory_space<hbm>>, %arg6: memref<2x10000x128xf32, #tpu.memory_space<hbm>>, %arg7: memref<10000x128xf32, #tpu.memory_space<vmem_shared>>, %arg8: memref<128xi32, #tpu.memory_space<vmem>>, %arg9: memref<128xi32, #tpu.memory_space<vmem>>, %arg10: memref<128xi32, #tpu.memory_space<vmem>>, %arg11: memref<128xi32, #tpu.memory_space<vmem>>, %arg12: memref<16xi32, #tpu.memory_space<vmem>>, %arg13: memref<16xi32, #tpu.memory_space<vmem>>, %arg14: memref<128x128xf32, #tpu.memory_space<vmem>>, %arg15: memref<128x128xf32, #tpu.memory_space<vmem>>, %arg16: memref<!tpu.dma_semaphore, #tpu.memory_space<semaphore_mem>>, %arg17: memref<!tpu.dma_semaphore, #tpu.memory_space<semaphore_mem>>, %arg18: memref<!tpu.dma_semaphore, #tpu.memory_space<semaphore_mem>>, %arg19: memref<!tpu.dma_semaphore, #tpu.memory_space<semaphore_mem>>, %arg20: memref<!tpu.dma_semaphore, #tpu.memory_space<semaphore_mem>>, %arg21: memref<!tpu.dma_semaphore, #tpu.memory_space<semaphore_mem>>) attributes {dimension_semantics = [#tpu.dimension_semantics<core_parallel>, #tpu.dimension_semantics<subcore_parallel>], iteration_bounds = array<i64: 2, 16>, scalar_prefetch = 0 : i64, scratch_operands = 15 : i64, tpu.core_type = #tpu.core_type<sc_vector_subcore>, window_params = [{transform_indices = #map}, {transform_indices = #map1}, {transform_indices = #map1}, {transform_indices = #map}, {transform_indices = #map2}]} {
    %mul3A = arith.constant 16 : i32
    %mul3A_0 = arith.muli %arg0, %mul3A : i32
    %add3A = arith.addi %mul3A_0, %arg1 : i32
    %lt3A = arith.constant 15 : i32
    %lt3A_1 = arith.cmpi slt, %arg1, %lt3A : i32
    %convert_element_type3A = arith.extui %lt3A_1 : i1 to i32
    %cond3A = arith.constant 0 : i32
    %cond3A_2 = arith.cmpi ne, %convert_element_type3A, %cond3A : i32
    scf.if %cond3A_2 {
      %mul3A_99 = arith.constant 624 : i32
      %mul3A_100 = arith.muli %arg1, %mul3A_99 : i32
      %mul3A_101 = arith.constant 624 : i32
      %mul3A_102 = arith.muli %arg1, %mul3A_101 : i32
      "tpu.region"() ({
        %run_scoped3A = tpu.sem_alloc : memref<!tpu.dma_semaphore, #tpu.memory_space<semaphore_mem>>
        %dma_start3A_103 = arith.constant 0 : i32
        %dma_start3A_104 = tpu.memref_slice %arg7[%mul3A_102, %dma_start3A_103] : memref<10000x128xf32, #tpu.memory_space<vmem_shared>> -> memref<624x128xf32, #tpu.memory_space<vmem_shared>>
        %dma_start3A_105 = arith.constant 0 : i32
        %dma_start3A_106 = tpu.memref_slice %arg5[%mul3A_100, %dma_start3A_105] : memref<10000x128xf32, #tpu.memory_space<hbm>> -> memref<624x128xf32, #tpu.memory_space<hbm>>
        tpu.enqueue_dma source(%dma_start3A_106 : memref<624x128xf32, #tpu.memory_space<hbm>>) target(%dma_start3A_104 : memref<624x128xf32, #tpu.memory_space<vmem_shared>>) target_semaphore(%run_scoped3A : memref<!tpu.dma_semaphore, #tpu.memory_space<semaphore_mem>>)
        %dma_wait3A_107 = arith.constant 0 : i32
        %dma_wait3A_108 = tpu.memref_slice %arg7[%mul3A_102, %dma_wait3A_107] : memref<10000x128xf32, #tpu.memory_space<vmem_shared>> -> memref<624x128xf32, #tpu.memory_space<vmem_shared>>
        %dma_wait3A_109 = arith.constant 0 : i32
        %dma_wait3A_110 = tpu.memref_slice %arg5[%mul3A_100, %dma_wait3A_109] : memref<10000x128xf32, #tpu.memory_space<hbm>> -> memref<624x128xf32, #tpu.memory_space<hbm>>
        tpu.wait_dma2 semaphore(%run_scoped3A : memref<!tpu.dma_semaphore, #tpu.memory_space<semaphore_mem>>) src(%dma_wait3A_110 : memref<624x128xf32, #tpu.memory_space<hbm>>) dst(%dma_wait3A_108 : memref<624x128xf32, #tpu.memory_space<vmem_shared>>)
        tpu.yield
      }) : () -> ()
    } else {
    }
    %eq3A = arith.constant 15 : i32
    %eq3A_3 = arith.cmpi eq, %arg1, %eq3A : i32
    %convert_element_type3A_4 = arith.extui %eq3A_3 : i1 to i32
    %cond3A_5 = arith.constant 0 : i32
    %cond3A_6 = arith.cmpi ne, %convert_element_type3A_4, %cond3A_5 : i32
    scf.if %cond3A_6 {
      "tpu.region"() ({
        %run_scoped3A = tpu.sem_alloc : memref<!tpu.dma_semaphore, #tpu.memory_space<semaphore_mem>>
        %dma_start3A_99 = arith.constant 9360 : i32
        %dma_start3A_100 = arith.constant 0 : i32
        %dma_start3A_101 = tpu.memref_slice %arg7[%dma_start3A_99, %dma_start3A_100] : memref<10000x128xf32, #tpu.memory_space<vmem_shared>> -> memref<640x128xf32, #tpu.memory_space<vmem_shared>>
        %dma_start3A_102 = arith.constant 9360 : i32
        %dma_start3A_103 = arith.constant 0 : i32
        %dma_start3A_104 = tpu.memref_slice %arg5[%dma_start3A_102, %dma_start3A_103] : memref<10000x128xf32, #tpu.memory_space<hbm>> -> memref<640x128xf32, #tpu.memory_space<hbm>>
        tpu.enqueue_dma source(%dma_start3A_104 : memref<640x128xf32, #tpu.memory_space<hbm>>) target(%dma_start3A_101 : memref<640x128xf32, #tpu.memory_space<vmem_shared>>) target_semaphore(%run_scoped3A : memref<!tpu.dma_semaphore, #tpu.memory_space<semaphore_mem>>)
        %dma_wait3A_105 = arith.constant 9360 : i32
        %dma_wait3A_106 = arith.constant 0 : i32
        %dma_wait3A_107 = tpu.memref_slice %arg7[%dma_wait3A_105, %dma_wait3A_106] : memref<10000x128xf32, #tpu.memory_space<vmem_shared>> -> memref<640x128xf32, #tpu.memory_space<vmem_shared>>
        %dma_wait3A_108 = arith.constant 9360 : i32
        %dma_wait3A_109 = arith.constant 0 : i32
        %dma_wait3A_110 = tpu.memref_slice %arg5[%dma_wait3A_108, %dma_wait3A_109] : memref<10000x128xf32, #tpu.memory_space<hbm>> -> memref<640x128xf32, #tpu.memory_space<hbm>>
        tpu.wait_dma2 semaphore(%run_scoped3A : memref<!tpu.dma_semaphore, #tpu.memory_space<semaphore_mem>>) src(%dma_wait3A_110 : memref<640x128xf32, #tpu.memory_space<hbm>>) dst(%dma_wait3A_107 : memref<640x128xf32, #tpu.memory_space<vmem_shared>>)
        tpu.yield
      }) : () -> ()
    } else {
    }
    %mul3A_7 = arith.constant 16 : i32
    %mul3A_8 = arith.muli %arg0, %mul3A_7 : i32
    %add3A_9 = arith.addi %mul3A_8, %arg1 : i32
    %mul3A_10 = arith.constant 10000 : i32
    %mul3A_11 = arith.muli %add3A_9, %mul3A_10 : i32
    %add3A_12 = arith.constant 0 : i32
    %add3A_13 = arith.addi %mul3A_11, %add3A_12 : i32
    %dma_start3A = tpu.memref_slice %arg3[%add3A_13] : memref<320000xi32, #tpu.memory_space<hbm>> -> memref<128xi32, #tpu.memory_space<hbm>>
    %dma_start3A_14 = tpu.memref_slice %arg3[%add3A_13] : memref<320000xi32, #tpu.memory_space<hbm>> -> memref<128xi32, #tpu.memory_space<hbm>>
    tpu.enqueue_dma source(%dma_start3A_14 : memref<128xi32, #tpu.memory_space<hbm>>) target(%arg8 : memref<128xi32, #tpu.memory_space<vmem>>) target_semaphore(%arg16 : memref<!tpu.dma_semaphore, #tpu.memory_space<semaphore_mem>>)
    %dma_start3A_15 = tpu.memref_slice %arg4[%add3A_13] : memref<320000xi32, #tpu.memory_space<hbm>> -> memref<128xi32, #tpu.memory_space<hbm>>
    %dma_start3A_16 = tpu.memref_slice %arg4[%add3A_13] : memref<320000xi32, #tpu.memory_space<hbm>> -> memref<128xi32, #tpu.memory_space<hbm>>
    tpu.enqueue_dma source(%dma_start3A_16 : memref<128xi32, #tpu.memory_space<hbm>>) target(%arg10 : memref<128xi32, #tpu.memory_space<vmem>>) target_semaphore(%arg18 : memref<!tpu.dma_semaphore, #tpu.memory_space<semaphore_mem>>)
    %add3A_17 = arith.constant 128 : i32
    %add3A_18 = arith.addi %mul3A_11, %add3A_17 : i32
    %dma_start3A_19 = tpu.memref_slice %arg3[%add3A_18] : memref<320000xi32, #tpu.memory_space<hbm>> -> memref<128xi32, #tpu.memory_space<hbm>>
    %dma_start3A_20 = tpu.memref_slice %arg3[%add3A_18] : memref<320000xi32, #tpu.memory_space<hbm>> -> memref<128xi32, #tpu.memory_space<hbm>>
    tpu.enqueue_dma source(%dma_start3A_20 : memref<128xi32, #tpu.memory_space<hbm>>) target(%arg9 : memref<128xi32, #tpu.memory_space<vmem>>) target_semaphore(%arg17 : memref<!tpu.dma_semaphore, #tpu.memory_space<semaphore_mem>>)
    %dma_start3A_21 = tpu.memref_slice %arg4[%add3A_18] : memref<320000xi32, #tpu.memory_space<hbm>> -> memref<128xi32, #tpu.memory_space<hbm>>
    %dma_start3A_22 = tpu.memref_slice %arg4[%add3A_18] : memref<320000xi32, #tpu.memory_space<hbm>> -> memref<128xi32, #tpu.memory_space<hbm>>
    tpu.enqueue_dma source(%dma_start3A_22 : memref<128xi32, #tpu.memory_space<hbm>>) target(%arg11 : memref<128xi32, #tpu.memory_space<vmem>>) target_semaphore(%arg19 : memref<!tpu.dma_semaphore, #tpu.memory_space<semaphore_mem>>)
    %dma_wait3A = arith.constant 0 : i32
    %dma_wait3A_23 = tpu.memref_slice %arg3[%dma_wait3A] : memref<320000xi32, #tpu.memory_space<hbm>> -> memref<128xi32, #tpu.memory_space<hbm>>
    %dma_wait3A_24 = arith.constant 0 : i32
    %dma_wait3A_25 = tpu.memref_slice %arg3[%dma_wait3A_24] : memref<320000xi32, #tpu.memory_space<hbm>> -> memref<128xi32, #tpu.memory_space<hbm>>
    tpu.wait_dma2 semaphore(%arg16 : memref<!tpu.dma_semaphore, #tpu.memory_space<semaphore_mem>>) src(%dma_wait3A_25 : memref<128xi32, #tpu.memory_space<hbm>>) dst(%arg8 : memref<128xi32, #tpu.memory_space<vmem>>)
    %dma_start3A_26 = arith.constant 0 : i32
    %dma_start3A_27 = arith.constant 0 : i32
    %dma_start3A_28 = tpu.memref_slice %arg2[%dma_start3A_26, %dma_start3A_27] : memref<10000x128xf32, #tpu.memory_space<hbm>> -> memref<10000x128xf32, #tpu.memory_space<hbm>>
    tpu.enqueue_indirect_dma source(%dma_start3A_28 : memref<10000x128xf32, #tpu.memory_space<hbm>>) target(%arg14 : memref<128x128xf32, #tpu.memory_space<vmem>>) offsets(%arg8 : memref<128xi32, #tpu.memory_space<vmem>>) semaphore(%arg20 : memref<!tpu.dma_semaphore, #tpu.memory_space<semaphore_mem>>)
    %dma_wait3A_29 = arith.constant 0 : i32
    %dma_wait3A_30 = tpu.memref_slice %arg3[%dma_wait3A_29] : memref<320000xi32, #tpu.memory_space<hbm>> -> memref<128xi32, #tpu.memory_space<hbm>>
    %dma_wait3A_31 = arith.constant 0 : i32
    %dma_wait3A_32 = tpu.memref_slice %arg3[%dma_wait3A_31] : memref<320000xi32, #tpu.memory_space<hbm>> -> memref<128xi32, #tpu.memory_space<hbm>>
    tpu.wait_dma2 semaphore(%arg17 : memref<!tpu.dma_semaphore, #tpu.memory_space<semaphore_mem>>) src(%dma_wait3A_32 : memref<128xi32, #tpu.memory_space<hbm>>) dst(%arg9 : memref<128xi32, #tpu.memory_space<vmem>>)
    %dma_start3A_33 = arith.constant 0 : i32
    %dma_start3A_34 = arith.constant 0 : i32
    %dma_start3A_35 = tpu.memref_slice %arg2[%dma_start3A_33, %dma_start3A_34] : memref<10000x128xf32, #tpu.memory_space<hbm>> -> memref<10000x128xf32, #tpu.memory_space<hbm>>
    tpu.enqueue_indirect_dma source(%dma_start3A_35 : memref<10000x128xf32, #tpu.memory_space<hbm>>) target(%arg15 : memref<128x128xf32, #tpu.memory_space<vmem>>) offsets(%arg9 : memref<128xi32, #tpu.memory_space<vmem>>) semaphore(%arg21 : memref<!tpu.dma_semaphore, #tpu.memory_space<semaphore_mem>>)
    %barrier3A = arith.constant 0 : index
    tpu.barrier barrier_id(%barrier3A)
    %scan3A = arith.constant 0 : i32
    %scan3A_36 = arith.constant 0 : i32
    %scan3A_37 = arith.constant 76 : i32
    %scan3A_38 = arith.addi %scan3A_36, %scan3A_37 : i32
    %scan3A_39 = arith.constant 1 : i32
    %scan3A_40 = scf.for %scan3A_99 = %scan3A_36 to %scan3A_38 step %scan3A_39 iter_args(%scan3A_100 = %scan3A) -> (i32)  : i32 {
      %jit3A = arith.constant 2 : i32
      %eq3A_101 = arith.constant 0 : i32
      %eq3A_102 = arith.cmpi eq, %jit3A, %eq3A_101 : i32
      %jit3A_103 = arith.constant 1 : i32
      %select_n3A = arith.select %eq3A_102, %jit3A_103, %jit3A : i32
      %rem3A = arith.remsi %scan3A_99, %select_n3A : i32
      %ne3A = arith.constant 0 : i32
      %ne3A_104 = arith.cmpi ne, %rem3A, %ne3A : i32
      %lt3A_105 = arith.constant 0 : i32
      %lt3A_106 = arith.cmpi slt, %rem3A, %lt3A_105 : i32
      %lt3A_107 = arith.constant 0 : i32
      %lt3A_108 = arith.cmpi slt, %select_n3A, %lt3A_107 : i32
      %ne3A_109 = arith.xori %lt3A_106, %lt3A_108 : i1
      %and3A = arith.andi %ne3A_109, %ne3A_104 : i1
      %add3A_110 = arith.addi %rem3A, %select_n3A : i32
      %select_n3A_111 = arith.select %and3A, %add3A_110, %rem3A : i32
      %eq3A_112 = arith.constant 0 : i32
      %eq3A_113 = arith.cmpi eq, %select_n3A_111, %eq3A_112 : i32
      %convert_element_type3A_114 = arith.extui %eq3A_113 : i1 to i32
      %cond3A_115 = arith.constant 0 : i32
      %cond3A_116 = arith.cmpi ne, %convert_element_type3A_114, %cond3A_115 : i32
      scf.if %cond3A_116 {
        %dma_wait3A_139 = arith.constant 0 : i32
        %dma_wait3A_140 = arith.constant 0 : i32
        %dma_wait3A_141 = tpu.memref_slice %arg2[%dma_wait3A_139, %dma_wait3A_140] : memref<10000x128xf32, #tpu.memory_space<hbm>> -> memref<128x128xf32, #tpu.memory_space<hbm>>
        %dma_wait3A_142 = arith.constant 0 : i32
        %dma_wait3A_143 = arith.constant 0 : i32
        %dma_wait3A_144 = tpu.memref_slice %arg2[%dma_wait3A_142, %dma_wait3A_143] : memref<10000x128xf32, #tpu.memory_space<hbm>> -> memref<128x128xf32, #tpu.memory_space<hbm>>
        tpu.wait_dma2 semaphore(%arg20 : memref<!tpu.dma_semaphore, #tpu.memory_space<semaphore_mem>>) src(%dma_wait3A_144 : memref<128x128xf32, #tpu.memory_space<hbm>>) dst(%arg14 : memref<128x128xf32, #tpu.memory_space<vmem>>)
        %add3A_145 = arith.constant 2 : i32
        %add3A_146 = arith.addi %scan3A_99, %add3A_145 : i32
        %mul3A_147 = arith.constant 128 : i32
        %mul3A_148 = arith.muli %add3A_146, %mul3A_147 : i32
        %add3A_149 = arith.addi %mul3A_11, %mul3A_148 : i32
        %dma_start3A_150 = tpu.memref_slice %arg3[%add3A_149] : memref<320000xi32, #tpu.memory_space<hbm>> -> memref<128xi32, #tpu.memory_space<hbm>>
        %dma_start3A_151 = tpu.memref_slice %arg3[%add3A_149] : memref<320000xi32, #tpu.memory_space<hbm>> -> memref<128xi32, #tpu.memory_space<hbm>>
        tpu.enqueue_dma source(%dma_start3A_151 : memref<128xi32, #tpu.memory_space<hbm>>) target(%arg8 : memref<128xi32, #tpu.memory_space<vmem>>) target_semaphore(%arg16 : memref<!tpu.dma_semaphore, #tpu.memory_space<semaphore_mem>>)
        %dma_wait3A_152 = arith.constant 0 : i32
        %dma_wait3A_153 = tpu.memref_slice %arg3[%dma_wait3A_152] : memref<320000xi32, #tpu.memory_space<hbm>> -> memref<128xi32, #tpu.memory_space<hbm>>
        %dma_wait3A_154 = arith.constant 0 : i32
        %dma_wait3A_155 = tpu.memref_slice %arg3[%dma_wait3A_154] : memref<320000xi32, #tpu.memory_space<hbm>> -> memref<128xi32, #tpu.memory_space<hbm>>
        tpu.wait_dma2 semaphore(%arg18 : memref<!tpu.dma_semaphore, #tpu.memory_space<semaphore_mem>>) src(%dma_wait3A_155 : memref<128xi32, #tpu.memory_space<hbm>>) dst(%arg10 : memref<128xi32, #tpu.memory_space<vmem>>)
        "tpu.region"() ({
          %run_scoped3A = tpu.sem_alloc : memref<!tpu.dma_semaphore, #tpu.memory_space<semaphore_mem>>
          %dma_start3A_165 = arith.constant 0 : i32
          %dma_start3A_166 = arith.constant 0 : i32
          %dma_start3A_167 = tpu.memref_slice %arg7[%dma_start3A_165, %dma_start3A_166] : memref<10000x128xf32, #tpu.memory_space<vmem_shared>> -> memref<10000x128xf32, #tpu.memory_space<vmem_shared>>
          tpu.enqueue_indirect_dma source(%arg14 : memref<128x128xf32, #tpu.memory_space<vmem>>) target(%dma_start3A_167 : memref<10000x128xf32, #tpu.memory_space<vmem_shared>>) offsets(%arg10 : memref<128xi32, #tpu.memory_space<vmem>>) semaphore(%run_scoped3A : memref<!tpu.dma_semaphore, #tpu.memory_space<semaphore_mem>>) {add = true}
          %dma_wait3A_168 = arith.constant 0 : i32
          %dma_wait3A_169 = arith.constant 0 : i32
          %dma_wait3A_170 = tpu.memref_slice %arg7[%dma_wait3A_168, %dma_wait3A_169] : memref<10000x128xf32, #tpu.memory_space<vmem_shared>> -> memref<10000x128xf32, #tpu.memory_space<vmem_shared>>
          tpu.wait_indirect_dma semaphore(%run_scoped3A : memref<!tpu.dma_semaphore, #tpu.memory_space<semaphore_mem>>) src(%arg14 : memref<128x128xf32, #tpu.memory_space<vmem>>) dst(%dma_wait3A_170 : memref<10000x128xf32, #tpu.memory_space<vmem_shared>>)
          tpu.yield
        }) : () -> ()
        %dma_start3A_156 = tpu.memref_slice %arg4[%add3A_149] : memref<320000xi32, #tpu.memory_space<hbm>> -> memref<128xi32, #tpu.memory_space<hbm>>
        %dma_start3A_157 = tpu.memref_slice %arg4[%add3A_149] : memref<320000xi32, #tpu.memory_space<hbm>> -> memref<128xi32, #tpu.memory_space<hbm>>
        tpu.enqueue_dma source(%dma_start3A_157 : memref<128xi32, #tpu.memory_space<hbm>>) target(%arg10 : memref<128xi32, #tpu.memory_space<vmem>>) target_semaphore(%arg18 : memref<!tpu.dma_semaphore, #tpu.memory_space<semaphore_mem>>)
        %dma_wait3A_158 = arith.constant 0 : i32
        %dma_wait3A_159 = tpu.memref_slice %arg3[%dma_wait3A_158] : memref<320000xi32, #tpu.memory_space<hbm>> -> memref<128xi32, #tpu.memory_space<hbm>>
        %dma_wait3A_160 = arith.constant 0 : i32
        %dma_wait3A_161 = tpu.memref_slice %arg3[%dma_wait3A_160] : memref<320000xi32, #tpu.memory_space<hbm>> -> memref<128xi32, #tpu.memory_space<hbm>>
        tpu.wait_dma2 semaphore(%arg16 : memref<!tpu.dma_semaphore, #tpu.memory_space<semaphore_mem>>) src(%dma_wait3A_161 : memref<128xi32, #tpu.memory_space<hbm>>) dst(%arg8 : memref<128xi32, #tpu.memory_space<vmem>>)
        %dma_start3A_162 = arith.constant 0 : i32
        %dma_start3A_163 = arith.constant 0 : i32
        %dma_start3A_164 = tpu.memref_slice %arg2[%dma_start3A_162, %dma_start3A_163] : memref<10000x128xf32, #tpu.memory_space<hbm>> -> memref<10000x128xf32, #tpu.memory_space<hbm>>
        tpu.enqueue_indirect_dma source(%dma_start3A_164 : memref<10000x128xf32, #tpu.memory_space<hbm>>) target(%arg14 : memref<128x128xf32, #tpu.memory_space<vmem>>) offsets(%arg8 : memref<128xi32, #tpu.memory_space<vmem>>) semaphore(%arg20 : memref<!tpu.dma_semaphore, #tpu.memory_space<semaphore_mem>>)
      } else {
      }
      %jit3A_117 = arith.constant 2 : i32
      %eq3A_118 = arith.constant 0 : i32
      %eq3A_119 = arith.cmpi eq, %jit3A_117, %eq3A_118 : i32
      %jit3A_120 = arith.constant 1 : i32
      %select_n3A_121 = arith.select %eq3A_119, %jit3A_120, %jit3A_117 : i32
      %rem3A_122 = arith.remsi %scan3A_99, %select_n3A_121 : i32
      %ne3A_123 = arith.constant 0 : i32
      %ne3A_124 = arith.cmpi ne, %rem3A_122, %ne3A_123 : i32
      %lt3A_125 = arith.constant 0 : i32
      %lt3A_126 = arith.cmpi slt, %rem3A_122, %lt3A_125 : i32
      %lt3A_127 = arith.constant 0 : i32
      %lt3A_128 = arith.cmpi slt, %select_n3A_121, %lt3A_127 : i32
      %ne3A_129 = arith.xori %lt3A_126, %lt3A_128 : i1
      %and3A_130 = arith.andi %ne3A_129, %ne3A_124 : i1
      %add3A_131 = arith.addi %rem3A_122, %select_n3A_121 : i32
      %select_n3A_132 = arith.select %and3A_130, %add3A_131, %rem3A_122 : i32
      %eq3A_133 = arith.constant 1 : i32
      %eq3A_134 = arith.cmpi eq, %select_n3A_132, %eq3A_133 : i32
      %convert_element_type3A_135 = arith.extui %eq3A_134 : i1 to i32
      %cond3A_136 = arith.constant 0 : i32
      %cond3A_137 = arith.cmpi ne, %convert_element_type3A_135, %cond3A_136 : i32
      scf.if %cond3A_137 {
        %dma_wait3A_139 = arith.constant 0 : i32
        %dma_wait3A_140 = arith.constant 0 : i32
        %dma_wait3A_141 = tpu.memref_slice %arg2[%dma_wait3A_139, %dma_wait3A_140] : memref<10000x128xf32, #tpu.memory_space<hbm>> -> memref<128x128xf32, #tpu.memory_space<hbm>>
        %dma_wait3A_142 = arith.constant 0 : i32
        %dma_wait3A_143 = arith.constant 0 : i32
        %dma_wait3A_144 = tpu.memref_slice %arg2[%dma_wait3A_142, %dma_wait3A_143] : memref<10000x128xf32, #tpu.memory_space<hbm>> -> memref<128x128xf32, #tpu.memory_space<hbm>>
        tpu.wait_dma2 semaphore(%arg21 : memref<!tpu.dma_semaphore, #tpu.memory_space<semaphore_mem>>) src(%dma_wait3A_144 : memref<128x128xf32, #tpu.memory_space<hbm>>) dst(%arg15 : memref<128x128xf32, #tpu.memory_space<vmem>>)
        %add3A_145 = arith.constant 2 : i32
        %add3A_146 = arith.addi %scan3A_99, %add3A_145 : i32
        %mul3A_147 = arith.constant 128 : i32
        %mul3A_148 = arith.muli %add3A_146, %mul3A_147 : i32
        %add3A_149 = arith.addi %mul3A_11, %mul3A_148 : i32
        %dma_start3A_150 = tpu.memref_slice %arg3[%add3A_149] : memref<320000xi32, #tpu.memory_space<hbm>> -> memref<128xi32, #tpu.memory_space<hbm>>
        %dma_start3A_151 = tpu.memref_slice %arg3[%add3A_149] : memref<320000xi32, #tpu.memory_space<hbm>> -> memref<128xi32, #tpu.memory_space<hbm>>
        tpu.enqueue_dma source(%dma_start3A_151 : memref<128xi32, #tpu.memory_space<hbm>>) target(%arg9 : memref<128xi32, #tpu.memory_space<vmem>>) target_semaphore(%arg17 : memref<!tpu.dma_semaphore, #tpu.memory_space<semaphore_mem>>)
        %dma_wait3A_152 = arith.constant 0 : i32
        %dma_wait3A_153 = tpu.memref_slice %arg3[%dma_wait3A_152] : memref<320000xi32, #tpu.memory_space<hbm>> -> memref<128xi32, #tpu.memory_space<hbm>>
        %dma_wait3A_154 = arith.constant 0 : i32
        %dma_wait3A_155 = tpu.memref_slice %arg3[%dma_wait3A_154] : memref<320000xi32, #tpu.memory_space<hbm>> -> memref<128xi32, #tpu.memory_space<hbm>>
        tpu.wait_dma2 semaphore(%arg19 : memref<!tpu.dma_semaphore, #tpu.memory_space<semaphore_mem>>) src(%dma_wait3A_155 : memref<128xi32, #tpu.memory_space<hbm>>) dst(%arg11 : memref<128xi32, #tpu.memory_space<vmem>>)
        "tpu.region"() ({
          %run_scoped3A = tpu.sem_alloc : memref<!tpu.dma_semaphore, #tpu.memory_space<semaphore_mem>>
          %dma_start3A_165 = arith.constant 0 : i32
          %dma_start3A_166 = arith.constant 0 : i32
          %dma_start3A_167 = tpu.memref_slice %arg7[%dma_start3A_165, %dma_start3A_166] : memref<10000x128xf32, #tpu.memory_space<vmem_shared>> -> memref<10000x128xf32, #tpu.memory_space<vmem_shared>>
          tpu.enqueue_indirect_dma source(%arg15 : memref<128x128xf32, #tpu.memory_space<vmem>>) target(%dma_start3A_167 : memref<10000x128xf32, #tpu.memory_space<vmem_shared>>) offsets(%arg11 : memref<128xi32, #tpu.memory_space<vmem>>) semaphore(%run_scoped3A : memref<!tpu.dma_semaphore, #tpu.memory_space<semaphore_mem>>) {add = true}
          %dma_wait3A_168 = arith.constant 0 : i32
          %dma_wait3A_169 = arith.constant 0 : i32
          %dma_wait3A_170 = tpu.memref_slice %arg7[%dma_wait3A_168, %dma_wait3A_169] : memref<10000x128xf32, #tpu.memory_space<vmem_shared>> -> memref<10000x128xf32, #tpu.memory_space<vmem_shared>>
          tpu.wait_indirect_dma semaphore(%run_scoped3A : memref<!tpu.dma_semaphore, #tpu.memory_space<semaphore_mem>>) src(%arg15 : memref<128x128xf32, #tpu.memory_space<vmem>>) dst(%dma_wait3A_170 : memref<10000x128xf32, #tpu.memory_space<vmem_shared>>)
          tpu.yield
        }) : () -> ()
        %dma_start3A_156 = tpu.memref_slice %arg4[%add3A_149] : memref<320000xi32, #tpu.memory_space<hbm>> -> memref<128xi32, #tpu.memory_space<hbm>>
        %dma_start3A_157 = tpu.memref_slice %arg4[%add3A_149] : memref<320000xi32, #tpu.memory_space<hbm>> -> memref<128xi32, #tpu.memory_space<hbm>>
        tpu.enqueue_dma source(%dma_start3A_157 : memref<128xi32, #tpu.memory_space<hbm>>) target(%arg11 : memref<128xi32, #tpu.memory_space<vmem>>) target_semaphore(%arg19 : memref<!tpu.dma_semaphore, #tpu.memory_space<semaphore_mem>>)
        %dma_wait3A_158 = arith.constant 0 : i32
        %dma_wait3A_159 = tpu.memref_slice %arg3[%dma_wait3A_158] : memref<320000xi32, #tpu.memory_space<hbm>> -> memref<128xi32, #tpu.memory_space<hbm>>
        %dma_wait3A_160 = arith.constant 0 : i32
        %dma_wait3A_161 = tpu.memref_slice %arg3[%dma_wait3A_160] : memref<320000xi32, #tpu.memory_space<hbm>> -> memref<128xi32, #tpu.memory_space<hbm>>
        tpu.wait_dma2 semaphore(%arg17 : memref<!tpu.dma_semaphore, #tpu.memory_space<semaphore_mem>>) src(%dma_wait3A_161 : memref<128xi32, #tpu.memory_space<hbm>>) dst(%arg9 : memref<128xi32, #tpu.memory_space<vmem>>)
        %dma_start3A_162 = arith.constant 0 : i32
        %dma_start3A_163 = arith.constant 0 : i32
        %dma_start3A_164 = tpu.memref_slice %arg2[%dma_start3A_162, %dma_start3A_163] : memref<10000x128xf32, #tpu.memory_space<hbm>> -> memref<10000x128xf32, #tpu.memory_space<hbm>>
        tpu.enqueue_indirect_dma source(%dma_start3A_164 : memref<10000x128xf32, #tpu.memory_space<hbm>>) target(%arg15 : memref<128x128xf32, #tpu.memory_space<vmem>>) offsets(%arg9 : memref<128xi32, #tpu.memory_space<vmem>>) semaphore(%arg21 : memref<!tpu.dma_semaphore, #tpu.memory_space<semaphore_mem>>)
      } else {
      }
      %scan3A_138 = arith.constant 0 : i32
      scf.yield %scan3A_138 : i32
    }
    %scan3A_41 = arith.constant 76 : i32
    %dma_wait3A_42 = arith.constant 0 : i32
    %dma_wait3A_43 = arith.constant 0 : i32
    %dma_wait3A_44 = tpu.memref_slice %arg2[%dma_wait3A_42, %dma_wait3A_43] : memref<10000x128xf32, #tpu.memory_space<hbm>> -> memref<128x128xf32, #tpu.memory_space<hbm>>
    %dma_wait3A_45 = arith.constant 0 : i32
    %dma_wait3A_46 = arith.constant 0 : i32
    %dma_wait3A_47 = tpu.memref_slice %arg2[%dma_wait3A_45, %dma_wait3A_46] : memref<10000x128xf32, #tpu.memory_space<hbm>> -> memref<128x128xf32, #tpu.memory_space<hbm>>
    tpu.wait_dma2 semaphore(%arg20 : memref<!tpu.dma_semaphore, #tpu.memory_space<semaphore_mem>>) src(%dma_wait3A_47 : memref<128x128xf32, #tpu.memory_space<hbm>>) dst(%arg14 : memref<128x128xf32, #tpu.memory_space<vmem>>)
    %dma_wait3A_48 = arith.constant 0 : i32
    %dma_wait3A_49 = tpu.memref_slice %arg3[%dma_wait3A_48] : memref<320000xi32, #tpu.memory_space<hbm>> -> memref<128xi32, #tpu.memory_space<hbm>>
    %dma_wait3A_50 = arith.constant 0 : i32
    %dma_wait3A_51 = tpu.memref_slice %arg3[%dma_wait3A_50] : memref<320000xi32, #tpu.memory_space<hbm>> -> memref<128xi32, #tpu.memory_space<hbm>>
    tpu.wait_dma2 semaphore(%arg18 : memref<!tpu.dma_semaphore, #tpu.memory_space<semaphore_mem>>) src(%dma_wait3A_51 : memref<128xi32, #tpu.memory_space<hbm>>) dst(%arg10 : memref<128xi32, #tpu.memory_space<vmem>>)
    "tpu.region"() ({
      %run_scoped3A = tpu.sem_alloc : memref<!tpu.dma_semaphore, #tpu.memory_space<semaphore_mem>>
      %dma_start3A_99 = arith.constant 0 : i32
      %dma_start3A_100 = arith.constant 0 : i32
      %dma_start3A_101 = tpu.memref_slice %arg7[%dma_start3A_99, %dma_start3A_100] : memref<10000x128xf32, #tpu.memory_space<vmem_shared>> -> memref<10000x128xf32, #tpu.memory_space<vmem_shared>>
      tpu.enqueue_indirect_dma source(%arg14 : memref<128x128xf32, #tpu.memory_space<vmem>>) target(%dma_start3A_101 : memref<10000x128xf32, #tpu.memory_space<vmem_shared>>) offsets(%arg10 : memref<128xi32, #tpu.memory_space<vmem>>) semaphore(%run_scoped3A : memref<!tpu.dma_semaphore, #tpu.memory_space<semaphore_mem>>) {add = true}
      %dma_wait3A_102 = arith.constant 0 : i32
      %dma_wait3A_103 = arith.constant 0 : i32
      %dma_wait3A_104 = tpu.memref_slice %arg7[%dma_wait3A_102, %dma_wait3A_103] : memref<10000x128xf32, #tpu.memory_space<vmem_shared>> -> memref<10000x128xf32, #tpu.memory_space<vmem_shared>>
      tpu.wait_indirect_dma semaphore(%run_scoped3A : memref<!tpu.dma_semaphore, #tpu.memory_space<semaphore_mem>>) src(%arg14 : memref<128x128xf32, #tpu.memory_space<vmem>>) dst(%dma_wait3A_104 : memref<10000x128xf32, #tpu.memory_space<vmem_shared>>)
      tpu.yield
    }) : () -> ()
    %dma_wait3A_52 = arith.constant 0 : i32
    %dma_wait3A_53 = arith.constant 0 : i32
    %dma_wait3A_54 = tpu.memref_slice %arg2[%dma_wait3A_52, %dma_wait3A_53] : memref<10000x128xf32, #tpu.memory_space<hbm>> -> memref<128x128xf32, #tpu.memory_space<hbm>>
    %dma_wait3A_55 = arith.constant 0 : i32
    %dma_wait3A_56 = arith.constant 0 : i32
    %dma_wait3A_57 = tpu.memref_slice %arg2[%dma_wait3A_55, %dma_wait3A_56] : memref<10000x128xf32, #tpu.memory_space<hbm>> -> memref<128x128xf32, #tpu.memory_space<hbm>>
    tpu.wait_dma2 semaphore(%arg21 : memref<!tpu.dma_semaphore, #tpu.memory_space<semaphore_mem>>) src(%dma_wait3A_57 : memref<128x128xf32, #tpu.memory_space<hbm>>) dst(%arg15 : memref<128x128xf32, #tpu.memory_space<vmem>>)
    %dma_wait3A_58 = arith.constant 0 : i32
    %dma_wait3A_59 = tpu.memref_slice %arg3[%dma_wait3A_58] : memref<320000xi32, #tpu.memory_space<hbm>> -> memref<128xi32, #tpu.memory_space<hbm>>
    %dma_wait3A_60 = arith.constant 0 : i32
    %dma_wait3A_61 = tpu.memref_slice %arg3[%dma_wait3A_60] : memref<320000xi32, #tpu.memory_space<hbm>> -> memref<128xi32, #tpu.memory_space<hbm>>
    tpu.wait_dma2 semaphore(%arg19 : memref<!tpu.dma_semaphore, #tpu.memory_space<semaphore_mem>>) src(%dma_wait3A_61 : memref<128xi32, #tpu.memory_space<hbm>>) dst(%arg11 : memref<128xi32, #tpu.memory_space<vmem>>)
    "tpu.region"() ({
      %run_scoped3A = tpu.sem_alloc : memref<!tpu.dma_semaphore, #tpu.memory_space<semaphore_mem>>
      %dma_start3A_99 = arith.constant 0 : i32
      %dma_start3A_100 = arith.constant 0 : i32
      %dma_start3A_101 = tpu.memref_slice %arg7[%dma_start3A_99, %dma_start3A_100] : memref<10000x128xf32, #tpu.memory_space<vmem_shared>> -> memref<10000x128xf32, #tpu.memory_space<vmem_shared>>
      tpu.enqueue_indirect_dma source(%arg15 : memref<128x128xf32, #tpu.memory_space<vmem>>) target(%dma_start3A_101 : memref<10000x128xf32, #tpu.memory_space<vmem_shared>>) offsets(%arg11 : memref<128xi32, #tpu.memory_space<vmem>>) semaphore(%run_scoped3A : memref<!tpu.dma_semaphore, #tpu.memory_space<semaphore_mem>>) {add = true}
      %dma_wait3A_102 = arith.constant 0 : i32
      %dma_wait3A_103 = arith.constant 0 : i32
      %dma_wait3A_104 = tpu.memref_slice %arg7[%dma_wait3A_102, %dma_wait3A_103] : memref<10000x128xf32, #tpu.memory_space<vmem_shared>> -> memref<10000x128xf32, #tpu.memory_space<vmem_shared>>
      tpu.wait_indirect_dma semaphore(%run_scoped3A : memref<!tpu.dma_semaphore, #tpu.memory_space<semaphore_mem>>) src(%arg15 : memref<128x128xf32, #tpu.memory_space<vmem>>) dst(%dma_wait3A_104 : memref<10000x128xf32, #tpu.memory_space<vmem_shared>>)
      tpu.yield
    }) : () -> ()
    %add3A_62 = arith.constant 9984 : i32
    %add3A_63 = arith.addi %mul3A_11, %add3A_62 : i32
    %dma_start3A_64 = tpu.memref_slice %arg3[%add3A_63] : memref<320000xi32, #tpu.memory_space<hbm>> -> memref<16xi32, #tpu.memory_space<hbm>>
    %dma_start3A_65 = tpu.memref_slice %arg3[%add3A_63] : memref<320000xi32, #tpu.memory_space<hbm>> -> memref<16xi32, #tpu.memory_space<hbm>>
    tpu.enqueue_dma source(%dma_start3A_65 : memref<16xi32, #tpu.memory_space<hbm>>) target(%arg12 : memref<16xi32, #tpu.memory_space<vmem>>) target_semaphore(%arg16 : memref<!tpu.dma_semaphore, #tpu.memory_space<semaphore_mem>>)
    %dma_start3A_66 = tpu.memref_slice %arg4[%add3A_63] : memref<320000xi32, #tpu.memory_space<hbm>> -> memref<16xi32, #tpu.memory_space<hbm>>
    %dma_start3A_67 = tpu.memref_slice %arg4[%add3A_63] : memref<320000xi32, #tpu.memory_space<hbm>> -> memref<16xi32, #tpu.memory_space<hbm>>
    tpu.enqueue_dma source(%dma_start3A_67 : memref<16xi32, #tpu.memory_space<hbm>>) target(%arg13 : memref<16xi32, #tpu.memory_space<vmem>>) target_semaphore(%arg18 : memref<!tpu.dma_semaphore, #tpu.memory_space<semaphore_mem>>)
    %dma_wait3A_68 = arith.constant 0 : i32
    %dma_wait3A_69 = tpu.memref_slice %arg3[%dma_wait3A_68] : memref<320000xi32, #tpu.memory_space<hbm>> -> memref<16xi32, #tpu.memory_space<hbm>>
    %dma_wait3A_70 = arith.constant 0 : i32
    %dma_wait3A_71 = tpu.memref_slice %arg3[%dma_wait3A_70] : memref<320000xi32, #tpu.memory_space<hbm>> -> memref<16xi32, #tpu.memory_space<hbm>>
    tpu.wait_dma2 semaphore(%arg16 : memref<!tpu.dma_semaphore, #tpu.memory_space<semaphore_mem>>) src(%dma_wait3A_71 : memref<16xi32, #tpu.memory_space<hbm>>) dst(%arg12 : memref<16xi32, #tpu.memory_space<vmem>>)
    %dma_start3A_72 = arith.constant 0 : i32
    %dma_start3A_73 = arith.constant 0 : i32
    %dma_start3A_74 = tpu.memref_slice %arg14[%dma_start3A_72, %dma_start3A_73] : memref<128x128xf32, #tpu.memory_space<vmem>> -> memref<16x128xf32, #tpu.memory_space<vmem>>
    %dma_start3A_75 = arith.constant 0 : i32
    %dma_start3A_76 = arith.constant 0 : i32
    %dma_start3A_77 = tpu.memref_slice %arg2[%dma_start3A_75, %dma_start3A_76] : memref<10000x128xf32, #tpu.memory_space<hbm>> -> memref<10000x128xf32, #tpu.memory_space<hbm>>
    tpu.enqueue_indirect_dma source(%dma_start3A_77 : memref<10000x128xf32, #tpu.memory_space<hbm>>) target(%dma_start3A_74 : memref<16x128xf32, #tpu.memory_space<vmem>>) offsets(%arg12 : memref<16xi32, #tpu.memory_space<vmem>>) semaphore(%arg20 : memref<!tpu.dma_semaphore, #tpu.memory_space<semaphore_mem>>)
    %dma_wait3A_78 = arith.constant 0 : i32
    %dma_wait3A_79 = arith.constant 0 : i32
    %dma_wait3A_80 = tpu.memref_slice %arg14[%dma_wait3A_78, %dma_wait3A_79] : memref<128x128xf32, #tpu.memory_space<vmem>> -> memref<16x128xf32, #tpu.memory_space<vmem>>
    %dma_wait3A_81 = arith.constant 0 : i32
    %dma_wait3A_82 = arith.constant 0 : i32
    %dma_wait3A_83 = tpu.memref_slice %arg2[%dma_wait3A_81, %dma_wait3A_82] : memref<10000x128xf32, #tpu.memory_space<hbm>> -> memref<10000x128xf32, #tpu.memory_space<hbm>>
    tpu.wait_indirect_dma semaphore(%arg20 : memref<!tpu.dma_semaphore, #tpu.memory_space<semaphore_mem>>) src(%dma_wait3A_83 : memref<10000x128xf32, #tpu.memory_space<hbm>>) dst(%dma_wait3A_80 : memref<16x128xf32, #tpu.memory_space<vmem>>)
    %dma_wait3A_84 = arith.constant 0 : i32
    %dma_wait3A_85 = tpu.memref_slice %arg4[%dma_wait3A_84] : memref<320000xi32, #tpu.memory_space<hbm>> -> memref<16xi32, #tpu.memory_space<hbm>>
    %dma_wait3A_86 = arith.constant 0 : i32
    %dma_wait3A_87 = tpu.memref_slice %arg4[%dma_wait3A_86] : memref<320000xi32, #tpu.memory_space<hbm>> -> memref<16xi32, #tpu.memory_space<hbm>>
    tpu.wait_dma2 semaphore(%arg18 : memref<!tpu.dma_semaphore, #tpu.memory_space<semaphore_mem>>) src(%dma_wait3A_87 : memref<16xi32, #tpu.memory_space<hbm>>) dst(%arg13 : memref<16xi32, #tpu.memory_space<vmem>>)
    "tpu.region"() ({
      %run_scoped3A = tpu.sem_alloc : memref<!tpu.dma_semaphore, #tpu.memory_space<semaphore_mem>>
      %dma_start3A_99 = arith.constant 0 : i32
      %dma_start3A_100 = arith.constant 0 : i32
      %dma_start3A_101 = tpu.memref_slice %arg14[%dma_start3A_99, %dma_start3A_100] : memref<128x128xf32, #tpu.memory_space<vmem>> -> memref<16x128xf32, #tpu.memory_space<vmem>>
      %dma_start3A_102 = arith.constant 0 : i32
      %dma_start3A_103 = arith.constant 0 : i32
      %dma_start3A_104 = tpu.memref_slice %arg7[%dma_start3A_102, %dma_start3A_103] : memref<10000x128xf32, #tpu.memory_space<vmem_shared>> -> memref<10000x128xf32, #tpu.memory_space<vmem_shared>>
      tpu.enqueue_indirect_dma source(%dma_start3A_101 : memref<16x128xf32, #tpu.memory_space<vmem>>) target(%dma_start3A_104 : memref<10000x128xf32, #tpu.memory_space<vmem_shared>>) offsets(%arg13 : memref<16xi32, #tpu.memory_space<vmem>>) semaphore(%run_scoped3A : memref<!tpu.dma_semaphore, #tpu.memory_space<semaphore_mem>>) {add = true}
      %dma_wait3A_105 = arith.constant 0 : i32
      %dma_wait3A_106 = arith.constant 0 : i32
      %dma_wait3A_107 = tpu.memref_slice %arg14[%dma_wait3A_105, %dma_wait3A_106] : memref<128x128xf32, #tpu.memory_space<vmem>> -> memref<16x128xf32, #tpu.memory_space<vmem>>
      %dma_wait3A_108 = arith.constant 0 : i32
      %dma_wait3A_109 = arith.constant 0 : i32
      %dma_wait3A_110 = tpu.memref_slice %arg7[%dma_wait3A_108, %dma_wait3A_109] : memref<10000x128xf32, #tpu.memory_space<vmem_shared>> -> memref<10000x128xf32, #tpu.memory_space<vmem_shared>>
      tpu.wait_indirect_dma semaphore(%run_scoped3A : memref<!tpu.dma_semaphore, #tpu.memory_space<semaphore_mem>>) src(%dma_wait3A_107 : memref<16x128xf32, #tpu.memory_space<vmem>>) dst(%dma_wait3A_110 : memref<10000x128xf32, #tpu.memory_space<vmem_shared>>)
      tpu.yield
    }) : () -> ()
    %barrier3A_88 = arith.constant 0 : index
    tpu.barrier barrier_id(%barrier3A_88)
    %lt3A_89 = arith.constant 15 : i32
    %lt3A_90 = arith.cmpi slt, %arg1, %lt3A_89 : i32
    %convert_element_type3A_91 = arith.extui %lt3A_90 : i1 to i32
    %cond3A_92 = arith.constant 0 : i32
    %cond3A_93 = arith.cmpi ne, %convert_element_type3A_91, %cond3A_92 : i32
    scf.if %cond3A_93 {
      %mul3A_99 = arith.constant 624 : i32
      %mul3A_100 = arith.muli %arg1, %mul3A_99 : i32
      %mul3A_101 = arith.constant 624 : i32
      %mul3A_102 = arith.muli %arg1, %mul3A_101 : i32
      "tpu.region"() ({
        %run_scoped3A = tpu.sem_alloc : memref<!tpu.dma_semaphore, #tpu.memory_space<semaphore_mem>>
        %dma_start3A_103 = arith.constant 0 : i32
        %dma_start3A_104 = tpu.memref_slice %arg6[%arg0, %mul3A_102, %dma_start3A_103] : memref<2x10000x128xf32, #tpu.memory_space<hbm>> -> memref<1x624x128xf32, #tpu.memory_space<hbm>>
        %dma_start3A_105 = tpu.memref_squeeze %dma_start3A_104 : memref<1x624x128xf32, #tpu.memory_space<hbm>> -> memref<624x128xf32, #tpu.memory_space<hbm>>
        %dma_start3A_106 = arith.constant 0 : i32
        %dma_start3A_107 = tpu.memref_slice %arg7[%mul3A_100, %dma_start3A_106] : memref<10000x128xf32, #tpu.memory_space<vmem_shared>> -> memref<624x128xf32, #tpu.memory_space<vmem_shared>>
        tpu.enqueue_dma source(%dma_start3A_107 : memref<624x128xf32, #tpu.memory_space<vmem_shared>>) target(%dma_start3A_105 : memref<624x128xf32, #tpu.memory_space<hbm>>) target_semaphore(%run_scoped3A : memref<!tpu.dma_semaphore, #tpu.memory_space<semaphore_mem>>)
        %dma_wait3A_108 = arith.constant 0 : i32
        %dma_wait3A_109 = tpu.memref_slice %arg6[%arg0, %mul3A_102, %dma_wait3A_108] : memref<2x10000x128xf32, #tpu.memory_space<hbm>> -> memref<1x624x128xf32, #tpu.memory_space<hbm>>
        %dma_wait3A_110 = tpu.memref_squeeze %dma_wait3A_109 : memref<1x624x128xf32, #tpu.memory_space<hbm>> -> memref<624x128xf32, #tpu.memory_space<hbm>>
        %dma_wait3A_111 = arith.constant 0 : i32
        %dma_wait3A_112 = tpu.memref_slice %arg7[%mul3A_100, %dma_wait3A_111] : memref<10000x128xf32, #tpu.memory_space<vmem_shared>> -> memref<624x128xf32, #tpu.memory_space<vmem_shared>>
        tpu.wait_dma2 semaphore(%run_scoped3A : memref<!tpu.dma_semaphore, #tpu.memory_space<semaphore_mem>>) src(%dma_wait3A_112 : memref<624x128xf32, #tpu.memory_space<vmem_shared>>) dst(%dma_wait3A_110 : memref<624x128xf32, #tpu.memory_space<hbm>>)
        tpu.yield
      }) : () -> ()
    } else {
    }
    %eq3A_94 = arith.constant 15 : i32
    %eq3A_95 = arith.cmpi eq, %arg1, %eq3A_94 : i32
    %convert_element_type3A_96 = arith.extui %eq3A_95 : i1 to i32
    %cond3A_97 = arith.constant 0 : i32
    %cond3A_98 = arith.cmpi ne, %convert_element_type3A_96, %cond3A_97 : i32
    scf.if %cond3A_98 {
      "tpu.region"() ({
        %run_scoped3A = tpu.sem_alloc : memref<!tpu.dma_semaphore, #tpu.memory_space<semaphore_mem>>
        %dma_start3A_99 = arith.constant 9360 : i32
        %dma_start3A_100 = arith.constant 0 : i32
        %dma_start3A_101 = tpu.memref_slice %arg6[%arg0, %dma_start3A_99, %dma_start3A_100] : memref<2x10000x128xf32, #tpu.memory_space<hbm>> -> memref<1x640x128xf32, #tpu.memory_space<hbm>>
        %dma_start3A_102 = tpu.memref_squeeze %dma_start3A_101 : memref<1x640x128xf32, #tpu.memory_space<hbm>> -> memref<640x128xf32, #tpu.memory_space<hbm>>
        %dma_start3A_103 = arith.constant 9360 : i32
        %dma_start3A_104 = arith.constant 0 : i32
        %dma_start3A_105 = tpu.memref_slice %arg7[%dma_start3A_103, %dma_start3A_104] : memref<10000x128xf32, #tpu.memory_space<vmem_shared>> -> memref<640x128xf32, #tpu.memory_space<vmem_shared>>
        tpu.enqueue_dma source(%dma_start3A_105 : memref<640x128xf32, #tpu.memory_space<vmem_shared>>) target(%dma_start3A_102 : memref<640x128xf32, #tpu.memory_space<hbm>>) target_semaphore(%run_scoped3A : memref<!tpu.dma_semaphore, #tpu.memory_space<semaphore_mem>>)
        %dma_wait3A_106 = arith.constant 9360 : i32
        %dma_wait3A_107 = arith.constant 0 : i32
        %dma_wait3A_108 = tpu.memref_slice %arg6[%arg0, %dma_wait3A_106, %dma_wait3A_107] : memref<2x10000x128xf32, #tpu.memory_space<hbm>> -> memref<1x640x128xf32, #tpu.memory_space<hbm>>
        %dma_wait3A_109 = tpu.memref_squeeze %dma_wait3A_108 : memref<1x640x128xf32, #tpu.memory_space<hbm>> -> memref<640x128xf32, #tpu.memory_space<hbm>>
        %dma_wait3A_110 = arith.constant 9360 : i32
        %dma_wait3A_111 = arith.constant 0 : i32
        %dma_wait3A_112 = tpu.memref_slice %arg7[%dma_wait3A_110, %dma_wait3A_111] : memref<10000x128xf32, #tpu.memory_space<vmem_shared>> -> memref<640x128xf32, #tpu.memory_space<vmem_shared>>
        tpu.wait_dma2 semaphore(%run_scoped3A : memref<!tpu.dma_semaphore, #tpu.memory_space<semaphore_mem>>) src(%dma_wait3A_112 : memref<640x128xf32, #tpu.memory_space<vmem_shared>>) dst(%dma_wait3A_109 : memref<640x128xf32, #tpu.memory_space<hbm>>)
        tpu.yield
      }) : () -> ()
    } else {
    }
    return
  }
}

#map = affine_map<(d0, d1) -> (0, 0)>
#map1 = affine_map<(d0, d1) -> (0)>
#map2 = affine_map<(d0, d1) -> (0, 0, 0)>
module attributes {stable_mosaic.version = 14 : i64} {
  func.func @_sc_segsum(%arg0: i32, %arg1: i32, %arg2: memref<10000x128xf32, #tpu.memory_space<hbm>>, %arg3: memref<320000xi32, #tpu.memory_space<hbm>>, %arg4: memref<320000xi32, #tpu.memory_space<hbm>>, %arg5: memref<10000x128xf32, #tpu.memory_space<hbm>>, %arg6: memref<2x10000x128xf32, #tpu.memory_space<hbm>>, %arg7: memref<10000x128xf32, #tpu.memory_space<vmem_shared>>, %arg8: memref<128xi32, #tpu.memory_space<vmem>>, %arg9: memref<128xi32, #tpu.memory_space<vmem>>, %arg10: memref<128xi32, #tpu.memory_space<vmem>>, %arg11: memref<128xi32, #tpu.memory_space<vmem>>, %arg12: memref<16xi32, #tpu.memory_space<vmem>>, %arg13: memref<16xi32, #tpu.memory_space<vmem>>, %arg14: memref<128x128xf32, #tpu.memory_space<vmem>>, %arg15: memref<128x128xf32, #tpu.memory_space<vmem>>, %arg16: memref<!tpu.dma_semaphore, #tpu.memory_space<semaphore_mem>>, %arg17: memref<!tpu.dma_semaphore, #tpu.memory_space<semaphore_mem>>, %arg18: memref<!tpu.dma_semaphore, #tpu.memory_space<semaphore_mem>>, %arg19: memref<!tpu.dma_semaphore, #tpu.memory_space<semaphore_mem>>, %arg20: memref<!tpu.dma_semaphore, #tpu.memory_space<semaphore_mem>>, %arg21: memref<!tpu.dma_semaphore, #tpu.memory_space<semaphore_mem>>) attributes {dimension_semantics = [#tpu.dimension_semantics<core_parallel>, #tpu.dimension_semantics<subcore_parallel>], iteration_bounds = array<i64: 2, 16>, scalar_prefetch = 0 : i64, scratch_operands = 15 : i64, tpu.core_type = #tpu.core_type<sc_vector_subcore>, window_params = [{transform_indices = #map}, {transform_indices = #map1}, {transform_indices = #map1}, {transform_indices = #map}, {transform_indices = #map2}]} {
    %mul3A = arith.constant 16 : i32
    %mul3A_0 = arith.muli %arg0, %mul3A : i32
    %add3A = arith.addi %mul3A_0, %arg1 : i32
    %lt3A = arith.constant 15 : i32
    %lt3A_1 = arith.cmpi slt, %arg1, %lt3A : i32
    %convert_element_type3A = arith.extui %lt3A_1 : i1 to i32
    %cond3A = arith.constant 0 : i32
    %cond3A_2 = arith.cmpi ne, %convert_element_type3A, %cond3A : i32
    scf.if %cond3A_2 {
      %mul3A_99 = arith.constant 624 : i32
      %mul3A_100 = arith.muli %arg1, %mul3A_99 : i32
      %mul3A_101 = arith.constant 624 : i32
      %mul3A_102 = arith.muli %arg1, %mul3A_101 : i32
      "tpu.region"() ({
        %run_scoped3A = tpu.sem_alloc : memref<!tpu.dma_semaphore, #tpu.memory_space<semaphore_mem>>
        %dma_start3A_103 = arith.constant 0 : i32
        %dma_start3A_104 = tpu.memref_slice %arg7[%mul3A_102, %dma_start3A_103] : memref<10000x128xf32, #tpu.memory_space<vmem_shared>> -> memref<624x128xf32, #tpu.memory_space<vmem_shared>>
        %dma_start3A_105 = arith.constant 0 : i32
        %dma_start3A_106 = tpu.memref_slice %arg5[%mul3A_100, %dma_start3A_105] : memref<10000x128xf32, #tpu.memory_space<hbm>> -> memref<624x128xf32, #tpu.memory_space<hbm>>
        tpu.enqueue_dma source(%dma_start3A_106 : memref<624x128xf32, #tpu.memory_space<hbm>>) target(%dma_start3A_104 : memref<624x128xf32, #tpu.memory_space<vmem_shared>>) target_semaphore(%run_scoped3A : memref<!tpu.dma_semaphore, #tpu.memory_space<semaphore_mem>>)
        %dma_wait3A_107 = arith.constant 0 : i32
        %dma_wait3A_108 = tpu.memref_slice %arg7[%mul3A_102, %dma_wait3A_107] : memref<10000x128xf32, #tpu.memory_space<vmem_shared>> -> memref<624x128xf32, #tpu.memory_space<vmem_shared>>
        %dma_wait3A_109 = arith.constant 0 : i32
        %dma_wait3A_110 = tpu.memref_slice %arg5[%mul3A_100, %dma_wait3A_109] : memref<10000x128xf32, #tpu.memory_space<hbm>> -> memref<624x128xf32, #tpu.memory_space<hbm>>
        tpu.wait_dma2 semaphore(%run_scoped3A : memref<!tpu.dma_semaphore, #tpu.memory_space<semaphore_mem>>) src(%dma_wait3A_110 : memref<624x128xf32, #tpu.memory_space<hbm>>) dst(%dma_wait3A_108 : memref<624x128xf32, #tpu.memory_space<vmem_shared>>)
        tpu.yield
      }) : () -> ()
    } else {
    }
    %eq3A = arith.constant 15 : i32
    %eq3A_3 = arith.cmpi eq, %arg1, %eq3A : i32
    %convert_element_type3A_4 = arith.extui %eq3A_3 : i1 to i32
    %cond3A_5 = arith.constant 0 : i32
    %cond3A_6 = arith.cmpi ne, %convert_element_type3A_4, %cond3A_5 : i32
    scf.if %cond3A_6 {
      "tpu.region"() ({
        %run_scoped3A = tpu.sem_alloc : memref<!tpu.dma_semaphore, #tpu.memory_space<semaphore_mem>>
        %dma_start3A_99 = arith.constant 9360 : i32
        %dma_start3A_100 = arith.constant 0 : i32
        %dma_start3A_101 = tpu.memref_slice %arg7[%dma_start3A_99, %dma_start3A_100] : memref<10000x128xf32, #tpu.memory_space<vmem_shared>> -> memref<640x128xf32, #tpu.memory_space<vmem_shared>>
        %dma_start3A_102 = arith.constant 9360 : i32
        %dma_start3A_103 = arith.constant 0 : i32
        %dma_start3A_104 = tpu.memref_slice %arg5[%dma_start3A_102, %dma_start3A_103] : memref<10000x128xf32, #tpu.memory_space<hbm>> -> memref<640x128xf32, #tpu.memory_space<hbm>>
        tpu.enqueue_dma source(%dma_start3A_104 : memref<640x128xf32, #tpu.memory_space<hbm>>) target(%dma_start3A_101 : memref<640x128xf32, #tpu.memory_space<vmem_shared>>) target_semaphore(%run_scoped3A : memref<!tpu.dma_semaphore, #tpu.memory_space<semaphore_mem>>)
        %dma_wait3A_105 = arith.constant 9360 : i32
        %dma_wait3A_106 = arith.constant 0 : i32
        %dma_wait3A_107 = tpu.memref_slice %arg7[%dma_wait3A_105, %dma_wait3A_106] : memref<10000x128xf32, #tpu.memory_space<vmem_shared>> -> memref<640x128xf32, #tpu.memory_space<vmem_shared>>
        %dma_wait3A_108 = arith.constant 9360 : i32
        %dma_wait3A_109 = arith.constant 0 : i32
        %dma_wait3A_110 = tpu.memref_slice %arg5[%dma_wait3A_108, %dma_wait3A_109] : memref<10000x128xf32, #tpu.memory_space<hbm>> -> memref<640x128xf32, #tpu.memory_space<hbm>>
        tpu.wait_dma2 semaphore(%run_scoped3A : memref<!tpu.dma_semaphore, #tpu.memory_space<semaphore_mem>>) src(%dma_wait3A_110 : memref<640x128xf32, #tpu.memory_space<hbm>>) dst(%dma_wait3A_107 : memref<640x128xf32, #tpu.memory_space<vmem_shared>>)
        tpu.yield
      }) : () -> ()
    } else {
    }
    %mul3A_7 = arith.constant 16 : i32
    %mul3A_8 = arith.muli %arg0, %mul3A_7 : i32
    %add3A_9 = arith.addi %mul3A_8, %arg1 : i32
    %mul3A_10 = arith.constant 10000 : i32
    %mul3A_11 = arith.muli %add3A_9, %mul3A_10 : i32
    %add3A_12 = arith.constant 0 : i32
    %add3A_13 = arith.addi %mul3A_11, %add3A_12 : i32
    %dma_start3A = tpu.memref_slice %arg3[%add3A_13] : memref<320000xi32, #tpu.memory_space<hbm>> -> memref<128xi32, #tpu.memory_space<hbm>>
    %dma_start3A_14 = tpu.memref_slice %arg3[%add3A_13] : memref<320000xi32, #tpu.memory_space<hbm>> -> memref<128xi32, #tpu.memory_space<hbm>>
    tpu.enqueue_dma source(%dma_start3A_14 : memref<128xi32, #tpu.memory_space<hbm>>) target(%arg8 : memref<128xi32, #tpu.memory_space<vmem>>) target_semaphore(%arg16 : memref<!tpu.dma_semaphore, #tpu.memory_space<semaphore_mem>>)
    %dma_start3A_15 = tpu.memref_slice %arg4[%add3A_13] : memref<320000xi32, #tpu.memory_space<hbm>> -> memref<128xi32, #tpu.memory_space<hbm>>
    %dma_start3A_16 = tpu.memref_slice %arg4[%add3A_13] : memref<320000xi32, #tpu.memory_space<hbm>> -> memref<128xi32, #tpu.memory_space<hbm>>
    tpu.enqueue_dma source(%dma_start3A_16 : memref<128xi32, #tpu.memory_space<hbm>>) target(%arg10 : memref<128xi32, #tpu.memory_space<vmem>>) target_semaphore(%arg18 : memref<!tpu.dma_semaphore, #tpu.memory_space<semaphore_mem>>)
    %add3A_17 = arith.constant 128 : i32
    %add3A_18 = arith.addi %mul3A_11, %add3A_17 : i32
    %dma_start3A_19 = tpu.memref_slice %arg3[%add3A_18] : memref<320000xi32, #tpu.memory_space<hbm>> -> memref<128xi32, #tpu.memory_space<hbm>>
    %dma_start3A_20 = tpu.memref_slice %arg3[%add3A_18] : memref<320000xi32, #tpu.memory_space<hbm>> -> memref<128xi32, #tpu.memory_space<hbm>>
    tpu.enqueue_dma source(%dma_start3A_20 : memref<128xi32, #tpu.memory_space<hbm>>) target(%arg9 : memref<128xi32, #tpu.memory_space<vmem>>) target_semaphore(%arg17 : memref<!tpu.dma_semaphore, #tpu.memory_space<semaphore_mem>>)
    %dma_start3A_21 = tpu.memref_slice %arg4[%add3A_18] : memref<320000xi32, #tpu.memory_space<hbm>> -> memref<128xi32, #tpu.memory_space<hbm>>
    %dma_start3A_22 = tpu.memref_slice %arg4[%add3A_18] : memref<320000xi32, #tpu.memory_space<hbm>> -> memref<128xi32, #tpu.memory_space<hbm>>
    tpu.enqueue_dma source(%dma_start3A_22 : memref<128xi32, #tpu.memory_space<hbm>>) target(%arg11 : memref<128xi32, #tpu.memory_space<vmem>>) target_semaphore(%arg19 : memref<!tpu.dma_semaphore, #tpu.memory_space<semaphore_mem>>)
    %dma_wait3A = arith.constant 0 : i32
    %dma_wait3A_23 = tpu.memref_slice %arg3[%dma_wait3A] : memref<320000xi32, #tpu.memory_space<hbm>> -> memref<128xi32, #tpu.memory_space<hbm>>
    %dma_wait3A_24 = arith.constant 0 : i32
    %dma_wait3A_25 = tpu.memref_slice %arg3[%dma_wait3A_24] : memref<320000xi32, #tpu.memory_space<hbm>> -> memref<128xi32, #tpu.memory_space<hbm>>
    tpu.wait_dma2 semaphore(%arg16 : memref<!tpu.dma_semaphore, #tpu.memory_space<semaphore_mem>>) src(%dma_wait3A_25 : memref<128xi32, #tpu.memory_space<hbm>>) dst(%arg8 : memref<128xi32, #tpu.memory_space<vmem>>)
    %dma_start3A_26 = arith.constant 0 : i32
    %dma_start3A_27 = arith.constant 0 : i32
    %dma_start3A_28 = tpu.memref_slice %arg2[%dma_start3A_26, %dma_start3A_27] : memref<10000x128xf32, #tpu.memory_space<hbm>> -> memref<10000x128xf32, #tpu.memory_space<hbm>>
    tpu.enqueue_indirect_dma source(%dma_start3A_28 : memref<10000x128xf32, #tpu.memory_space<hbm>>) target(%arg14 : memref<128x128xf32, #tpu.memory_space<vmem>>) offsets(%arg8 : memref<128xi32, #tpu.memory_space<vmem>>) semaphore(%arg20 : memref<!tpu.dma_semaphore, #tpu.memory_space<semaphore_mem>>)
    %dma_wait3A_29 = arith.constant 0 : i32
    %dma_wait3A_30 = tpu.memref_slice %arg3[%dma_wait3A_29] : memref<320000xi32, #tpu.memory_space<hbm>> -> memref<128xi32, #tpu.memory_space<hbm>>
    %dma_wait3A_31 = arith.constant 0 : i32
    %dma_wait3A_32 = tpu.memref_slice %arg3[%dma_wait3A_31] : memref<320000xi32, #tpu.memory_space<hbm>> -> memref<128xi32, #tpu.memory_space<hbm>>
    tpu.wait_dma2 semaphore(%arg17 : memref<!tpu.dma_semaphore, #tpu.memory_space<semaphore_mem>>) src(%dma_wait3A_32 : memref<128xi32, #tpu.memory_space<hbm>>) dst(%arg9 : memref<128xi32, #tpu.memory_space<vmem>>)
    %dma_start3A_33 = arith.constant 0 : i32
    %dma_start3A_34 = arith.constant 0 : i32
    %dma_start3A_35 = tpu.memref_slice %arg2[%dma_start3A_33, %dma_start3A_34] : memref<10000x128xf32, #tpu.memory_space<hbm>> -> memref<10000x128xf32, #tpu.memory_space<hbm>>
    tpu.enqueue_indirect_dma source(%dma_start3A_35 : memref<10000x128xf32, #tpu.memory_space<hbm>>) target(%arg15 : memref<128x128xf32, #tpu.memory_space<vmem>>) offsets(%arg9 : memref<128xi32, #tpu.memory_space<vmem>>) semaphore(%arg21 : memref<!tpu.dma_semaphore, #tpu.memory_space<semaphore_mem>>)
    %barrier3A = arith.constant 0 : index
    tpu.barrier barrier_id(%barrier3A)
    %scan3A = arith.constant 0 : i32
    %scan3A_36 = arith.constant 0 : i32
    %scan3A_37 = arith.constant 76 : i32
    %scan3A_38 = arith.addi %scan3A_36, %scan3A_37 : i32
    %scan3A_39 = arith.constant 1 : i32
    %scan3A_40 = scf.for %scan3A_99 = %scan3A_36 to %scan3A_38 step %scan3A_39 iter_args(%scan3A_100 = %scan3A) -> (i32)  : i32 {
      %jit3A = arith.constant 2 : i32
      %eq3A_101 = arith.constant 0 : i32
      %eq3A_102 = arith.cmpi eq, %jit3A, %eq3A_101 : i32
      %jit3A_103 = arith.constant 1 : i32
      %select_n3A = arith.select %eq3A_102, %jit3A_103, %jit3A : i32
      %rem3A = arith.remsi %scan3A_99, %select_n3A : i32
      %ne3A = arith.constant 0 : i32
      %ne3A_104 = arith.cmpi ne, %rem3A, %ne3A : i32
      %lt3A_105 = arith.constant 0 : i32
      %lt3A_106 = arith.cmpi slt, %rem3A, %lt3A_105 : i32
      %lt3A_107 = arith.constant 0 : i32
      %lt3A_108 = arith.cmpi slt, %select_n3A, %lt3A_107 : i32
      %ne3A_109 = arith.xori %lt3A_106, %lt3A_108 : i1
      %and3A = arith.andi %ne3A_109, %ne3A_104 : i1
      %add3A_110 = arith.addi %rem3A, %select_n3A : i32
      %select_n3A_111 = arith.select %and3A, %add3A_110, %rem3A : i32
      %eq3A_112 = arith.constant 0 : i32
      %eq3A_113 = arith.cmpi eq, %select_n3A_111, %eq3A_112 : i32
      %convert_element_type3A_114 = arith.extui %eq3A_113 : i1 to i32
      %cond3A_115 = arith.constant 0 : i32
      %cond3A_116 = arith.cmpi ne, %convert_element_type3A_114, %cond3A_115 : i32
      scf.if %cond3A_116 {
        %dma_wait3A_139 = arith.constant 0 : i32
        %dma_wait3A_140 = arith.constant 0 : i32
        %dma_wait3A_141 = tpu.memref_slice %arg2[%dma_wait3A_139, %dma_wait3A_140] : memref<10000x128xf32, #tpu.memory_space<hbm>> -> memref<128x128xf32, #tpu.memory_space<hbm>>
        %dma_wait3A_142 = arith.constant 0 : i32
        %dma_wait3A_143 = arith.constant 0 : i32
        %dma_wait3A_144 = tpu.memref_slice %arg2[%dma_wait3A_142, %dma_wait3A_143] : memref<10000x128xf32, #tpu.memory_space<hbm>> -> memref<128x128xf32, #tpu.memory_space<hbm>>
        tpu.wait_dma2 semaphore(%arg20 : memref<!tpu.dma_semaphore, #tpu.memory_space<semaphore_mem>>) src(%dma_wait3A_144 : memref<128x128xf32, #tpu.memory_space<hbm>>) dst(%arg14 : memref<128x128xf32, #tpu.memory_space<vmem>>)
        %add3A_145 = arith.constant 2 : i32
        %add3A_146 = arith.addi %scan3A_99, %add3A_145 : i32
        %mul3A_147 = arith.constant 128 : i32
        %mul3A_148 = arith.muli %add3A_146, %mul3A_147 : i32
        %add3A_149 = arith.addi %mul3A_11, %mul3A_148 : i32
        %dma_start3A_150 = tpu.memref_slice %arg3[%add3A_149] : memref<320000xi32, #tpu.memory_space<hbm>> -> memref<128xi32, #tpu.memory_space<hbm>>
        %dma_start3A_151 = tpu.memref_slice %arg3[%add3A_149] : memref<320000xi32, #tpu.memory_space<hbm>> -> memref<128xi32, #tpu.memory_space<hbm>>
        tpu.enqueue_dma source(%dma_start3A_151 : memref<128xi32, #tpu.memory_space<hbm>>) target(%arg8 : memref<128xi32, #tpu.memory_space<vmem>>) target_semaphore(%arg16 : memref<!tpu.dma_semaphore, #tpu.memory_space<semaphore_mem>>)
        %dma_wait3A_152 = arith.constant 0 : i32
        %dma_wait3A_153 = tpu.memref_slice %arg3[%dma_wait3A_152] : memref<320000xi32, #tpu.memory_space<hbm>> -> memref<128xi32, #tpu.memory_space<hbm>>
        %dma_wait3A_154 = arith.constant 0 : i32
        %dma_wait3A_155 = tpu.memref_slice %arg3[%dma_wait3A_154] : memref<320000xi32, #tpu.memory_space<hbm>> -> memref<128xi32, #tpu.memory_space<hbm>>
        tpu.wait_dma2 semaphore(%arg18 : memref<!tpu.dma_semaphore, #tpu.memory_space<semaphore_mem>>) src(%dma_wait3A_155 : memref<128xi32, #tpu.memory_space<hbm>>) dst(%arg10 : memref<128xi32, #tpu.memory_space<vmem>>)
        "tpu.region"() ({
          %run_scoped3A = tpu.sem_alloc : memref<!tpu.dma_semaphore, #tpu.memory_space<semaphore_mem>>
          %dma_start3A_165 = arith.constant 0 : i32
          %dma_start3A_166 = arith.constant 0 : i32
          %dma_start3A_167 = tpu.memref_slice %arg7[%dma_start3A_165, %dma_start3A_166] : memref<10000x128xf32, #tpu.memory_space<vmem_shared>> -> memref<10000x128xf32, #tpu.memory_space<vmem_shared>>
          tpu.enqueue_indirect_dma source(%arg14 : memref<128x128xf32, #tpu.memory_space<vmem>>) target(%dma_start3A_167 : memref<10000x128xf32, #tpu.memory_space<vmem_shared>>) offsets(%arg10 : memref<128xi32, #tpu.memory_space<vmem>>) semaphore(%run_scoped3A : memref<!tpu.dma_semaphore, #tpu.memory_space<semaphore_mem>>) {add = true}
          %dma_wait3A_168 = arith.constant 0 : i32
          %dma_wait3A_169 = arith.constant 0 : i32
          %dma_wait3A_170 = tpu.memref_slice %arg7[%dma_wait3A_168, %dma_wait3A_169] : memref<10000x128xf32, #tpu.memory_space<vmem_shared>> -> memref<10000x128xf32, #tpu.memory_space<vmem_shared>>
          tpu.wait_indirect_dma semaphore(%run_scoped3A : memref<!tpu.dma_semaphore, #tpu.memory_space<semaphore_mem>>) src(%arg14 : memref<128x128xf32, #tpu.memory_space<vmem>>) dst(%dma_wait3A_170 : memref<10000x128xf32, #tpu.memory_space<vmem_shared>>)
          tpu.yield
        }) : () -> ()
        %dma_start3A_156 = tpu.memref_slice %arg4[%add3A_149] : memref<320000xi32, #tpu.memory_space<hbm>> -> memref<128xi32, #tpu.memory_space<hbm>>
        %dma_start3A_157 = tpu.memref_slice %arg4[%add3A_149] : memref<320000xi32, #tpu.memory_space<hbm>> -> memref<128xi32, #tpu.memory_space<hbm>>
        tpu.enqueue_dma source(%dma_start3A_157 : memref<128xi32, #tpu.memory_space<hbm>>) target(%arg10 : memref<128xi32, #tpu.memory_space<vmem>>) target_semaphore(%arg18 : memref<!tpu.dma_semaphore, #tpu.memory_space<semaphore_mem>>)
        %dma_wait3A_158 = arith.constant 0 : i32
        %dma_wait3A_159 = tpu.memref_slice %arg3[%dma_wait3A_158] : memref<320000xi32, #tpu.memory_space<hbm>> -> memref<128xi32, #tpu.memory_space<hbm>>
        %dma_wait3A_160 = arith.constant 0 : i32
        %dma_wait3A_161 = tpu.memref_slice %arg3[%dma_wait3A_160] : memref<320000xi32, #tpu.memory_space<hbm>> -> memref<128xi32, #tpu.memory_space<hbm>>
        tpu.wait_dma2 semaphore(%arg16 : memref<!tpu.dma_semaphore, #tpu.memory_space<semaphore_mem>>) src(%dma_wait3A_161 : memref<128xi32, #tpu.memory_space<hbm>>) dst(%arg8 : memref<128xi32, #tpu.memory_space<vmem>>)
        %dma_start3A_162 = arith.constant 0 : i32
        %dma_start3A_163 = arith.constant 0 : i32
        %dma_start3A_164 = tpu.memref_slice %arg2[%dma_start3A_162, %dma_start3A_163] : memref<10000x128xf32, #tpu.memory_space<hbm>> -> memref<10000x128xf32, #tpu.memory_space<hbm>>
        tpu.enqueue_indirect_dma source(%dma_start3A_164 : memref<10000x128xf32, #tpu.memory_space<hbm>>) target(%arg14 : memref<128x128xf32, #tpu.memory_space<vmem>>) offsets(%arg8 : memref<128xi32, #tpu.memory_space<vmem>>) semaphore(%arg20 : memref<!tpu.dma_semaphore, #tpu.memory_space<semaphore_mem>>)
      } else {
      }
      %jit3A_117 = arith.constant 2 : i32
      %eq3A_118 = arith.constant 0 : i32
      %eq3A_119 = arith.cmpi eq, %jit3A_117, %eq3A_118 : i32
      %jit3A_120 = arith.constant 1 : i32
      %select_n3A_121 = arith.select %eq3A_119, %jit3A_120, %jit3A_117 : i32
      %rem3A_122 = arith.remsi %scan3A_99, %select_n3A_121 : i32
      %ne3A_123 = arith.constant 0 : i32
      %ne3A_124 = arith.cmpi ne, %rem3A_122, %ne3A_123 : i32
      %lt3A_125 = arith.constant 0 : i32
      %lt3A_126 = arith.cmpi slt, %rem3A_122, %lt3A_125 : i32
      %lt3A_127 = arith.constant 0 : i32
      %lt3A_128 = arith.cmpi slt, %select_n3A_121, %lt3A_127 : i32
      %ne3A_129 = arith.xori %lt3A_126, %lt3A_128 : i1
      %and3A_130 = arith.andi %ne3A_129, %ne3A_124 : i1
      %add3A_131 = arith.addi %rem3A_122, %select_n3A_121 : i32
      %select_n3A_132 = arith.select %and3A_130, %add3A_131, %rem3A_122 : i32
      %eq3A_133 = arith.constant 1 : i32
      %eq3A_134 = arith.cmpi eq, %select_n3A_132, %eq3A_133 : i32
      %convert_element_type3A_135 = arith.extui %eq3A_134 : i1 to i32
      %cond3A_136 = arith.constant 0 : i32
      %cond3A_137 = arith.cmpi ne, %convert_element_type3A_135, %cond3A_136 : i32
      scf.if %cond3A_137 {
        %dma_wait3A_139 = arith.constant 0 : i32
        %dma_wait3A_140 = arith.constant 0 : i32
        %dma_wait3A_141 = tpu.memref_slice %arg2[%dma_wait3A_139, %dma_wait3A_140] : memref<10000x128xf32, #tpu.memory_space<hbm>> -> memref<128x128xf32, #tpu.memory_space<hbm>>
        %dma_wait3A_142 = arith.constant 0 : i32
        %dma_wait3A_143 = arith.constant 0 : i32
        %dma_wait3A_144 = tpu.memref_slice %arg2[%dma_wait3A_142, %dma_wait3A_143] : memref<10000x128xf32, #tpu.memory_space<hbm>> -> memref<128x128xf32, #tpu.memory_space<hbm>>
        tpu.wait_dma2 semaphore(%arg21 : memref<!tpu.dma_semaphore, #tpu.memory_space<semaphore_mem>>) src(%dma_wait3A_144 : memref<128x128xf32, #tpu.memory_space<hbm>>) dst(%arg15 : memref<128x128xf32, #tpu.memory_space<vmem>>)
        %add3A_145 = arith.constant 2 : i32
        %add3A_146 = arith.addi %scan3A_99, %add3A_145 : i32
        %mul3A_147 = arith.constant 128 : i32
        %mul3A_148 = arith.muli %add3A_146, %mul3A_147 : i32
        %add3A_149 = arith.addi %mul3A_11, %mul3A_148 : i32
        %dma_start3A_150 = tpu.memref_slice %arg3[%add3A_149] : memref<320000xi32, #tpu.memory_space<hbm>> -> memref<128xi32, #tpu.memory_space<hbm>>
        %dma_start3A_151 = tpu.memref_slice %arg3[%add3A_149] : memref<320000xi32, #tpu.memory_space<hbm>> -> memref<128xi32, #tpu.memory_space<hbm>>
        tpu.enqueue_dma source(%dma_start3A_151 : memref<128xi32, #tpu.memory_space<hbm>>) target(%arg9 : memref<128xi32, #tpu.memory_space<vmem>>) target_semaphore(%arg17 : memref<!tpu.dma_semaphore, #tpu.memory_space<semaphore_mem>>)
        %dma_wait3A_152 = arith.constant 0 : i32
        %dma_wait3A_153 = tpu.memref_slice %arg3[%dma_wait3A_152] : memref<320000xi32, #tpu.memory_space<hbm>> -> memref<128xi32, #tpu.memory_space<hbm>>
        %dma_wait3A_154 = arith.constant 0 : i32
        %dma_wait3A_155 = tpu.memref_slice %arg3[%dma_wait3A_154] : memref<320000xi32, #tpu.memory_space<hbm>> -> memref<128xi32, #tpu.memory_space<hbm>>
        tpu.wait_dma2 semaphore(%arg19 : memref<!tpu.dma_semaphore, #tpu.memory_space<semaphore_mem>>) src(%dma_wait3A_155 : memref<128xi32, #tpu.memory_space<hbm>>) dst(%arg11 : memref<128xi32, #tpu.memory_space<vmem>>)
        "tpu.region"() ({
          %run_scoped3A = tpu.sem_alloc : memref<!tpu.dma_semaphore, #tpu.memory_space<semaphore_mem>>
          %dma_start3A_165 = arith.constant 0 : i32
          %dma_start3A_166 = arith.constant 0 : i32
          %dma_start3A_167 = tpu.memref_slice %arg7[%dma_start3A_165, %dma_start3A_166] : memref<10000x128xf32, #tpu.memory_space<vmem_shared>> -> memref<10000x128xf32, #tpu.memory_space<vmem_shared>>
          tpu.enqueue_indirect_dma source(%arg15 : memref<128x128xf32, #tpu.memory_space<vmem>>) target(%dma_start3A_167 : memref<10000x128xf32, #tpu.memory_space<vmem_shared>>) offsets(%arg11 : memref<128xi32, #tpu.memory_space<vmem>>) semaphore(%run_scoped3A : memref<!tpu.dma_semaphore, #tpu.memory_space<semaphore_mem>>) {add = true}
          %dma_wait3A_168 = arith.constant 0 : i32
          %dma_wait3A_169 = arith.constant 0 : i32
          %dma_wait3A_170 = tpu.memref_slice %arg7[%dma_wait3A_168, %dma_wait3A_169] : memref<10000x128xf32, #tpu.memory_space<vmem_shared>> -> memref<10000x128xf32, #tpu.memory_space<vmem_shared>>
          tpu.wait_indirect_dma semaphore(%run_scoped3A : memref<!tpu.dma_semaphore, #tpu.memory_space<semaphore_mem>>) src(%arg15 : memref<128x128xf32, #tpu.memory_space<vmem>>) dst(%dma_wait3A_170 : memref<10000x128xf32, #tpu.memory_space<vmem_shared>>)
          tpu.yield
        }) : () -> ()
        %dma_start3A_156 = tpu.memref_slice %arg4[%add3A_149] : memref<320000xi32, #tpu.memory_space<hbm>> -> memref<128xi32, #tpu.memory_space<hbm>>
        %dma_start3A_157 = tpu.memref_slice %arg4[%add3A_149] : memref<320000xi32, #tpu.memory_space<hbm>> -> memref<128xi32, #tpu.memory_space<hbm>>
        tpu.enqueue_dma source(%dma_start3A_157 : memref<128xi32, #tpu.memory_space<hbm>>) target(%arg11 : memref<128xi32, #tpu.memory_space<vmem>>) target_semaphore(%arg19 : memref<!tpu.dma_semaphore, #tpu.memory_space<semaphore_mem>>)
        %dma_wait3A_158 = arith.constant 0 : i32
        %dma_wait3A_159 = tpu.memref_slice %arg3[%dma_wait3A_158] : memref<320000xi32, #tpu.memory_space<hbm>> -> memref<128xi32, #tpu.memory_space<hbm>>
        %dma_wait3A_160 = arith.constant 0 : i32
        %dma_wait3A_161 = tpu.memref_slice %arg3[%dma_wait3A_160] : memref<320000xi32, #tpu.memory_space<hbm>> -> memref<128xi32, #tpu.memory_space<hbm>>
        tpu.wait_dma2 semaphore(%arg17 : memref<!tpu.dma_semaphore, #tpu.memory_space<semaphore_mem>>) src(%dma_wait3A_161 : memref<128xi32, #tpu.memory_space<hbm>>) dst(%arg9 : memref<128xi32, #tpu.memory_space<vmem>>)
        %dma_start3A_162 = arith.constant 0 : i32
        %dma_start3A_163 = arith.constant 0 : i32
        %dma_start3A_164 = tpu.memref_slice %arg2[%dma_start3A_162, %dma_start3A_163] : memref<10000x128xf32, #tpu.memory_space<hbm>> -> memref<10000x128xf32, #tpu.memory_space<hbm>>
        tpu.enqueue_indirect_dma source(%dma_start3A_164 : memref<10000x128xf32, #tpu.memory_space<hbm>>) target(%arg15 : memref<128x128xf32, #tpu.memory_space<vmem>>) offsets(%arg9 : memref<128xi32, #tpu.memory_space<vmem>>) semaphore(%arg21 : memref<!tpu.dma_semaphore, #tpu.memory_space<semaphore_mem>>)
      } else {
      }
      %scan3A_138 = arith.constant 0 : i32
      scf.yield %scan3A_138 : i32
    }
    %scan3A_41 = arith.constant 76 : i32
    %dma_wait3A_42 = arith.constant 0 : i32
    %dma_wait3A_43 = arith.constant 0 : i32
    %dma_wait3A_44 = tpu.memref_slice %arg2[%dma_wait3A_42, %dma_wait3A_43] : memref<10000x128xf32, #tpu.memory_space<hbm>> -> memref<128x128xf32, #tpu.memory_space<hbm>>
    %dma_wait3A_45 = arith.constant 0 : i32
    %dma_wait3A_46 = arith.constant 0 : i32
    %dma_wait3A_47 = tpu.memref_slice %arg2[%dma_wait3A_45, %dma_wait3A_46] : memref<10000x128xf32, #tpu.memory_space<hbm>> -> memref<128x128xf32, #tpu.memory_space<hbm>>
    tpu.wait_dma2 semaphore(%arg20 : memref<!tpu.dma_semaphore, #tpu.memory_space<semaphore_mem>>) src(%dma_wait3A_47 : memref<128x128xf32, #tpu.memory_space<hbm>>) dst(%arg14 : memref<128x128xf32, #tpu.memory_space<vmem>>)
    %dma_wait3A_48 = arith.constant 0 : i32
    %dma_wait3A_49 = tpu.memref_slice %arg3[%dma_wait3A_48] : memref<320000xi32, #tpu.memory_space<hbm>> -> memref<128xi32, #tpu.memory_space<hbm>>
    %dma_wait3A_50 = arith.constant 0 : i32
    %dma_wait3A_51 = tpu.memref_slice %arg3[%dma_wait3A_50] : memref<320000xi32, #tpu.memory_space<hbm>> -> memref<128xi32, #tpu.memory_space<hbm>>
    tpu.wait_dma2 semaphore(%arg18 : memref<!tpu.dma_semaphore, #tpu.memory_space<semaphore_mem>>) src(%dma_wait3A_51 : memref<128xi32, #tpu.memory_space<hbm>>) dst(%arg10 : memref<128xi32, #tpu.memory_space<vmem>>)
    "tpu.region"() ({
      %run_scoped3A = tpu.sem_alloc : memref<!tpu.dma_semaphore, #tpu.memory_space<semaphore_mem>>
      %dma_start3A_99 = arith.constant 0 : i32
      %dma_start3A_100 = arith.constant 0 : i32
      %dma_start3A_101 = tpu.memref_slice %arg7[%dma_start3A_99, %dma_start3A_100] : memref<10000x128xf32, #tpu.memory_space<vmem_shared>> -> memref<10000x128xf32, #tpu.memory_space<vmem_shared>>
      tpu.enqueue_indirect_dma source(%arg14 : memref<128x128xf32, #tpu.memory_space<vmem>>) target(%dma_start3A_101 : memref<10000x128xf32, #tpu.memory_space<vmem_shared>>) offsets(%arg10 : memref<128xi32, #tpu.memory_space<vmem>>) semaphore(%run_scoped3A : memref<!tpu.dma_semaphore, #tpu.memory_space<semaphore_mem>>) {add = true}
      %dma_wait3A_102 = arith.constant 0 : i32
      %dma_wait3A_103 = arith.constant 0 : i32
      %dma_wait3A_104 = tpu.memref_slice %arg7[%dma_wait3A_102, %dma_wait3A_103] : memref<10000x128xf32, #tpu.memory_space<vmem_shared>> -> memref<10000x128xf32, #tpu.memory_space<vmem_shared>>
      tpu.wait_indirect_dma semaphore(%run_scoped3A : memref<!tpu.dma_semaphore, #tpu.memory_space<semaphore_mem>>) src(%arg14 : memref<128x128xf32, #tpu.memory_space<vmem>>) dst(%dma_wait3A_104 : memref<10000x128xf32, #tpu.memory_space<vmem_shared>>)
      tpu.yield
    }) : () -> ()
    %dma_wait3A_52 = arith.constant 0 : i32
    %dma_wait3A_53 = arith.constant 0 : i32
    %dma_wait3A_54 = tpu.memref_slice %arg2[%dma_wait3A_52, %dma_wait3A_53] : memref<10000x128xf32, #tpu.memory_space<hbm>> -> memref<128x128xf32, #tpu.memory_space<hbm>>
    %dma_wait3A_55 = arith.constant 0 : i32
    %dma_wait3A_56 = arith.constant 0 : i32
    %dma_wait3A_57 = tpu.memref_slice %arg2[%dma_wait3A_55, %dma_wait3A_56] : memref<10000x128xf32, #tpu.memory_space<hbm>> -> memref<128x128xf32, #tpu.memory_space<hbm>>
    tpu.wait_dma2 semaphore(%arg21 : memref<!tpu.dma_semaphore, #tpu.memory_space<semaphore_mem>>) src(%dma_wait3A_57 : memref<128x128xf32, #tpu.memory_space<hbm>>) dst(%arg15 : memref<128x128xf32, #tpu.memory_space<vmem>>)
    %dma_wait3A_58 = arith.constant 0 : i32
    %dma_wait3A_59 = tpu.memref_slice %arg3[%dma_wait3A_58] : memref<320000xi32, #tpu.memory_space<hbm>> -> memref<128xi32, #tpu.memory_space<hbm>>
    %dma_wait3A_60 = arith.constant 0 : i32
    %dma_wait3A_61 = tpu.memref_slice %arg3[%dma_wait3A_60] : memref<320000xi32, #tpu.memory_space<hbm>> -> memref<128xi32, #tpu.memory_space<hbm>>
    tpu.wait_dma2 semaphore(%arg19 : memref<!tpu.dma_semaphore, #tpu.memory_space<semaphore_mem>>) src(%dma_wait3A_61 : memref<128xi32, #tpu.memory_space<hbm>>) dst(%arg11 : memref<128xi32, #tpu.memory_space<vmem>>)
    "tpu.region"() ({
      %run_scoped3A = tpu.sem_alloc : memref<!tpu.dma_semaphore, #tpu.memory_space<semaphore_mem>>
      %dma_start3A_99 = arith.constant 0 : i32
      %dma_start3A_100 = arith.constant 0 : i32
      %dma_start3A_101 = tpu.memref_slice %arg7[%dma_start3A_99, %dma_start3A_100] : memref<10000x128xf32, #tpu.memory_space<vmem_shared>> -> memref<10000x128xf32, #tpu.memory_space<vmem_shared>>
      tpu.enqueue_indirect_dma source(%arg15 : memref<128x128xf32, #tpu.memory_space<vmem>>) target(%dma_start3A_101 : memref<10000x128xf32, #tpu.memory_space<vmem_shared>>) offsets(%arg11 : memref<128xi32, #tpu.memory_space<vmem>>) semaphore(%run_scoped3A : memref<!tpu.dma_semaphore, #tpu.memory_space<semaphore_mem>>) {add = true}
      %dma_wait3A_102 = arith.constant 0 : i32
      %dma_wait3A_103 = arith.constant 0 : i32
      %dma_wait3A_104 = tpu.memref_slice %arg7[%dma_wait3A_102, %dma_wait3A_103] : memref<10000x128xf32, #tpu.memory_space<vmem_shared>> -> memref<10000x128xf32, #tpu.memory_space<vmem_shared>>
      tpu.wait_indirect_dma semaphore(%run_scoped3A : memref<!tpu.dma_semaphore, #tpu.memory_space<semaphore_mem>>) src(%arg15 : memref<128x128xf32, #tpu.memory_space<vmem>>) dst(%dma_wait3A_104 : memref<10000x128xf32, #tpu.memory_space<vmem_shared>>)
      tpu.yield
    }) : () -> ()
    %add3A_62 = arith.constant 9984 : i32
    %add3A_63 = arith.addi %mul3A_11, %add3A_62 : i32
    %dma_start3A_64 = tpu.memref_slice %arg3[%add3A_63] : memref<320000xi32, #tpu.memory_space<hbm>> -> memref<16xi32, #tpu.memory_space<hbm>>
    %dma_start3A_65 = tpu.memref_slice %arg3[%add3A_63] : memref<320000xi32, #tpu.memory_space<hbm>> -> memref<16xi32, #tpu.memory_space<hbm>>
    tpu.enqueue_dma source(%dma_start3A_65 : memref<16xi32, #tpu.memory_space<hbm>>) target(%arg12 : memref<16xi32, #tpu.memory_space<vmem>>) target_semaphore(%arg16 : memref<!tpu.dma_semaphore, #tpu.memory_space<semaphore_mem>>)
    %dma_start3A_66 = tpu.memref_slice %arg4[%add3A_63] : memref<320000xi32, #tpu.memory_space<hbm>> -> memref<16xi32, #tpu.memory_space<hbm>>
    %dma_start3A_67 = tpu.memref_slice %arg4[%add3A_63] : memref<320000xi32, #tpu.memory_space<hbm>> -> memref<16xi32, #tpu.memory_space<hbm>>
    tpu.enqueue_dma source(%dma_start3A_67 : memref<16xi32, #tpu.memory_space<hbm>>) target(%arg13 : memref<16xi32, #tpu.memory_space<vmem>>) target_semaphore(%arg18 : memref<!tpu.dma_semaphore, #tpu.memory_space<semaphore_mem>>)
    %dma_wait3A_68 = arith.constant 0 : i32
    %dma_wait3A_69 = tpu.memref_slice %arg3[%dma_wait3A_68] : memref<320000xi32, #tpu.memory_space<hbm>> -> memref<16xi32, #tpu.memory_space<hbm>>
    %dma_wait3A_70 = arith.constant 0 : i32
    %dma_wait3A_71 = tpu.memref_slice %arg3[%dma_wait3A_70] : memref<320000xi32, #tpu.memory_space<hbm>> -> memref<16xi32, #tpu.memory_space<hbm>>
    tpu.wait_dma2 semaphore(%arg16 : memref<!tpu.dma_semaphore, #tpu.memory_space<semaphore_mem>>) src(%dma_wait3A_71 : memref<16xi32, #tpu.memory_space<hbm>>) dst(%arg12 : memref<16xi32, #tpu.memory_space<vmem>>)
    %dma_start3A_72 = arith.constant 0 : i32
    %dma_start3A_73 = arith.constant 0 : i32
    %dma_start3A_74 = tpu.memref_slice %arg14[%dma_start3A_72, %dma_start3A_73] : memref<128x128xf32, #tpu.memory_space<vmem>> -> memref<16x128xf32, #tpu.memory_space<vmem>>
    %dma_start3A_75 = arith.constant 0 : i32
    %dma_start3A_76 = arith.constant 0 : i32
    %dma_start3A_77 = tpu.memref_slice %arg2[%dma_start3A_75, %dma_start3A_76] : memref<10000x128xf32, #tpu.memory_space<hbm>> -> memref<10000x128xf32, #tpu.memory_space<hbm>>
    tpu.enqueue_indirect_dma source(%dma_start3A_77 : memref<10000x128xf32, #tpu.memory_space<hbm>>) target(%dma_start3A_74 : memref<16x128xf32, #tpu.memory_space<vmem>>) offsets(%arg12 : memref<16xi32, #tpu.memory_space<vmem>>) semaphore(%arg20 : memref<!tpu.dma_semaphore, #tpu.memory_space<semaphore_mem>>)
    %dma_wait3A_78 = arith.constant 0 : i32
    %dma_wait3A_79 = arith.constant 0 : i32
    %dma_wait3A_80 = tpu.memref_slice %arg14[%dma_wait3A_78, %dma_wait3A_79] : memref<128x128xf32, #tpu.memory_space<vmem>> -> memref<16x128xf32, #tpu.memory_space<vmem>>
    %dma_wait3A_81 = arith.constant 0 : i32
    %dma_wait3A_82 = arith.constant 0 : i32
    %dma_wait3A_83 = tpu.memref_slice %arg2[%dma_wait3A_81, %dma_wait3A_82] : memref<10000x128xf32, #tpu.memory_space<hbm>> -> memref<10000x128xf32, #tpu.memory_space<hbm>>
    tpu.wait_indirect_dma semaphore(%arg20 : memref<!tpu.dma_semaphore, #tpu.memory_space<semaphore_mem>>) src(%dma_wait3A_83 : memref<10000x128xf32, #tpu.memory_space<hbm>>) dst(%dma_wait3A_80 : memref<16x128xf32, #tpu.memory_space<vmem>>)
    %dma_wait3A_84 = arith.constant 0 : i32
    %dma_wait3A_85 = tpu.memref_slice %arg4[%dma_wait3A_84] : memref<320000xi32, #tpu.memory_space<hbm>> -> memref<16xi32, #tpu.memory_space<hbm>>
    %dma_wait3A_86 = arith.constant 0 : i32
    %dma_wait3A_87 = tpu.memref_slice %arg4[%dma_wait3A_86] : memref<320000xi32, #tpu.memory_space<hbm>> -> memref<16xi32, #tpu.memory_space<hbm>>
    tpu.wait_dma2 semaphore(%arg18 : memref<!tpu.dma_semaphore, #tpu.memory_space<semaphore_mem>>) src(%dma_wait3A_87 : memref<16xi32, #tpu.memory_space<hbm>>) dst(%arg13 : memref<16xi32, #tpu.memory_space<vmem>>)
    "tpu.region"() ({
      %run_scoped3A = tpu.sem_alloc : memref<!tpu.dma_semaphore, #tpu.memory_space<semaphore_mem>>
      %dma_start3A_99 = arith.constant 0 : i32
      %dma_start3A_100 = arith.constant 0 : i32
      %dma_start3A_101 = tpu.memref_slice %arg14[%dma_start3A_99, %dma_start3A_100] : memref<128x128xf32, #tpu.memory_space<vmem>> -> memref<16x128xf32, #tpu.memory_space<vmem>>
      %dma_start3A_102 = arith.constant 0 : i32
      %dma_start3A_103 = arith.constant 0 : i32
      %dma_start3A_104 = tpu.memref_slice %arg7[%dma_start3A_102, %dma_start3A_103] : memref<10000x128xf32, #tpu.memory_space<vmem_shared>> -> memref<10000x128xf32, #tpu.memory_space<vmem_shared>>
      tpu.enqueue_indirect_dma source(%dma_start3A_101 : memref<16x128xf32, #tpu.memory_space<vmem>>) target(%dma_start3A_104 : memref<10000x128xf32, #tpu.memory_space<vmem_shared>>) offsets(%arg13 : memref<16xi32, #tpu.memory_space<vmem>>) semaphore(%run_scoped3A : memref<!tpu.dma_semaphore, #tpu.memory_space<semaphore_mem>>) {add = true}
      %dma_wait3A_105 = arith.constant 0 : i32
      %dma_wait3A_106 = arith.constant 0 : i32
      %dma_wait3A_107 = tpu.memref_slice %arg14[%dma_wait3A_105, %dma_wait3A_106] : memref<128x128xf32, #tpu.memory_space<vmem>> -> memref<16x128xf32, #tpu.memory_space<vmem>>
      %dma_wait3A_108 = arith.constant 0 : i32
      %dma_wait3A_109 = arith.constant 0 : i32
      %dma_wait3A_110 = tpu.memref_slice %arg7[%dma_wait3A_108, %dma_wait3A_109] : memref<10000x128xf32, #tpu.memory_space<vmem_shared>> -> memref<10000x128xf32, #tpu.memory_space<vmem_shared>>
      tpu.wait_indirect_dma semaphore(%run_scoped3A : memref<!tpu.dma_semaphore, #tpu.memory_space<semaphore_mem>>) src(%dma_wait3A_107 : memref<16x128xf32, #tpu.memory_space<vmem>>) dst(%dma_wait3A_110 : memref<10000x128xf32, #tpu.memory_space<vmem_shared>>)
      tpu.yield
    }) : () -> ()
    %barrier3A_88 = arith.constant 0 : index
    tpu.barrier barrier_id(%barrier3A_88)
    %lt3A_89 = arith.constant 15 : i32
    %lt3A_90 = arith.cmpi slt, %arg1, %lt3A_89 : i32
    %convert_element_type3A_91 = arith.extui %lt3A_90 : i1 to i32
    %cond3A_92 = arith.constant 0 : i32
    %cond3A_93 = arith.cmpi ne, %convert_element_type3A_91, %cond3A_92 : i32
    scf.if %cond3A_93 {
      %mul3A_99 = arith.constant 624 : i32
      %mul3A_100 = arith.muli %arg1, %mul3A_99 : i32
      %mul3A_101 = arith.constant 624 : i32
      %mul3A_102 = arith.muli %arg1, %mul3A_101 : i32
      "tpu.region"() ({
        %run_scoped3A = tpu.sem_alloc : memref<!tpu.dma_semaphore, #tpu.memory_space<semaphore_mem>>
        %dma_start3A_103 = arith.constant 0 : i32
        %dma_start3A_104 = tpu.memref_slice %arg6[%arg0, %mul3A_102, %dma_start3A_103] : memref<2x10000x128xf32, #tpu.memory_space<hbm>> -> memref<1x624x128xf32, #tpu.memory_space<hbm>>
        %dma_start3A_105 = tpu.memref_squeeze %dma_start3A_104 : memref<1x624x128xf32, #tpu.memory_space<hbm>> -> memref<624x128xf32, #tpu.memory_space<hbm>>
        %dma_start3A_106 = arith.constant 0 : i32
        %dma_start3A_107 = tpu.memref_slice %arg7[%mul3A_100, %dma_start3A_106] : memref<10000x128xf32, #tpu.memory_space<vmem_shared>> -> memref<624x128xf32, #tpu.memory_space<vmem_shared>>
        tpu.enqueue_dma source(%dma_start3A_107 : memref<624x128xf32, #tpu.memory_space<vmem_shared>>) target(%dma_start3A_105 : memref<624x128xf32, #tpu.memory_space<hbm>>) target_semaphore(%run_scoped3A : memref<!tpu.dma_semaphore, #tpu.memory_space<semaphore_mem>>)
        %dma_wait3A_108 = arith.constant 0 : i32
        %dma_wait3A_109 = tpu.memref_slice %arg6[%arg0, %mul3A_102, %dma_wait3A_108] : memref<2x10000x128xf32, #tpu.memory_space<hbm>> -> memref<1x624x128xf32, #tpu.memory_space<hbm>>
        %dma_wait3A_110 = tpu.memref_squeeze %dma_wait3A_109 : memref<1x624x128xf32, #tpu.memory_space<hbm>> -> memref<624x128xf32, #tpu.memory_space<hbm>>
        %dma_wait3A_111 = arith.constant 0 : i32
        %dma_wait3A_112 = tpu.memref_slice %arg7[%mul3A_100, %dma_wait3A_111] : memref<10000x128xf32, #tpu.memory_space<vmem_shared>> -> memref<624x128xf32, #tpu.memory_space<vmem_shared>>
        tpu.wait_dma2 semaphore(%run_scoped3A : memref<!tpu.dma_semaphore, #tpu.memory_space<semaphore_mem>>) src(%dma_wait3A_112 : memref<624x128xf32, #tpu.memory_space<vmem_shared>>) dst(%dma_wait3A_110 : memref<624x128xf32, #tpu.memory_space<hbm>>)
        tpu.yield
      }) : () -> ()
    } else {
    }
    %eq3A_94 = arith.constant 15 : i32
    %eq3A_95 = arith.cmpi eq, %arg1, %eq3A_94 : i32
    %convert_element_type3A_96 = arith.extui %eq3A_95 : i1 to i32
    %cond3A_97 = arith.constant 0 : i32
    %cond3A_98 = arith.cmpi ne, %convert_element_type3A_96, %cond3A_97 : i32
    scf.if %cond3A_98 {
      "tpu.region"() ({
        %run_scoped3A = tpu.sem_alloc : memref<!tpu.dma_semaphore, #tpu.memory_space<semaphore_mem>>
        %dma_start3A_99 = arith.constant 9360 : i32
        %dma_start3A_100 = arith.constant 0 : i32
        %dma_start3A_101 = tpu.memref_slice %arg6[%arg0, %dma_start3A_99, %dma_start3A_100] : memref<2x10000x128xf32, #tpu.memory_space<hbm>> -> memref<1x640x128xf32, #tpu.memory_space<hbm>>
        %dma_start3A_102 = tpu.memref_squeeze %dma_start3A_101 : memref<1x640x128xf32, #tpu.memory_space<hbm>> -> memref<640x128xf32, #tpu.memory_space<hbm>>
        %dma_start3A_103 = arith.constant 9360 : i32
        %dma_start3A_104 = arith.constant 0 : i32
        %dma_start3A_105 = tpu.memref_slice %arg7[%dma_start3A_103, %dma_start3A_104] : memref<10000x128xf32, #tpu.memory_space<vmem_shared>> -> memref<640x128xf32, #tpu.memory_space<vmem_shared>>
        tpu.enqueue_dma source(%dma_start3A_105 : memref<640x128xf32, #tpu.memory_space<vmem_shared>>) target(%dma_start3A_102 : memref<640x128xf32, #tpu.memory_space<hbm>>) target_semaphore(%run_scoped3A : memref<!tpu.dma_semaphore, #tpu.memory_space<semaphore_mem>>)
        %dma_wait3A_106 = arith.constant 9360 : i32
        %dma_wait3A_107 = arith.constant 0 : i32
        %dma_wait3A_108 = tpu.memref_slice %arg6[%arg0, %dma_wait3A_106, %dma_wait3A_107] : memref<2x10000x128xf32, #tpu.memory_space<hbm>> -> memref<1x640x128xf32, #tpu.memory_space<hbm>>
        %dma_wait3A_109 = tpu.memref_squeeze %dma_wait3A_108 : memref<1x640x128xf32, #tpu.memory_space<hbm>> -> memref<640x128xf32, #tpu.memory_space<hbm>>
        %dma_wait3A_110 = arith.constant 9360 : i32
        %dma_wait3A_111 = arith.constant 0 : i32
        %dma_wait3A_112 = tpu.memref_slice %arg7[%dma_wait3A_110, %dma_wait3A_111] : memref<10000x128xf32, #tpu.memory_space<vmem_shared>> -> memref<640x128xf32, #tpu.memory_space<vmem_shared>>
        tpu.wait_dma2 semaphore(%run_scoped3A : memref<!tpu.dma_semaphore, #tpu.memory_space<semaphore_mem>>) src(%dma_wait3A_112 : memref<640x128xf32, #tpu.memory_space<vmem_shared>>) dst(%dma_wait3A_109 : memref<640x128xf32, #tpu.memory_space<hbm>>)
        tpu.yield
      }) : () -> ()
    } else {
    }
    return
  }
}

module attributes {stable_mosaic.version = 14 : i64} {
  func.func @_matmul_body(%arg0: i32, %arg1: memref<2000x128xf32, #tpu.memory_space<vmem>>, %arg2: memref<128x128xf32, #tpu.memory_space<vmem>>, %arg3: memref<2000x128xf32, #tpu.memory_space<vmem>>) attributes {dimension_semantics = [#tpu.dimension_semantics<arbitrary>], iteration_bounds = array<i64: 5>, scalar_prefetch = 0 : i64, scratch_operands = 0 : i64, tpu.core_type = #tpu.core_type<tc>, window_params = [{transform_indices = @transform_0, window_bounds = array<i64: 2000, 128>}, {pipeline_mode = #tpu.pipeline_mode<synchronous>, transform_indices = @transform_1, window_bounds = array<i64: 128, 128>}, {transform_indices = @transform_2, window_bounds = array<i64: 2000, 128>}]} {
    %get3A = arith.constant 0 : index
    %get3A_0 = arith.constant 0 : index
    %get3A_1 = vector.load %arg1[%get3A, %get3A_0] : memref<2000x128xf32, #tpu.memory_space<vmem>>, vector<2000x128xf32>
    %get3A_2 = arith.constant 0 : index
    %get3A_3 = arith.constant 0 : index
    %get3A_4 = vector.load %arg2[%get3A_2, %get3A_3] : memref<128x128xf32, #tpu.memory_space<vmem>>, vector<128x128xf32>
    %dot_general3A = arith.constant dense<0.000000e+00> : vector<2000x128xf32>
    %dot_general3A_5 = tpu.matmul %get3A_1, %get3A_4, %dot_general3A {dimension_numbers = #tpu.dot_dimension_numbers<[1], [0], [0], [1], [0, 0, 1, 1], [], []>, transpose_lhs_hint = false} : vector<2000x128xf32>, vector<128x128xf32>, vector<2000x128xf32> -> vector<2000x128xf32>
    %swap3A = arith.constant 0 : index
    %swap3A_6 = arith.constant 0 : index
    %swap3A_7 = vector.load %arg3[%swap3A, %swap3A_6] : memref<2000x128xf32, #tpu.memory_space<vmem>>, vector<2000x128xf32>
    tpu.vector_store %arg3[%swap3A, %swap3A_6], %dot_general3A_5 {strides = array<i32>} : memref<2000x128xf32, #tpu.memory_space<vmem>>, vector<2000x128xf32>,
    return
  }
  func.func @transform_0(%arg0: i32) -> (i32, i32) {
    %c0_i32 = arith.constant 0 : i32
    %c0_i32_0 = arith.constant 0 : i32
    return %arg0, %c0_i32 : i32, i32
  }
  func.func @transform_1(%arg0: i32) -> (i32, i32) {
    %c0_i32 = arith.constant 0 : i32
    %c0_i32_0 = arith.constant 0 : i32
    %c0_i32_1 = arith.constant 0 : i32
    return %c0_i32, %c0_i32_0 : i32, i32
  }
  func.func @transform_2(%arg0: i32) -> (i32, i32) {
    %c0_i32 = arith.constant 0 : i32
    %c0_i32_0 = arith.constant 0 : i32
    return %arg0, %c0_i32 : i32, i32
  }
}

module attributes {stable_mosaic.version = 14 : i64} {
  func.func @_dis_body(%arg0: memref<2x10000xf32, #tpu.memory_space<vmem>>, %arg1: memref<1x10000xf32, #tpu.memory_space<vmem>>) attributes {dimension_semantics = [], scalar_prefetch = 0 : i64, scratch_operands = 0 : i64, tpu.core_type = #tpu.core_type<tc>} {
    %get3A = arith.constant 0 : index
    %get3A_0 = arith.constant 0 : index
    %get3A_1 = vector.load %arg0[%get3A, %get3A_0] : memref<2x10000xf32, #tpu.memory_space<vmem>>, vector<1x10000xf32>
    %get3A_2 = arith.constant 1 : index
    %get3A_3 = arith.constant 0 : index
    %get3A_4 = vector.load %arg0[%get3A_2, %get3A_3] : memref<2x10000xf32, #tpu.memory_space<vmem>>, vector<1x10000xf32>
    %add3A = arith.addf %get3A_1, %get3A_4 : vector<1x10000xf32>
    %add3A_5 = arith.constant 1.000000e+00 : f32
    %add3A_6 = vector.broadcast %add3A_5 : f32 to vector<1x10000xf32>
    %add3A_7 = arith.addf %add3A, %add3A_6 : vector<1x10000xf32>
    %rsqrt3A = math.rsqrt %add3A_7 : vector<1x10000xf32>
    %swap3A = arith.constant 0 : index
    %swap3A_8 = arith.constant 0 : index
    %swap3A_9 = vector.load %arg1[%swap3A, %swap3A_8] : memref<1x10000xf32, #tpu.memory_space<vmem>>, vector<1x10000xf32>
    tpu.vector_store %arg1[%swap3A, %swap3A_8], %rsqrt3A {strides = array<i32>} : memref<1x10000xf32, #tpu.memory_space<vmem>>, vector<1x10000xf32>,
    return
  }
}

module attributes {stable_mosaic.version = 14 : i64} {
  func.func @_scale_body(%arg0: i32, %arg1: memref<2000x128xf32, #tpu.memory_space<vmem>>, %arg2: memref<2000x1xf32, #tpu.memory_space<vmem>>, %arg3: memref<2000x128xf32, #tpu.memory_space<vmem>>) attributes {dimension_semantics = [#tpu.dimension_semantics<arbitrary>], iteration_bounds = array<i64: 5>, scalar_prefetch = 0 : i64, scratch_operands = 0 : i64, tpu.core_type = #tpu.core_type<tc>, window_params = [{transform_indices = @transform_0, window_bounds = array<i64: 2000, 128>}, {transform_indices = @transform_1, window_bounds = array<i64: 2000, 1>}, {transform_indices = @transform_2, window_bounds = array<i64: 2000, 128>}]} {
    %get3A = arith.constant 0 : index
    %get3A_0 = arith.constant 0 : index
    %get3A_1 = vector.load %arg1[%get3A, %get3A_0] : memref<2000x128xf32, #tpu.memory_space<vmem>>, vector<2000x128xf32>
    %get3A_2 = arith.constant 0 : index
    %get3A_3 = arith.constant 0 : index
    %get3A_4 = vector.load %arg2[%get3A_2, %get3A_3] : memref<2000x1xf32, #tpu.memory_space<vmem>>, vector<2000x1xf32>
    %mul3A = vector.broadcast %get3A_4 : vector<2000x1xf32> to vector<2000x128xf32>
    %mul3A_5 = arith.mulf %get3A_1, %mul3A : vector<2000x128xf32>
    %swap3A = arith.constant 0 : index
    %swap3A_6 = arith.constant 0 : index
    %swap3A_7 = vector.load %arg3[%swap3A, %swap3A_6] : memref<2000x128xf32, #tpu.memory_space<vmem>>, vector<2000x128xf32>
    tpu.vector_store %arg3[%swap3A, %swap3A_6], %mul3A_5 {strides = array<i32>} : memref<2000x128xf32, #tpu.memory_space<vmem>>, vector<2000x128xf32>,
    return
  }
  func.func @transform_0(%arg0: i32) -> (i32, i32) {
    %c0_i32 = arith.constant 0 : i32
    %c0_i32_0 = arith.constant 0 : i32
    return %arg0, %c0_i32 : i32, i32
  }
  func.func @transform_1(%arg0: i32) -> (i32, i32) {
    %c0_i32 = arith.constant 0 : i32
    %c0_i32_0 = arith.constant 0 : i32
    return %arg0, %c0_i32 : i32, i32
  }
  func.func @transform_2(%arg0: i32) -> (i32, i32) {
    %c0_i32 = arith.constant 0 : i32
    %c0_i32_0 = arith.constant 0 : i32
    return %arg0, %c0_i32 : i32, i32
  }
}

module attributes {stable_mosaic.version = 14 : i64} {
  func.func @_layer_mid_body(%arg0: i32, %arg1: memref<2000x128xf32, #tpu.memory_space<vmem>>, %arg2: memref<2000x128xf32, #tpu.memory_space<vmem>>, %arg3: memref<2000x128xf32, #tpu.memory_space<vmem>>, %arg4: memref<2000x1xf32, #tpu.memory_space<vmem>>, %arg5: memref<1x128xf32, #tpu.memory_space<vmem>>, %arg6: memref<128x128xf32, #tpu.memory_space<vmem>>, %arg7: memref<2000x128xf32, #tpu.memory_space<vmem>>, %arg8: memref<2000x128xf32, #tpu.memory_space<vmem>>) attributes {dimension_semantics = [#tpu.dimension_semantics<arbitrary>], iteration_bounds = array<i64: 5>, scalar_prefetch = 0 : i64, scratch_operands = 0 : i64, tpu.core_type = #tpu.core_type<tc>, window_params = [{transform_indices = @transform_0, window_bounds = array<i64: 2000, 128>}, {transform_indices = @transform_1, window_bounds = array<i64: 2000, 128>}, {transform_indices = @transform_2, window_bounds = array<i64: 2000, 128>}, {transform_indices = @transform_3, window_bounds = array<i64: 2000, 1>}, {pipeline_mode = #tpu.pipeline_mode<synchronous>, transform_indices = @transform_4, window_bounds = array<i64: 1, 128>}, {pipeline_mode = #tpu.pipeline_mode<synchronous>, transform_indices = @transform_5, window_bounds = array<i64: 128, 128>}, {transform_indices = @transform_6, window_bounds = array<i64: 2000, 128>}, {transform_indices = @transform_7, window_bounds = array<i64: 2000, 128>}]} {
    %get3A = arith.constant 0 : index
    %get3A_0 = arith.constant 0 : index
    %get3A_1 = vector.load %arg4[%get3A, %get3A_0] : memref<2000x1xf32, #tpu.memory_space<vmem>>, vector<2000x1xf32>
    %get3A_2 = arith.constant 0 : index
    %get3A_3 = arith.constant 0 : index
    %get3A_4 = vector.load %arg1[%get3A_2, %get3A_3] : memref<2000x128xf32, #tpu.memory_space<vmem>>, vector<2000x128xf32>
    %get3A_5 = arith.constant 0 : index
    %get3A_6 = arith.constant 0 : index
    %get3A_7 = vector.load %arg2[%get3A_5, %get3A_6] : memref<2000x128xf32, #tpu.memory_space<vmem>>, vector<2000x128xf32>
    %add3A = arith.addf %get3A_4, %get3A_7 : vector<2000x128xf32>
    %get3A_8 = arith.constant 0 : index
    %get3A_9 = arith.constant 0 : index
    %get3A_10 = vector.load %arg3[%get3A_8, %get3A_9] : memref<2000x128xf32, #tpu.memory_space<vmem>>, vector<2000x128xf32>
    %add3A_11 = arith.addf %add3A, %get3A_10 : vector<2000x128xf32>
    %mul3A = vector.broadcast %get3A_1 : vector<2000x1xf32> to vector<2000x128xf32>
    %mul3A_12 = arith.mulf %add3A_11, %mul3A : vector<2000x128xf32>
    %get3A_13 = arith.constant 0 : index
    %get3A_14 = arith.constant 0 : index
    %get3A_15 = vector.load %arg5[%get3A_13, %get3A_14] : memref<1x128xf32, #tpu.memory_space<vmem>>, vector<1x128xf32>
    %add3A_16 = vector.broadcast %get3A_15 : vector<1x128xf32> to vector<2000x128xf32>
    %add3A_17 = arith.addf %mul3A_12, %add3A_16 : vector<2000x128xf32>
    %max3A = arith.constant 0.000000e+00 : f32
    %max3A_18 = vector.broadcast %max3A : f32 to vector<2000x128xf32>
    %max3A_19 = arith.maximumf %add3A_17, %max3A_18 : vector<2000x128xf32>
    %swap3A = arith.constant 0 : index
    %swap3A_20 = arith.constant 0 : index
    %swap3A_21 = vector.load %arg7[%swap3A, %swap3A_20] : memref<2000x128xf32, #tpu.memory_space<vmem>>, vector<2000x128xf32>
    tpu.vector_store %arg7[%swap3A, %swap3A_20], %max3A_19 {strides = array<i32>} : memref<2000x128xf32, #tpu.memory_space<vmem>>, vector<2000x128xf32>,
    %get3A_22 = arith.constant 0 : index
    %get3A_23 = arith.constant 0 : index
    %get3A_24 = vector.load %arg6[%get3A_22, %get3A_23] : memref<128x128xf32, #tpu.memory_space<vmem>>, vector<128x128xf32>
    %dot_general3A = arith.constant dense<0.000000e+00> : vector<2000x128xf32>
    %dot_general3A_25 = tpu.matmul %max3A_19, %get3A_24, %dot_general3A {dimension_numbers = #tpu.dot_dimension_numbers<[1], [0], [0], [1], [0, 0, 1, 1], [], []>, transpose_lhs_hint = false} : vector<2000x128xf32>, vector<128x128xf32>, vector<2000x128xf32> -> vector<2000x128xf32>
    %mul3A_26 = vector.broadcast %get3A_1 : vector<2000x1xf32> to vector<2000x128xf32>
    %mul3A_27 = arith.mulf %dot_general3A_25, %mul3A_26 : vector<2000x128xf32>
    %swap3A_28 = arith.constant 0 : index
    %swap3A_29 = arith.constant 0 : index
    %swap3A_30 = vector.load %arg8[%swap3A_28, %swap3A_29] : memref<2000x128xf32, #tpu.memory_space<vmem>>, vector<2000x128xf32>
    tpu.vector_store %arg8[%swap3A_28, %swap3A_29], %mul3A_27 {strides = array<i32>} : memref<2000x128xf32, #tpu.memory_space<vmem>>, vector<2000x128xf32>,
    return
  }
  func.func @transform_0(%arg0: i32) -> (i32, i32) {
    %c0_i32 = arith.constant 0 : i32
    %c0_i32_0 = arith.constant 0 : i32
    return %arg0, %c0_i32 : i32, i32
  }
  func.func @transform_1(%arg0: i32) -> (i32, i32) {
    %c0_i32 = arith.constant 0 : i32
    %c0_i32_0 = arith.constant 0 : i32
    return %arg0, %c0_i32 : i32, i32
  }
  func.func @transform_2(%arg0: i32) -> (i32, i32) {
    %c0_i32 = arith.constant 0 : i32
    %c0_i32_0 = arith.constant 0 : i32
    return %arg0, %c0_i32 : i32, i32
  }
  func.func @transform_3(%arg0: i32) -> (i32, i32) {
    %c0_i32 = arith.constant 0 : i32
    %c0_i32_0 = arith.constant 0 : i32
    return %arg0, %c0_i32 : i32, i32
  }
  func.func @transform_4(%arg0: i32) -> (i32, i32) {
    %c0_i32 = arith.constant 0 : i32
    %c0_i32_0 = arith.constant 0 : i32
    %c0_i32_1 = arith.constant 0 : i32
    return %c0_i32, %c0_i32_0 : i32, i32
  }
  func.func @transform_5(%arg0: i32) -> (i32, i32) {
    %c0_i32 = arith.constant 0 : i32
    %c0_i32_0 = arith.constant 0 : i32
    %c0_i32_1 = arith.constant 0 : i32
    return %c0_i32, %c0_i32_0 : i32, i32
  }
  func.func @transform_6(%arg0: i32) -> (i32, i32) {
    %c0_i32 = arith.constant 0 : i32
    %c0_i32_0 = arith.constant 0 : i32
    return %arg0, %c0_i32 : i32, i32
  }
  func.func @transform_7(%arg0: i32) -> (i32, i32) {
    %c0_i32 = arith.constant 0 : i32
    %c0_i32_0 = arith.constant 0 : i32
    return %arg0, %c0_i32 : i32, i32
  }
}

module attributes {stable_mosaic.version = 14 : i64} {
  func.func @_layer_last_body(%arg0: i32, %arg1: memref<2000x128xf32, #tpu.memory_space<vmem>>, %arg2: memref<2000x128xf32, #tpu.memory_space<vmem>>, %arg3: memref<2000x128xf32, #tpu.memory_space<vmem>>, %arg4: memref<2000x1xf32, #tpu.memory_space<vmem>>, %arg5: memref<1x128xf32, #tpu.memory_space<vmem>>, %arg6: memref<2000x128xf32, #tpu.memory_space<vmem>>) attributes {dimension_semantics = [#tpu.dimension_semantics<arbitrary>], iteration_bounds = array<i64: 5>, scalar_prefetch = 0 : i64, scratch_operands = 0 : i64, tpu.core_type = #tpu.core_type<tc>, window_params = [{transform_indices = @transform_0, window_bounds = array<i64: 2000, 128>}, {transform_indices = @transform_1, window_bounds = array<i64: 2000, 128>}, {transform_indices = @transform_2, window_bounds = array<i64: 2000, 128>}, {transform_indices = @transform_3, window_bounds = array<i64: 2000, 1>}, {pipeline_mode = #tpu.pipeline_mode<synchronous>, transform_indices = @transform_4, window_bounds = array<i64: 1, 128>}, {transform_indices = @transform_5, window_bounds = array<i64: 2000, 128>}]} {
    %get3A = arith.constant 0 : index
    %get3A_0 = arith.constant 0 : index
    %get3A_1 = vector.load %arg4[%get3A, %get3A_0] : memref<2000x1xf32, #tpu.memory_space<vmem>>, vector<2000x1xf32>
    %get3A_2 = arith.constant 0 : index
    %get3A_3 = arith.constant 0 : index
    %get3A_4 = vector.load %arg1[%get3A_2, %get3A_3] : memref<2000x128xf32, #tpu.memory_space<vmem>>, vector<2000x128xf32>
    %get3A_5 = arith.constant 0 : index
    %get3A_6 = arith.constant 0 : index
    %get3A_7 = vector.load %arg2[%get3A_5, %get3A_6] : memref<2000x128xf32, #tpu.memory_space<vmem>>, vector<2000x128xf32>
    %add3A = arith.addf %get3A_4, %get3A_7 : vector<2000x128xf32>
    %get3A_8 = arith.constant 0 : index
    %get3A_9 = arith.constant 0 : index
    %get3A_10 = vector.load %arg3[%get3A_8, %get3A_9] : memref<2000x128xf32, #tpu.memory_space<vmem>>, vector<2000x128xf32>
    %add3A_11 = arith.addf %add3A, %get3A_10 : vector<2000x128xf32>
    %mul3A = vector.broadcast %get3A_1 : vector<2000x1xf32> to vector<2000x128xf32>
    %mul3A_12 = arith.mulf %add3A_11, %mul3A : vector<2000x128xf32>
    %get3A_13 = arith.constant 0 : index
    %get3A_14 = arith.constant 0 : index
    %get3A_15 = vector.load %arg5[%get3A_13, %get3A_14] : memref<1x128xf32, #tpu.memory_space<vmem>>, vector<1x128xf32>
    %add3A_16 = vector.broadcast %get3A_15 : vector<1x128xf32> to vector<2000x128xf32>
    %add3A_17 = arith.addf %mul3A_12, %add3A_16 : vector<2000x128xf32>
    %max3A = arith.constant 0.000000e+00 : f32
    %max3A_18 = vector.broadcast %max3A : f32 to vector<2000x128xf32>
    %max3A_19 = arith.maximumf %add3A_17, %max3A_18 : vector<2000x128xf32>
    %swap3A = arith.constant 0 : index
    %swap3A_20 = arith.constant 0 : index
    %swap3A_21 = vector.load %arg6[%swap3A, %swap3A_20] : memref<2000x128xf32, #tpu.memory_space<vmem>>, vector<2000x128xf32>
    tpu.vector_store %arg6[%swap3A, %swap3A_20], %max3A_19 {strides = array<i32>} : memref<2000x128xf32, #tpu.memory_space<vmem>>, vector<2000x128xf32>,
    return
  }
  func.func @transform_0(%arg0: i32) -> (i32, i32) {
    %c0_i32 = arith.constant 0 : i32
    %c0_i32_0 = arith.constant 0 : i32
    return %arg0, %c0_i32 : i32, i32
  }
  func.func @transform_1(%arg0: i32) -> (i32, i32) {
    %c0_i32 = arith.constant 0 : i32
    %c0_i32_0 = arith.constant 0 : i32
    return %arg0, %c0_i32 : i32, i32
  }
  func.func @transform_2(%arg0: i32) -> (i32, i32) {
    %c0_i32 = arith.constant 0 : i32
    %c0_i32_0 = arith.constant 0 : i32
    return %arg0, %c0_i32 : i32, i32
  }
  func.func @transform_3(%arg0: i32) -> (i32, i32) {
    %c0_i32 = arith.constant 0 : i32
    %c0_i32_0 = arith.constant 0 : i32
    return %arg0, %c0_i32 : i32, i32
  }
  func.func @transform_4(%arg0: i32) -> (i32, i32) {
    %c0_i32 = arith.constant 0 : i32
    %c0_i32_0 = arith.constant 0 : i32
    %c0_i32_1 = arith.constant 0 : i32
    return %c0_i32, %c0_i32_0 : i32, i32
  }
  func.func @transform_5(%arg0: i32) -> (i32, i32) {
    %c0_i32 = arith.constant 0 : i32
    %c0_i32_0 = arith.constant 0 : i32
    return %arg0, %c0_i32 : i32, i32
  }
}

module attributes {stable_mosaic.version = 14 : i64} {
  func.func @_readout_body(%arg0: i32, %arg1: memref<2000x128xf32, #tpu.memory_space<vmem>>, %arg2: memref<2000x128xf32, #tpu.memory_space<vmem>>, %arg3: memref<2000x128xf32, #tpu.memory_space<vmem>>, %arg4: memref<2000x128xf32, #tpu.memory_space<vmem>>, %arg5: memref<2000x128xf32, #tpu.memory_space<vmem>>, %arg6: memref<2000x128xf32, #tpu.memory_space<vmem>>, %arg7: memref<2000x1xf32, #tpu.memory_space<vmem>>, %arg8: memref<6x128x32xf32, #tpu.memory_space<vmem>>, %arg9: memref<1x32xf32, #tpu.memory_space<vmem>>, %arg10: memref<1x32xf32, #tpu.memory_space<vmem>>, %arg11: memref<32x32xf32, #tpu.memory_space<vmem>>, %arg12: memref<1x32xf32, #tpu.memory_space<vmem>>, %arg13: memref<32x1xf32, #tpu.memory_space<vmem>>, %arg14: memref<1x1xf32, #tpu.memory_space<vmem>>, %arg15: memref<1x250x1xf32, #tpu.memory_space<vmem>>) attributes {dimension_semantics = [#tpu.dimension_semantics<arbitrary>], iteration_bounds = array<i64: 5>, scalar_prefetch = 0 : i64, scratch_operands = 0 : i64, tpu.core_type = #tpu.core_type<tc>, window_params = [{transform_indices = @transform_0, window_bounds = array<i64: 2000, 128>}, {transform_indices = @transform_1, window_bounds = array<i64: 2000, 128>}, {transform_indices = @transform_2, window_bounds = array<i64: 2000, 128>}, {transform_indices = @transform_3, window_bounds = array<i64: 2000, 128>}, {transform_indices = @transform_4, window_bounds = array<i64: 2000, 128>}, {transform_indices = @transform_5, window_bounds = array<i64: 2000, 128>}, {transform_indices = @transform_6, window_bounds = array<i64: 2000, 1>}, {pipeline_mode = #tpu.pipeline_mode<synchronous>, transform_indices = @transform_7, window_bounds = array<i64: 6, 128, 32>}, {pipeline_mode = #tpu.pipeline_mode<synchronous>, transform_indices = @transform_8, window_bounds = array<i64: 1, 32>}, {pipeline_mode = #tpu.pipeline_mode<synchronous>, transform_indices = @transform_9, window_bounds = array<i64: 1, 32>}, {pipeline_mode = #tpu.pipeline_mode<synchronous>, transform_indices = @transform_10, window_bounds = array<i64: 32, 32>}, {pipeline_mode = #tpu.pipeline_mode<synchronous>, transform_indices = @transform_11, window_bounds = array<i64: 1, 32>}, {pipeline_mode = #tpu.pipeline_mode<synchronous>, transform_indices = @transform_12, window_bounds = array<i64: 32, 1>}, {pipeline_mode = #tpu.pipeline_mode<synchronous>, transform_indices = @transform_13, window_bounds = array<i64: 1, 1>}, {transform_indices = @transform_14, window_bounds = array<i64: 1, 250, 1>}]} {
    %get3A = arith.constant 0 : index
    %get3A_0 = arith.constant 0 : index
    %get3A_1 = vector.load %arg1[%get3A, %get3A_0] : memref<2000x128xf32, #tpu.memory_space<vmem>>, vector<2000x128xf32>
    %get3A_2 = arith.constant 0 : index
    %get3A_3 = arith.constant 0 : index
    %get3A_4 = arith.constant 0 : index
    %get3A_5 = vector.load %arg8[%get3A_2, %get3A_3, %get3A_4] : memref<6x128x32xf32, #tpu.memory_space<vmem>>, vector<1x128x32xf32>
    %get3A_6 = vector.shape_cast %get3A_5 : vector<1x128x32xf32> to vector<128x32xf32>
    %dot_general3A = arith.constant dense<0.000000e+00> : vector<2000x32xf32>
    %dot_general3A_7 = tpu.matmul %get3A_1, %get3A_6, %dot_general3A {dimension_numbers = #tpu.dot_dimension_numbers<[1], [0], [0], [1], [0, 0, 1, 1], [], []>, transpose_lhs_hint = false} : vector<2000x128xf32>, vector<128x32xf32>, vector<2000x32xf32> -> vector<2000x32xf32>
    %get3A_8 = arith.constant 0 : index
    %get3A_9 = arith.constant 0 : index
    %get3A_10 = vector.load %arg2[%get3A_8, %get3A_9] : memref<2000x128xf32, #tpu.memory_space<vmem>>, vector<2000x128xf32>
    %get3A_11 = arith.constant 1 : index
    %get3A_12 = arith.constant 0 : index
    %get3A_13 = arith.constant 0 : index
    %get3A_14 = vector.load %arg8[%get3A_11, %get3A_12, %get3A_13] : memref<6x128x32xf32, #tpu.memory_space<vmem>>, vector<1x128x32xf32>
    %get3A_15 = vector.shape_cast %get3A_14 : vector<1x128x32xf32> to vector<128x32xf32>
    %dot_general3A_16 = arith.constant dense<0.000000e+00> : vector<2000x32xf32>
    %dot_general3A_17 = tpu.matmul %get3A_10, %get3A_15, %dot_general3A_16 {dimension_numbers = #tpu.dot_dimension_numbers<[1], [0], [0], [1], [0, 0, 1, 1], [], []>, transpose_lhs_hint = false} : vector<2000x128xf32>, vector<128x32xf32>, vector<2000x32xf32> -> vector<2000x32xf32>
    %add3A = arith.addf %dot_general3A_7, %dot_general3A_17 : vector<2000x32xf32>
    %get3A_18 = arith.constant 0 : index
    %get3A_19 = arith.constant 0 : index
    %get3A_20 = vector.load %arg3[%get3A_18, %get3A_19] : memref<2000x128xf32, #tpu.memory_space<vmem>>, vector<2000x128xf32>
    %get3A_21 = arith.constant 2 : index
    %get3A_22 = arith.constant 0 : index
    %get3A_23 = arith.constant 0 : index
    %get3A_24 = vector.load %arg8[%get3A_21, %get3A_22, %get3A_23] : memref<6x128x32xf32, #tpu.memory_space<vmem>>, vector<1x128x32xf32>
    %get3A_25 = vector.shape_cast %get3A_24 : vector<1x128x32xf32> to vector<128x32xf32>
    %dot_general3A_26 = arith.constant dense<0.000000e+00> : vector<2000x32xf32>
    %dot_general3A_27 = tpu.matmul %get3A_20, %get3A_25, %dot_general3A_26 {dimension_numbers = #tpu.dot_dimension_numbers<[1], [0], [0], [1], [0, 0, 1, 1], [], []>, transpose_lhs_hint = false} : vector<2000x128xf32>, vector<128x32xf32>, vector<2000x32xf32> -> vector<2000x32xf32>
    %add3A_28 = arith.addf %add3A, %dot_general3A_27 : vector<2000x32xf32>
    %get3A_29 = arith.constant 0 : index
    %get3A_30 = arith.constant 0 : index
    %get3A_31 = vector.load %arg4[%get3A_29, %get3A_30] : memref<2000x128xf32, #tpu.memory_space<vmem>>, vector<2000x128xf32>
    %get3A_32 = arith.constant 3 : index
    %get3A_33 = arith.constant 0 : index
    %get3A_34 = arith.constant 0 : index
    %get3A_35 = vector.load %arg8[%get3A_32, %get3A_33, %get3A_34] : memref<6x128x32xf32, #tpu.memory_space<vmem>>, vector<1x128x32xf32>
    %get3A_36 = vector.shape_cast %get3A_35 : vector<1x128x32xf32> to vector<128x32xf32>
    %dot_general3A_37 = arith.constant dense<0.000000e+00> : vector<2000x32xf32>
    %dot_general3A_38 = tpu.matmul %get3A_31, %get3A_36, %dot_general3A_37 {dimension_numbers = #tpu.dot_dimension_numbers<[1], [0], [0], [1], [0, 0, 1, 1], [], []>, transpose_lhs_hint = false} : vector<2000x128xf32>, vector<128x32xf32>, vector<2000x32xf32> -> vector<2000x32xf32>
    %add3A_39 = arith.addf %add3A_28, %dot_general3A_38 : vector<2000x32xf32>
    %get3A_40 = arith.constant 0 : index
    %get3A_41 = arith.constant 0 : index
    %get3A_42 = vector.load %arg5[%get3A_40, %get3A_41] : memref<2000x128xf32, #tpu.memory_space<vmem>>, vector<2000x128xf32>
    %get3A_43 = arith.constant 4 : index
    %get3A_44 = arith.constant 0 : index
    %get3A_45 = arith.constant 0 : index
    %get3A_46 = vector.load %arg8[%get3A_43, %get3A_44, %get3A_45] : memref<6x128x32xf32, #tpu.memory_space<vmem>>, vector<1x128x32xf32>
    %get3A_47 = vector.shape_cast %get3A_46 : vector<1x128x32xf32> to vector<128x32xf32>
    %dot_general3A_48 = arith.constant dense<0.000000e+00> : vector<2000x32xf32>
    %dot_general3A_49 = tpu.matmul %get3A_42, %get3A_47, %dot_general3A_48 {dimension_numbers = #tpu.dot_dimension_numbers<[1], [0], [0], [1], [0, 0, 1, 1], [], []>, transpose_lhs_hint = false} : vector<2000x128xf32>, vector<128x32xf32>, vector<2000x32xf32> -> vector<2000x32xf32>
    %add3A_50 = arith.addf %add3A_39, %dot_general3A_49 : vector<2000x32xf32>
    %get3A_51 = arith.constant 0 : index
    %get3A_52 = arith.constant 0 : index
    %get3A_53 = vector.load %arg6[%get3A_51, %get3A_52] : memref<2000x128xf32, #tpu.memory_space<vmem>>, vector<2000x128xf32>
    %get3A_54 = arith.constant 5 : index
    %get3A_55 = arith.constant 0 : index
    %get3A_56 = arith.constant 0 : index
    %get3A_57 = vector.load %arg8[%get3A_54, %get3A_55, %get3A_56] : memref<6x128x32xf32, #tpu.memory_space<vmem>>, vector<1x128x32xf32>
    %get3A_58 = vector.shape_cast %get3A_57 : vector<1x128x32xf32> to vector<128x32xf32>
    %dot_general3A_59 = arith.constant dense<0.000000e+00> : vector<2000x32xf32>
    %dot_general3A_60 = tpu.matmul %get3A_53, %get3A_58, %dot_general3A_59 {dimension_numbers = #tpu.dot_dimension_numbers<[1], [0], [0], [1], [0, 0, 1, 1], [], []>, transpose_lhs_hint = false} : vector<2000x128xf32>, vector<128x32xf32>, vector<2000x32xf32> -> vector<2000x32xf32>
    %add3A_61 = arith.addf %add3A_50, %dot_general3A_60 : vector<2000x32xf32>
    %get3A_62 = arith.constant 0 : index
    %get3A_63 = arith.constant 0 : index
    %get3A_64 = vector.load %arg7[%get3A_62, %get3A_63] : memref<2000x1xf32, #tpu.memory_space<vmem>>, vector<2000x1xf32>
    %get3A_65 = arith.constant 0 : index
    %get3A_66 = arith.constant 0 : index
    %get3A_67 = vector.load %arg9[%get3A_65, %get3A_66] : memref<1x32xf32, #tpu.memory_space<vmem>>, vector<1x32xf32>
    %mul3A = vector.broadcast %get3A_64 : vector<2000x1xf32> to vector<2000x32xf32>
    %mul3A_68 = vector.broadcast %get3A_67 : vector<1x32xf32> to vector<2000x32xf32>
    %mul3A_69 = arith.mulf %mul3A, %mul3A_68 : vector<2000x32xf32>
    %get3A_70 = arith.constant 0 : index
    %get3A_71 = arith.constant 0 : index
    %get3A_72 = vector.load %arg10[%get3A_70, %get3A_71] : memref<1x32xf32, #tpu.memory_space<vmem>>, vector<1x32xf32>
    %add3A_73 = vector.broadcast %get3A_72 : vector<1x32xf32> to vector<2000x32xf32>
    %add3A_74 = arith.addf %mul3A_69, %add3A_73 : vector<2000x32xf32>
    %add3A_75 = arith.addf %add3A_61, %add3A_74 : vector<2000x32xf32>
    %max3A = arith.constant 0.000000e+00 : f32
    %max3A_76 = vector.broadcast %max3A : f32 to vector<2000x32xf32>
    %max3A_77 = arith.maximumf %add3A_75, %max3A_76 : vector<2000x32xf32>
    %get3A_78 = arith.constant 0 : index
    %get3A_79 = arith.constant 0 : index
    %get3A_80 = vector.load %arg11[%get3A_78, %get3A_79] : memref<32x32xf32, #tpu.memory_space<vmem>>, vector<32x32xf32>
    %dot_general3A_81 = arith.constant dense<0.000000e+00> : vector<2000x32xf32>
    %dot_general3A_82 = tpu.matmul %max3A_77, %get3A_80, %dot_general3A_81 {dimension_numbers = #tpu.dot_dimension_numbers<[1], [0], [0], [1], [0, 0, 1, 1], [], []>, transpose_lhs_hint = false} : vector<2000x32xf32>, vector<32x32xf32>, vector<2000x32xf32> -> vector<2000x32xf32>
    %get3A_83 = arith.constant 0 : index
    %get3A_84 = arith.constant 0 : index
    %get3A_85 = vector.load %arg12[%get3A_83, %get3A_84] : memref<1x32xf32, #tpu.memory_space<vmem>>, vector<1x32xf32>
    %add3A_86 = vector.broadcast %get3A_85 : vector<1x32xf32> to vector<2000x32xf32>
    %add3A_87 = arith.addf %dot_general3A_82, %add3A_86 : vector<2000x32xf32>
    %max3A_88 = arith.constant 0.000000e+00 : f32
    %max3A_89 = vector.broadcast %max3A_88 : f32 to vector<2000x32xf32>
    %max3A_90 = arith.maximumf %add3A_87, %max3A_89 : vector<2000x32xf32>
    %get3A_91 = arith.constant 0 : index
    %get3A_92 = arith.constant 0 : index
    %get3A_93 = vector.load %arg13[%get3A_91, %get3A_92] : memref<32x1xf32, #tpu.memory_space<vmem>>, vector<32x1xf32>
    %dot_general3A_94 = arith.constant dense<0.000000e+00> : vector<2000x1xf32>
    %dot_general3A_95 = tpu.matmul %max3A_90, %get3A_93, %dot_general3A_94 {dimension_numbers = #tpu.dot_dimension_numbers<[1], [0], [0], [1], [0, 0, 1, 1], [], []>, transpose_lhs_hint = false} : vector<2000x32xf32>, vector<32x1xf32>, vector<2000x1xf32> -> vector<2000x1xf32>
    %iota3A = tpu.iota {dimensions = array<i32: 1>} : vector<250x2000xi32>
    %iota3A_96 = tpu.iota {dimensions = array<i32: 0>} : vector<250x2000xi32>
    %jit3A = arith.constant 8 : i32
    %div3A = vector.broadcast %jit3A : i32 to vector<250x2000xi32>
    %div3A_97 = arith.divsi %iota3A, %div3A : vector<250x2000xi32>
    %sign3A = arith.constant 0 : i32
    %sign3A_98 = vector.broadcast %sign3A : i32 to vector<250x2000xi32>
    %sign3A_99 = arith.cmpi sgt, %iota3A, %sign3A_98 : vector<250x2000xi32>
    %sign3A_100 = arith.extui %sign3A_99 : vector<250x2000xi1> to vector<250x2000xi32>
    %sign3A_101 = arith.constant 0 : i32
    %sign3A_102 = vector.broadcast %sign3A_101 : i32 to vector<250x2000xi32>
    %sign3A_103 = arith.cmpi slt, %iota3A, %sign3A_102 : vector<250x2000xi32>
    %sign3A_104 = arith.extui %sign3A_103 : vector<250x2000xi1> to vector<250x2000xi32>
    %sign3A_105 = arith.subi %sign3A_100, %sign3A_104 : vector<250x2000xi32>
    %sign3A_106 = arith.constant 0 : i32
    %sign3A_107 = arith.cmpi sgt, %jit3A, %sign3A_106 : i32
    %sign3A_108 = arith.extui %sign3A_107 : i1 to i32
    %sign3A_109 = arith.constant 0 : i32
    %sign3A_110 = arith.cmpi slt, %jit3A, %sign3A_109 : i32
    %sign3A_111 = arith.extui %sign3A_110 : i1 to i32
    %sign3A_112 = arith.subi %sign3A_108, %sign3A_111 : i32
    %ne3A = vector.broadcast %sign3A_112 : i32 to vector<250x2000xi32>
    %ne3A_113 = arith.cmpi ne, %sign3A_105, %ne3A : vector<250x2000xi32>
    %rem3A = vector.broadcast %jit3A : i32 to vector<250x2000xi32>
    %rem3A_114 = arith.remsi %iota3A, %rem3A : vector<250x2000xi32>
    %ne3A_115 = arith.constant 0 : i32
    %ne3A_116 = vector.broadcast %ne3A_115 : i32 to vector<250x2000xi32>
    %ne3A_117 = arith.cmpi ne, %rem3A_114, %ne3A_116 : vector<250x2000xi32>
    %and3A = arith.andi %ne3A_113, %ne3A_117 : vector<250x2000xi1>
    %sub3A = arith.constant 1 : i32
    %sub3A_118 = vector.broadcast %sub3A : i32 to vector<250x2000xi32>
    %sub3A_119 = arith.subi %div3A_97, %sub3A_118 : vector<250x2000xi32>
    %select_n3A = arith.select %and3A, %sub3A_119, %div3A_97 : vector<250x2000xi1>, vector<250x2000xi32>
    %eq3A = arith.cmpi eq, %select_n3A, %iota3A_96 : vector<250x2000xi32>
    %jit3A_120 = arith.constant 1.000000e+00 : f32
    %jit3A_121 = arith.constant 0.000000e+00 : f32
    %broadcast_in_dim3A = vector.broadcast %jit3A_120 : f32 to vector<250x2000xf32>
    %broadcast_in_dim3A_122 = vector.broadcast %jit3A_121 : f32 to vector<250x2000xf32>
    %select_n3A_123 = arith.select %eq3A, %broadcast_in_dim3A, %broadcast_in_dim3A_122 : vector<250x2000xi1>, vector<250x2000xf32>
    %dot_general3A_124 = arith.constant dense<0.000000e+00> : vector<250x1xf32>
    %dot_general3A_125 = tpu.matmul %select_n3A_123, %dot_general3A_95, %dot_general3A_124 {dimension_numbers = #tpu.dot_dimension_numbers<[1], [0], [0], [1], [0, 0, 1, 1], [], []>, transpose_lhs_hint = false} : vector<250x2000xf32>, vector<2000x1xf32>, vector<250x1xf32> -> vector<250x1xf32>
    %get3A_126 = arith.constant 0 : index
    %get3A_127 = arith.constant 0 : index
    %get3A_128 = vector.load %arg14[%get3A_126, %get3A_127] : memref<1x1xf32, #tpu.memory_space<vmem>>, vector<1x1xf32>
    %add3A_129 = vector.broadcast %get3A_128 : vector<1x1xf32> to vector<250x1xf32>
    %add3A_130 = arith.addf %dot_general3A_125, %add3A_129 : vector<250x1xf32>
    %broadcast_in_dim3A_131 = vector.shape_cast %add3A_130 : vector<250x1xf32> to vector<1x250x1xf32>
    %swap3A = arith.constant 0 : index
    %swap3A_132 = arith.constant 0 : index
    %swap3A_133 = arith.constant 0 : index
    %swap3A_134 = vector.load %arg15[%swap3A, %swap3A_132, %swap3A_133] : memref<1x250x1xf32, #tpu.memory_space<vmem>>, vector<1x250x1xf32>
    tpu.vector_store %arg15[%swap3A, %swap3A_132, %swap3A_133], %broadcast_in_dim3A_131 {strides = array<i32>} : memref<1x250x1xf32, #tpu.memory_space<vmem>>, vector<1x250x1xf32>,
    return
  }
  func.func @transform_0(%arg0: i32) -> (i32, i32) {
    %c0_i32 = arith.constant 0 : i32
    %c0_i32_0 = arith.constant 0 : i32
    return %arg0, %c0_i32 : i32, i32
  }
  func.func @transform_1(%arg0: i32) -> (i32, i32) {
    %c0_i32 = arith.constant 0 : i32
    %c0_i32_0 = arith.constant 0 : i32
    return %arg0, %c0_i32 : i32, i32
  }
  func.func @transform_2(%arg0: i32) -> (i32, i32) {
    %c0_i32 = arith.constant 0 : i32
    %c0_i32_0 = arith.constant 0 : i32
    return %arg0, %c0_i32 : i32, i32
  }
  func.func @transform_3(%arg0: i32) -> (i32, i32) {
    %c0_i32 = arith.constant 0 : i32
    %c0_i32_0 = arith.constant 0 : i32
    return %arg0, %c0_i32 : i32, i32
  }
  func.func @transform_4(%arg0: i32) -> (i32, i32) {
    %c0_i32 = arith.constant 0 : i32
    %c0_i32_0 = arith.constant 0 : i32
    return %arg0, %c0_i32 : i32, i32
  }
  func.func @transform_5(%arg0: i32) -> (i32, i32) {
    %c0_i32 = arith.constant 0 : i32
    %c0_i32_0 = arith.constant 0 : i32
    return %arg0, %c0_i32 : i32, i32
  }
  func.func @transform_6(%arg0: i32) -> (i32, i32) {
    %c0_i32 = arith.constant 0 : i32
    %c0_i32_0 = arith.constant 0 : i32
    return %arg0, %c0_i32 : i32, i32
  }
  func.func @transform_7(%arg0: i32) -> (i32, i32, i32) {
    %c0_i32 = arith.constant 0 : i32
    %c0_i32_0 = arith.constant 0 : i32
    %c0_i32_1 = arith.constant 0 : i32
    %c0_i32_2 = arith.constant 0 : i32
    return %c0_i32, %c0_i32_0, %c0_i32_1 : i32, i32, i32
  }
  func.func @transform_8(%arg0: i32) -> (i32, i32) {
    %c0_i32 = arith.constant 0 : i32
    %c0_i32_0 = arith.constant 0 : i32
    %c0_i32_1 = arith.constant 0 : i32
    return %c0_i32, %c0_i32_0 : i32, i32
  }
  func.func @transform_9(%arg0: i32) -> (i32, i32) {
    %c0_i32 = arith.constant 0 : i32
    %c0_i32_0 = arith.constant 0 : i32
    %c0_i32_1 = arith.constant 0 : i32
    return %c0_i32, %c0_i32_0 : i32, i32
  }
  func.func @transform_10(%arg0: i32) -> (i32, i32) {
    %c0_i32 = arith.constant 0 : i32
    %c0_i32_0 = arith.constant 0 : i32
    %c0_i32_1 = arith.constant 0 : i32
    return %c0_i32, %c0_i32_0 : i32, i32
  }
  func.func @transform_11(%arg0: i32) -> (i32, i32) {
    %c0_i32 = arith.constant 0 : i32
    %c0_i32_0 = arith.constant 0 : i32
    %c0_i32_1 = arith.constant 0 : i32
    return %c0_i32, %c0_i32_0 : i32, i32
  }
  func.func @transform_12(%arg0: i32) -> (i32, i32) {
    %c0_i32 = arith.constant 0 : i32
    %c0_i32_0 = arith.constant 0 : i32
    %c0_i32_1 = arith.constant 0 : i32
    return %c0_i32, %c0_i32_0 : i32, i32
  }
  func.func @transform_13(%arg0: i32) -> (i32, i32) {
    %c0_i32 = arith.constant 0 : i32
    %c0_i32_0 = arith.constant 0 : i32
    %c0_i32_1 = arith.constant 0 : i32
    return %c0_i32, %c0_i32_0 : i32, i32
  }
  func.func @transform_14(%arg0: i32) -> (i32, i32, i32) {
    %c0_i32 = arith.constant 0 : i32
    %c0_i32_0 = arith.constant 0 : i32
    %c0_i32_1 = arith.constant 0 : i32
    return %arg0, %c0_i32, %c0_i32_0 : i32, i32, i32
  }
}

</mosaic_0001>

<sc_bundles>
// kernel: kernel.17.cloned.1.call-start
scs
__scs_entry_jumppad:
0x0: {  	(pc) =	sbr.rel $0x88, $3  }
0x1: {  	(tag) =	ssettag $0x0;
	lr =	simm.s32 $0x1  }
0x2: {  	[smem:$0x3F92] =	sst lr;
	_ =	strace $0xD0000000  }
0x3: {  	_ = 	snop  }
0x4: {  	_ = 	snop  }
0x5: {  	_ = 	snop  }
0x6: {  	_ = 	snop  }
0x7: {  	_ = 	snop  }
__scs_overlays_trampoline_lowered:
0x8: {  	[smem:$0x3FA1] =	sst s0  }
0x9: {  	[smem:$0x3FA2] =	sst s1  }
0xa: {  	[smem:$0x3FA3] =	sst s2  }
0xb: {  	[smem:$0x3FA4] =	sst s3  }
0xc: {  	[smem:$0x3FA5] =	sst s4  }
0xd: {  	[smem:$0x3FA6] =	sst s5  }
0xe: {  	[smem:$0x3FA7] =	sst s6  }
0xf: {  	[smem:$0x3FA8] =	sst s7  }
0x10: {  	[smem:$0x3FA9] =	sst s8  }
0x11: {  	[smem:$0x3FAA] =	sst s9;
	s0 =	simm.s32 @!p0 $0x0  }
0x12: {  	s1 =	sld [smem:$0x3F90];
	s0 =	simm.s32 @p0 $0x1  }
0x13: {  	[smem:$0x3FAB] =	sst s0;
	s0 =	simm.s32 @!p1 $0x0  }
0x14: {  	s2 =	sld [smem:$0x3F8F];
	s0 =	simm.s32 @p1 $0x1  }
0x15: {  	[smem:$0x3FAC] =	sst s0;
	s0 =	simm.s32 @!p2 $0x0  }
0x16: {  	s3 =	sld [smem:$0x3FDB];
	s0 =	simm.s32 @p2 $0x1  }
0x17: {  	s4 =	simm.s32 $0x1BF5;
	[smem:$0x3FAE] =	sst s0  }
0x18: {  	s0 =	sld [smem:$0x3F91];
	_ =	swait.ge [sflag:s4], $0x0  }
0x19: {  	s7 =	sld [smem:$0x3F92]  }
0x1a: {  	s8 =	sadd.s32 $0xFFFFE003, lr  }
0x1b: {  	s9 =	sadd.s32 $0xFFFFFEF7, lr;
	s5 =	simm.s32 $0xFFFFFFFF;
	p2 =	slt.u32 s8, $0xFFFFF086  }
0x1c: {  	p1 =	slt.u32 s9, $0xF7A;
	s5 =	simm.s32 @!p2 $0x0  }
0x1d: {  	s5 =	simm.s32 @p1 $0x1;
	p0 =	seq.s32 s7, s2  }
0x1e: {  	s7 =	smul.u32 @!p0 $0xF7A, s2;
	p2 =	seq.s32 @!p0 s5, $0x0  }
0x1f: {  	s9 =	smul.u32 $0xF7A, s1;
	s8 =	simm.s32 @!p0 $0x1BF5;
	p2 =	por !p2, p0  }
0x20: {  	[sflag:s8] =	ssyncset.s32 @!p0 $0xFFFFF086;
	s6 =	sadd.s32 @!p0 s3, s7;
	s7 =	simm.s32 @!p0 $0x108  }
0x21: {  	s3 =	sadd.s32 s3, s9;
	s6 =	sadd.s32 @!p0 $0x88, s6;
	s7 =	simm.s32 @p2 $0x1082  }
0x22: {  	[simem:s7], [sflag:s8] =	dma.local @!p0 [hbm:s6], $0xF7A  }
0x23: {  	s9 =	sor.u32 $0xD0000000, s2;
	s6 =	simm.s32 $0x108;
	_ =	swait.ge @!p0 [sflag:s8], $0x0  }
0x24: {  	s3 =	sadd.s32 $0x88, s3;
	s6 =	simm.s32 @!p1 $0x1082;
	[sflag:s4] =	ssyncset.s32 $0xFFFFF086  }
0x25: {  	[simem:s6], [sflag:s4] =	dma.local [hbm:s3], $0xF7A  }
0x26: {  	[smem:$0x3F92] =	sst s1;
	(tag) =	ssettag s2;
	_ =	strace s9  }
0x27: {  	s1 =	sld [smem:$0x3FA2]  }
0x28: {  	s2 =	sld [smem:$0x3FA3]  }
0x29: {  	s4 =	sld [smem:$0x3FA5]  }
0x2a: {  	p0 =	seq.s32 s5, $0x0;
	s5 =	sld [smem:$0x3FA6]  }
0x2b: {  	s6 =	sld [smem:$0x3FA7]  }
0x2c: {  	s7 =	sld [smem:$0x3FA8]  }
0x2d: {  	s3 =	simm.s32 $0x108;
	s8 =	sld [smem:$0x3FA9]  }
0x2e: {  	s3 =	simm.s32 @!p0 $0x1082;
	s9 =	sld [smem:$0x3FAA]  }
0x2f: {  	lr =	sadd.s32 s0, s3;
	s0 =	sld [smem:$0x3FA1]  }
0x30: {  	s3 =	sld [smem:$0x3FA4]  }
0x31: {  	[smem:$0x3FAD] =	sst s10  }
0x32: {  	s10 =	sld [smem:$0x3FAB];
	_ =	sdelay $0x3  }
0x33: {  	p0 =	seq.s32 s10, $0x1;
	s10 =	sld [smem:$0x3FAD];
	_ =	sdelay $0x3  }
0x34: {  	[smem:$0x3FAD] =	sst s10  }
0x35: {  	s10 =	sld [smem:$0x3FAC];
	_ =	sdelay $0x3  }
0x36: {  	p1 =	seq.s32 s10, $0x1;
	s10 =	sld [smem:$0x3FAD];
	_ =	sdelay $0x3  }
0x37: {  	[smem:$0x3FAD] =	sst s10  }
0x38: {  	s10 =	sld [smem:$0x3FAE]  }
0x39: {  	_ = 	snop;
	(pc) =	sbr.ind lr, $3  }
0x3a: {  	_ = 	snop  }
0x3b: {  	_ = 	snop  }
0x3c: {  	p2 =	seq.s32 s10, $0x1;
	s10 =	sld [smem:$0x3FAD]  }
0x3d: {  	_ =	shalt  }
0x3e: {  	_ =	shalt  }
0x3f: {  	_ =	shalt  }
0x40: {  	_ =	shalt  }
0x41: {  	_ =	shalt  }
0x42: {  	_ =	shalt  }
0x43: {  	_ =	shalt  }
0x44: {  	_ =	shalt  }
0x45: {  	_ =	shalt  }
0x46: {  	_ =	shalt  }
0x47: {  	_ =	shalt  }
0x48: {  	_ =	shalt  }
0x49: {  	_ =	shalt  }
0x4a: {  	_ =	shalt  }
0x4b: {  	_ =	shalt  }
0x4c: {  	_ =	shalt  }
0x4d: {  	_ =	shalt  }
0x4e: {  	_ =	shalt  }
0x4f: {  	_ =	shalt  }
0x50: {  	_ =	shalt  }
0x51: {  	_ =	shalt  }
0x52: {  	_ =	shalt  }
0x53: {  	_ =	shalt  }
0x54: {  	_ =	shalt  }
0x55: {  	_ =	shalt  }
0x56: {  	_ =	shalt  }
0x57: {  	_ =	shalt  }
0x58: {  	_ =	shalt  }
0x59: {  	_ =	shalt  }
0x5a: {  	_ =	shalt  }
0x5b: {  	_ =	shalt  }
0x5c: {  	_ =	shalt  }
0x5d: {  	_ =	shalt  }
0x5e: {  	_ =	shalt  }
0x5f: {  	_ =	shalt  }
0x60: {  	_ =	shalt  }
0x61: {  	_ =	shalt  }
0x62: {  	_ =	shalt  }
0x63: {  	_ =	shalt  }
0x64: {  	_ =	shalt  }
0x65: {  	_ =	shalt  }
0x66: {  	_ =	shalt  }
0x67: {  	_ =	shalt  }
0x68: {  	_ =	shalt  }
0x69: {  	_ =	shalt  }
0x6a: {  	_ =	shalt  }
0x6b: {  	_ =	shalt  }
0x6c: {  	_ =	shalt  }
0x6d: {  	_ =	shalt  }
0x6e: {  	_ =	shalt  }
0x6f: {  	_ =	shalt  }
0x70: {  	_ =	shalt  }
0x71: {  	_ =	shalt  }
0x72: {  	_ =	shalt  }
0x73: {  	_ =	shalt  }
0x74: {  	_ =	shalt  }
0x75: {  	_ =	shalt  }
0x76: {  	_ =	shalt  }
0x77: {  	_ =	shalt  }
0x78: {  	_ =	shalt  }
0x79: {  	_ =	shalt  }
0x7a: {  	_ =	shalt  }
0x7b: {  	_ =	shalt  }
0x7c: {  	_ =	shalt  }
0x7d: {  	_ =	shalt  }
0x7e: {  	_ =	shalt  }
0x7f: {  	_ =	shalt  }
0x80: {  	_ =	shalt  }
0x81: {  	_ =	shalt  }
0x82: {  	_ =	shalt  }
0x83: {  	_ =	shalt  }
0x84: {  	_ =	shalt  }
0x85: {  	_ =	shalt  }
0x86: {  	_ =	shalt  }
0x87: {  	_ =	shalt  }
.Lfunc_end0:
.L_simem_size_0:
called_computation_lowered:
.L_overlay_start_0:
0x88: {  	s2 =	sld [smem:$0x3FD9]  }
0x89: {  	s3 =	sld [smem:$0x3FFE];
	_ =	sdelay $0x1  }
0x8a: {  	s1 =	srdreg.scid  }
0x8b: {  	s0 =	sand.u32 $0x1, s1  }
0x8c: {  	s17 =	sshll.u32 s0, $0xA;
	s2 =	sadd.s32 s3, s2  }
0x8d: {  	s2 =	sadd.s32 s2, s17  }
0x8e: {  	[smem:$0x3FB9] =	sst s2  }
0x8f: {  	_ = 	snop  }
0x90: {  	s2 =	sld [smem:$0x3FD0];
	(tm) =	ssettm $0x1  }
0x91: {  	s18 =	sld [smem:$0x3FFB];
	_ =	sdelay $0x3  }
0x92: {  	_ =	strace s18  }
0x93: {  	s3 =	sld [smem:$0x3FFC];
	_ =	sdelay $0x3  }
0x94: {  	_ =	strace s3  }
0x95: {  	s3 =	sld [smem:$0x3FFD];
	_ =	sdelay $0x3  }
0x96: {  	_ =	strace s3  }
0x97: {  	_ =	strace $0x8FFFFFFF  }
0x98: {  	s19 =	sld [smem:$0x3FDB];
	_ =	sdelay $0x1  }
0x99: {  	s4 =	simm.s32 $_scs_section_size  }
0x9a: {  	s5 =	simm.s32 $_size__tile_overlayer_lowered;
	s6 =	simm.s32 $_tile_overlayer_lowered  }
0x9b: {  	s22 =	simm.s32 $0x1BFF;
	s21 =	sshll.u32 s6, $0x1;
	s3 =	sadd.s32 s4, s19  }
0x9c: {  	s7 =	simm.s32 $0x0;
	s20 =	sshll.u32 s5, $0x1;
	s5 =	sadd.s32 s21, s3  }
0x9d: {  	[timem:s7], [sflag:s22] =	dma.local [hbm:s5], s20  }
0x9e: {  	_ =	swait.ge [sflag:s22], s20  }
0x9f: {  	s4 =	ssub.s32 $0x0, s20;
	[sflag:s22] =	ssyncset.done $0x0  }
0xa0: {  	[sflag:s22] =	ssyncadd.s32 s4;
	_ =	sdelay $0x1  }
0xa1: {  	s23 =	simm.s32 $0x1B8B  }
0xa2: {  	_ =	swait.ge [sflag:s23], $0x1  }
0xa3: {  	[sflag:s23] =	ssyncset.done $0x0  }
0xa4: {  	s25 =	simm.s32 $0x1B8E;
	s24 =	sld [smem:$0x3FFE];
	[sflag:s23] =	ssyncadd.s32 $0xFFFFFFFF  }
0xa5: {  	s26 =	simm.s32 $execute0_lowered;
	[smem:$0x3FD2] =	sst s25  }
0xa6: {  	s5 =	sshll.u32 s26, $0x1;
	_ =	strace $0x80000046;
	[dreg:$0x1] =	wrdreg $0xFFFFFFFF  }
0xa7: {  	s28 =	simm.s32 $_size_execute0_lowered;
	s3 =	sadd.s32 s3, s5;
	[dreg:$0x0] =	wrdreg $0x0  }
0xa8: {  	s5 =	sshll.u32 s28, $0x1;
	[dreg:$0x2] =	wrdreg s3  }
0xa9: {  	[dreg:$0x3] =	wrdreg s5  }
0xaa: {  	[dreg:$0x4] =	wrdreg $0xC0  }
0xab: {  	_ =	task [dreg:s7], $0x5FFFF  }
0xac: {  	[dreg:$0x1] =	wrdreg $0xFFFFFFFF  }
0xad: {  	[dreg:$0x0] =	wrdreg $0x60  }
0xae: {  	[dreg:$0x2] =	wrdreg s24  }
0xaf: {  	[dreg:$0x3] =	wrdreg s2  }
0xb0: {  	[dreg:$0x4] =	wrdreg $0x0  }
0xb1: {  	[dreg:$0x5] =	wrdreg $0x9  }
0xb2: {  	_ =	task.clear_ibuf [dreg:s7], $0x6FFFF;
	_ =	strace $0x90000046  }
0xb3: {  	s29 =	simm.s32 $0x9;
	_ =	strace $0x80000048  }
0xb4: {  	_ =	swait.ge [sflag:s29], $0x1  }
0xb5: {  	[sflag:s29] =	ssyncadd.s32 $0xFFFFFFFF  }
0xb6: {  	_ =	strace $0x90000048  }
0xb7: {  	_ =	sfence  }
0xb8: {  	s30 =	sld [smem:$0x0];
	_ =	sdelay $0x2  }
0xb9: {  	s31 =	sshll.u32 s1, $0xD;
	s1 =	sshrl.u32 s1, $0x2  }
0xba: {  	s3 =	sand.u32 $0x4000, s31;
	s1 =	sadd.s32 s1, s30  }
0xbb: {  	s0 =	sor.u32 s3, s0;
	s1 =	sshll.u32 s1, $0x11  }
0xbc: {  	s0 =	sor.u32 s1, s0  }
0xbd: {  	s0 =	sadd.s32 $0x8F2B, s0  }
0xbe: {  	[sflag:s0] =	ssyncadd.remote.s32 $0x1  }
0xbf: {  	_ =	sfence.sel $0xFFFF  }
0xc0: {  	[dreg:$0x0] =	wrdreg $0xFFFFFFFF;
	(pc) =	sbr.abs _section_cstart, $3  }
0xc1: {  	[dreg:$0x1] =	wrdreg $0xFFFFFFFF  }
0xc2: {  	_ =	task.clear_ibuf [dreg:s7], $0x2FFFF;
	_ =	strace $0x9FFFFFFF  }
0xc3: {  	(tm) =	ssettm $0x7FFFFFFF  }
tec
execute0_lowered:
.L_overlay_start_1:
0x0: {  	(tag) =	ssettag $0x1  }
0x1: {  	s0 =	rddreg [dreg:$0x0];
	s1 =	srdreg.scid  }
0x2: {  	s2 =	rddreg [dreg:$0x2];
	s9 =	stileid.u32  }
0x3: {  	s3 =	simm.s32 $0x0;
	s10 =	simm.s32 $0x278;
	s11 =	simm.s32 $0x2  }
0x4: {  	s12 =	simm.s32 $0x2F8;
	s13 =	simm.s32 $0x29F8;
	s14 =	simm.s32 $0x80  }
0x5: {  	s17 =	simm.s32 $0x478;
	s18 =	simm.s32 $0x4F8;
	s19 =	simm.s32 $0x578  }
0x6: {  	s20 =	simm.s32 $0x5F8;
	s21 =	simm.s32 $0x678;
	s22 =	simm.s32 $0x6F8  }
0x7: {  	s23 =	simm.s32 $0x778;
	s24 =	simm.s32 $0x7F8;
	s25 =	simm.s32 $0x878  }
0x8: {  	s26 =	simm.s32 $0x8F8;
	s28 =	simm.s32 $0x1;
	s29 =	simm.s32 $0x10  }
0x9: {  	s30 =	simm.s32 $0x0;
	s1 =	sand.u32 $0x1, s1;
	[smem:$0x7FF] =	sst s3  }
0xa: {  	p0 =	sne.s32 s9, $0x0;
	s5 =	sshll.u32 s1, $0x4;
	s1 =	ssub.s32 $0x2, s1  }
0xb: {  	_ =	strace $0x80000047;
	s4 =	sor.u32 s9, s5;
	s31 =	sshrl.u32 s1, $0x1  }
0xc: {  	s9 =	sshrl.u32 @!p0 s2, $0x3;
	s6 =	smul.u32 $0x4E0, s4;
	s4 =	sshll.u32 s4, $0x4  }
0xd: {  	s1 =	ssub.s32 s1, s31;
	s7 =	sadd.s32 s4, s0;
	s4 =	sadd.s32 $0x23200, s0  }
0xe: {  	s8 =	smax.u32 s1, $0x1;
	s6 =	sadd.s32 s6, s0;
	s0 =	sadd.s32 s5, s0  }
0xf: {  	s5 =	sadd.s32 $0x19600, s6;
	s6 =	sadd.s32 $0x19400, s7;
	s7 =	sadd.s32 $0x23800, s0  }
.LBB2_1:
0x10: {  	s0 =	simm.s32 @!p0 $0x1C02  }
0x11: {  	[spmem:s9], [sflag:s0] =	dma.local @!p0 [hbm:s4], $0x4F0  }
0x12: {  	s0 =	simm.s32 @!p0 $0x2  }
0x13: {  	_ =	swait.ge @!p0 [sflag:s0], $0x4F0  }
0x14: {  	[sflag:s0] =	ssyncset.done @!p0 $0x0  }
0x15: {  	[sflag:s0] =	ssyncadd.s32 @!p0 $0xFFFFFB10  }
0x16: {  	s0 =	rddreg [dreg:$0x1]  }
0x17: {  	[tilespmem:s10], [sflag:$0x2] =	stream.linear.gather [hbm4b:s0+s3], $0x80, $0x38;
	[tilespmem:$0x2A78] =	vst v63  }
0x18: {  	_ =	swait.ge [sflag:s11], $0x80  }
0x19: {  	[sflag:s11] =	ssyncset.done $0x0  }
0x1a: {  	[sflag:s11] =	ssyncadd.s32 $0xFFFFFF80  }
0x1b: {  	[tilespmem:s12], [sflag:$0x2] =	stream.linear.gather [hbm4b:s5+s3], $0x2700, $0x38;
	[tilespmem:$0x2A78] =	vst v63  }
0x1c: {  	_ =	swait.ge [sflag:s11], $0x2700  }
0x1d: {  	[sflag:s11] =	ssyncset.done $0x0  }
0x1e: {  	[sflag:s11] =	ssyncadd.s32 $0xFFFFD900  }
0x1f: {  	[tilespmem:s13], [sflag:$0x2] =	stream.linear.gather [hbm4b:s6+s3], $0x80, $0x38;
	[tilespmem:$0x2A78] =	vst v63  }
0x20: {  	_ =	swait.ge [sflag:s11], $0x80  }
0x21: {  	[sflag:s11] =	ssyncset.done $0x0  }
0x22: {  	[sflag:s11] =	ssyncadd.s32 $0xFFFFFF80  }
0x23: {  	[bflag:$0x0] =	sbarrier.arrive $0xFFFF  }
0x24: {  	[spmem:s2] =	stream.indirect.scatter.add.f32 [tilespmem:s10], [sflag:$0x1], $0x1, s12, s14, $0xb8;
	[tilespmem:$0x2A78] =	vst v63  }
0x25: {  	s1 =	simm.s32 $0x378  }
0x26: {  	[spmem:s2] =	stream.indirect.scatter.add.f32 [tilespmem:s10], [sflag:$0x1], $0x1, s1, s14, $0xb8;
	[tilespmem:$0x2A78] =	vst v63  }
0x27: {  	s15 =	simm.s32 $0x3F8  }
0x28: {  	[spmem:s2] =	stream.indirect.scatter.add.f32 [tilespmem:s10], [sflag:$0x1], $0x1, s15, s14, $0xb8;
	[tilespmem:$0x2A78] =	vst v63  }
0x29: {  	_ = 	snop  }
0x2a: {  	[spmem:s2] =	stream.indirect.scatter.add.f32 [tilespmem:s10], [sflag:$0x1], $0x1, s17, s14, $0xb8;
	[tilespmem:$0x2A78] =	vst v63  }
0x2b: {  	_ = 	snop  }
0x2c: {  	[spmem:s2] =	stream.indirect.scatter.add.f32 [tilespmem:s10], [sflag:$0x1], $0x1, s18, s14, $0xb8;
	[tilespmem:$0x2A78] =	vst v63  }
0x2d: {  	_ = 	snop  }
0x2e: {  	[spmem:s2] =	stream.indirect.scatter.add.f32 [tilespmem:s10], [sflag:$0x1], $0x1, s19, s14, $0xb8;
	[tilespmem:$0x2A78] =	vst v63  }
0x2f: {  	_ = 	snop  }
0x30: {  	[spmem:s2] =	stream.indirect.scatter.add.f32 [tilespmem:s10], [sflag:$0x1], $0x1, s20, s14, $0xb8;
	[tilespmem:$0x2A78] =	vst v63  }
0x31: {  	_ = 	snop  }
0x32: {  	[spmem:s2] =	stream.indirect.scatter.add.f32 [tilespmem:s10], [sflag:$0x1], $0x1, s21, s14, $0xb8;
	[tilespmem:$0x2A78] =	vst v63  }
0x33: {  	_ = 	snop  }
0x34: {  	[spmem:s2] =	stream.indirect.scatter.add.f32 [tilespmem:s10], [sflag:$0x1], $0x1, s22, s14, $0xb8;
	[tilespmem:$0x2A78] =	vst v63  }
0x35: {  	_ = 	snop  }
0x36: {  	[spmem:s2] =	stream.indirect.scatter.add.f32 [tilespmem:s10], [sflag:$0x1], $0x1, s23, s14, $0xb8;
	[tilespmem:$0x2A78] =	vst v63  }
0x37: {  	_ = 	snop  }
0x38: {  	[spmem:s2] =	stream.indirect.scatter.add.f32 [tilespmem:s10], [sflag:$0x1], $0x1, s24, s14, $0xb8;
	[tilespmem:$0x2A78] =	vst v63  }
0x39: {  	_ = 	snop  }
0x3a: {  	[spmem:s2] =	stream.indirect.scatter.add.f32 [tilespmem:s10], [sflag:$0x1], $0x1, s25, s14, $0xb8;
	[tilespmem:$0x2A78] =	vst v63  }
0x3b: {  	_ = 	snop  }
0x3c: {  	[spmem:s2] =	stream.indirect.scatter.add.f32 [tilespmem:s10], [sflag:$0x1], $0x1, s26, s14, $0xb8;
	[tilespmem:$0x2A78] =	vst v63  }
0x3d: {  	s16 =	simm.s32 $0x978  }
0x3e: {  	[spmem:s2] =	stream.indirect.scatter.add.f32 [tilespmem:s10], [sflag:$0x1], $0x1, s16, s14, $0xb8;
	[tilespmem:$0x2A78] =	vst v63  }
0x3f: {  	s1 =	simm.s32 $0x9F8  }
0x40: {  	[spmem:s2] =	stream.indirect.scatter.add.f32 [tilespmem:s10], [sflag:$0x1], $0x1, s1, s14, $0xb8;
	[tilespmem:$0x2A78] =	vst v63  }
0x41: {  	s15 =	simm.s32 $0xA78  }
0x42: {  	[spmem:s2] =	stream.indirect.scatter.add.f32 [tilespmem:s10], [sflag:$0x1], $0x1, s15, s14, $0xb8;
	[tilespmem:$0x2A78] =	vst v63  }
0x43: {  	s16 =	simm.s32 $0xAF8  }
0x44: {  	[spmem:s2] =	stream.indirect.scatter.add.f32 [tilespmem:s10], [sflag:$0x1], $0x1, s16, s14, $0xb8;
	[tilespmem:$0x2A78] =	vst v63  }
0x45: {  	s1 =	simm.s32 $0xB78  }
0x46: {  	[spmem:s2] =	stream.indirect.scatter.add.f32 [tilespmem:s10], [sflag:$0x1], $0x1, s1, s14, $0xb8;
	[tilespmem:$0x2A78] =	vst v63  }
0x47: {  	s15 =	simm.s32 $0xBF8  }
0x48: {  	[spmem:s2] =	stream.indirect.scatter.add.f32 [tilespmem:s10], [sflag:$0x1], $0x1, s15, s14, $0xb8;
	[tilespmem:$0x2A78] =	vst v63  }
0x49: {  	s16 =	simm.s32 $0xC78  }
0x4a: {  	[spmem:s2] =	stream.indirect.scatter.add.f32 [tilespmem:s10], [sflag:$0x1], $0x1, s16, s14, $0xb8;
	[tilespmem:$0x2A78] =	vst v63  }
0x4b: {  	s1 =	simm.s32 $0xCF8  }
0x4c: {  	[spmem:s2] =	stream.indirect.scatter.add.f32 [tilespmem:s10], [sflag:$0x1], $0x1, s1, s14, $0xb8;
	[tilespmem:$0x2A78] =	vst v63  }
0x4d: {  	s15 =	simm.s32 $0xD78  }
0x4e: {  	[spmem:s2] =	stream.indirect.scatter.add.f32 [tilespmem:s10], [sflag:$0x1], $0x1, s15, s14, $0xb8;
	[tilespmem:$0x2A78] =	vst v63  }
0x4f: {  	s16 =	simm.s32 $0xDF8  }
0x50: {  	[spmem:s2] =	stream.indirect.scatter.add.f32 [tilespmem:s10], [sflag:$0x1], $0x1, s16, s14, $0xb8;
	[tilespmem:$0x2A78] =	vst v63  }
0x51: {  	s1 =	simm.s32 $0xE78  }
0x52: {  	[spmem:s2] =	stream.indirect.scatter.add.f32 [tilespmem:s10], [sflag:$0x1], $0x1, s1, s14, $0xb8;
	[tilespmem:$0x2A78] =	vst v63  }
0x53: {  	s15 =	simm.s32 $0xEF8  }
0x54: {  	[spmem:s2] =	stream.indirect.scatter.add.f32 [tilespmem:s10], [sflag:$0x1], $0x1, s15, s14, $0xb8;
	[tilespmem:$0x2A78] =	vst v63  }
0x55: {  	s16 =	simm.s32 $0xF78  }
0x56: {  	[spmem:s2] =	stream.indirect.scatter.add.f32 [tilespmem:s10], [sflag:$0x1], $0x1, s16, s14, $0xb8;
	[tilespmem:$0x2A78] =	vst v63  }
0x57: {  	_ =	swait.ge [sflag:s28], $0x80  }
0x58: {  	[sflag:s28] =	ssyncset.done $0x0  }
0x59: {  	[sflag:s28] =	ssyncadd.s32 $0xFFFFFF80  }
0x5a: {  	_ =	swait.ge [sflag:s28], $0x80  }
0x5b: {  	[sflag:s28] =	ssyncset.done $0x0  }
0x5c: {  	[sflag:s28] =	ssyncadd.s32 $0xFFFFFF80  }
0x5d: {  	_ =	swait.ge [sflag:s28], $0x80  }
0x5e: {  	[sflag:s28] =	ssyncset.done $0x0  }
0x5f: {  	[sflag:s28] =	ssyncadd.s32 $0xFFFFFF80  }
0x60: {  	_ =	swait.ge [sflag:s28], $0x80  }
0x61: {  	[sflag:s28] =	ssyncset.done $0x0  }
0x62: {  	[sflag:s28] =	ssyncadd.s32 $0xFFFFFF80  }
0x63: {  	_ =	swait.ge [sflag:s28], $0x80  }
0x64: {  	[sflag:s28] =	ssyncset.done $0x0  }
0x65: {  	[sflag:s28] =	ssyncadd.s32 $0xFFFFFF80  }
0x66: {  	_ =	swait.ge [sflag:s28], $0x80  }
0x67: {  	[sflag:s28] =	ssyncset.done $0x0  }
0x68: {  	[sflag:s28] =	ssyncadd.s32 $0xFFFFFF80  }
0x69: {  	_ =	swait.ge [sflag:s28], $0x80  }
0x6a: {  	[sflag:s28] =	ssyncset.done $0x0  }
0x6b: {  	[sflag:s28] =	ssyncadd.s32 $0xFFFFFF80  }
0x6c: {  	_ =	swait.ge [sflag:s28], $0x80  }
0x6d: {  	[sflag:s28] =	ssyncset.done $0x0  }
0x6e: {  	[sflag:s28] =	ssyncadd.s32 $0xFFFFFF80  }
0x6f: {  	_ =	swait.ge [sflag:s28], $0x80  }
0x70: {  	[sflag:s28] =	ssyncset.done $0x0  }
0x71: {  	[sflag:s28] =	ssyncadd.s32 $0xFFFFFF80  }
0x72: {  	_ =	swait.ge [sflag:s28], $0x80  }
0x73: {  	[sflag:s28] =	ssyncset.done $0x0  }
0x74: {  	[sflag:s28] =	ssyncadd.s32 $0xFFFFFF80  }
0x75: {  	_ =	swait.ge [sflag:s28], $0x80  }
0x76: {  	[sflag:s28] =	ssyncset.done $0x0  }
0x77: {  	[sflag:s28] =	ssyncadd.s32 $0xFFFFFF80  }
0x78: {  	_ =	swait.ge [sflag:s28], $0x80  }
0x79: {  	[sflag:s28] =	ssyncset.done $0x0  }
0x7a: {  	[sflag:s28] =	ssyncadd.s32 $0xFFFFFF80  }
0x7b: {  	_ =	swait.ge [sflag:s28], $0x80  }
0x7c: {  	s31 =	simm.s32 $0x3400;
	s1 =	simm.s32 $0x680;
	[sflag:s28] =	ssyncset.done $0x0  }
.LBB2_2:
0x7d: {  	s16 =	sadd.s32 $0x978, s1  }
0x7e: {  	[sflag:s28] =	ssyncadd.s32 $0xFFFFFF80;
	s0 =	smov.u32 s31;
	s15 =	sadd.s32 $0x1A00, s31  }
0x7f: {  	[spmem:s2] =	stream.indirect.scatter.add.f32 [tilespmem:s10], [sflag:$0x1], $0x1, s16, s14, $0xb8;
	[tilespmem:$0x2A78] =	vst v63  }
0x80: {  	p1 =	sne.s32 s31, $0x6800;
	s16 =	sadd.s32 $0x9F8, s1  }
0x81: {  	[spmem:s2] =	stream.indirect.scatter.add.f32 [tilespmem:s10], [sflag:$0x1], $0x1, s16, s14, $0xb8;
	[tilespmem:$0x2A78] =	vst v63  }
0x82: {  	s16 =	sadd.s32 $0xA78, s1  }
0x83: {  	[spmem:s2] =	stream.indirect.scatter.add.f32 [tilespmem:s10], [sflag:$0x1], $0x1, s16, s14, $0xb8;
	[tilespmem:$0x2A78] =	vst v63  }
0x84: {  	s16 =	sadd.s32 $0xAF8, s1  }
0x85: {  	[spmem:s2] =	stream.indirect.scatter.add.f32 [tilespmem:s10], [sflag:$0x1], $0x1, s16, s14, $0xb8;
	[tilespmem:$0x2A78] =	vst v63  }
0x86: {  	s16 =	sadd.s32 $0xB78, s1  }
0x87: {  	[spmem:s2] =	stream.indirect.scatter.add.f32 [tilespmem:s10], [sflag:$0x1], $0x1, s16, s14, $0xb8;
	[tilespmem:$0x2A78] =	vst v63  }
0x88: {  	s16 =	sadd.s32 $0xBF8, s1  }
0x89: {  	[spmem:s2] =	stream.indirect.scatter.add.f32 [tilespmem:s10], [sflag:$0x1], $0x1, s16, s14, $0xb8;
	[tilespmem:$0x2A78] =	vst v63  }
0x8a: {  	s16 =	sadd.s32 $0xC78, s1  }
0x8b: {  	[spmem:s2] =	stream.indirect.scatter.add.f32 [tilespmem:s10], [sflag:$0x1], $0x1, s16, s14, $0xb8;
	[tilespmem:$0x2A78] =	vst v63  }
0x8c: {  	s16 =	sadd.s32 $0xCF8, s1  }
0x8d: {  	[spmem:s2] =	stream.indirect.scatter.add.f32 [tilespmem:s10], [sflag:$0x1], $0x1, s16, s14, $0xb8;
	[tilespmem:$0x2A78] =	vst v63  }
0x8e: {  	s16 =	sadd.s32 $0xD78, s1  }
0x8f: {  	[spmem:s2] =	stream.indirect.scatter.add.f32 [tilespmem:s10], [sflag:$0x1], $0x1, s16, s14, $0xb8;
	[tilespmem:$0x2A78] =	vst v63  }
0x90: {  	s16 =	sadd.s32 $0xDF8, s1  }
0x91: {  	[spmem:s2] =	stream.indirect.scatter.add.f32 [tilespmem:s10], [sflag:$0x1], $0x1, s16, s14, $0xb8;
	[tilespmem:$0x2A78] =	vst v63  }
0x92: {  	s16 =	sadd.s32 $0xE78, s1  }
0x93: {  	[spmem:s2] =	stream.indirect.scatter.add.f32 [tilespmem:s10], [sflag:$0x1], $0x1, s16, s14, $0xb8;
	[tilespmem:$0x2A78] =	vst v63  }
0x94: {  	s16 =	sadd.s32 $0xEF8, s1  }
0x95: {  	[spmem:s2] =	stream.indirect.scatter.add.f32 [tilespmem:s10], [sflag:$0x1], $0x1, s16, s14, $0xb8;
	[tilespmem:$0x2A78] =	vst v63  }
0x96: {  	s1 =	sadd.s32 $0xF78, s1  }
0x97: {  	[spmem:s2] =	stream.indirect.scatter.add.f32 [tilespmem:s10], [sflag:$0x1], $0x1, s1, s14, $0xb8;
	[tilespmem:$0x2A78] =	vst v63  }
0x98: {  	_ =	swait.ge [sflag:s28], $0x80  }
0x99: {  	[sflag:s28] =	ssyncset.done $0x0  }
0x9a: {  	[sflag:s28] =	ssyncadd.s32 $0xFFFFFF80  }
0x9b: {  	_ =	swait.ge [sflag:s28], $0x80  }
0x9c: {  	[sflag:s28] =	ssyncset.done $0x0  }
0x9d: {  	[sflag:s28] =	ssyncadd.s32 $0xFFFFFF80  }
0x9e: {  	_ =	swait.ge [sflag:s28], $0x80  }
0x9f: {  	[sflag:s28] =	ssyncset.done $0x0  }
0xa0: {  	[sflag:s28] =	ssyncadd.s32 $0xFFFFFF80  }
0xa1: {  	_ =	swait.ge [sflag:s28], $0x80  }
0xa2: {  	[sflag:s28] =	ssyncset.done $0x0  }
0xa3: {  	[sflag:s28] =	ssyncadd.s32 $0xFFFFFF80  }
0xa4: {  	_ =	swait.ge [sflag:s28], $0x80  }
0xa5: {  	[sflag:s28] =	ssyncset.done $0x0  }
0xa6: {  	[sflag:s28] =	ssyncadd.s32 $0xFFFFFF80  }
0xa7: {  	_ =	swait.ge [sflag:s28], $0x80  }
0xa8: {  	[sflag:s28] =	ssyncset.done $0x0  }
0xa9: {  	[sflag:s28] =	ssyncadd.s32 $0xFFFFFF80  }
0xaa: {  	_ =	swait.ge [sflag:s28], $0x80  }
0xab: {  	[sflag:s28] =	ssyncset.done $0x0  }
0xac: {  	[sflag:s28] =	ssyncadd.s32 $0xFFFFFF80  }
0xad: {  	_ =	swait.ge [sflag:s28], $0x80  }
0xae: {  	[sflag:s28] =	ssyncset.done $0x0  }
0xaf: {  	[sflag:s28] =	ssyncadd.s32 $0xFFFFFF80  }
0xb0: {  	_ =	swait.ge [sflag:s28], $0x80  }
0xb1: {  	[sflag:s28] =	ssyncset.done $0x0  }
0xb2: {  	[sflag:s28] =	ssyncadd.s32 $0xFFFFFF80  }
0xb3: {  	_ =	swait.ge [sflag:s28], $0x80  }
0xb4: {  	[sflag:s28] =	ssyncset.done $0x0  }
0xb5: {  	[sflag:s28] =	ssyncadd.s32 $0xFFFFFF80  }
0xb6: {  	_ =	swait.ge [sflag:s28], $0x80  }
0xb7: {  	[sflag:s28] =	ssyncset.done $0x0  }
0xb8: {  	[sflag:s28] =	ssyncadd.s32 $0xFFFFFF80  }
.Ltmp0:
0xb9: {  	_ =	swait.ge [sflag:s28], $0x80;
	(pc) =	sbr.rel @p1 .LBB2_2-.Ltmp0, $4  }
0xba: {  	[sflag:s28] =	ssyncset.done $0x0  }
0xbb: {  	[sflag:s28] =	ssyncadd.s32 $0xFFFFFF80  }
0xbc: {  	_ =	swait.ge [sflag:s28], $0x80  }
0xbd: {  	s31 =	smov.u32 s15;
	s1 =	sshra.s32 s0, $0x2;
	[sflag:s28] =	ssyncset.done $0x0  }
0xbe: {  	s0 =	sadd.s32 $0x978, s1;
	[sflag:s28] =	ssyncadd.s32 $0xFFFFFF80  }
0xbf: {  	[spmem:s2] =	stream.indirect.scatter.add.f32 [tilespmem:s10], [sflag:$0x1], $0x1, s0, s14, $0xb8;
	[tilespmem:$0x2A78] =	vst v63  }
0xc0: {  	s15 =	sadd.s32 $0x9F8, s1  }
0xc1: {  	[spmem:s2] =	stream.indirect.scatter.add.f32 [tilespmem:s10], [sflag:$0x1], $0x1, s15, s14, $0xb8;
	[tilespmem:$0x2A78] =	vst v63  }
0xc2: {  	s16 =	sadd.s32 $0xA78, s1  }
0xc3: {  	[spmem:s2] =	stream.indirect.scatter.add.f32 [tilespmem:s10], [sflag:$0x1], $0x1, s16, s14, $0xb8;
	[tilespmem:$0x2A78] =	vst v63  }
0xc4: {  	s31 =	sadd.s32 $0xAF8, s1  }
0xc5: {  	[spmem:s2] =	stream.indirect.scatter.add.f32 [tilespmem:s10], [sflag:$0x1], $0x1, s31, s14, $0xb8;
	[tilespmem:$0x2A78] =	vst v63  }
0xc6: {  	s15 =	sadd.s32 $0xB78, s1  }
0xc7: {  	[spmem:s2] =	stream.indirect.scatter.add.f32 [tilespmem:s10], [sflag:$0x1], $0x1, s15, s14, $0xb8;
	[tilespmem:$0x2A78] =	vst v63  }
0xc8: {  	s16 =	sadd.s32 $0xBF8, s1  }
0xc9: {  	[spmem:s2] =	stream.indirect.scatter.add.f32 [tilespmem:s10], [sflag:$0x1], $0x1, s16, s14, $0xb8;
	[tilespmem:$0x2A78] =	vst v63  }
0xca: {  	s31 =	sadd.s32 $0xC78, s1  }
0xcb: {  	[spmem:s2] =	stream.indirect.scatter.add.f32 [tilespmem:s10], [sflag:$0x1], $0x1, s31, s14, $0xb8;
	[tilespmem:$0x2A78] =	vst v63  }
0xcc: {  	s15 =	sadd.s32 $0xCF8, s1  }
0xcd: {  	[spmem:s2] =	stream.indirect.scatter.add.f32 [tilespmem:s10], [sflag:$0x1], $0x1, s15, s14, $0xb8;
	[tilespmem:$0x2A78] =	vst v63  }
0xce: {  	s16 =	sadd.s32 $0xD78, s1  }
0xcf: {  	[spmem:s2] =	stream.indirect.scatter.add.f32 [tilespmem:s10], [sflag:$0x1], $0x1, s16, s14, $0xb8;
	[tilespmem:$0x2A78] =	vst v63  }
0xd0: {  	s31 =	sadd.s32 $0xDF8, s1  }
0xd1: {  	[spmem:s2] =	stream.indirect.scatter.add.f32 [tilespmem:s10], [sflag:$0x1], $0x1, s31, s14, $0xb8;
	[tilespmem:$0x2A78] =	vst v63  }
0xd2: {  	s15 =	sadd.s32 $0xE78, s1  }
0xd3: {  	[spmem:s2] =	stream.indirect.scatter.add.f32 [tilespmem:s10], [sflag:$0x1], $0x1, s15, s14, $0xb8;
	[tilespmem:$0x2A78] =	vst v63  }
0xd4: {  	s16 =	sadd.s32 $0xEF8, s1  }
0xd5: {  	[spmem:s2] =	stream.indirect.scatter.add.f32 [tilespmem:s10], [sflag:$0x1], $0x1, s16, s14, $0xb8;
	[tilespmem:$0x2A78] =	vst v63  }
0xd6: {  	s31 =	sadd.s32 $0xF78, s1  }
0xd7: {  	[spmem:s2] =	stream.indirect.scatter.add.f32 [tilespmem:s10], [sflag:$0x1], $0x1, s31, s14, $0xb8;
	[tilespmem:$0x2A78] =	vst v63  }
0xd8: {  	_ =	swait.ge [sflag:s28], $0x80  }
0xd9: {  	[sflag:s28] =	ssyncset.done $0x0  }
0xda: {  	[sflag:s28] =	ssyncadd.s32 $0xFFFFFF80  }
0xdb: {  	_ =	swait.ge [sflag:s28], $0x80  }
0xdc: {  	[sflag:s28] =	ssyncset.done $0x0  }
0xdd: {  	[sflag:s28] =	ssyncadd.s32 $0xFFFFFF80  }
0xde: {  	_ =	swait.ge [sflag:s28], $0x80  }
0xdf: {  	[sflag:s28] =	ssyncset.done $0x0  }
0xe0: {  	[sflag:s28] =	ssyncadd.s32 $0xFFFFFF80  }
0xe1: {  	_ =	swait.ge [sflag:s28], $0x80  }
0xe2: {  	[sflag:s28] =	ssyncset.done $0x0  }
0xe3: {  	[sflag:s28] =	ssyncadd.s32 $0xFFFFFF80  }
0xe4: {  	_ =	swait.ge [sflag:s28], $0x80  }
0xe5: {  	[sflag:s28] =	ssyncset.done $0x0  }
0xe6: {  	[sflag:s28] =	ssyncadd.s32 $0xFFFFFF80  }
0xe7: {  	_ =	swait.ge [sflag:s28], $0x80  }
0xe8: {  	[sflag:s28] =	ssyncset.done $0x0  }
0xe9: {  	[sflag:s28] =	ssyncadd.s32 $0xFFFFFF80  }
0xea: {  	_ =	swait.ge [sflag:s28], $0x80  }
0xeb: {  	[sflag:s28] =	ssyncset.done $0x0  }
0xec: {  	[sflag:s28] =	ssyncadd.s32 $0xFFFFFF80  }
0xed: {  	_ =	swait.ge [sflag:s28], $0x80  }
0xee: {  	[sflag:s28] =	ssyncset.done $0x0  }
0xef: {  	[sflag:s28] =	ssyncadd.s32 $0xFFFFFF80  }
0xf0: {  	_ =	swait.ge [sflag:s28], $0x80  }
0xf1: {  	[sflag:s28] =	ssyncset.done $0x0  }
0xf2: {  	[sflag:s28] =	ssyncadd.s32 $0xFFFFFF80  }
0xf3: {  	_ =	swait.ge [sflag:s28], $0x80  }
0xf4: {  	[sflag:s28] =	ssyncset.done $0x0  }
0xf5: {  	[sflag:s28] =	ssyncadd.s32 $0xFFFFFF80  }
0xf6: {  	_ =	swait.ge [sflag:s28], $0x80  }
0xf7: {  	[sflag:s28] =	ssyncset.done $0x0  }
0xf8: {  	[sflag:s28] =	ssyncadd.s32 $0xFFFFFF80  }
0xf9: {  	_ =	swait.ge [sflag:s28], $0x80  }
0xfa: {  	[sflag:s28] =	ssyncset.done $0x0  }
0xfb: {  	[sflag:s28] =	ssyncadd.s32 $0xFFFFFF80  }
0xfc: {  	_ =	swait.ge [sflag:s28], $0x80  }
0xfd: {  	[sflag:s28] =	ssyncset.done $0x0  }
0xfe: {  	[sflag:s28] =	ssyncadd.s32 $0xFFFFFF80  }
0xff: {  	_ =	swait.ge [sflag:s28], $0x80  }
0x100: {  	[sflag:s28] =	ssyncset.done $0x0  }
0x101: {  	[sflag:s28] =	ssyncadd.s32 $0xFFFFFF80  }
0x102: {  	_ =	swait.ge [sflag:s28], $0x80  }
0x103: {  	[sflag:s28] =	ssyncset.done $0x0  }
0x104: {  	[sflag:s28] =	ssyncadd.s32 $0xFFFFFF80  }
0x105: {  	_ =	swait.ge [sflag:s28], $0x80  }
0x106: {  	[sflag:s28] =	ssyncset.done $0x0  }
0x107: {  	[sflag:s28] =	ssyncadd.s32 $0xFFFFFF80  }
0x108: {  	_ =	swait.ge [sflag:s28], $0x80  }
0x109: {  	[sflag:s28] =	ssyncset.done $0x0  }
0x10a: {  	[sflag:s28] =	ssyncadd.s32 $0xFFFFFF80  }
0x10b: {  	_ =	swait.ge [sflag:s28], $0x80  }
0x10c: {  	[sflag:s28] =	ssyncset.done $0x0  }
0x10d: {  	[sflag:s28] =	ssyncadd.s32 $0xFFFFFF80  }
0x10e: {  	_ =	swait.ge [sflag:s28], $0x80  }
0x10f: {  	[sflag:s28] =	ssyncset.done $0x0  }
0x110: {  	[sflag:s28] =	ssyncadd.s32 $0xFFFFFF80  }
0x111: {  	_ =	swait.ge [sflag:s28], $0x80  }
0x112: {  	[sflag:s28] =	ssyncset.done $0x0  }
0x113: {  	[sflag:s28] =	ssyncadd.s32 $0xFFFFFF80  }
0x114: {  	_ =	swait.ge [sflag:s28], $0x80  }
0x115: {  	[sflag:s28] =	ssyncset.done $0x0  }
0x116: {  	[sflag:s28] =	ssyncadd.s32 $0xFFFFFF80  }
0x117: {  	_ =	swait.ge [sflag:s28], $0x80  }
0x118: {  	[sflag:s28] =	ssyncset.done $0x0  }
0x119: {  	[sflag:s28] =	ssyncadd.s32 $0xFFFFFF80  }
0x11a: {  	_ =	swait.ge [sflag:s28], $0x80  }
0x11b: {  	[sflag:s28] =	ssyncset.done $0x0  }
0x11c: {  	[sflag:s28] =	ssyncadd.s32 $0xFFFFFF80  }
0x11d: {  	_ =	swait.ge [sflag:s28], $0x80  }
0x11e: {  	[sflag:s28] =	ssyncset.done $0x0  }
0x11f: {  	[sflag:s28] =	ssyncadd.s32 $0xFFFFFF80  }
0x120: {  	_ =	swait.ge [sflag:s28], $0x80  }
0x121: {  	[sflag:s28] =	ssyncset.done $0x0  }
0x122: {  	[sflag:s28] =	ssyncadd.s32 $0xFFFFFF80  }
0x123: {  	_ =	swait.ge [sflag:s28], $0x80  }
0x124: {  	[sflag:s28] =	ssyncset.done $0x0  }
0x125: {  	[sflag:s28] =	ssyncadd.s32 $0xFFFFFF80  }
0x126: {  	[spmem:s2] =	stream.indirect.scatter.add.f32 [tilespmem:s10], [sflag:$0x2], $0x1, s13, s29, $0xb8;
	[tilespmem:$0x2A78] =	vst v63  }
0x127: {  	_ =	swait.ge [sflag:s11], $0x10  }
0x128: {  	s30 =	sadd.s32 $0x1, s30;
	s0 =	simm.s32 @!p0 $0x1;
	[sflag:s11] =	ssyncset.done $0x0  }
0x129: {  	p1 =	sne.s32 s30, s8;
	s1 =	simm.s32 @!p0 $0x20;
	[sflag:s11] =	ssyncadd.s32 $0xFFFFFFF0  }
0x12a: {  	s15 =	simm.s32 @!p0 $0x10;
	s16 =	simm.s32 @!p0 $0x1C02;
	[bflag:$0x0] =	sbarrier.arrive $0xFFFF  }
0x12b: {  	[hbm:s7@s1], [sflag:s16] =	dma.strided @!p0 [spmem:s9@s15], $0x4F0, s0, $0x10   }
.Ltmp1:
0x12c: {  	_ = 	snop;
	(pc) =	sbr.rel @p1 .LBB2_1-.Ltmp1, $4  }
0x12d: {  	s0 =	simm.s32 @!p0 $0x2  }
0x12e: {  	_ =	swait.ge @!p0 [sflag:s0], $0x4F0  }
0x12f: {  	[sflag:s0] =	ssyncset.done @!p0 $0x0  }
0x130: {  	[sflag:s0] =	ssyncadd.s32 @!p0 $0xFFFFFB10  }
0x131: {  	_ =	sfence.sel $0x180000  }
0x132: {  	[bflag:$0x0] =	sbarrier.arrive $0xFFFF  }
0x133: {  	_ =	strace $0x90000047  }
0x134: {  	[bflag:$0x2] =	sbarrier.arrive $0xFFFF  }
0x135: {  	s0 =	rddreg [dreg:$0x3]  }
0x136: {  	s0 =	sadd.s32 @!p0 $0x100000, s0  }
0x137: {  	[sflag:s0] =	ssyncadd.tile.s32 @!p0 $0x1;
	_ =	shalt  }
.Lfunc_end2:
_tile_overlayer_lowered:
.L_overlay_start_2:
0x138: {  	(tag) =	ssettag $0x2  }
0x139: {  	s0 =	rddreg [dreg:$0x0];
	s2 =	stileid.u32  }
0x13a: {  	s1 =	rddreg [dreg:$0x1];
	p0 =	sne.s32 s2, $0x0  }
0x13b: {  	s3 =	rddreg [dreg:$0x2];
	[bflag:$0x3] =	sbarrier.arrive $0xFFFF;
	s2 =	simm.s32 @!p0 $0x1C02  }
0x13c: {  	[timem:s3], [sflag:s2] =	dma.local @!p0 [hbm:s0], s1  }
0x13d: {  	s0 =	simm.s32 @!p0 $0x2  }
0x13e: {  	_ =	swait.ge @!p0 [sflag:s0], s1  }
0x13f: {  	s1 =	ssub.s32 @!p0 $0x0, s1;
	[sflag:s0] =	ssyncset.done @!p0 $0x0  }
0x140: {  	[sflag:s0] =	ssyncadd.s32 @!p0 s1  }
0x141: {  	[bflag:$0x3] =	sbarrier.arrive $0xFFFF  }
0x142: {  	_ =	shalt  }

// kernel: kernel.20.cloned.1.call-start
scs
__scs_entry_jumppad:
0x0: {  	(pc) =	sbr.rel $0x88, $3  }
0x1: {  	(tag) =	ssettag $0x0;
	lr =	simm.s32 $0x1  }
0x2: {  	[smem:$0x3F92] =	sst lr;
	_ =	strace $0xD0000000  }
0x3: {  	_ = 	snop  }
0x4: {  	_ = 	snop  }
0x5: {  	_ = 	snop  }
0x6: {  	_ = 	snop  }
0x7: {  	_ = 	snop  }
__scs_overlays_trampoline_lowered:
0x8: {  	[smem:$0x3FA1] =	sst s0  }
0x9: {  	[smem:$0x3FA2] =	sst s1  }
0xa: {  	[smem:$0x3FA3] =	sst s2  }
0xb: {  	[smem:$0x3FA4] =	sst s3  }
0xc: {  	[smem:$0x3FA5] =	sst s4  }
0xd: {  	[smem:$0x3FA6] =	sst s5  }
0xe: {  	[smem:$0x3FA7] =	sst s6  }
0xf: {  	[smem:$0x3FA8] =	sst s7  }
0x10: {  	[smem:$0x3FA9] =	sst s8  }
0x11: {  	[smem:$0x3FAA] =	sst s9;
	s0 =	simm.s32 @!p0 $0x0  }
0x12: {  	s1 =	sld [smem:$0x3F90];
	s0 =	simm.s32 @p0 $0x1  }
0x13: {  	[smem:$0x3FAB] =	sst s0;
	s0 =	simm.s32 @!p1 $0x0  }
0x14: {  	s2 =	sld [smem:$0x3F8F];
	s0 =	simm.s32 @p1 $0x1  }
0x15: {  	[smem:$0x3FAC] =	sst s0;
	s0 =	simm.s32 @!p2 $0x0  }
0x16: {  	s3 =	sld [smem:$0x3FDB];
	s0 =	simm.s32 @p2 $0x1  }
0x17: {  	s4 =	simm.s32 $0x1BF5;
	[smem:$0x3FAE] =	sst s0  }
0x18: {  	s0 =	sld [smem:$0x3F91];
	_ =	swait.ge [sflag:s4], $0x0  }
0x19: {  	s7 =	sld [smem:$0x3F92]  }
0x1a: {  	s8 =	sadd.s32 $0xFFFFE003, lr  }
0x1b: {  	s9 =	sadd.s32 $0xFFFFFEF7, lr;
	s5 =	simm.s32 $0xFFFFFFFF;
	p2 =	slt.u32 s8, $0xFFFFF086  }
0x1c: {  	p1 =	slt.u32 s9, $0xF7A;
	s5 =	simm.s32 @!p2 $0x0  }
0x1d: {  	s5 =	simm.s32 @p1 $0x1;
	p0 =	seq.s32 s7, s2  }
0x1e: {  	s7 =	smul.u32 @!p0 $0xF7A, s2;
	p2 =	seq.s32 @!p0 s5, $0x0  }
0x1f: {  	s9 =	smul.u32 $0xF7A, s1;
	s8 =	simm.s32 @!p0 $0x1BF5;
	p2 =	por !p2, p0  }
0x20: {  	[sflag:s8] =	ssyncset.s32 @!p0 $0xFFFFF086;
	s6 =	sadd.s32 @!p0 s3, s7;
	s7 =	simm.s32 @!p0 $0x108  }
0x21: {  	s3 =	sadd.s32 s3, s9;
	s6 =	sadd.s32 @!p0 $0x88, s6;
	s7 =	simm.s32 @p2 $0x1082  }
0x22: {  	[simem:s7], [sflag:s8] =	dma.local @!p0 [hbm:s6], $0xF7A  }
0x23: {  	s9 =	sor.u32 $0xD0000000, s2;
	s6 =	simm.s32 $0x108;
	_ =	swait.ge @!p0 [sflag:s8], $0x0  }
0x24: {  	s3 =	sadd.s32 $0x88, s3;
	s6 =	simm.s32 @!p1 $0x1082;
	[sflag:s4] =	ssyncset.s32 $0xFFFFF086  }
0x25: {  	[simem:s6], [sflag:s4] =	dma.local [hbm:s3], $0xF7A  }
0x26: {  	[smem:$0x3F92] =	sst s1;
	(tag) =	ssettag s2;
	_ =	strace s9  }
0x27: {  	s1 =	sld [smem:$0x3FA2]  }
0x28: {  	s2 =	sld [smem:$0x3FA3]  }
0x29: {  	s4 =	sld [smem:$0x3FA5]  }
0x2a: {  	p0 =	seq.s32 s5, $0x0;
	s5 =	sld [smem:$0x3FA6]  }
0x2b: {  	s6 =	sld [smem:$0x3FA7]  }
0x2c: {  	s7 =	sld [smem:$0x3FA8]  }
0x2d: {  	s3 =	simm.s32 $0x108;
	s8 =	sld [smem:$0x3FA9]  }
0x2e: {  	s3 =	simm.s32 @!p0 $0x1082;
	s9 =	sld [smem:$0x3FAA]  }
0x2f: {  	lr =	sadd.s32 s0, s3;
	s0 =	sld [smem:$0x3FA1]  }
0x30: {  	s3 =	sld [smem:$0x3FA4]  }
0x31: {  	[smem:$0x3FAD] =	sst s10  }
0x32: {  	s10 =	sld [smem:$0x3FAB];
	_ =	sdelay $0x3  }
0x33: {  	p0 =	seq.s32 s10, $0x1;
	s10 =	sld [smem:$0x3FAD];
	_ =	sdelay $0x3  }
0x34: {  	[smem:$0x3FAD] =	sst s10  }
0x35: {  	s10 =	sld [smem:$0x3FAC];
	_ =	sdelay $0x3  }
0x36: {  	p1 =	seq.s32 s10, $0x1;
	s10 =	sld [smem:$0x3FAD];
	_ =	sdelay $0x3  }
0x37: {  	[smem:$0x3FAD] =	sst s10  }
0x38: {  	s10 =	sld [smem:$0x3FAE]  }
0x39: {  	_ = 	snop;
	(pc) =	sbr.ind lr, $3  }
0x3a: {  	_ = 	snop  }
0x3b: {  	_ = 	snop  }
0x3c: {  	p2 =	seq.s32 s10, $0x1;
	s10 =	sld [smem:$0x3FAD]  }
0x3d: {  	_ =	shalt  }
0x3e: {  	_ =	shalt  }
0x3f: {  	_ =	shalt  }
0x40: {  	_ =	shalt  }
0x41: {  	_ =	shalt  }
0x42: {  	_ =	shalt  }
0x43: {  	_ =	shalt  }
0x44: {  	_ =	shalt  }
0x45: {  	_ =	shalt  }
0x46: {  	_ =	shalt  }
0x47: {  	_ =	shalt  }
0x48: {  	_ =	shalt  }
0x49: {  	_ =	shalt  }
0x4a: {  	_ =	shalt  }
0x4b: {  	_ =	shalt  }
0x4c: {  	_ =	shalt  }
0x4d: {  	_ =	shalt  }
0x4e: {  	_ =	shalt  }
0x4f: {  	_ =	shalt  }
0x50: {  	_ =	shalt  }
0x51: {  	_ =	shalt  }
0x52: {  	_ =	shalt  }
0x53: {  	_ =	shalt  }
0x54: {  	_ =	shalt  }
0x55: {  	_ =	shalt  }
0x56: {  	_ =	shalt  }
0x57: {  	_ =	shalt  }
0x58: {  	_ =	shalt  }
0x59: {  	_ =	shalt  }
0x5a: {  	_ =	shalt  }
0x5b: {  	_ =	shalt  }
0x5c: {  	_ =	shalt  }
0x5d: {  	_ =	shalt  }
0x5e: {  	_ =	shalt  }
0x5f: {  	_ =	shalt  }
0x60: {  	_ =	shalt  }
0x61: {  	_ =	shalt  }
0x62: {  	_ =	shalt  }
0x63: {  	_ =	shalt  }
0x64: {  	_ =	shalt  }
0x65: {  	_ =	shalt  }
0x66: {  	_ =	shalt  }
0x67: {  	_ =	shalt  }
0x68: {  	_ =	shalt  }
0x69: {  	_ =	shalt  }
0x6a: {  	_ =	shalt  }
0x6b: {  	_ =	shalt  }
0x6c: {  	_ =	shalt  }
0x6d: {  	_ =	shalt  }
0x6e: {  	_ =	shalt  }
0x6f: {  	_ =	shalt  }
0x70: {  	_ =	shalt  }
0x71: {  	_ =	shalt  }
0x72: {  	_ =	shalt  }
0x73: {  	_ =	shalt  }
0x74: {  	_ =	shalt  }
0x75: {  	_ =	shalt  }
0x76: {  	_ =	shalt  }
0x77: {  	_ =	shalt  }
0x78: {  	_ =	shalt  }
0x79: {  	_ =	shalt  }
0x7a: {  	_ =	shalt  }
0x7b: {  	_ =	shalt  }
0x7c: {  	_ =	shalt  }
0x7d: {  	_ =	shalt  }
0x7e: {  	_ =	shalt  }
0x7f: {  	_ =	shalt  }
0x80: {  	_ =	shalt  }
0x81: {  	_ =	shalt  }
0x82: {  	_ =	shalt  }
0x83: {  	_ =	shalt  }
0x84: {  	_ =	shalt  }
0x85: {  	_ =	shalt  }
0x86: {  	_ =	shalt  }
0x87: {  	_ =	shalt  }
.Lfunc_end0:
.L_simem_size_0:
called_computation.1_lowered:
.L_overlay_start_0:
0x88: {  	s2 =	sld [smem:$0x3FD9]  }
0x89: {  	s3 =	sld [smem:$0x3FFE];
	_ =	sdelay $0x1  }
0x8a: {  	s1 =	srdreg.scid  }
0x8b: {  	s0 =	sand.u32 $0x1, s1  }
0x8c: {  	s16 =	sshll.u32 s0, $0xA;
	s2 =	sadd.s32 s3, s2  }
0x8d: {  	s2 =	sadd.s32 s2, s16  }
0x8e: {  	[smem:$0x3FB9] =	sst s2  }
0x8f: {  	_ = 	snop  }
0x90: {  	(tm) =	ssettm $0x1  }
0x91: {  	s17 =	sld [smem:$0x3FFB];
	_ =	sdelay $0x3  }
0x92: {  	_ =	strace s17  }
0x93: {  	s2 =	sld [smem:$0x3FFC];
	_ =	sdelay $0x3  }
0x94: {  	_ =	strace s2  }
0x95: {  	s2 =	sld [smem:$0x3FFD];
	_ =	sdelay $0x3  }
0x96: {  	_ =	strace s2  }
0x97: {  	_ =	strace $0x8FFFFFFF  }
0x98: {  	s18 =	sld [smem:$0x3FDB];
	_ =	sdelay $0x1  }
0x99: {  	s19 =	simm.s32 $_scs_section_size  }
0x9a: {  	s4 =	simm.s32 $_size__tile_overlayer_lowered;
	s5 =	simm.s32 $_tile_overlayer_lowered  }
0x9b: {  	s22 =	simm.s32 $0x1BFF;
	s21 =	sshll.u32 s5, $0x1;
	s2 =	sadd.s32 s19, s18  }
0x9c: {  	s6 =	simm.s32 $0x0;
	s20 =	sshll.u32 s4, $0x1;
	s4 =	sadd.s32 s21, s2  }
0x9d: {  	[timem:s6], [sflag:s22] =	dma.local [hbm:s4], s20  }
0x9e: {  	_ =	swait.ge [sflag:s22], s20  }
0x9f: {  	s3 =	ssub.s32 $0x0, s20;
	[sflag:s22] =	ssyncset.done $0x0  }
0xa0: {  	[sflag:s22] =	ssyncadd.s32 s3;
	_ =	sdelay $0x1  }
0xa1: {  	s23 =	simm.s32 $0x1B8B  }
0xa2: {  	_ =	swait.ge [sflag:s23], $0x1  }
0xa3: {  	[sflag:s23] =	ssyncset.done $0x0  }
0xa4: {  	s25 =	simm.s32 $0x1B8E;
	s24 =	sld [smem:$0x3FFE];
	[sflag:s23] =	ssyncadd.s32 $0xFFFFFFFF  }
0xa5: {  	s26 =	simm.s32 $execute0_lowered;
	[smem:$0x3FD2] =	sst s25  }
0xa6: {  	s4 =	sshll.u32 s26, $0x1;
	_ =	strace $0x80000049;
	[dreg:$0x1] =	wrdreg $0xFFFFFFFF  }
0xa7: {  	s28 =	simm.s32 $_size_execute0_lowered;
	s2 =	sadd.s32 s2, s4;
	[dreg:$0x0] =	wrdreg $0x0  }
0xa8: {  	s4 =	sshll.u32 s28, $0x1;
	[dreg:$0x2] =	wrdreg s2  }
0xa9: {  	[dreg:$0x3] =	wrdreg s4  }
0xaa: {  	[dreg:$0x4] =	wrdreg $0xC0  }
0xab: {  	_ =	task [dreg:s6], $0x5FFFF  }
0xac: {  	[dreg:$0x1] =	wrdreg $0xFFFFFFFF  }
0xad: {  	[dreg:$0x0] =	wrdreg $0x60  }
0xae: {  	[dreg:$0x2] =	wrdreg s24  }
0xaf: {  	[dreg:$0x3] =	wrdreg $0x0  }
0xb0: {  	[dreg:$0x4] =	wrdreg $0x9  }
0xb1: {  	_ =	task.clear_ibuf [dreg:s6], $0x5FFFF;
	_ =	strace $0x90000049  }
0xb2: {  	s29 =	simm.s32 $0x9;
	_ =	strace $0x8000004B  }
0xb3: {  	_ =	swait.ge [sflag:s29], $0x1  }
0xb4: {  	[sflag:s29] =	ssyncadd.s32 $0xFFFFFFFF  }
0xb5: {  	_ =	strace $0x9000004B  }
0xb6: {  	_ =	sfence  }
0xb7: {  	s30 =	sld [smem:$0x0];
	_ =	sdelay $0x2  }
0xb8: {  	s31 =	sshll.u32 s1, $0xD;
	s1 =	sshrl.u32 s1, $0x2  }
0xb9: {  	s3 =	sand.u32 $0x4000, s31;
	s1 =	sadd.s32 s1, s30  }
0xba: {  	s0 =	sor.u32 s3, s0;
	s1 =	sshll.u32 s1, $0x11  }
0xbb: {  	s0 =	sor.u32 s1, s0  }
0xbc: {  	s0 =	sadd.s32 $0x8F2B, s0  }
0xbd: {  	[sflag:s0] =	ssyncadd.remote.s32 $0x1  }
0xbe: {  	_ =	sfence.sel $0xFFFF  }
0xbf: {  	[dreg:$0x0] =	wrdreg $0xFFFFFFFF;
	(pc) =	sbr.abs _section_cstart, $3  }
0xc0: {  	[dreg:$0x1] =	wrdreg $0xFFFFFFFF  }
0xc1: {  	_ =	task.clear_ibuf [dreg:s6], $0x2FFFF;
	_ =	strace $0x9FFFFFFF  }
0xc2: {  	(tm) =	ssettm $0x7FFFFFFF  }
0xc3: {  	_ =	shalt  }
tec
execute0_lowered:
.L_overlay_start_1:
0x0: {  	(tag) =	ssettag $0x1  }
0x1: {  	s0 =	rddreg [dreg:$0x0]  }
0x2: {  	s2 =	rddreg [dreg:$0x1];
	s3 =	simm.s32 $0x0  }
0x3: {  	s13 =	stileid.u32;
	s6 =	srdreg.scid;
	s28 =	simm.s32 $0x2  }
0x4: {  	s30 =	simm.s32 $0x5;
	[smem:$0x7FF] =	sst s3;
	s1 =	smul.u32 $0x2700, s13  }
0x5: {  	s4 =	sadd.s32 $0x40600, s0;
	s5 =	sadd.s32 $0x5800, s0;
	s9 =	smul.u32 $0x4E000, s13  }
0x6: {  	s7 =	sadd.s32 $0xF600, s0;
	s6 =	sand.u32 $0x1, s6;
	s18 =	smul.u32 $0x13800, s13  }
0x7: {  	s11 =	sadd.s32 $0x8EA00, s0;
	s21 =	smul.u32 $0x2710, s13;
	p0 =	seq.s32 s13, $0xF  }
0x8: {  	s31 =	simm.s32 $0x3;
	_ =	strace $0x8000004A;
	s15 =	smul.u32 $0x138800, s6  }
0x9: {  	s8 =	ssub.s32 $0x2, s6;
	s10 =	sshll.u32 s6, $0x4;
	s6 =	smul.u32 $0x27100, s6  }
0xa: {  	s1 =	sadd.s32 s1, s0;
	s12 =	sshrl.u32 s8, $0x1;
	s10 =	sor.u32 s13, s10  }
0xb: {  	s9 =	sshrl.u32 s9, $0x2;
	s0 =	sadd.s32 $0x8C100, s0;
	s8 =	ssub.s32 s8, s12  }
0xc: {  	s10 =	smul.u32 $0x2710, s10;
	s9 =	sadd.s32 s9, s2;
	[dreg:$0x6] =	wrdreg s0  }
0xd: {  	s1 =	sadd.s32 $0x67800, s1;
	s12 =	sadd.s32 $0x124800, s2;
	[dreg:$0x3] =	wrdreg s9  }
0xe: {  	s23 =	sadd.s32 s18, s15;
	s6 =	sadd.s32 s21, s6;
	[dreg:$0x4] =	wrdreg s1  }
0xf: {  	[dreg:$0x5] =	wrdreg s12;
	s1 =	sshrl.u32 s15, $0x3;
	s25 =	sadd.s32 $0x100, s6  }
0x10: {  	s26 =	smax.u32 s8, $0x1;
	s15 =	simm.s32 $0x13980;
	s6 =	simm.s32 $0x13A80  }
0x11: {  	s8 =	simm.s32 $0x10;
	s14 =	sshrl.u32 s10, $0x3;
	s24 =	sadd.s32 s11, s1  }
0x12: {  	[dreg:$0xf] =	wrdreg s26;
	s29 =	sshrl.u32 s25, $0x3;
	s25 =	simm.s32 $0x80  }
0x13: {  	s26 =	simm.s32 $0x13B80;
	s1 =	simm.s32 $0x6;
	s16 =	sadd.s32 s5, s14  }
0x14: {  	s17 =	sadd.s32 $0x10, s14;
	s19 =	sadd.s32 s7, s14;
	[dreg:$0x7] =	wrdreg s16  }
0x15: {  	s0 =	sadd.s32 $0x4E0, s14;
	s18 =	sadd.s32 s29, s7;
	[dreg:$0x8] =	wrdreg s19  }
0x16: {  	s20 =	sadd.s32 s5, s17;
	s9 =	sadd.s32 s7, s17;
	s22 =	sadd.s32 s5, s0  }
0x17: {  	s0 =	sadd.s32 s7, s0;
	s19 =	sadd.s32 s29, s5;
	[dreg:$0x9] =	wrdreg s20  }
0x18: {  	s16 =	simm.s32 $0x13A00;
	s17 =	simm.s32 $0x17B80;
	[dreg:$0xa] =	wrdreg s9  }
0x19: {  	s5 =	simm.s32 $0x4;
	[dreg:$0xc] =	wrdreg s0;
	s0 =	sshrl.u32 s23, $0x3  }
0x1a: {  	s7 =	simm.s32 $0x13B00;
	[dreg:$0xb] =	wrdreg s22;
	s0 =	sadd.s32 s11, s0  }
0x1b: {  	s9 =	simm.s32 $0x0;
	[dreg:$0xd] =	wrdreg s0;
	s0 =	sadd.s32 $0x24900, s24  }
0x1c: {  	s24 =	simm.s32 $0x1;
	[dreg:$0xe] =	wrdreg s0;
	s0 =	simm.s32 $0x7  }
.LBB2_1:
0x1d: {  	s10 =	rddreg [dreg:$0x5]  }
0x1e: {  	s11 =	simm.s32 @p0 $0x1FC7;
	s12 =	rddreg [dreg:$0x6];
	s10 =	sshrl.u32 @p0 s10, $0x3  }
0x1f: {  	[spmem:s10], [sflag:s11] =	dma.local @p0 [hbm:s12], $0x2800  }
0x20: {  	s11 =	simm.s32 @p0 $0x7  }
0x21: {  	s12 =	stileid.u32;
	_ =	swait.ge @p0 [sflag:s11], $0x2800  }
0x22: {  	s12 =	sshll.u32 @!p0 s12, $0x6;
	[sflag:s11] =	ssyncset.done @p0 $0x0  }
0x23: {  	[sflag:s11] =	ssyncadd.s32 @p0 $0xFFFFD800;
	s11 =	sor.u32 @!p0 $0x1C07, s12;
	s12 =	rddreg [dreg:$0x3]  }
0x24: {  	s13 =	rddreg [dreg:$0x4];
	s12 =	sshrl.u32 @!p0 s12, $0x3  }
0x25: {  	[spmem:s12], [sflag:s11] =	dma.local @!p0 [hbm:s13], $0x2700  }
0x26: {  	s13 =	simm.s32 @!p0 $0x7  }
0x27: {  	_ =	swait.ge @!p0 [sflag:s13], $0x2700  }
0x28: {  	[sflag:s13] =	ssyncset.done @!p0 $0x0  }
0x29: {  	s14 =	simm.s32 $0x13880;
	s23 =	rddreg [dreg:$0x7];
	[sflag:s13] =	ssyncadd.s32 @!p0 $0xFFFFD900  }
0x2a: {  	[tilespmem:s14], [sflag:$0x1] =	stream.linear.gather [hbm4b:s23+s3], $0x80, $0x38;
	[tilespmem:$0x1BB80] =	vst v63  }
0x2b: {  	s29 =	rddreg [dreg:$0x8]  }
0x2c: {  	[tilespmem:s15], [sflag:$0x3] =	stream.linear.gather [hbm4b:s29+s3], $0x80, $0x38;
	[tilespmem:$0x1BB80] =	vst v63  }
0x2d: {  	s21 =	simm.s32 $0x13900;
	s20 =	rddreg [dreg:$0x9]  }
0x2e: {  	[tilespmem:s21], [sflag:$0x2] =	stream.linear.gather [hbm4b:s20+s3], $0x80, $0x38;
	[tilespmem:$0x1BB80] =	vst v63  }
0x2f: {  	s22 =	rddreg [dreg:$0xa]  }
0x30: {  	[tilespmem:s16], [sflag:$0x4] =	stream.linear.gather [hbm4b:s22+s3], $0x80, $0x38;
	[tilespmem:$0x1BB80] =	vst v63  }
0x31: {  	_ =	swait.ge [sflag:s24], $0x80  }
0x32: {  	[sflag:s24] =	ssyncset.done $0x0  }
0x33: {  	[sflag:s24] =	ssyncadd.s32 $0xFFFFFF80  }
0x34: {  	[tilespmem:s26], [sflag:$0x5] =	stream.indirect.gather [hbm4b:s4+s25], $0x80, s14, s25, $0xb8;
	[tilespmem:$0x1BB80] =	vst v63  }
0x35: {  	_ =	swait.ge [sflag:s28], $0x80  }
0x36: {  	s23 =	sand.u32 $0x1, s3;
	[sflag:s28] =	ssyncset.done $0x0  }
0x37: {  	p1 =	seq.s32 s23, $0x1;
	[sflag:s28] =	ssyncadd.s32 $0xFFFFFF80  }
0x38: {  	[tilespmem:s17], [sflag:$0x6] =	stream.indirect.gather [hbm4b:s4+s25], $0x80, s21, s25, $0xb8;
	[tilespmem:$0x1BB80] =	vst v63  }
0x39: {  	s13 =	simm.s32 @p1 $0x6;
	[bflag:$0x0] =	sbarrier.arrive $0xFFFF  }
0x3a: {  	_ =	swait.ge @p1 [sflag:s13], $0x4000;
	p1 =	por p1, p1  }
0x3b: {  	[sflag:s13] =	ssyncset.done @p1 $0x0;
	s14 =	simm.s32 @p1 $0x4  }
0x3c: {  	s15 =	simm.s32 @p1 $0x13900;
	[sflag:s13] =	ssyncadd.s32 @p1 $0xFFFFC000;
	s13 =	simm.s32 @p1 $0x0  }
0x3d: {  	[tilespmem:s15], [sflag:$0x2] =	stream.linear.gather @p1 [hbm4b:s19+s13], $0x80, $0x38;
	[tilespmem:$0x1BB80] =	vst v63  }
0x3e: {  	_ =	swait.ge @p1 [sflag:s14], $0x80  }
0x3f: {  	s16 =	simm.s32 @p1 $0x17B80;
	s17 =	simm.s32 @p1 $0x7;
	[sflag:s14] =	ssyncset.done @p1 $0x0  }
0x40: {  	s20 =	simm.s32 @p1 $0x13A00;
	[sflag:s14] =	ssyncadd.s32 @p1 $0xFFFFFF80;
	s14 =	simm.s32 @p1 $0x80  }
0x41: {  	[spmem:s2] =	stream.indirect.scatter.add.f32 @p1 [tilespmem:s16], [sflag:$0x7], $0x80, s20, s14, $0xb8;
	[tilespmem:$0x1BB80] =	vst v63  }
0x42: {  	_ =	swait.ge @p1 [sflag:s17], $0x4000  }
0x43: {  	[sflag:s17] =	ssyncset.done @p1 $0x0  }
0x44: {  	[sflag:s17] =	ssyncadd.s32 @p1 $0xFFFFC000;
	s17 =	simm.s32 @p1 $0x2  }
0x45: {  	[tilespmem:s20], [sflag:$0x4] =	stream.linear.gather @p1 [hbm4b:s18+s13], $0x80, $0x38;
	[tilespmem:$0x1BB80] =	vst v63  }
0x46: {  	_ =	swait.ge @p1 [sflag:s17], $0x80  }
0x47: {  	[sflag:s17] =	ssyncset.done @p1 $0x0  }
0x48: {  	s13 =	simm.s32 @!p1 $0x5;
	[sflag:s17] =	ssyncadd.s32 @p1 $0xFFFFFF80  }
0x49: {  	[tilespmem:s16], [sflag:$0x6] =	stream.indirect.gather @p1 [hbm4b:s4+s14], $0x80, s15, s14, $0xb8;
	[tilespmem:$0x1BB80] =	vst v63  }
0x4a: {  	_ =	swait.ge @!p1 [sflag:s13], $0x4000  }
0x4b: {  	s20 =	simm.s32 @!p1 $0x13880;
	[sflag:s13] =	ssyncset.done @!p1 $0x0  }
0x4c: {  	s14 =	simm.s32 @!p1 $0x3;
	[sflag:s13] =	ssyncadd.s32 @!p1 $0xFFFFC000;
	s13 =	simm.s32 @!p1 $0x0  }
0x4d: {  	[tilespmem:s20], [sflag:$0x1] =	stream.linear.gather @!p1 [hbm4b:s19+s13], $0x80, $0x38;
	[tilespmem:$0x1BB80] =	vst v63  }
0x4e: {  	_ =	swait.ge @!p1 [sflag:s14], $0x80  }
0x4f: {  	s21 =	simm.s32 @!p1 $0x80;
	s17 =	simm.s32 @!p1 $0x13B80;
	[sflag:s14] =	ssyncset.done @!p1 $0x0  }
0x50: {  	s15 =	simm.s32 @!p1 $0x7;
	[sflag:s14] =	ssyncadd.s32 @!p1 $0xFFFFFF80;
	s14 =	simm.s32 @!p1 $0x13980  }
0x51: {  	[spmem:s2] =	stream.indirect.scatter.add.f32 @!p1 [tilespmem:s17], [sflag:$0x7], $0x80, s14, s21, $0xb8;
	[tilespmem:$0x1BB80] =	vst v63  }
0x52: {  	_ =	swait.ge @!p1 [sflag:s15], $0x4000  }
0x53: {  	s29 =	simm.s32 $0x1;
	[sflag:s15] =	ssyncset.done @!p1 $0x0  }
0x54: {  	s22 =	simm.s32 @!p1 $0x1;
	[sflag:s15] =	ssyncadd.s32 @!p1 $0xFFFFC000;
	s15 =	simm.s32 $0x2  }
0x55: {  	[tilespmem:s14], [sflag:$0x3] =	stream.linear.gather @!p1 [hbm4b:s18+s13], $0x80, $0x38;
	[tilespmem:$0x1BB80] =	vst v63  }
0x56: {  	s13 =	sand.u32 $0x1, s29;
	s14 =	sadd.s32 $0x10, s19;
	_ =	swait.ge @!p1 [sflag:s22], $0x80  }
0x57: {  	p3 =	seq.s32 s13, $0x1;
	s13 =	sadd.s32 $0x10, s18;
	[sflag:s22] =	ssyncset.done @!p1 $0x0  }
.LBB2_2:
0x58: {  	s23 =	simm.s32 @p3 $0x6  }
0x59: {  	[sflag:s22] =	ssyncadd.s32 @!p1 $0xFFFFFF80;
	s16 =	smov.u32 s15;
	s15 =	sadd.s32 $0x1, s15  }
0x5a: {  	[tilespmem:s17], [sflag:$0x5] =	stream.indirect.gather @!p1 [hbm4b:s4+s21], $0x80, s20, s21, $0xb8;
	[tilespmem:$0x1BB80] =	vst v63  }
0x5b: {  	p2 =	sne.s32 s15, $0x4C;
	p1 =	por p3, p3;
	_ =	swait.ge @p3 [sflag:s23], $0x4000  }
0x5c: {  	s17 =	simm.s32 @p1 $0x4;
	[sflag:s23] =	ssyncset.done @p1 $0x0  }
0x5d: {  	s20 =	simm.s32 @p1 $0x0;
	s21 =	simm.s32 @p1 $0x13900;
	[sflag:s23] =	ssyncadd.s32 @p1 $0xFFFFC000  }
0x5e: {  	[tilespmem:s21], [sflag:$0x2] =	stream.linear.gather @p1 [hbm4b:s14+s20], $0x80, $0x38;
	[tilespmem:$0x1BB80] =	vst v63  }
0x5f: {  	_ =	swait.ge @p1 [sflag:s17], $0x80  }
0x60: {  	s22 =	simm.s32 @p1 $0x17B80;
	s23 =	simm.s32 @p1 $0x7;
	[sflag:s17] =	ssyncset.done @p1 $0x0  }
0x61: {  	s29 =	simm.s32 @p1 $0x13A00;
	[sflag:s17] =	ssyncadd.s32 @p1 $0xFFFFFF80;
	s17 =	simm.s32 @p1 $0x80  }
0x62: {  	[spmem:s2] =	stream.indirect.scatter.add.f32 @p1 [tilespmem:s22], [sflag:$0x7], $0x80, s29, s17, $0xb8;
	[tilespmem:$0x1BB80] =	vst v63  }
0x63: {  	_ =	swait.ge @p1 [sflag:s23], $0x4000  }
0x64: {  	[sflag:s23] =	ssyncset.done @p1 $0x0  }
0x65: {  	[sflag:s23] =	ssyncadd.s32 @p1 $0xFFFFC000;
	s23 =	simm.s32 @p1 $0x2  }
0x66: {  	[tilespmem:s29], [sflag:$0x4] =	stream.linear.gather @p1 [hbm4b:s13+s20], $0x80, $0x38;
	[tilespmem:$0x1BB80] =	vst v63  }
0x67: {  	_ =	swait.ge @p1 [sflag:s23], $0x80  }
0x68: {  	[sflag:s23] =	ssyncset.done @p1 $0x0  }
0x69: {  	s20 =	simm.s32 @!p1 $0x5;
	[sflag:s23] =	ssyncadd.s32 @p1 $0xFFFFFF80  }
0x6a: {  	[tilespmem:s22], [sflag:$0x6] =	stream.indirect.gather @p1 [hbm4b:s4+s17], $0x80, s21, s17, $0xb8;
	[tilespmem:$0x1BB80] =	vst v63  }
0x6b: {  	_ =	swait.ge @!p1 [sflag:s20], $0x4000  }
0x6c: {  	s21 =	simm.s32 @!p1 $0x3;
	[sflag:s20] =	ssyncset.done @!p1 $0x0  }
0x6d: {  	s23 =	simm.s32 @!p1 $0x0;
	[sflag:s20] =	ssyncadd.s32 @!p1 $0xFFFFC000;
	s20 =	simm.s32 @!p1 $0x13880  }
0x6e: {  	[tilespmem:s20], [sflag:$0x1] =	stream.linear.gather @!p1 [hbm4b:s14+s23], $0x80, $0x38;
	[tilespmem:$0x1BB80] =	vst v63  }
0x6f: {  	_ =	swait.ge @!p1 [sflag:s21], $0x80  }
0x70: {  	s17 =	simm.s32 @!p1 $0x13B80;
	s22 =	simm.s32 @!p1 $0x7;
	[sflag:s21] =	ssyncset.done @!p1 $0x0  }
0x71: {  	s29 =	simm.s32 @!p1 $0x13980;
	[sflag:s21] =	ssyncadd.s32 @!p1 $0xFFFFFF80;
	s21 =	simm.s32 @!p1 $0x80  }
0x72: {  	[spmem:s2] =	stream.indirect.scatter.add.f32 @!p1 [tilespmem:s17], [sflag:$0x7], $0x80, s29, s21, $0xb8;
	[tilespmem:$0x1BB80] =	vst v63  }
0x73: {  	_ =	swait.ge @!p1 [sflag:s22], $0x4000  }
.Ltmp0:
0x74: {  	[sflag:s22] =	ssyncset.done @!p1 $0x0;
	(pc) =	sbr.rel @p2 .LBB2_2-.Ltmp0, $4  }
0x75: {  	[sflag:s22] =	ssyncadd.s32 @!p1 $0xFFFFC000;
	s22 =	simm.s32 @!p1 $0x1  }
0x76: {  	[tilespmem:s29], [sflag:$0x3] =	stream.linear.gather @!p1 [hbm4b:s13+s23], $0x80, $0x38;
	[tilespmem:$0x1BB80] =	vst v63  }
0x77: {  	s16 =	sand.u32 $0x1, s16;
	s14 =	sadd.s32 $0x10, s14;
	_ =	swait.ge @!p1 [sflag:s22], $0x80  }
0x78: {  	p3 =	seq.s32 s16, $0x1;
	s13 =	sadd.s32 $0x10, s13;
	[sflag:s22] =	ssyncset.done @!p1 $0x0  }
0x79: {  	s15 =	simm.s32 @p3 $0x6;
	[sflag:s22] =	ssyncadd.s32 @!p1 $0xFFFFFF80  }
0x7a: {  	[tilespmem:s17], [sflag:$0x5] =	stream.indirect.gather @!p1 [hbm4b:s4+s21], $0x80, s20, s21, $0xb8;
	[tilespmem:$0x1BB80] =	vst v63  }
0x7b: {  	p1 =	por p3, p3;
	_ =	swait.ge @p3 [sflag:s15], $0x4000  }
0x7c: {  	s16 =	simm.s32 @p1 $0x4;
	[sflag:s15] =	ssyncset.done @p1 $0x0  }
0x7d: {  	s17 =	simm.s32 @p1 $0x13900;
	[sflag:s15] =	ssyncadd.s32 @p1 $0xFFFFC000;
	s15 =	simm.s32 @p1 $0x0  }
0x7e: {  	[tilespmem:s17], [sflag:$0x2] =	stream.linear.gather @p1 [hbm4b:s14+s15], $0x80, $0x38;
	[tilespmem:$0x1BB80] =	vst v63  }
0x7f: {  	_ =	swait.ge @p1 [sflag:s16], $0x80  }
0x80: {  	s20 =	simm.s32 @p1 $0x17B80;
	s21 =	simm.s32 @p1 $0x7;
	[sflag:s16] =	ssyncset.done @p1 $0x0  }
0x81: {  	s22 =	simm.s32 @p1 $0x13A00;
	[sflag:s16] =	ssyncadd.s32 @p1 $0xFFFFFF80;
	s16 =	simm.s32 @p1 $0x80  }
0x82: {  	[spmem:s2] =	stream.indirect.scatter.add.f32 @p1 [tilespmem:s20], [sflag:$0x7], $0x80, s22, s16, $0xb8;
	[tilespmem:$0x1BB80] =	vst v63  }
0x83: {  	_ =	swait.ge @p1 [sflag:s21], $0x4000  }
0x84: {  	[sflag:s21] =	ssyncset.done @p1 $0x0  }
0x85: {  	[sflag:s21] =	ssyncadd.s32 @p1 $0xFFFFC000  }
0x86: {  	[tilespmem:s22], [sflag:$0x4] =	stream.linear.gather @p1 [hbm4b:s13+s15], $0x80, $0x38;
	[tilespmem:$0x1BB80] =	vst v63  }
0x87: {  	s15 =	simm.s32 @p1 $0x2  }
0x88: {  	_ =	swait.ge @p1 [sflag:s15], $0x80  }
0x89: {  	[sflag:s15] =	ssyncset.done @p1 $0x0  }
0x8a: {  	[sflag:s15] =	ssyncadd.s32 @p1 $0xFFFFFF80;
	s15 =	simm.s32 @!p1 $0x5  }
0x8b: {  	[tilespmem:s20], [sflag:$0x6] =	stream.indirect.gather @p1 [hbm4b:s4+s16], $0x80, s17, s16, $0xb8;
	[tilespmem:$0x1BB80] =	vst v63  }
0x8c: {  	_ =	swait.ge @!p1 [sflag:s15], $0x4000  }
0x8d: {  	s16 =	simm.s32 @!p1 $0x3;
	[sflag:s15] =	ssyncset.done @!p1 $0x0  }
0x8e: {  	s17 =	simm.s32 @!p1 $0x13880;
	[sflag:s15] =	ssyncadd.s32 @!p1 $0xFFFFC000;
	s15 =	simm.s32 @!p1 $0x0  }
0x8f: {  	[tilespmem:s17], [sflag:$0x1] =	stream.linear.gather @!p1 [hbm4b:s14+s15], $0x80, $0x38;
	[tilespmem:$0x1BB80] =	vst v63  }
0x90: {  	_ =	swait.ge @!p1 [sflag:s16], $0x80  }
0x91: {  	s21 =	simm.s32 @!p1 $0x13980;
	s20 =	simm.s32 @!p1 $0x7;
	[sflag:s16] =	ssyncset.done @!p1 $0x0  }
0x92: {  	s14 =	simm.s32 @!p1 $0x13B80;
	[sflag:s16] =	ssyncadd.s32 @!p1 $0xFFFFFF80;
	s16 =	simm.s32 @!p1 $0x80  }
0x93: {  	[spmem:s2] =	stream.indirect.scatter.add.f32 @!p1 [tilespmem:s14], [sflag:$0x7], $0x80, s21, s16, $0xb8;
	[tilespmem:$0x1BB80] =	vst v63  }
0x94: {  	_ =	swait.ge @!p1 [sflag:s20], $0x4000  }
0x95: {  	[sflag:s20] =	ssyncset.done @!p1 $0x0  }
0x96: {  	[sflag:s20] =	ssyncadd.s32 @!p1 $0xFFFFC000  }
0x97: {  	[tilespmem:s21], [sflag:$0x3] =	stream.linear.gather @!p1 [hbm4b:s13+s15], $0x80, $0x38;
	[tilespmem:$0x1BB80] =	vst v63  }
0x98: {  	s13 =	simm.s32 @!p1 $0x1  }
0x99: {  	_ =	swait.ge @!p1 [sflag:s13], $0x80  }
0x9a: {  	[sflag:s13] =	ssyncset.done @!p1 $0x0  }
0x9b: {  	[sflag:s13] =	ssyncadd.s32 @!p1 $0xFFFFFF80  }
0x9c: {  	[tilespmem:s14], [sflag:$0x5] =	stream.indirect.gather @!p1 [hbm4b:s4+s16], $0x80, s17, s16, $0xb8;
	[tilespmem:$0x1BB80] =	vst v63  }
0x9d: {  	_ =	swait.ge [sflag:s30], $0x4000  }
0x9e: {  	[sflag:s30] =	ssyncset.done $0x0  }
0x9f: {  	[sflag:s30] =	ssyncadd.s32 $0xFFFFC000  }
0xa0: {  	_ =	swait.ge [sflag:s31], $0x80  }
0xa1: {  	[sflag:s31] =	ssyncset.done $0x0  }
0xa2: {  	s15 =	simm.s32 $0x13980;
	[sflag:s31] =	ssyncadd.s32 $0xFFFFFF80  }
0xa3: {  	[spmem:s2] =	stream.indirect.scatter.add.f32 [tilespmem:s26], [sflag:$0x7], $0x80, s15, s25, $0xb8;
	[tilespmem:$0x1BB80] =	vst v63  }
0xa4: {  	_ =	swait.ge [sflag:s0], $0x4000  }
0xa5: {  	[sflag:s0] =	ssyncset.done $0x0  }
0xa6: {  	[sflag:s0] =	ssyncadd.s32 $0xFFFFC000  }
0xa7: {  	_ =	swait.ge [sflag:s1], $0x4000  }
0xa8: {  	[sflag:s1] =	ssyncset.done $0x0  }
0xa9: {  	[sflag:s1] =	ssyncadd.s32 $0xFFFFC000  }
0xaa: {  	_ =	swait.ge [sflag:s5], $0x80  }
0xab: {  	[sflag:s5] =	ssyncset.done $0x0  }
0xac: {  	s16 =	simm.s32 $0x13A00;
	s17 =	simm.s32 $0x17B80;
	[sflag:s5] =	ssyncadd.s32 $0xFFFFFF80  }
0xad: {  	[spmem:s2] =	stream.indirect.scatter.add.f32 [tilespmem:s17], [sflag:$0x7], $0x80, s16, s25, $0xb8;
	[tilespmem:$0x1BB80] =	vst v63  }
0xae: {  	_ =	swait.ge [sflag:s0], $0x4000  }
0xaf: {  	[sflag:s0] =	ssyncset.done $0x0  }
0xb0: {  	s22 =	rddreg [dreg:$0xb];
	[sflag:s0] =	ssyncadd.s32 $0xFFFFC000  }
0xb1: {  	[tilespmem:s6], [sflag:$0x1] =	stream.linear.gather [hbm4b:s22+s3], $0x10, $0x38;
	[tilespmem:$0x1BB80] =	vst v63  }
0xb2: {  	s23 =	rddreg [dreg:$0xc]  }
0xb3: {  	[tilespmem:s7], [sflag:$0x3] =	stream.linear.gather [hbm4b:s23+s3], $0x10, $0x38;
	[tilespmem:$0x1BB80] =	vst v63  }
0xb4: {  	_ =	swait.ge [sflag:s24], $0x10  }
0xb5: {  	[sflag:s24] =	ssyncset.done $0x0  }
0xb6: {  	[sflag:s24] =	ssyncadd.s32 $0xFFFFFFF0  }
0xb7: {  	[tilespmem:s26], [sflag:$0x5] =	stream.indirect.gather [hbm4b:s4+s8], $0x80, s6, s8, $0xb8;
	[tilespmem:$0x1BB80] =	vst v63  }
0xb8: {  	_ =	swait.ge [sflag:s30], $0x800  }
0xb9: {  	[sflag:s30] =	ssyncset.done $0x0  }
0xba: {  	[sflag:s30] =	ssyncadd.s32 $0xFFFFF800  }
0xbb: {  	_ =	swait.ge [sflag:s31], $0x10  }
0xbc: {  	[sflag:s31] =	ssyncset.done $0x0  }
0xbd: {  	[sflag:s31] =	ssyncadd.s32 $0xFFFFFFF0  }
0xbe: {  	[spmem:s2] =	stream.indirect.scatter.add.f32 [tilespmem:s26], [sflag:$0x7], $0x80, s7, s8, $0xb8;
	[tilespmem:$0x1BB80] =	vst v63  }
0xbf: {  	_ =	swait.ge [sflag:s0], $0x800  }
0xc0: {  	[sflag:s0] =	ssyncset.done $0x0  }
0xc1: {  	[sflag:s0] =	ssyncadd.s32 $0xFFFFF800  }
0xc2: {  	[bflag:$0x0] =	sbarrier.arrive $0xFFFF  }
0xc3: {  	s13 =	simm.s32 @p0 $0x1FC7;
	s14 =	rddreg [dreg:$0xe]  }
0xc4: {  	[hbm:s14], [sflag:s13] =	dma.local @p0 [spmem:s10], $0x2800  }
0xc5: {  	s10 =	simm.s32 @p0 $0x7  }
0xc6: {  	_ =	swait.ge @p0 [sflag:s10], $0x2800  }
0xc7: {  	[sflag:s10] =	ssyncset.done @p0 $0x0  }
0xc8: {  	[sflag:s10] =	ssyncadd.s32 @p0 $0xFFFFD800;
	s10 =	rddreg [dreg:$0xd]  }
0xc9: {  	[hbm:s10], [sflag:s11] =	dma.local @!p0 [spmem:s12], $0x2700  }
0xca: {  	s10 =	simm.s32 @!p0 $0x7  }
0xcb: {  	_ =	swait.ge @!p0 [sflag:s10], $0x2700  }
0xcc: {  	s9 =	sadd.s32 $0x1, s9;
	s29 =	rddreg [dreg:$0xf]  }
0xcd: {  	p1 =	sne.s32 s9, s29  }
.Ltmp1:
0xce: {  	_ = 	snop;
	(pc) =	sbr.rel @p1 .LBB2_1-.Ltmp1, $3  }
0xcf: {  	_ =	sdelay $0x1  }
0xd0: {  	[sflag:s10] =	ssyncset.done @!p0 $0x0  }
0xd1: {  	[sflag:s10] =	ssyncadd.s32 @!p0 $0xFFFFD900  }
0xd2: {  	_ =	sfence.sel $0x180000  }
0xd3: {  	[bflag:$0x0] =	sbarrier.arrive $0xFFFF  }
0xd4: {  	_ =	strace $0x9000004A  }
0xd5: {  	s0 =	stileid.u32;
	[bflag:$0x2] =	sbarrier.arrive $0xFFFF  }
0xd6: {  	p0 =	sne.s32 s0, $0x0;
	s0 =	rddreg [dreg:$0x2]  }
0xd7: {  	s0 =	sadd.s32 @!p0 $0x100000, s0  }
0xd8: {  	[sflag:s0] =	ssyncadd.tile.s32 @!p0 $0x1;
	_ =	shalt  }
.Lfunc_end2:
_tile_overlayer_lowered:
.L_overlay_start_2:
0xd9: {  	(tag) =	ssettag $0x2  }
0xda: {  	s0 =	rddreg [dreg:$0x0];
	s2 =	stileid.u32  }
0xdb: {  	s1 =	rddreg [dreg:$0x1];
	p0 =	sne.s32 s2, $0x0  }
0xdc: {  	s3 =	rddreg [dreg:$0x2];
	[bflag:$0x3] =	sbarrier.arrive $0xFFFF;
	s2 =	simm.s32 @!p0 $0x1C07  }
0xdd: {  	[timem:s3], [sflag:s2] =	dma.local @!p0 [hbm:s0], s1  }
0xde: {  	s0 =	simm.s32 @!p0 $0x7  }
0xdf: {  	_ =	swait.ge @!p0 [sflag:s0], s1  }
0xe0: {  	s1 =	ssub.s32 @!p0 $0x0, s1;
	[sflag:s0] =	ssyncset.done @!p0 $0x0  }
0xe1: {  	[sflag:s0] =	ssyncadd.s32 @!p0 s1  }
0xe2: {  	[bflag:$0x3] =	sbarrier.arrive $0xFFFF  }
0xe3: {  	_ =	shalt  }

// kernel: kernel.23.cloned.1.call-start
scs
__scs_entry_jumppad:
0x0: {  	(pc) =	sbr.rel $0x88, $3  }
0x1: {  	(tag) =	ssettag $0x0;
	lr =	simm.s32 $0x1  }
0x2: {  	[smem:$0x3F92] =	sst lr;
	_ =	strace $0xD0000000  }
0x3: {  	_ = 	snop  }
0x4: {  	_ = 	snop  }
0x5: {  	_ = 	snop  }
0x6: {  	_ = 	snop  }
0x7: {  	_ = 	snop  }
__scs_overlays_trampoline_lowered:
0x8: {  	[smem:$0x3FA1] =	sst s0  }
0x9: {  	[smem:$0x3FA2] =	sst s1  }
0xa: {  	[smem:$0x3FA3] =	sst s2  }
0xb: {  	[smem:$0x3FA4] =	sst s3  }
0xc: {  	[smem:$0x3FA5] =	sst s4  }
0xd: {  	[smem:$0x3FA6] =	sst s5  }
0xe: {  	[smem:$0x3FA7] =	sst s6  }
0xf: {  	[smem:$0x3FA8] =	sst s7  }
0x10: {  	[smem:$0x3FA9] =	sst s8  }
0x11: {  	[smem:$0x3FAA] =	sst s9;
	s0 =	simm.s32 @!p0 $0x0  }
0x12: {  	s1 =	sld [smem:$0x3F90];
	s0 =	simm.s32 @p0 $0x1  }
0x13: {  	[smem:$0x3FAB] =	sst s0;
	s0 =	simm.s32 @!p1 $0x0  }
0x14: {  	s2 =	sld [smem:$0x3F8F];
	s0 =	simm.s32 @p1 $0x1  }
0x15: {  	[smem:$0x3FAC] =	sst s0;
	s0 =	simm.s32 @!p2 $0x0  }
0x16: {  	s3 =	sld [smem:$0x3FDB];
	s0 =	simm.s32 @p2 $0x1  }
0x17: {  	s4 =	simm.s32 $0x1BF5;
	[smem:$0x3FAE] =	sst s0  }
0x18: {  	s0 =	sld [smem:$0x3F91];
	_ =	swait.ge [sflag:s4], $0x0  }
0x19: {  	s7 =	sld [smem:$0x3F92]  }
0x1a: {  	s8 =	sadd.s32 $0xFFFFE003, lr  }
0x1b: {  	s9 =	sadd.s32 $0xFFFFFEF7, lr;
	s5 =	simm.s32 $0xFFFFFFFF;
	p2 =	slt.u32 s8, $0xFFFFF086  }
0x1c: {  	p1 =	slt.u32 s9, $0xF7A;
	s5 =	simm.s32 @!p2 $0x0  }
0x1d: {  	s5 =	simm.s32 @p1 $0x1;
	p0 =	seq.s32 s7, s2  }
0x1e: {  	s7 =	smul.u32 @!p0 $0xF7A, s2;
	p2 =	seq.s32 @!p0 s5, $0x0  }
0x1f: {  	s9 =	smul.u32 $0xF7A, s1;
	s8 =	simm.s32 @!p0 $0x1BF5;
	p2 =	por !p2, p0  }
0x20: {  	[sflag:s8] =	ssyncset.s32 @!p0 $0xFFFFF086;
	s6 =	sadd.s32 @!p0 s3, s7;
	s7 =	simm.s32 @!p0 $0x108  }
0x21: {  	s3 =	sadd.s32 s3, s9;
	s6 =	sadd.s32 @!p0 $0x88, s6;
	s7 =	simm.s32 @p2 $0x1082  }
0x22: {  	[simem:s7], [sflag:s8] =	dma.local @!p0 [hbm:s6], $0xF7A  }
0x23: {  	s9 =	sor.u32 $0xD0000000, s2;
	s6 =	simm.s32 $0x108;
	_ =	swait.ge @!p0 [sflag:s8], $0x0  }
0x24: {  	s3 =	sadd.s32 $0x88, s3;
	s6 =	simm.s32 @!p1 $0x1082;
	[sflag:s4] =	ssyncset.s32 $0xFFFFF086  }
0x25: {  	[simem:s6], [sflag:s4] =	dma.local [hbm:s3], $0xF7A  }
0x26: {  	[smem:$0x3F92] =	sst s1;
	(tag) =	ssettag s2;
	_ =	strace s9  }
0x27: {  	s1 =	sld [smem:$0x3FA2]  }
0x28: {  	s2 =	sld [smem:$0x3FA3]  }
0x29: {  	s4 =	sld [smem:$0x3FA5]  }
0x2a: {  	p0 =	seq.s32 s5, $0x0;
	s5 =	sld [smem:$0x3FA6]  }
0x2b: {  	s6 =	sld [smem:$0x3FA7]  }
0x2c: {  	s7 =	sld [smem:$0x3FA8]  }
0x2d: {  	s3 =	simm.s32 $0x108;
	s8 =	sld [smem:$0x3FA9]  }
0x2e: {  	s3 =	simm.s32 @!p0 $0x1082;
	s9 =	sld [smem:$0x3FAA]  }
0x2f: {  	lr =	sadd.s32 s0, s3;
	s0 =	sld [smem:$0x3FA1]  }
0x30: {  	s3 =	sld [smem:$0x3FA4]  }
0x31: {  	[smem:$0x3FAD] =	sst s10  }
0x32: {  	s10 =	sld [smem:$0x3FAB];
	_ =	sdelay $0x3  }
0x33: {  	p0 =	seq.s32 s10, $0x1;
	s10 =	sld [smem:$0x3FAD];
	_ =	sdelay $0x3  }
0x34: {  	[smem:$0x3FAD] =	sst s10  }
0x35: {  	s10 =	sld [smem:$0x3FAC];
	_ =	sdelay $0x3  }
0x36: {  	p1 =	seq.s32 s10, $0x1;
	s10 =	sld [smem:$0x3FAD];
	_ =	sdelay $0x3  }
0x37: {  	[smem:$0x3FAD] =	sst s10  }
0x38: {  	s10 =	sld [smem:$0x3FAE]  }
0x39: {  	_ = 	snop;
	(pc) =	sbr.ind lr, $3  }
0x3a: {  	_ = 	snop  }
0x3b: {  	_ = 	snop  }
0x3c: {  	p2 =	seq.s32 s10, $0x1;
	s10 =	sld [smem:$0x3FAD]  }
0x3d: {  	_ =	shalt  }
0x3e: {  	_ =	shalt  }
0x3f: {  	_ =	shalt  }
0x40: {  	_ =	shalt  }
0x41: {  	_ =	shalt  }
0x42: {  	_ =	shalt  }
0x43: {  	_ =	shalt  }
0x44: {  	_ =	shalt  }
0x45: {  	_ =	shalt  }
0x46: {  	_ =	shalt  }
0x47: {  	_ =	shalt  }
0x48: {  	_ =	shalt  }
0x49: {  	_ =	shalt  }
0x4a: {  	_ =	shalt  }
0x4b: {  	_ =	shalt  }
0x4c: {  	_ =	shalt  }
0x4d: {  	_ =	shalt  }
0x4e: {  	_ =	shalt  }
0x4f: {  	_ =	shalt  }
0x50: {  	_ =	shalt  }
0x51: {  	_ =	shalt  }
0x52: {  	_ =	shalt  }
0x53: {  	_ =	shalt  }
0x54: {  	_ =	shalt  }
0x55: {  	_ =	shalt  }
0x56: {  	_ =	shalt  }
0x57: {  	_ =	shalt  }
0x58: {  	_ =	shalt  }
0x59: {  	_ =	shalt  }
0x5a: {  	_ =	shalt  }
0x5b: {  	_ =	shalt  }
0x5c: {  	_ =	shalt  }
0x5d: {  	_ =	shalt  }
0x5e: {  	_ =	shalt  }
0x5f: {  	_ =	shalt  }
0x60: {  	_ =	shalt  }
0x61: {  	_ =	shalt  }
0x62: {  	_ =	shalt  }
0x63: {  	_ =	shalt  }
0x64: {  	_ =	shalt  }
0x65: {  	_ =	shalt  }
0x66: {  	_ =	shalt  }
0x67: {  	_ =	shalt  }
0x68: {  	_ =	shalt  }
0x69: {  	_ =	shalt  }
0x6a: {  	_ =	shalt  }
0x6b: {  	_ =	shalt  }
0x6c: {  	_ =	shalt  }
0x6d: {  	_ =	shalt  }
0x6e: {  	_ =	shalt  }
0x6f: {  	_ =	shalt  }
0x70: {  	_ =	shalt  }
0x71: {  	_ =	shalt  }
0x72: {  	_ =	shalt  }
0x73: {  	_ =	shalt  }
0x74: {  	_ =	shalt  }
0x75: {  	_ =	shalt  }
0x76: {  	_ =	shalt  }
0x77: {  	_ =	shalt  }
0x78: {  	_ =	shalt  }
0x79: {  	_ =	shalt  }
0x7a: {  	_ =	shalt  }
0x7b: {  	_ =	shalt  }
0x7c: {  	_ =	shalt  }
0x7d: {  	_ =	shalt  }
0x7e: {  	_ =	shalt  }
0x7f: {  	_ =	shalt  }
0x80: {  	_ =	shalt  }
0x81: {  	_ =	shalt  }
0x82: {  	_ =	shalt  }
0x83: {  	_ =	shalt  }
0x84: {  	_ =	shalt  }
0x85: {  	_ =	shalt  }
0x86: {  	_ =	shalt  }
0x87: {  	_ =	shalt  }
.Lfunc_end0:
.L_simem_size_0:
called_computation.2_lowered:
.L_overlay_start_0:
0x88: {  	s2 =	sld [smem:$0x3FD9]  }
0x89: {  	s3 =	sld [smem:$0x3FFE];
	_ =	sdelay $0x1  }
0x8a: {  	s1 =	srdreg.scid  }
0x8b: {  	s0 =	sand.u32 $0x1, s1  }
0x8c: {  	s16 =	sshll.u32 s0, $0xA;
	s2 =	sadd.s32 s3, s2  }
0x8d: {  	s2 =	sadd.s32 s2, s16  }
0x8e: {  	[smem:$0x3FB9] =	sst s2  }
0x8f: {  	_ = 	snop  }
0x90: {  	(tm) =	ssettm $0x1  }
0x91: {  	s17 =	sld [smem:$0x3FFB];
	_ =	sdelay $0x3  }
0x92: {  	_ =	strace s17  }
0x93: {  	s2 =	sld [smem:$0x3FFC];
	_ =	sdelay $0x3  }
0x94: {  	_ =	strace s2  }
0x95: {  	s2 =	sld [smem:$0x3FFD];
	_ =	sdelay $0x3  }
0x96: {  	_ =	strace s2  }
0x97: {  	_ =	strace $0x8FFFFFFF  }
0x98: {  	s18 =	sld [smem:$0x3FDB];
	_ =	sdelay $0x1  }
0x99: {  	s19 =	simm.s32 $_scs_section_size  }
0x9a: {  	s4 =	simm.s32 $_size__tile_overlayer_lowered;
	s5 =	simm.s32 $_tile_overlayer_lowered  }
0x9b: {  	s22 =	simm.s32 $0x1BFF;
	s21 =	sshll.u32 s5, $0x1;
	s2 =	sadd.s32 s19, s18  }
0x9c: {  	s6 =	simm.s32 $0x0;
	s20 =	sshll.u32 s4, $0x1;
	s4 =	sadd.s32 s21, s2  }
0x9d: {  	[timem:s6], [sflag:s22] =	dma.local [hbm:s4], s20  }
0x9e: {  	_ =	swait.ge [sflag:s22], s20  }
0x9f: {  	s3 =	ssub.s32 $0x0, s20;
	[sflag:s22] =	ssyncset.done $0x0  }
0xa0: {  	[sflag:s22] =	ssyncadd.s32 s3;
	_ =	sdelay $0x1  }
0xa1: {  	s23 =	simm.s32 $0x1B8B  }
0xa2: {  	_ =	swait.ge [sflag:s23], $0x1  }
0xa3: {  	[sflag:s23] =	ssyncset.done $0x0  }
0xa4: {  	s25 =	simm.s32 $0x1B8E;
	s24 =	sld [smem:$0x3FFE];
	[sflag:s23] =	ssyncadd.s32 $0xFFFFFFFF  }
0xa5: {  	s26 =	simm.s32 $execute0_lowered;
	[smem:$0x3FD2] =	sst s25  }
0xa6: {  	s4 =	sshll.u32 s26, $0x1;
	_ =	strace $0x8000004C;
	[dreg:$0x1] =	wrdreg $0xFFFFFFFF  }
0xa7: {  	s28 =	simm.s32 $_size_execute0_lowered;
	s2 =	sadd.s32 s2, s4;
	[dreg:$0x0] =	wrdreg $0x0  }
0xa8: {  	s4 =	sshll.u32 s28, $0x1;
	[dreg:$0x2] =	wrdreg s2  }
0xa9: {  	[dreg:$0x3] =	wrdreg s4  }
0xaa: {  	[dreg:$0x4] =	wrdreg $0xC0  }
0xab: {  	_ =	task [dreg:s6], $0x5FFFF  }
0xac: {  	[dreg:$0x1] =	wrdreg $0xFFFFFFFF  }
0xad: {  	[dreg:$0x0] =	wrdreg $0x60  }
0xae: {  	[dreg:$0x2] =	wrdreg s24  }
0xaf: {  	[dreg:$0x3] =	wrdreg $0x0  }
0xb0: {  	[dreg:$0x4] =	wrdreg $0x9  }
0xb1: {  	_ =	task.clear_ibuf [dreg:s6], $0x5FFFF;
	_ =	strace $0x9000004C  }
0xb2: {  	s29 =	simm.s32 $0x9;
	_ =	strace $0x8000004E  }
0xb3: {  	_ =	swait.ge [sflag:s29], $0x1  }
0xb4: {  	[sflag:s29] =	ssyncadd.s32 $0xFFFFFFFF  }
0xb5: {  	_ =	strace $0x9000004E  }
0xb6: {  	_ =	sfence  }
0xb7: {  	s30 =	sld [smem:$0x0];
	_ =	sdelay $0x2  }
0xb8: {  	s31 =	sshll.u32 s1, $0xD;
	s1 =	sshrl.u32 s1, $0x2  }
0xb9: {  	s3 =	sand.u32 $0x4000, s31;
	s1 =	sadd.s32 s1, s30  }
0xba: {  	s0 =	sor.u32 s3, s0;
	s1 =	sshll.u32 s1, $0x11  }
0xbb: {  	s0 =	sor.u32 s1, s0  }
0xbc: {  	s0 =	sadd.s32 $0x8F2B, s0  }
0xbd: {  	[sflag:s0] =	ssyncadd.remote.s32 $0x1  }
0xbe: {  	_ =	sfence.sel $0xFFFF  }
0xbf: {  	[dreg:$0x0] =	wrdreg $0xFFFFFFFF;
	(pc) =	sbr.abs _section_cstart, $3  }
0xc0: {  	[dreg:$0x1] =	wrdreg $0xFFFFFFFF  }
0xc1: {  	_ =	task.clear_ibuf [dreg:s6], $0x2FFFF;
	_ =	strace $0x9FFFFFFF  }
0xc2: {  	(tm) =	ssettm $0x7FFFFFFF  }
0xc3: {  	_ =	shalt  }
tec
execute0_lowered:
.L_overlay_start_1:
0x0: {  	(tag) =	ssettag $0x1  }
0x1: {  	s0 =	rddreg [dreg:$0x0]  }
0x2: {  	s2 =	rddreg [dreg:$0x1];
	s3 =	simm.s32 $0x0  }
0x3: {  	s13 =	stileid.u32;
	s6 =	srdreg.scid;
	s28 =	simm.s32 $0x2  }
0x4: {  	s30 =	simm.s32 $0x5;
	[smem:$0x7FF] =	sst s3;
	s1 =	smul.u32 $0x2700, s13  }
0x5: {  	s4 =	sadd.s32 $0x40600, s0;
	s5 =	sadd.s32 $0x5800, s0;
	s9 =	smul.u32 $0x4E000, s13  }
0x6: {  	s7 =	sadd.s32 $0xF600, s0;
	s6 =	sand.u32 $0x1, s6;
	s18 =	smul.u32 $0x13800, s13  }
0x7: {  	s11 =	sadd.s32 $0x8EA00, s0;
	s21 =	smul.u32 $0x2710, s13;
	p0 =	seq.s32 s13, $0xF  }
0x8: {  	s31 =	simm.s32 $0x3;
	_ =	strace $0x8000004D;
	s15 =	smul.u32 $0x138800, s6  }
0x9: {  	s8 =	ssub.s32 $0x2, s6;
	s10 =	sshll.u32 s6, $0x4;
	s6 =	smul.u32 $0x27100, s6  }
0xa: {  	s1 =	sadd.s32 s1, s0;
	s12 =	sshrl.u32 s8, $0x1;
	s10 =	sor.u32 s13, s10  }
0xb: {  	s9 =	sshrl.u32 s9, $0x2;
	s0 =	sadd.s32 $0x8C100, s0;
	s8 =	ssub.s32 s8, s12  }
0xc: {  	s10 =	smul.u32 $0x2710, s10;
	s9 =	sadd.s32 s9, s2;
	[dreg:$0x6] =	wrdreg s0  }
0xd: {  	s1 =	sadd.s32 $0x67800, s1;
	s12 =	sadd.s32 $0x124800, s2;
	[dreg:$0x3] =	wrdreg s9  }
0xe: {  	s23 =	sadd.s32 s18, s15;
	s6 =	sadd.s32 s21, s6;
	[dreg:$0x4] =	wrdreg s1  }
0xf: {  	[dreg:$0x5] =	wrdreg s12;
	s1 =	sshrl.u32 s15, $0x3;
	s25 =	sadd.s32 $0x100, s6  }
0x10: {  	s26 =	smax.u32 s8, $0x1;
	s15 =	simm.s32 $0x13980;
	s6 =	simm.s32 $0x13A80  }
0x11: {  	s8 =	simm.s32 $0x10;
	s14 =	sshrl.u32 s10, $0x3;
	s24 =	sadd.s32 s11, s1  }
0x12: {  	[dreg:$0xf] =	wrdreg s26;
	s29 =	sshrl.u32 s25, $0x3;
	s25 =	simm.s32 $0x80  }
0x13: {  	s26 =	simm.s32 $0x13B80;
	s1 =	simm.s32 $0x6;
	s16 =	sadd.s32 s5, s14  }
0x14: {  	s17 =	sadd.s32 $0x10, s14;
	s19 =	sadd.s32 s7, s14;
	[dreg:$0x7] =	wrdreg s16  }
0x15: {  	s0 =	sadd.s32 $0x4E0, s14;
	s18 =	sadd.s32 s29, s7;
	[dreg:$0x8] =	wrdreg s19  }
0x16: {  	s20 =	sadd.s32 s5, s17;
	s9 =	sadd.s32 s7, s17;
	s22 =	sadd.s32 s5, s0  }
0x17: {  	s0 =	sadd.s32 s7, s0;
	s19 =	sadd.s32 s29, s5;
	[dreg:$0x9] =	wrdreg s20  }
0x18: {  	s16 =	simm.s32 $0x13A00;
	s17 =	simm.s32 $0x17B80;
	[dreg:$0xa] =	wrdreg s9  }
0x19: {  	s5 =	simm.s32 $0x4;
	[dreg:$0xc] =	wrdreg s0;
	s0 =	sshrl.u32 s23, $0x3  }
0x1a: {  	s7 =	simm.s32 $0x13B00;
	[dreg:$0xb] =	wrdreg s22;
	s0 =	sadd.s32 s11, s0  }
0x1b: {  	s9 =	simm.s32 $0x0;
	[dreg:$0xd] =	wrdreg s0;
	s0 =	sadd.s32 $0x24900, s24  }
0x1c: {  	s24 =	simm.s32 $0x1;
	[dreg:$0xe] =	wrdreg s0;
	s0 =	simm.s32 $0x7  }
.LBB2_1:
0x1d: {  	s10 =	rddreg [dreg:$0x5]  }
0x1e: {  	s11 =	simm.s32 @p0 $0x1FC7;
	s12 =	rddreg [dreg:$0x6];
	s10 =	sshrl.u32 @p0 s10, $0x3  }
0x1f: {  	[spmem:s10], [sflag:s11] =	dma.local @p0 [hbm:s12], $0x2800  }
0x20: {  	s11 =	simm.s32 @p0 $0x7  }
0x21: {  	s12 =	stileid.u32;
	_ =	swait.ge @p0 [sflag:s11], $0x2800  }
0x22: {  	s12 =	sshll.u32 @!p0 s12, $0x6;
	[sflag:s11] =	ssyncset.done @p0 $0x0  }
0x23: {  	[sflag:s11] =	ssyncadd.s32 @p0 $0xFFFFD800;
	s11 =	sor.u32 @!p0 $0x1C07, s12;
	s12 =	rddreg [dreg:$0x3]  }
0x24: {  	s13 =	rddreg [dreg:$0x4];
	s12 =	sshrl.u32 @!p0 s12, $0x3  }
0x25: {  	[spmem:s12], [sflag:s11] =	dma.local @!p0 [hbm:s13], $0x2700  }
0x26: {  	s13 =	simm.s32 @!p0 $0x7  }
0x27: {  	_ =	swait.ge @!p0 [sflag:s13], $0x2700  }
0x28: {  	[sflag:s13] =	ssyncset.done @!p0 $0x0  }
0x29: {  	s14 =	simm.s32 $0x13880;
	s23 =	rddreg [dreg:$0x7];
	[sflag:s13] =	ssyncadd.s32 @!p0 $0xFFFFD900  }
0x2a: {  	[tilespmem:s14], [sflag:$0x1] =	stream.linear.gather [hbm4b:s23+s3], $0x80, $0x38;
	[tilespmem:$0x1BB80] =	vst v63  }
0x2b: {  	s29 =	rddreg [dreg:$0x8]  }
0x2c: {  	[tilespmem:s15], [sflag:$0x3] =	stream.linear.gather [hbm4b:s29+s3], $0x80, $0x38;
	[tilespmem:$0x1BB80] =	vst v63  }
0x2d: {  	s21 =	simm.s32 $0x13900;
	s20 =	rddreg [dreg:$0x9]  }
0x2e: {  	[tilespmem:s21], [sflag:$0x2] =	stream.linear.gather [hbm4b:s20+s3], $0x80, $0x38;
	[tilespmem:$0x1BB80] =	vst v63  }
0x2f: {  	s22 =	rddreg [dreg:$0xa]  }
0x30: {  	[tilespmem:s16], [sflag:$0x4] =	stream.linear.gather [hbm4b:s22+s3], $0x80, $0x38;
	[tilespmem:$0x1BB80] =	vst v63  }
0x31: {  	_ =	swait.ge [sflag:s24], $0x80  }
0x32: {  	[sflag:s24] =	ssyncset.done $0x0  }
0x33: {  	[sflag:s24] =	ssyncadd.s32 $0xFFFFFF80  }
0x34: {  	[tilespmem:s26], [sflag:$0x5] =	stream.indirect.gather [hbm4b:s4+s25], $0x80, s14, s25, $0xb8;
	[tilespmem:$0x1BB80] =	vst v63  }
0x35: {  	_ =	swait.ge [sflag:s28], $0x80  }
0x36: {  	s23 =	sand.u32 $0x1, s3;
	[sflag:s28] =	ssyncset.done $0x0  }
0x37: {  	p1 =	seq.s32 s23, $0x1;
	[sflag:s28] =	ssyncadd.s32 $0xFFFFFF80  }
0x38: {  	[tilespmem:s17], [sflag:$0x6] =	stream.indirect.gather [hbm4b:s4+s25], $0x80, s21, s25, $0xb8;
	[tilespmem:$0x1BB80] =	vst v63  }
0x39: {  	s13 =	simm.s32 @p1 $0x6;
	[bflag:$0x0] =	sbarrier.arrive $0xFFFF  }
0x3a: {  	_ =	swait.ge @p1 [sflag:s13], $0x4000;
	p1 =	por p1, p1  }
0x3b: {  	[sflag:s13] =	ssyncset.done @p1 $0x0;
	s14 =	simm.s32 @p1 $0x4  }
0x3c: {  	s15 =	simm.s32 @p1 $0x13900;
	[sflag:s13] =	ssyncadd.s32 @p1 $0xFFFFC000;
	s13 =	simm.s32 @p1 $0x0  }
0x3d: {  	[tilespmem:s15], [sflag:$0x2] =	stream.linear.gather @p1 [hbm4b:s19+s13], $0x80, $0x38;
	[tilespmem:$0x1BB80] =	vst v63  }
0x3e: {  	_ =	swait.ge @p1 [sflag:s14], $0x80  }
0x3f: {  	s16 =	simm.s32 @p1 $0x17B80;
	s17 =	simm.s32 @p1 $0x7;
	[sflag:s14] =	ssyncset.done @p1 $0x0  }
0x40: {  	s20 =	simm.s32 @p1 $0x13A00;
	[sflag:s14] =	ssyncadd.s32 @p1 $0xFFFFFF80;
	s14 =	simm.s32 @p1 $0x80  }
0x41: {  	[spmem:s2] =	stream.indirect.scatter.add.f32 @p1 [tilespmem:s16], [sflag:$0x7], $0x80, s20, s14, $0xb8;
	[tilespmem:$0x1BB80] =	vst v63  }
0x42: {  	_ =	swait.ge @p1 [sflag:s17], $0x4000  }
0x43: {  	[sflag:s17] =	ssyncset.done @p1 $0x0  }
0x44: {  	[sflag:s17] =	ssyncadd.s32 @p1 $0xFFFFC000;
	s17 =	simm.s32 @p1 $0x2  }
0x45: {  	[tilespmem:s20], [sflag:$0x4] =	stream.linear.gather @p1 [hbm4b:s18+s13], $0x80, $0x38;
	[tilespmem:$0x1BB80] =	vst v63  }
0x46: {  	_ =	swait.ge @p1 [sflag:s17], $0x80  }
0x47: {  	[sflag:s17] =	ssyncset.done @p1 $0x0  }
0x48: {  	s13 =	simm.s32 @!p1 $0x5;
	[sflag:s17] =	ssyncadd.s32 @p1 $0xFFFFFF80  }
0x49: {  	[tilespmem:s16], [sflag:$0x6] =	stream.indirect.gather @p1 [hbm4b:s4+s14], $0x80, s15, s14, $0xb8;
	[tilespmem:$0x1BB80] =	vst v63  }
0x4a: {  	_ =	swait.ge @!p1 [sflag:s13], $0x4000  }
0x4b: {  	s20 =	simm.s32 @!p1 $0x13880;
	[sflag:s13] =	ssyncset.done @!p1 $0x0  }
0x4c: {  	s14 =	simm.s32 @!p1 $0x3;
	[sflag:s13] =	ssyncadd.s32 @!p1 $0xFFFFC000;
	s13 =	simm.s32 @!p1 $0x0  }
0x4d: {  	[tilespmem:s20], [sflag:$0x1] =	stream.linear.gather @!p1 [hbm4b:s19+s13], $0x80, $0x38;
	[tilespmem:$0x1BB80] =	vst v63  }
0x4e: {  	_ =	swait.ge @!p1 [sflag:s14], $0x80  }
0x4f: {  	s21 =	simm.s32 @!p1 $0x80;
	s17 =	simm.s32 @!p1 $0x13B80;
	[sflag:s14] =	ssyncset.done @!p1 $0x0  }
0x50: {  	s15 =	simm.s32 @!p1 $0x7;
	[sflag:s14] =	ssyncadd.s32 @!p1 $0xFFFFFF80;
	s14 =	simm.s32 @!p1 $0x13980  }
0x51: {  	[spmem:s2] =	stream.indirect.scatter.add.f32 @!p1 [tilespmem:s17], [sflag:$0x7], $0x80, s14, s21, $0xb8;
	[tilespmem:$0x1BB80] =	vst v63  }
0x52: {  	_ =	swait.ge @!p1 [sflag:s15], $0x4000  }
0x53: {  	s29 =	simm.s32 $0x1;
	[sflag:s15] =	ssyncset.done @!p1 $0x0  }
0x54: {  	s22 =	simm.s32 @!p1 $0x1;
	[sflag:s15] =	ssyncadd.s32 @!p1 $0xFFFFC000;
	s15 =	simm.s32 $0x2  }
0x55: {  	[tilespmem:s14], [sflag:$0x3] =	stream.linear.gather @!p1 [hbm4b:s18+s13], $0x80, $0x38;
	[tilespmem:$0x1BB80] =	vst v63  }
0x56: {  	s13 =	sand.u32 $0x1, s29;
	s14 =	sadd.s32 $0x10, s19;
	_ =	swait.ge @!p1 [sflag:s22], $0x80  }
0x57: {  	p3 =	seq.s32 s13, $0x1;
	s13 =	sadd.s32 $0x10, s18;
	[sflag:s22] =	ssyncset.done @!p1 $0x0  }
.LBB2_2:
0x58: {  	s23 =	simm.s32 @p3 $0x6  }
0x59: {  	[sflag:s22] =	ssyncadd.s32 @!p1 $0xFFFFFF80;
	s16 =	smov.u32 s15;
	s15 =	sadd.s32 $0x1, s15  }
0x5a: {  	[tilespmem:s17], [sflag:$0x5] =	stream.indirect.gather @!p1 [hbm4b:s4+s21], $0x80, s20, s21, $0xb8;
	[tilespmem:$0x1BB80] =	vst v63  }
0x5b: {  	p2 =	sne.s32 s15, $0x4C;
	p1 =	por p3, p3;
	_ =	swait.ge @p3 [sflag:s23], $0x4000  }
0x5c: {  	s17 =	simm.s32 @p1 $0x4;
	[sflag:s23] =	ssyncset.done @p1 $0x0  }
0x5d: {  	s20 =	simm.s32 @p1 $0x0;
	s21 =	simm.s32 @p1 $0x13900;
	[sflag:s23] =	ssyncadd.s32 @p1 $0xFFFFC000  }
0x5e: {  	[tilespmem:s21], [sflag:$0x2] =	stream.linear.gather @p1 [hbm4b:s14+s20], $0x80, $0x38;
	[tilespmem:$0x1BB80] =	vst v63  }
0x5f: {  	_ =	swait.ge @p1 [sflag:s17], $0x80  }
0x60: {  	s22 =	simm.s32 @p1 $0x17B80;
	s23 =	simm.s32 @p1 $0x7;
	[sflag:s17] =	ssyncset.done @p1 $0x0  }
0x61: {  	s29 =	simm.s32 @p1 $0x13A00;
	[sflag:s17] =	ssyncadd.s32 @p1 $0xFFFFFF80;
	s17 =	simm.s32 @p1 $0x80  }
0x62: {  	[spmem:s2] =	stream.indirect.scatter.add.f32 @p1 [tilespmem:s22], [sflag:$0x7], $0x80, s29, s17, $0xb8;
	[tilespmem:$0x1BB80] =	vst v63  }
0x63: {  	_ =	swait.ge @p1 [sflag:s23], $0x4000  }
0x64: {  	[sflag:s23] =	ssyncset.done @p1 $0x0  }
0x65: {  	[sflag:s23] =	ssyncadd.s32 @p1 $0xFFFFC000;
	s23 =	simm.s32 @p1 $0x2  }
0x66: {  	[tilespmem:s29], [sflag:$0x4] =	stream.linear.gather @p1 [hbm4b:s13+s20], $0x80, $0x38;
	[tilespmem:$0x1BB80] =	vst v63  }
0x67: {  	_ =	swait.ge @p1 [sflag:s23], $0x80  }
0x68: {  	[sflag:s23] =	ssyncset.done @p1 $0x0  }
0x69: {  	s20 =	simm.s32 @!p1 $0x5;
	[sflag:s23] =	ssyncadd.s32 @p1 $0xFFFFFF80  }
0x6a: {  	[tilespmem:s22], [sflag:$0x6] =	stream.indirect.gather @p1 [hbm4b:s4+s17], $0x80, s21, s17, $0xb8;
	[tilespmem:$0x1BB80] =	vst v63  }
0x6b: {  	_ =	swait.ge @!p1 [sflag:s20], $0x4000  }
0x6c: {  	s21 =	simm.s32 @!p1 $0x3;
	[sflag:s20] =	ssyncset.done @!p1 $0x0  }
0x6d: {  	s23 =	simm.s32 @!p1 $0x0;
	[sflag:s20] =	ssyncadd.s32 @!p1 $0xFFFFC000;
	s20 =	simm.s32 @!p1 $0x13880  }
0x6e: {  	[tilespmem:s20], [sflag:$0x1] =	stream.linear.gather @!p1 [hbm4b:s14+s23], $0x80, $0x38;
	[tilespmem:$0x1BB80] =	vst v63  }
0x6f: {  	_ =	swait.ge @!p1 [sflag:s21], $0x80  }
0x70: {  	s17 =	simm.s32 @!p1 $0x13B80;
	s22 =	simm.s32 @!p1 $0x7;
	[sflag:s21] =	ssyncset.done @!p1 $0x0  }
0x71: {  	s29 =	simm.s32 @!p1 $0x13980;
	[sflag:s21] =	ssyncadd.s32 @!p1 $0xFFFFFF80;
	s21 =	simm.s32 @!p1 $0x80  }
0x72: {  	[spmem:s2] =	stream.indirect.scatter.add.f32 @!p1 [tilespmem:s17], [sflag:$0x7], $0x80, s29, s21, $0xb8;
	[tilespmem:$0x1BB80] =	vst v63  }
0x73: {  	_ =	swait.ge @!p1 [sflag:s22], $0x4000  }
.Ltmp0:
0x74: {  	[sflag:s22] =	ssyncset.done @!p1 $0x0;
	(pc) =	sbr.rel @p2 .LBB2_2-.Ltmp0, $4  }
0x75: {  	[sflag:s22] =	ssyncadd.s32 @!p1 $0xFFFFC000;
	s22 =	simm.s32 @!p1 $0x1  }
0x76: {  	[tilespmem:s29], [sflag:$0x3] =	stream.linear.gather @!p1 [hbm4b:s13+s23], $0x80, $0x38;
	[tilespmem:$0x1BB80] =	vst v63  }
0x77: {  	s16 =	sand.u32 $0x1, s16;
	s14 =	sadd.s32 $0x10, s14;
	_ =	swait.ge @!p1 [sflag:s22], $0x80  }
0x78: {  	p3 =	seq.s32 s16, $0x1;
	s13 =	sadd.s32 $0x10, s13;
	[sflag:s22] =	ssyncset.done @!p1 $0x0  }
0x79: {  	s15 =	simm.s32 @p3 $0x6;
	[sflag:s22] =	ssyncadd.s32 @!p1 $0xFFFFFF80  }
0x7a: {  	[tilespmem:s17], [sflag:$0x5] =	stream.indirect.gather @!p1 [hbm4b:s4+s21], $0x80, s20, s21, $0xb8;
	[tilespmem:$0x1BB80] =	vst v63  }
0x7b: {  	p1 =	por p3, p3;
	_ =	swait.ge @p3 [sflag:s15], $0x4000  }
0x7c: {  	s16 =	simm.s32 @p1 $0x4;
	[sflag:s15] =	ssyncset.done @p1 $0x0  }
0x7d: {  	s17 =	simm.s32 @p1 $0x13900;
	[sflag:s15] =	ssyncadd.s32 @p1 $0xFFFFC000;
	s15 =	simm.s32 @p1 $0x0  }
0x7e: {  	[tilespmem:s17], [sflag:$0x2] =	stream.linear.gather @p1 [hbm4b:s14+s15], $0x80, $0x38;
	[tilespmem:$0x1BB80] =	vst v63  }
0x7f: {  	_ =	swait.ge @p1 [sflag:s16], $0x80  }
0x80: {  	s20 =	simm.s32 @p1 $0x17B80;
	s21 =	simm.s32 @p1 $0x7;
	[sflag:s16] =	ssyncset.done @p1 $0x0  }
0x81: {  	s22 =	simm.s32 @p1 $0x13A00;
	[sflag:s16] =	ssyncadd.s32 @p1 $0xFFFFFF80;
	s16 =	simm.s32 @p1 $0x80  }
0x82: {  	[spmem:s2] =	stream.indirect.scatter.add.f32 @p1 [tilespmem:s20], [sflag:$0x7], $0x80, s22, s16, $0xb8;
	[tilespmem:$0x1BB80] =	vst v63  }
0x83: {  	_ =	swait.ge @p1 [sflag:s21], $0x4000  }
0x84: {  	[sflag:s21] =	ssyncset.done @p1 $0x0  }
0x85: {  	[sflag:s21] =	ssyncadd.s32 @p1 $0xFFFFC000  }
0x86: {  	[tilespmem:s22], [sflag:$0x4] =	stream.linear.gather @p1 [hbm4b:s13+s15], $0x80, $0x38;
	[tilespmem:$0x1BB80] =	vst v63  }
0x87: {  	s15 =	simm.s32 @p1 $0x2  }
0x88: {  	_ =	swait.ge @p1 [sflag:s15], $0x80  }
0x89: {  	[sflag:s15] =	ssyncset.done @p1 $0x0  }
0x8a: {  	[sflag:s15] =	ssyncadd.s32 @p1 $0xFFFFFF80;
	s15 =	simm.s32 @!p1 $0x5  }
0x8b: {  	[tilespmem:s20], [sflag:$0x6] =	stream.indirect.gather @p1 [hbm4b:s4+s16], $0x80, s17, s16, $0xb8;
	[tilespmem:$0x1BB80] =	vst v63  }
0x8c: {  	_ =	swait.ge @!p1 [sflag:s15], $0x4000  }
0x8d: {  	s16 =	simm.s32 @!p1 $0x3;
	[sflag:s15] =	ssyncset.done @!p1 $0x0  }
0x8e: {  	s17 =	simm.s32 @!p1 $0x13880;
	[sflag:s15] =	ssyncadd.s32 @!p1 $0xFFFFC000;
	s15 =	simm.s32 @!p1 $0x0  }
0x8f: {  	[tilespmem:s17], [sflag:$0x1] =	stream.linear.gather @!p1 [hbm4b:s14+s15], $0x80, $0x38;
	[tilespmem:$0x1BB80] =	vst v63  }
0x90: {  	_ =	swait.ge @!p1 [sflag:s16], $0x80  }
0x91: {  	s21 =	simm.s32 @!p1 $0x13980;
	s20 =	simm.s32 @!p1 $0x7;
	[sflag:s16] =	ssyncset.done @!p1 $0x0  }
0x92: {  	s14 =	simm.s32 @!p1 $0x13B80;
	[sflag:s16] =	ssyncadd.s32 @!p1 $0xFFFFFF80;
	s16 =	simm.s32 @!p1 $0x80  }
0x93: {  	[spmem:s2] =	stream.indirect.scatter.add.f32 @!p1 [tilespmem:s14], [sflag:$0x7], $0x80, s21, s16, $0xb8;
	[tilespmem:$0x1BB80] =	vst v63  }
0x94: {  	_ =	swait.ge @!p1 [sflag:s20], $0x4000  }
0x95: {  	[sflag:s20] =	ssyncset.done @!p1 $0x0  }
0x96: {  	[sflag:s20] =	ssyncadd.s32 @!p1 $0xFFFFC000  }
0x97: {  	[tilespmem:s21], [sflag:$0x3] =	stream.linear.gather @!p1 [hbm4b:s13+s15], $0x80, $0x38;
	[tilespmem:$0x1BB80] =	vst v63  }
0x98: {  	s13 =	simm.s32 @!p1 $0x1  }
0x99: {  	_ =	swait.ge @!p1 [sflag:s13], $0x80  }
0x9a: {  	[sflag:s13] =	ssyncset.done @!p1 $0x0  }
0x9b: {  	[sflag:s13] =	ssyncadd.s32 @!p1 $0xFFFFFF80  }
0x9c: {  	[tilespmem:s14], [sflag:$0x5] =	stream.indirect.gather @!p1 [hbm4b:s4+s16], $0x80, s17, s16, $0xb8;
	[tilespmem:$0x1BB80] =	vst v63  }
0x9d: {  	_ =	swait.ge [sflag:s30], $0x4000  }
0x9e: {  	[sflag:s30] =	ssyncset.done $0x0  }
0x9f: {  	[sflag:s30] =	ssyncadd.s32 $0xFFFFC000  }
0xa0: {  	_ =	swait.ge [sflag:s31], $0x80  }
0xa1: {  	[sflag:s31] =	ssyncset.done $0x0  }
0xa2: {  	s15 =	simm.s32 $0x13980;
	[sflag:s31] =	ssyncadd.s32 $0xFFFFFF80  }
0xa3: {  	[spmem:s2] =	stream.indirect.scatter.add.f32 [tilespmem:s26], [sflag:$0x7], $0x80, s15, s25, $0xb8;
	[tilespmem:$0x1BB80] =	vst v63  }
0xa4: {  	_ =	swait.ge [sflag:s0], $0x4000  }
0xa5: {  	[sflag:s0] =	ssyncset.done $0x0  }
0xa6: {  	[sflag:s0] =	ssyncadd.s32 $0xFFFFC000  }
0xa7: {  	_ =	swait.ge [sflag:s1], $0x4000  }
0xa8: {  	[sflag:s1] =	ssyncset.done $0x0  }
0xa9: {  	[sflag:s1] =	ssyncadd.s32 $0xFFFFC000  }
0xaa: {  	_ =	swait.ge [sflag:s5], $0x80  }
0xab: {  	[sflag:s5] =	ssyncset.done $0x0  }
0xac: {  	s16 =	simm.s32 $0x13A00;
	s17 =	simm.s32 $0x17B80;
	[sflag:s5] =	ssyncadd.s32 $0xFFFFFF80  }
0xad: {  	[spmem:s2] =	stream.indirect.scatter.add.f32 [tilespmem:s17], [sflag:$0x7], $0x80, s16, s25, $0xb8;
	[tilespmem:$0x1BB80] =	vst v63  }
0xae: {  	_ =	swait.ge [sflag:s0], $0x4000  }
0xaf: {  	[sflag:s0] =	ssyncset.done $0x0  }
0xb0: {  	s22 =	rddreg [dreg:$0xb];
	[sflag:s0] =	ssyncadd.s32 $0xFFFFC000  }
0xb1: {  	[tilespmem:s6], [sflag:$0x1] =	stream.linear.gather [hbm4b:s22+s3], $0x10, $0x38;
	[tilespmem:$0x1BB80] =	vst v63  }
0xb2: {  	s23 =	rddreg [dreg:$0xc]  }
0xb3: {  	[tilespmem:s7], [sflag:$0x3] =	stream.linear.gather [hbm4b:s23+s3], $0x10, $0x38;
	[tilespmem:$0x1BB80] =	vst v63  }
0xb4: {  	_ =	swait.ge [sflag:s24], $0x10  }
0xb5: {  	[sflag:s24] =	ssyncset.done $0x0  }
0xb6: {  	[sflag:s24] =	ssyncadd.s32 $0xFFFFFFF0  }
0xb7: {  	[tilespmem:s26], [sflag:$0x5] =	stream.indirect.gather [hbm4b:s4+s8], $0x80, s6, s8, $0xb8;
	[tilespmem:$0x1BB80] =	vst v63  }
0xb8: {  	_ =	swait.ge [sflag:s30], $0x800  }
0xb9: {  	[sflag:s30] =	ssyncset.done $0x0  }
0xba: {  	[sflag:s30] =	ssyncadd.s32 $0xFFFFF800  }
0xbb: {  	_ =	swait.ge [sflag:s31], $0x10  }
0xbc: {  	[sflag:s31] =	ssyncset.done $0x0  }
0xbd: {  	[sflag:s31] =	ssyncadd.s32 $0xFFFFFFF0  }
0xbe: {  	[spmem:s2] =	stream.indirect.scatter.add.f32 [tilespmem:s26], [sflag:$0x7], $0x80, s7, s8, $0xb8;
	[tilespmem:$0x1BB80] =	vst v63  }
0xbf: {  	_ =	swait.ge [sflag:s0], $0x800  }
0xc0: {  	[sflag:s0] =	ssyncset.done $0x0  }
0xc1: {  	[sflag:s0] =	ssyncadd.s32 $0xFFFFF800  }
0xc2: {  	[bflag:$0x0] =	sbarrier.arrive $0xFFFF  }
0xc3: {  	s13 =	simm.s32 @p0 $0x1FC7;
	s14 =	rddreg [dreg:$0xe]  }
0xc4: {  	[hbm:s14], [sflag:s13] =	dma.local @p0 [spmem:s10], $0x2800  }
0xc5: {  	s10 =	simm.s32 @p0 $0x7  }
0xc6: {  	_ =	swait.ge @p0 [sflag:s10], $0x2800  }
0xc7: {  	[sflag:s10] =	ssyncset.done @p0 $0x0  }
0xc8: {  	[sflag:s10] =	ssyncadd.s32 @p0 $0xFFFFD800;
	s10 =	rddreg [dreg:$0xd]  }
0xc9: {  	[hbm:s10], [sflag:s11] =	dma.local @!p0 [spmem:s12], $0x2700  }
0xca: {  	s10 =	simm.s32 @!p0 $0x7  }
0xcb: {  	_ =	swait.ge @!p0 [sflag:s10], $0x2700  }
0xcc: {  	s9 =	sadd.s32 $0x1, s9;
	s29 =	rddreg [dreg:$0xf]  }
0xcd: {  	p1 =	sne.s32 s9, s29  }
.Ltmp1:
0xce: {  	_ = 	snop;
	(pc) =	sbr.rel @p1 .LBB2_1-.Ltmp1, $3  }
0xcf: {  	_ =	sdelay $0x1  }
0xd0: {  	[sflag:s10] =	ssyncset.done @!p0 $0x0  }
0xd1: {  	[sflag:s10] =	ssyncadd.s32 @!p0 $0xFFFFD900  }
0xd2: {  	_ =	sfence.sel $0x180000  }
0xd3: {  	[bflag:$0x0] =	sbarrier.arrive $0xFFFF  }
0xd4: {  	_ =	strace $0x9000004D  }
0xd5: {  	s0 =	stileid.u32;
	[bflag:$0x2] =	sbarrier.arrive $0xFFFF  }
0xd6: {  	p0 =	sne.s32 s0, $0x0;
	s0 =	rddreg [dreg:$0x2]  }
0xd7: {  	s0 =	sadd.s32 @!p0 $0x100000, s0  }
0xd8: {  	[sflag:s0] =	ssyncadd.tile.s32 @!p0 $0x1;
	_ =	shalt  }
.Lfunc_end2:
_tile_overlayer_lowered:
.L_overlay_start_2:
0xd9: {  	(tag) =	ssettag $0x2  }
0xda: {  	s0 =	rddreg [dreg:$0x0];
	s2 =	stileid.u32  }
0xdb: {  	s1 =	rddreg [dreg:$0x1];
	p0 =	sne.s32 s2, $0x0  }
0xdc: {  	s3 =	rddreg [dreg:$0x2];
	[bflag:$0x3] =	sbarrier.arrive $0xFFFF;
	s2 =	simm.s32 @!p0 $0x1C07  }
0xdd: {  	[timem:s3], [sflag:s2] =	dma.local @!p0 [hbm:s0], s1  }
0xde: {  	s0 =	simm.s32 @!p0 $0x7  }
0xdf: {  	_ =	swait.ge @!p0 [sflag:s0], s1  }
0xe0: {  	s1 =	ssub.s32 @!p0 $0x0, s1;
	[sflag:s0] =	ssyncset.done @!p0 $0x0  }
0xe1: {  	[sflag:s0] =	ssyncadd.s32 @!p0 s1  }
0xe2: {  	[bflag:$0x3] =	sbarrier.arrive $0xFFFF  }
0xe3: {  	_ =	shalt  }

// kernel: kernel.26.cloned.1.call-start
scs
__scs_entry_jumppad:
0x0: {  	(pc) =	sbr.rel $0x88, $3  }
0x1: {  	(tag) =	ssettag $0x0;
	lr =	simm.s32 $0x1  }
0x2: {  	[smem:$0x3F92] =	sst lr;
	_ =	strace $0xD0000000  }
0x3: {  	_ = 	snop  }
0x4: {  	_ = 	snop  }
0x5: {  	_ = 	snop  }
0x6: {  	_ = 	snop  }
0x7: {  	_ = 	snop  }
__scs_overlays_trampoline_lowered:
0x8: {  	[smem:$0x3FA1] =	sst s0  }
0x9: {  	[smem:$0x3FA2] =	sst s1  }
0xa: {  	[smem:$0x3FA3] =	sst s2  }
0xb: {  	[smem:$0x3FA4] =	sst s3  }
0xc: {  	[smem:$0x3FA5] =	sst s4  }
0xd: {  	[smem:$0x3FA6] =	sst s5  }
0xe: {  	[smem:$0x3FA7] =	sst s6  }
0xf: {  	[smem:$0x3FA8] =	sst s7  }
0x10: {  	[smem:$0x3FA9] =	sst s8  }
0x11: {  	[smem:$0x3FAA] =	sst s9;
	s0 =	simm.s32 @!p0 $0x0  }
0x12: {  	s1 =	sld [smem:$0x3F90];
	s0 =	simm.s32 @p0 $0x1  }
0x13: {  	[smem:$0x3FAB] =	sst s0;
	s0 =	simm.s32 @!p1 $0x0  }
0x14: {  	s2 =	sld [smem:$0x3F8F];
	s0 =	simm.s32 @p1 $0x1  }
0x15: {  	[smem:$0x3FAC] =	sst s0;
	s0 =	simm.s32 @!p2 $0x0  }
0x16: {  	s3 =	sld [smem:$0x3FDB];
	s0 =	simm.s32 @p2 $0x1  }
0x17: {  	s4 =	simm.s32 $0x1BF5;
	[smem:$0x3FAE] =	sst s0  }
0x18: {  	s0 =	sld [smem:$0x3F91];
	_ =	swait.ge [sflag:s4], $0x0  }
0x19: {  	s7 =	sld [smem:$0x3F92]  }
0x1a: {  	s8 =	sadd.s32 $0xFFFFE003, lr  }
0x1b: {  	s9 =	sadd.s32 $0xFFFFFEF7, lr;
	s5 =	simm.s32 $0xFFFFFFFF;
	p2 =	slt.u32 s8, $0xFFFFF086  }
0x1c: {  	p1 =	slt.u32 s9, $0xF7A;
	s5 =	simm.s32 @!p2 $0x0  }
0x1d: {  	s5 =	simm.s32 @p1 $0x1;
	p0 =	seq.s32 s7, s2  }
0x1e: {  	s7 =	smul.u32 @!p0 $0xF7A, s2;
	p2 =	seq.s32 @!p0 s5, $0x0  }
0x1f: {  	s9 =	smul.u32 $0xF7A, s1;
	s8 =	simm.s32 @!p0 $0x1BF5;
	p2 =	por !p2, p0  }
0x20: {  	[sflag:s8] =	ssyncset.s32 @!p0 $0xFFFFF086;
	s6 =	sadd.s32 @!p0 s3, s7;
	s7 =	simm.s32 @!p0 $0x108  }
0x21: {  	s3 =	sadd.s32 s3, s9;
	s6 =	sadd.s32 @!p0 $0x88, s6;
	s7 =	simm.s32 @p2 $0x1082  }
0x22: {  	[simem:s7], [sflag:s8] =	dma.local @!p0 [hbm:s6], $0xF7A  }
0x23: {  	s9 =	sor.u32 $0xD0000000, s2;
	s6 =	simm.s32 $0x108;
	_ =	swait.ge @!p0 [sflag:s8], $0x0  }
0x24: {  	s3 =	sadd.s32 $0x88, s3;
	s6 =	simm.s32 @!p1 $0x1082;
	[sflag:s4] =	ssyncset.s32 $0xFFFFF086  }
0x25: {  	[simem:s6], [sflag:s4] =	dma.local [hbm:s3], $0xF7A  }
0x26: {  	[smem:$0x3F92] =	sst s1;
	(tag) =	ssettag s2;
	_ =	strace s9  }
0x27: {  	s1 =	sld [smem:$0x3FA2]  }
0x28: {  	s2 =	sld [smem:$0x3FA3]  }
0x29: {  	s4 =	sld [smem:$0x3FA5]  }
0x2a: {  	p0 =	seq.s32 s5, $0x0;
	s5 =	sld [smem:$0x3FA6]  }
0x2b: {  	s6 =	sld [smem:$0x3FA7]  }
0x2c: {  	s7 =	sld [smem:$0x3FA8]  }
0x2d: {  	s3 =	simm.s32 $0x108;
	s8 =	sld [smem:$0x3FA9]  }
0x2e: {  	s3 =	simm.s32 @!p0 $0x1082;
	s9 =	sld [smem:$0x3FAA]  }
0x2f: {  	lr =	sadd.s32 s0, s3;
	s0 =	sld [smem:$0x3FA1]  }
0x30: {  	s3 =	sld [smem:$0x3FA4]  }
0x31: {  	[smem:$0x3FAD] =	sst s10  }
0x32: {  	s10 =	sld [smem:$0x3FAB];
	_ =	sdelay $0x3  }
0x33: {  	p0 =	seq.s32 s10, $0x1;
	s10 =	sld [smem:$0x3FAD];
	_ =	sdelay $0x3  }
0x34: {  	[smem:$0x3FAD] =	sst s10  }
0x35: {  	s10 =	sld [smem:$0x3FAC];
	_ =	sdelay $0x3  }
0x36: {  	p1 =	seq.s32 s10, $0x1;
	s10 =	sld [smem:$0x3FAD];
	_ =	sdelay $0x3  }
0x37: {  	[smem:$0x3FAD] =	sst s10  }
0x38: {  	s10 =	sld [smem:$0x3FAE]  }
0x39: {  	_ = 	snop;
	(pc) =	sbr.ind lr, $3  }
0x3a: {  	_ = 	snop  }
0x3b: {  	_ = 	snop  }
0x3c: {  	p2 =	seq.s32 s10, $0x1;
	s10 =	sld [smem:$0x3FAD]  }
0x3d: {  	_ =	shalt  }
0x3e: {  	_ =	shalt  }
0x3f: {  	_ =	shalt  }
0x40: {  	_ =	shalt  }
0x41: {  	_ =	shalt  }
0x42: {  	_ =	shalt  }
0x43: {  	_ =	shalt  }
0x44: {  	_ =	shalt  }
0x45: {  	_ =	shalt  }
0x46: {  	_ =	shalt  }
0x47: {  	_ =	shalt  }
0x48: {  	_ =	shalt  }
0x49: {  	_ =	shalt  }
0x4a: {  	_ =	shalt  }
0x4b: {  	_ =	shalt  }
0x4c: {  	_ =	shalt  }
0x4d: {  	_ =	shalt  }
0x4e: {  	_ =	shalt  }
0x4f: {  	_ =	shalt  }
0x50: {  	_ =	shalt  }
0x51: {  	_ =	shalt  }
0x52: {  	_ =	shalt  }
0x53: {  	_ =	shalt  }
0x54: {  	_ =	shalt  }
0x55: {  	_ =	shalt  }
0x56: {  	_ =	shalt  }
0x57: {  	_ =	shalt  }
0x58: {  	_ =	shalt  }
0x59: {  	_ =	shalt  }
0x5a: {  	_ =	shalt  }
0x5b: {  	_ =	shalt  }
0x5c: {  	_ =	shalt  }
0x5d: {  	_ =	shalt  }
0x5e: {  	_ =	shalt  }
0x5f: {  	_ =	shalt  }
0x60: {  	_ =	shalt  }
0x61: {  	_ =	shalt  }
0x62: {  	_ =	shalt  }
0x63: {  	_ =	shalt  }
0x64: {  	_ =	shalt  }
0x65: {  	_ =	shalt  }
0x66: {  	_ =	shalt  }
0x67: {  	_ =	shalt  }
0x68: {  	_ =	shalt  }
0x69: {  	_ =	shalt  }
0x6a: {  	_ =	shalt  }
0x6b: {  	_ =	shalt  }
0x6c: {  	_ =	shalt  }
0x6d: {  	_ =	shalt  }
0x6e: {  	_ =	shalt  }
0x6f: {  	_ =	shalt  }
0x70: {  	_ =	shalt  }
0x71: {  	_ =	shalt  }
0x72: {  	_ =	shalt  }
0x73: {  	_ =	shalt  }
0x74: {  	_ =	shalt  }
0x75: {  	_ =	shalt  }
0x76: {  	_ =	shalt  }
0x77: {  	_ =	shalt  }
0x78: {  	_ =	shalt  }
0x79: {  	_ =	shalt  }
0x7a: {  	_ =	shalt  }
0x7b: {  	_ =	shalt  }
0x7c: {  	_ =	shalt  }
0x7d: {  	_ =	shalt  }
0x7e: {  	_ =	shalt  }
0x7f: {  	_ =	shalt  }
0x80: {  	_ =	shalt  }
0x81: {  	_ =	shalt  }
0x82: {  	_ =	shalt  }
0x83: {  	_ =	shalt  }
0x84: {  	_ =	shalt  }
0x85: {  	_ =	shalt  }
0x86: {  	_ =	shalt  }
0x87: {  	_ =	shalt  }
.Lfunc_end0:
.L_simem_size_0:
called_computation.3_lowered:
.L_overlay_start_0:
0x88: {  	s2 =	sld [smem:$0x3FD9]  }
0x89: {  	s3 =	sld [smem:$0x3FFE];
	_ =	sdelay $0x1  }
0x8a: {  	s1 =	srdreg.scid  }
0x8b: {  	s0 =	sand.u32 $0x1, s1  }
0x8c: {  	s16 =	sshll.u32 s0, $0xA;
	s2 =	sadd.s32 s3, s2  }
0x8d: {  	s2 =	sadd.s32 s2, s16  }
0x8e: {  	[smem:$0x3FB9] =	sst s2  }
0x8f: {  	_ = 	snop  }
0x90: {  	(tm) =	ssettm $0x1  }
0x91: {  	s17 =	sld [smem:$0x3FFB];
	_ =	sdelay $0x3  }
0x92: {  	_ =	strace s17  }
0x93: {  	s2 =	sld [smem:$0x3FFC];
	_ =	sdelay $0x3  }
0x94: {  	_ =	strace s2  }
0x95: {  	s2 =	sld [smem:$0x3FFD];
	_ =	sdelay $0x3  }
0x96: {  	_ =	strace s2  }
0x97: {  	_ =	strace $0x8FFFFFFF  }
0x98: {  	s18 =	sld [smem:$0x3FDB];
	_ =	sdelay $0x1  }
0x99: {  	s19 =	simm.s32 $_scs_section_size  }
0x9a: {  	s4 =	simm.s32 $_size__tile_overlayer_lowered;
	s5 =	simm.s32 $_tile_overlayer_lowered  }
0x9b: {  	s22 =	simm.s32 $0x1BFF;
	s21 =	sshll.u32 s5, $0x1;
	s2 =	sadd.s32 s19, s18  }
0x9c: {  	s6 =	simm.s32 $0x0;
	s20 =	sshll.u32 s4, $0x1;
	s4 =	sadd.s32 s21, s2  }
0x9d: {  	[timem:s6], [sflag:s22] =	dma.local [hbm:s4], s20  }
0x9e: {  	_ =	swait.ge [sflag:s22], s20  }
0x9f: {  	s3 =	ssub.s32 $0x0, s20;
	[sflag:s22] =	ssyncset.done $0x0  }
0xa0: {  	[sflag:s22] =	ssyncadd.s32 s3;
	_ =	sdelay $0x1  }
0xa1: {  	s23 =	simm.s32 $0x1B8B  }
0xa2: {  	_ =	swait.ge [sflag:s23], $0x1  }
0xa3: {  	[sflag:s23] =	ssyncset.done $0x0  }
0xa4: {  	s25 =	simm.s32 $0x1B8E;
	s24 =	sld [smem:$0x3FFE];
	[sflag:s23] =	ssyncadd.s32 $0xFFFFFFFF  }
0xa5: {  	s26 =	simm.s32 $execute0_lowered;
	[smem:$0x3FD2] =	sst s25  }
0xa6: {  	s4 =	sshll.u32 s26, $0x1;
	_ =	strace $0x8000004F;
	[dreg:$0x1] =	wrdreg $0xFFFFFFFF  }
0xa7: {  	s28 =	simm.s32 $_size_execute0_lowered;
	s2 =	sadd.s32 s2, s4;
	[dreg:$0x0] =	wrdreg $0x0  }
0xa8: {  	s4 =	sshll.u32 s28, $0x1;
	[dreg:$0x2] =	wrdreg s2  }
0xa9: {  	[dreg:$0x3] =	wrdreg s4  }
0xaa: {  	[dreg:$0x4] =	wrdreg $0xC0  }
0xab: {  	_ =	task [dreg:s6], $0x5FFFF  }
0xac: {  	[dreg:$0x1] =	wrdreg $0xFFFFFFFF  }
0xad: {  	[dreg:$0x0] =	wrdreg $0x60  }
0xae: {  	[dreg:$0x2] =	wrdreg s24  }
0xaf: {  	[dreg:$0x3] =	wrdreg $0x0  }
0xb0: {  	[dreg:$0x4] =	wrdreg $0x9  }
0xb1: {  	_ =	task.clear_ibuf [dreg:s6], $0x5FFFF;
	_ =	strace $0x9000004F  }
0xb2: {  	s29 =	simm.s32 $0x9;
	_ =	strace $0x80000051  }
0xb3: {  	_ =	swait.ge [sflag:s29], $0x1  }
0xb4: {  	[sflag:s29] =	ssyncadd.s32 $0xFFFFFFFF  }
0xb5: {  	_ =	strace $0x90000051  }
0xb6: {  	_ =	sfence  }
0xb7: {  	s30 =	sld [smem:$0x0];
	_ =	sdelay $0x2  }
0xb8: {  	s31 =	sshll.u32 s1, $0xD;
	s1 =	sshrl.u32 s1, $0x2  }
0xb9: {  	s3 =	sand.u32 $0x4000, s31;
	s1 =	sadd.s32 s1, s30  }
0xba: {  	s0 =	sor.u32 s3, s0;
	s1 =	sshll.u32 s1, $0x11  }
0xbb: {  	s0 =	sor.u32 s1, s0  }
0xbc: {  	s0 =	sadd.s32 $0x8F2B, s0  }
0xbd: {  	[sflag:s0] =	ssyncadd.remote.s32 $0x1  }
0xbe: {  	_ =	sfence.sel $0xFFFF  }
0xbf: {  	[dreg:$0x0] =	wrdreg $0xFFFFFFFF;
	(pc) =	sbr.abs _section_cstart, $3  }
0xc0: {  	[dreg:$0x1] =	wrdreg $0xFFFFFFFF  }
0xc1: {  	_ =	task.clear_ibuf [dreg:s6], $0x2FFFF;
	_ =	strace $0x9FFFFFFF  }
0xc2: {  	(tm) =	ssettm $0x7FFFFFFF  }
0xc3: {  	_ =	shalt  }
tec
execute0_lowered:
.L_overlay_start_1:
0x0: {  	(tag) =	ssettag $0x1  }
0x1: {  	s0 =	rddreg [dreg:$0x0]  }
0x2: {  	s2 =	rddreg [dreg:$0x1];
	s3 =	simm.s32 $0x0  }
0x3: {  	s13 =	stileid.u32;
	s6 =	srdreg.scid;
	s28 =	simm.s32 $0x2  }
0x4: {  	s30 =	simm.s32 $0x5;
	[smem:$0x7FF] =	sst s3;
	s1 =	smul.u32 $0x2700, s13  }
0x5: {  	s4 =	sadd.s32 $0x40600, s0;
	s5 =	sadd.s32 $0x5800, s0;
	s9 =	smul.u32 $0x4E000, s13  }
0x6: {  	s7 =	sadd.s32 $0xF600, s0;
	s6 =	sand.u32 $0x1, s6;
	s18 =	smul.u32 $0x13800, s13  }
0x7: {  	s11 =	sadd.s32 $0x8EA00, s0;
	s21 =	smul.u32 $0x2710, s13;
	p0 =	seq.s32 s13, $0xF  }
0x8: {  	s31 =	simm.s32 $0x3;
	_ =	strace $0x80000050;
	s15 =	smul.u32 $0x138800, s6  }
0x9: {  	s8 =	ssub.s32 $0x2, s6;
	s10 =	sshll.u32 s6, $0x4;
	s6 =	smul.u32 $0x27100, s6  }
0xa: {  	s1 =	sadd.s32 s1, s0;
	s12 =	sshrl.u32 s8, $0x1;
	s10 =	sor.u32 s13, s10  }
0xb: {  	s9 =	sshrl.u32 s9, $0x2;
	s0 =	sadd.s32 $0x8C100, s0;
	s8 =	ssub.s32 s8, s12  }
0xc: {  	s10 =	smul.u32 $0x2710, s10;
	s9 =	sadd.s32 s9, s2;
	[dreg:$0x6] =	wrdreg s0  }
0xd: {  	s1 =	sadd.s32 $0x67800, s1;
	s12 =	sadd.s32 $0x124800, s2;
	[dreg:$0x3] =	wrdreg s9  }
0xe: {  	s23 =	sadd.s32 s18, s15;
	s6 =	sadd.s32 s21, s6;
	[dreg:$0x4] =	wrdreg s1  }
0xf: {  	[dreg:$0x5] =	wrdreg s12;
	s1 =	sshrl.u32 s15, $0x3;
	s25 =	sadd.s32 $0x100, s6  }
0x10: {  	s26 =	smax.u32 s8, $0x1;
	s15 =	simm.s32 $0x13980;
	s6 =	simm.s32 $0x13A80  }
0x11: {  	s8 =	simm.s32 $0x10;
	s14 =	sshrl.u32 s10, $0x3;
	s24 =	sadd.s32 s11, s1  }
0x12: {  	[dreg:$0xf] =	wrdreg s26;
	s29 =	sshrl.u32 s25, $0x3;
	s25 =	simm.s32 $0x80  }
0x13: {  	s26 =	simm.s32 $0x13B80;
	s1 =	simm.s32 $0x6;
	s16 =	sadd.s32 s5, s14  }
0x14: {  	s17 =	sadd.s32 $0x10, s14;
	s19 =	sadd.s32 s7, s14;
	[dreg:$0x7] =	wrdreg s16  }
0x15: {  	s0 =	sadd.s32 $0x4E0, s14;
	s18 =	sadd.s32 s29, s7;
	[dreg:$0x8] =	wrdreg s19  }
0x16: {  	s20 =	sadd.s32 s5, s17;
	s9 =	sadd.s32 s7, s17;
	s22 =	sadd.s32 s5, s0  }
0x17: {  	s0 =	sadd.s32 s7, s0;
	s19 =	sadd.s32 s29, s5;
	[dreg:$0x9] =	wrdreg s20  }
0x18: {  	s16 =	simm.s32 $0x13A00;
	s17 =	simm.s32 $0x17B80;
	[dreg:$0xa] =	wrdreg s9  }
0x19: {  	s5 =	simm.s32 $0x4;
	[dreg:$0xc] =	wrdreg s0;
	s0 =	sshrl.u32 s23, $0x3  }
0x1a: {  	s7 =	simm.s32 $0x13B00;
	[dreg:$0xb] =	wrdreg s22;
	s0 =	sadd.s32 s11, s0  }
0x1b: {  	s9 =	simm.s32 $0x0;
	[dreg:$0xd] =	wrdreg s0;
	s0 =	sadd.s32 $0x24900, s24  }
0x1c: {  	s24 =	simm.s32 $0x1;
	[dreg:$0xe] =	wrdreg s0;
	s0 =	simm.s32 $0x7  }
.LBB2_1:
0x1d: {  	s10 =	rddreg [dreg:$0x5]  }
0x1e: {  	s11 =	simm.s32 @p0 $0x1FC7;
	s12 =	rddreg [dreg:$0x6];
	s10 =	sshrl.u32 @p0 s10, $0x3  }
0x1f: {  	[spmem:s10], [sflag:s11] =	dma.local @p0 [hbm:s12], $0x2800  }
0x20: {  	s11 =	simm.s32 @p0 $0x7  }
0x21: {  	s12 =	stileid.u32;
	_ =	swait.ge @p0 [sflag:s11], $0x2800  }
0x22: {  	s12 =	sshll.u32 @!p0 s12, $0x6;
	[sflag:s11] =	ssyncset.done @p0 $0x0  }
0x23: {  	[sflag:s11] =	ssyncadd.s32 @p0 $0xFFFFD800;
	s11 =	sor.u32 @!p0 $0x1C07, s12;
	s12 =	rddreg [dreg:$0x3]  }
0x24: {  	s13 =	rddreg [dreg:$0x4];
	s12 =	sshrl.u32 @!p0 s12, $0x3  }
0x25: {  	[spmem:s12], [sflag:s11] =	dma.local @!p0 [hbm:s13], $0x2700  }
0x26: {  	s13 =	simm.s32 @!p0 $0x7  }
0x27: {  	_ =	swait.ge @!p0 [sflag:s13], $0x2700  }
0x28: {  	[sflag:s13] =	ssyncset.done @!p0 $0x0  }
0x29: {  	s14 =	simm.s32 $0x13880;
	s23 =	rddreg [dreg:$0x7];
	[sflag:s13] =	ssyncadd.s32 @!p0 $0xFFFFD900  }
0x2a: {  	[tilespmem:s14], [sflag:$0x1] =	stream.linear.gather [hbm4b:s23+s3], $0x80, $0x38;
	[tilespmem:$0x1BB80] =	vst v63  }
0x2b: {  	s29 =	rddreg [dreg:$0x8]  }
0x2c: {  	[tilespmem:s15], [sflag:$0x3] =	stream.linear.gather [hbm4b:s29+s3], $0x80, $0x38;
	[tilespmem:$0x1BB80] =	vst v63  }
0x2d: {  	s21 =	simm.s32 $0x13900;
	s20 =	rddreg [dreg:$0x9]  }
0x2e: {  	[tilespmem:s21], [sflag:$0x2] =	stream.linear.gather [hbm4b:s20+s3], $0x80, $0x38;
	[tilespmem:$0x1BB80] =	vst v63  }
0x2f: {  	s22 =	rddreg [dreg:$0xa]  }
0x30: {  	[tilespmem:s16], [sflag:$0x4] =	stream.linear.gather [hbm4b:s22+s3], $0x80, $0x38;
	[tilespmem:$0x1BB80] =	vst v63  }
0x31: {  	_ =	swait.ge [sflag:s24], $0x80  }
0x32: {  	[sflag:s24] =	ssyncset.done $0x0  }
0x33: {  	[sflag:s24] =	ssyncadd.s32 $0xFFFFFF80  }
0x34: {  	[tilespmem:s26], [sflag:$0x5] =	stream.indirect.gather [hbm4b:s4+s25], $0x80, s14, s25, $0xb8;
	[tilespmem:$0x1BB80] =	vst v63  }
0x35: {  	_ =	swait.ge [sflag:s28], $0x80  }
0x36: {  	s23 =	sand.u32 $0x1, s3;
	[sflag:s28] =	ssyncset.done $0x0  }
0x37: {  	p1 =	seq.s32 s23, $0x1;
	[sflag:s28] =	ssyncadd.s32 $0xFFFFFF80  }
0x38: {  	[tilespmem:s17], [sflag:$0x6] =	stream.indirect.gather [hbm4b:s4+s25], $0x80, s21, s25, $0xb8;
	[tilespmem:$0x1BB80] =	vst v63  }
0x39: {  	s13 =	simm.s32 @p1 $0x6;
	[bflag:$0x0] =	sbarrier.arrive $0xFFFF  }
0x3a: {  	_ =	swait.ge @p1 [sflag:s13], $0x4000;
	p1 =	por p1, p1  }
0x3b: {  	[sflag:s13] =	ssyncset.done @p1 $0x0;
	s14 =	simm.s32 @p1 $0x4  }
0x3c: {  	s15 =	simm.s32 @p1 $0x13900;
	[sflag:s13] =	ssyncadd.s32 @p1 $0xFFFFC000;
	s13 =	simm.s32 @p1 $0x0  }
0x3d: {  	[tilespmem:s15], [sflag:$0x2] =	stream.linear.gather @p1 [hbm4b:s19+s13], $0x80, $0x38;
	[tilespmem:$0x1BB80] =	vst v63  }
0x3e: {  	_ =	swait.ge @p1 [sflag:s14], $0x80  }
0x3f: {  	s16 =	simm.s32 @p1 $0x17B80;
	s17 =	simm.s32 @p1 $0x7;
	[sflag:s14] =	ssyncset.done @p1 $0x0  }
0x40: {  	s20 =	simm.s32 @p1 $0x13A00;
	[sflag:s14] =	ssyncadd.s32 @p1 $0xFFFFFF80;
	s14 =	simm.s32 @p1 $0x80  }
0x41: {  	[spmem:s2] =	stream.indirect.scatter.add.f32 @p1 [tilespmem:s16], [sflag:$0x7], $0x80, s20, s14, $0xb8;
	[tilespmem:$0x1BB80] =	vst v63  }
0x42: {  	_ =	swait.ge @p1 [sflag:s17], $0x4000  }
0x43: {  	[sflag:s17] =	ssyncset.done @p1 $0x0  }
0x44: {  	[sflag:s17] =	ssyncadd.s32 @p1 $0xFFFFC000;
	s17 =	simm.s32 @p1 $0x2  }
0x45: {  	[tilespmem:s20], [sflag:$0x4] =	stream.linear.gather @p1 [hbm4b:s18+s13], $0x80, $0x38;
	[tilespmem:$0x1BB80] =	vst v63  }
0x46: {  	_ =	swait.ge @p1 [sflag:s17], $0x80  }
0x47: {  	[sflag:s17] =	ssyncset.done @p1 $0x0  }
0x48: {  	s13 =	simm.s32 @!p1 $0x5;
	[sflag:s17] =	ssyncadd.s32 @p1 $0xFFFFFF80  }
0x49: {  	[tilespmem:s16], [sflag:$0x6] =	stream.indirect.gather @p1 [hbm4b:s4+s14], $0x80, s15, s14, $0xb8;
	[tilespmem:$0x1BB80] =	vst v63  }
0x4a: {  	_ =	swait.ge @!p1 [sflag:s13], $0x4000  }
0x4b: {  	s20 =	simm.s32 @!p1 $0x13880;
	[sflag:s13] =	ssyncset.done @!p1 $0x0  }
0x4c: {  	s14 =	simm.s32 @!p1 $0x3;
	[sflag:s13] =	ssyncadd.s32 @!p1 $0xFFFFC000;
	s13 =	simm.s32 @!p1 $0x0  }
0x4d: {  	[tilespmem:s20], [sflag:$0x1] =	stream.linear.gather @!p1 [hbm4b:s19+s13], $0x80, $0x38;
	[tilespmem:$0x1BB80] =	vst v63  }
0x4e: {  	_ =	swait.ge @!p1 [sflag:s14], $0x80  }
0x4f: {  	s21 =	simm.s32 @!p1 $0x80;
	s17 =	simm.s32 @!p1 $0x13B80;
	[sflag:s14] =	ssyncset.done @!p1 $0x0  }
0x50: {  	s15 =	simm.s32 @!p1 $0x7;
	[sflag:s14] =	ssyncadd.s32 @!p1 $0xFFFFFF80;
	s14 =	simm.s32 @!p1 $0x13980  }
0x51: {  	[spmem:s2] =	stream.indirect.scatter.add.f32 @!p1 [tilespmem:s17], [sflag:$0x7], $0x80, s14, s21, $0xb8;
	[tilespmem:$0x1BB80] =	vst v63  }
0x52: {  	_ =	swait.ge @!p1 [sflag:s15], $0x4000  }
0x53: {  	s29 =	simm.s32 $0x1;
	[sflag:s15] =	ssyncset.done @!p1 $0x0  }
0x54: {  	s22 =	simm.s32 @!p1 $0x1;
	[sflag:s15] =	ssyncadd.s32 @!p1 $0xFFFFC000;
	s15 =	simm.s32 $0x2  }
0x55: {  	[tilespmem:s14], [sflag:$0x3] =	stream.linear.gather @!p1 [hbm4b:s18+s13], $0x80, $0x38;
	[tilespmem:$0x1BB80] =	vst v63  }
0x56: {  	s13 =	sand.u32 $0x1, s29;
	s14 =	sadd.s32 $0x10, s19;
	_ =	swait.ge @!p1 [sflag:s22], $0x80  }
0x57: {  	p3 =	seq.s32 s13, $0x1;
	s13 =	sadd.s32 $0x10, s18;
	[sflag:s22] =	ssyncset.done @!p1 $0x0  }
.LBB2_2:
0x58: {  	s23 =	simm.s32 @p3 $0x6  }
0x59: {  	[sflag:s22] =	ssyncadd.s32 @!p1 $0xFFFFFF80;
	s16 =	smov.u32 s15;
	s15 =	sadd.s32 $0x1, s15  }
0x5a: {  	[tilespmem:s17], [sflag:$0x5] =	stream.indirect.gather @!p1 [hbm4b:s4+s21], $0x80, s20, s21, $0xb8;
	[tilespmem:$0x1BB80] =	vst v63  }
0x5b: {  	p2 =	sne.s32 s15, $0x4C;
	p1 =	por p3, p3;
	_ =	swait.ge @p3 [sflag:s23], $0x4000  }
0x5c: {  	s17 =	simm.s32 @p1 $0x4;
	[sflag:s23] =	ssyncset.done @p1 $0x0  }
0x5d: {  	s20 =	simm.s32 @p1 $0x0;
	s21 =	simm.s32 @p1 $0x13900;
	[sflag:s23] =	ssyncadd.s32 @p1 $0xFFFFC000  }
0x5e: {  	[tilespmem:s21], [sflag:$0x2] =	stream.linear.gather @p1 [hbm4b:s14+s20], $0x80, $0x38;
	[tilespmem:$0x1BB80] =	vst v63  }
0x5f: {  	_ =	swait.ge @p1 [sflag:s17], $0x80  }
0x60: {  	s22 =	simm.s32 @p1 $0x17B80;
	s23 =	simm.s32 @p1 $0x7;
	[sflag:s17] =	ssyncset.done @p1 $0x0  }
0x61: {  	s29 =	simm.s32 @p1 $0x13A00;
	[sflag:s17] =	ssyncadd.s32 @p1 $0xFFFFFF80;
	s17 =	simm.s32 @p1 $0x80  }
0x62: {  	[spmem:s2] =	stream.indirect.scatter.add.f32 @p1 [tilespmem:s22], [sflag:$0x7], $0x80, s29, s17, $0xb8;
	[tilespmem:$0x1BB80] =	vst v63  }
0x63: {  	_ =	swait.ge @p1 [sflag:s23], $0x4000  }
0x64: {  	[sflag:s23] =	ssyncset.done @p1 $0x0  }
0x65: {  	[sflag:s23] =	ssyncadd.s32 @p1 $0xFFFFC000;
	s23 =	simm.s32 @p1 $0x2  }
0x66: {  	[tilespmem:s29], [sflag:$0x4] =	stream.linear.gather @p1 [hbm4b:s13+s20], $0x80, $0x38;
	[tilespmem:$0x1BB80] =	vst v63  }
0x67: {  	_ =	swait.ge @p1 [sflag:s23], $0x80  }
0x68: {  	[sflag:s23] =	ssyncset.done @p1 $0x0  }
0x69: {  	s20 =	simm.s32 @!p1 $0x5;
	[sflag:s23] =	ssyncadd.s32 @p1 $0xFFFFFF80  }
0x6a: {  	[tilespmem:s22], [sflag:$0x6] =	stream.indirect.gather @p1 [hbm4b:s4+s17], $0x80, s21, s17, $0xb8;
	[tilespmem:$0x1BB80] =	vst v63  }
0x6b: {  	_ =	swait.ge @!p1 [sflag:s20], $0x4000  }
0x6c: {  	s21 =	simm.s32 @!p1 $0x3;
	[sflag:s20] =	ssyncset.done @!p1 $0x0  }
0x6d: {  	s23 =	simm.s32 @!p1 $0x0;
	[sflag:s20] =	ssyncadd.s32 @!p1 $0xFFFFC000;
	s20 =	simm.s32 @!p1 $0x13880  }
0x6e: {  	[tilespmem:s20], [sflag:$0x1] =	stream.linear.gather @!p1 [hbm4b:s14+s23], $0x80, $0x38;
	[tilespmem:$0x1BB80] =	vst v63  }
0x6f: {  	_ =	swait.ge @!p1 [sflag:s21], $0x80  }
0x70: {  	s17 =	simm.s32 @!p1 $0x13B80;
	s22 =	simm.s32 @!p1 $0x7;
	[sflag:s21] =	ssyncset.done @!p1 $0x0  }
0x71: {  	s29 =	simm.s32 @!p1 $0x13980;
	[sflag:s21] =	ssyncadd.s32 @!p1 $0xFFFFFF80;
	s21 =	simm.s32 @!p1 $0x80  }
0x72: {  	[spmem:s2] =	stream.indirect.scatter.add.f32 @!p1 [tilespmem:s17], [sflag:$0x7], $0x80, s29, s21, $0xb8;
	[tilespmem:$0x1BB80] =	vst v63  }
0x73: {  	_ =	swait.ge @!p1 [sflag:s22], $0x4000  }
.Ltmp0:
0x74: {  	[sflag:s22] =	ssyncset.done @!p1 $0x0;
	(pc) =	sbr.rel @p2 .LBB2_2-.Ltmp0, $4  }
0x75: {  	[sflag:s22] =	ssyncadd.s32 @!p1 $0xFFFFC000;
	s22 =	simm.s32 @!p1 $0x1  }
0x76: {  	[tilespmem:s29], [sflag:$0x3] =	stream.linear.gather @!p1 [hbm4b:s13+s23], $0x80, $0x38;
	[tilespmem:$0x1BB80] =	vst v63  }
0x77: {  	s16 =	sand.u32 $0x1, s16;
	s14 =	sadd.s32 $0x10, s14;
	_ =	swait.ge @!p1 [sflag:s22], $0x80  }
0x78: {  	p3 =	seq.s32 s16, $0x1;
	s13 =	sadd.s32 $0x10, s13;
	[sflag:s22] =	ssyncset.done @!p1 $0x0  }
0x79: {  	s15 =	simm.s32 @p3 $0x6;
	[sflag:s22] =	ssyncadd.s32 @!p1 $0xFFFFFF80  }
0x7a: {  	[tilespmem:s17], [sflag:$0x5] =	stream.indirect.gather @!p1 [hbm4b:s4+s21], $0x80, s20, s21, $0xb8;
	[tilespmem:$0x1BB80] =	vst v63  }
0x7b: {  	p1 =	por p3, p3;
	_ =	swait.ge @p3 [sflag:s15], $0x4000  }
0x7c: {  	s16 =	simm.s32 @p1 $0x4;
	[sflag:s15] =	ssyncset.done @p1 $0x0  }
0x7d: {  	s17 =	simm.s32 @p1 $0x13900;
	[sflag:s15] =	ssyncadd.s32 @p1 $0xFFFFC000;
	s15 =	simm.s32 @p1 $0x0  }
0x7e: {  	[tilespmem:s17], [sflag:$0x2] =	stream.linear.gather @p1 [hbm4b:s14+s15], $0x80, $0x38;
	[tilespmem:$0x1BB80] =	vst v63  }
0x7f: {  	_ =	swait.ge @p1 [sflag:s16], $0x80  }
0x80: {  	s20 =	simm.s32 @p1 $0x17B80;
	s21 =	simm.s32 @p1 $0x7;
	[sflag:s16] =	ssyncset.done @p1 $0x0  }
0x81: {  	s22 =	simm.s32 @p1 $0x13A00;
	[sflag:s16] =	ssyncadd.s32 @p1 $0xFFFFFF80;
	s16 =	simm.s32 @p1 $0x80  }
0x82: {  	[spmem:s2] =	stream.indirect.scatter.add.f32 @p1 [tilespmem:s20], [sflag:$0x7], $0x80, s22, s16, $0xb8;
	[tilespmem:$0x1BB80] =	vst v63  }
0x83: {  	_ =	swait.ge @p1 [sflag:s21], $0x4000  }
0x84: {  	[sflag:s21] =	ssyncset.done @p1 $0x0  }
0x85: {  	[sflag:s21] =	ssyncadd.s32 @p1 $0xFFFFC000  }
0x86: {  	[tilespmem:s22], [sflag:$0x4] =	stream.linear.gather @p1 [hbm4b:s13+s15], $0x80, $0x38;
	[tilespmem:$0x1BB80] =	vst v63  }
0x87: {  	s15 =	simm.s32 @p1 $0x2  }
0x88: {  	_ =	swait.ge @p1 [sflag:s15], $0x80  }
0x89: {  	[sflag:s15] =	ssyncset.done @p1 $0x0  }
0x8a: {  	[sflag:s15] =	ssyncadd.s32 @p1 $0xFFFFFF80;
	s15 =	simm.s32 @!p1 $0x5  }
0x8b: {  	[tilespmem:s20], [sflag:$0x6] =	stream.indirect.gather @p1 [hbm4b:s4+s16], $0x80, s17, s16, $0xb8;
	[tilespmem:$0x1BB80] =	vst v63  }
0x8c: {  	_ =	swait.ge @!p1 [sflag:s15], $0x4000  }
0x8d: {  	s16 =	simm.s32 @!p1 $0x3;
	[sflag:s15] =	ssyncset.done @!p1 $0x0  }
0x8e: {  	s17 =	simm.s32 @!p1 $0x13880;
	[sflag:s15] =	ssyncadd.s32 @!p1 $0xFFFFC000;
	s15 =	simm.s32 @!p1 $0x0  }
0x8f: {  	[tilespmem:s17], [sflag:$0x1] =	stream.linear.gather @!p1 [hbm4b:s14+s15], $0x80, $0x38;
	[tilespmem:$0x1BB80] =	vst v63  }
0x90: {  	_ =	swait.ge @!p1 [sflag:s16], $0x80  }
0x91: {  	s21 =	simm.s32 @!p1 $0x13980;
	s20 =	simm.s32 @!p1 $0x7;
	[sflag:s16] =	ssyncset.done @!p1 $0x0  }
0x92: {  	s14 =	simm.s32 @!p1 $0x13B80;
	[sflag:s16] =	ssyncadd.s32 @!p1 $0xFFFFFF80;
	s16 =	simm.s32 @!p1 $0x80  }
0x93: {  	[spmem:s2] =	stream.indirect.scatter.add.f32 @!p1 [tilespmem:s14], [sflag:$0x7], $0x80, s21, s16, $0xb8;
	[tilespmem:$0x1BB80] =	vst v63  }
0x94: {  	_ =	swait.ge @!p1 [sflag:s20], $0x4000  }
0x95: {  	[sflag:s20] =	ssyncset.done @!p1 $0x0  }
0x96: {  	[sflag:s20] =	ssyncadd.s32 @!p1 $0xFFFFC000  }
0x97: {  	[tilespmem:s21], [sflag:$0x3] =	stream.linear.gather @!p1 [hbm4b:s13+s15], $0x80, $0x38;
	[tilespmem:$0x1BB80] =	vst v63  }
0x98: {  	s13 =	simm.s32 @!p1 $0x1  }
0x99: {  	_ =	swait.ge @!p1 [sflag:s13], $0x80  }
0x9a: {  	[sflag:s13] =	ssyncset.done @!p1 $0x0  }
0x9b: {  	[sflag:s13] =	ssyncadd.s32 @!p1 $0xFFFFFF80  }
0x9c: {  	[tilespmem:s14], [sflag:$0x5] =	stream.indirect.gather @!p1 [hbm4b:s4+s16], $0x80, s17, s16, $0xb8;
	[tilespmem:$0x1BB80] =	vst v63  }
0x9d: {  	_ =	swait.ge [sflag:s30], $0x4000  }
0x9e: {  	[sflag:s30] =	ssyncset.done $0x0  }
0x9f: {  	[sflag:s30] =	ssyncadd.s32 $0xFFFFC000  }
0xa0: {  	_ =	swait.ge [sflag:s31], $0x80  }
0xa1: {  	[sflag:s31] =	ssyncset.done $0x0  }
0xa2: {  	s15 =	simm.s32 $0x13980;
	[sflag:s31] =	ssyncadd.s32 $0xFFFFFF80  }
0xa3: {  	[spmem:s2] =	stream.indirect.scatter.add.f32 [tilespmem:s26], [sflag:$0x7], $0x80, s15, s25, $0xb8;
	[tilespmem:$0x1BB80] =	vst v63  }
0xa4: {  	_ =	swait.ge [sflag:s0], $0x4000  }
0xa5: {  	[sflag:s0] =	ssyncset.done $0x0  }
0xa6: {  	[sflag:s0] =	ssyncadd.s32 $0xFFFFC000  }
0xa7: {  	_ =	swait.ge [sflag:s1], $0x4000  }
0xa8: {  	[sflag:s1] =	ssyncset.done $0x0  }
0xa9: {  	[sflag:s1] =	ssyncadd.s32 $0xFFFFC000  }
0xaa: {  	_ =	swait.ge [sflag:s5], $0x80  }
0xab: {  	[sflag:s5] =	ssyncset.done $0x0  }
0xac: {  	s16 =	simm.s32 $0x13A00;
	s17 =	simm.s32 $0x17B80;
	[sflag:s5] =	ssyncadd.s32 $0xFFFFFF80  }
0xad: {  	[spmem:s2] =	stream.indirect.scatter.add.f32 [tilespmem:s17], [sflag:$0x7], $0x80, s16, s25, $0xb8;
	[tilespmem:$0x1BB80] =	vst v63  }
0xae: {  	_ =	swait.ge [sflag:s0], $0x4000  }
0xaf: {  	[sflag:s0] =	ssyncset.done $0x0  }
0xb0: {  	s22 =	rddreg [dreg:$0xb];
	[sflag:s0] =	ssyncadd.s32 $0xFFFFC000  }
0xb1: {  	[tilespmem:s6], [sflag:$0x1] =	stream.linear.gather [hbm4b:s22+s3], $0x10, $0x38;
	[tilespmem:$0x1BB80] =	vst v63  }
0xb2: {  	s23 =	rddreg [dreg:$0xc]  }
0xb3: {  	[tilespmem:s7], [sflag:$0x3] =	stream.linear.gather [hbm4b:s23+s3], $0x10, $0x38;
	[tilespmem:$0x1BB80] =	vst v63  }
0xb4: {  	_ =	swait.ge [sflag:s24], $0x10  }
0xb5: {  	[sflag:s24] =	ssyncset.done $0x0  }
0xb6: {  	[sflag:s24] =	ssyncadd.s32 $0xFFFFFFF0  }
0xb7: {  	[tilespmem:s26], [sflag:$0x5] =	stream.indirect.gather [hbm4b:s4+s8], $0x80, s6, s8, $0xb8;
	[tilespmem:$0x1BB80] =	vst v63  }
0xb8: {  	_ =	swait.ge [sflag:s30], $0x800  }
0xb9: {  	[sflag:s30] =	ssyncset.done $0x0  }
0xba: {  	[sflag:s30] =	ssyncadd.s32 $0xFFFFF800  }
0xbb: {  	_ =	swait.ge [sflag:s31], $0x10  }
0xbc: {  	[sflag:s31] =	ssyncset.done $0x0  }
0xbd: {  	[sflag:s31] =	ssyncadd.s32 $0xFFFFFFF0  }
0xbe: {  	[spmem:s2] =	stream.indirect.scatter.add.f32 [tilespmem:s26], [sflag:$0x7], $0x80, s7, s8, $0xb8;
	[tilespmem:$0x1BB80] =	vst v63  }
0xbf: {  	_ =	swait.ge [sflag:s0], $0x800  }
0xc0: {  	[sflag:s0] =	ssyncset.done $0x0  }
0xc1: {  	[sflag:s0] =	ssyncadd.s32 $0xFFFFF800  }
0xc2: {  	[bflag:$0x0] =	sbarrier.arrive $0xFFFF  }
0xc3: {  	s13 =	simm.s32 @p0 $0x1FC7;
	s14 =	rddreg [dreg:$0xe]  }
0xc4: {  	[hbm:s14], [sflag:s13] =	dma.local @p0 [spmem:s10], $0x2800  }
0xc5: {  	s10 =	simm.s32 @p0 $0x7  }
0xc6: {  	_ =	swait.ge @p0 [sflag:s10], $0x2800  }
0xc7: {  	[sflag:s10] =	ssyncset.done @p0 $0x0  }
0xc8: {  	[sflag:s10] =	ssyncadd.s32 @p0 $0xFFFFD800;
	s10 =	rddreg [dreg:$0xd]  }
0xc9: {  	[hbm:s10], [sflag:s11] =	dma.local @!p0 [spmem:s12], $0x2700  }
0xca: {  	s10 =	simm.s32 @!p0 $0x7  }
0xcb: {  	_ =	swait.ge @!p0 [sflag:s10], $0x2700  }
0xcc: {  	s9 =	sadd.s32 $0x1, s9;
	s29 =	rddreg [dreg:$0xf]  }
0xcd: {  	p1 =	sne.s32 s9, s29  }
.Ltmp1:
0xce: {  	_ = 	snop;
	(pc) =	sbr.rel @p1 .LBB2_1-.Ltmp1, $3  }
0xcf: {  	_ =	sdelay $0x1  }
0xd0: {  	[sflag:s10] =	ssyncset.done @!p0 $0x0  }
0xd1: {  	[sflag:s10] =	ssyncadd.s32 @!p0 $0xFFFFD900  }
0xd2: {  	_ =	sfence.sel $0x180000  }
0xd3: {  	[bflag:$0x0] =	sbarrier.arrive $0xFFFF  }
0xd4: {  	_ =	strace $0x90000050  }
0xd5: {  	s0 =	stileid.u32;
	[bflag:$0x2] =	sbarrier.arrive $0xFFFF  }
0xd6: {  	p0 =	sne.s32 s0, $0x0;
	s0 =	rddreg [dreg:$0x2]  }
0xd7: {  	s0 =	sadd.s32 @!p0 $0x100000, s0  }
0xd8: {  	[sflag:s0] =	ssyncadd.tile.s32 @!p0 $0x1;
	_ =	shalt  }
.Lfunc_end2:
_tile_overlayer_lowered:
.L_overlay_start_2:
0xd9: {  	(tag) =	ssettag $0x2  }
0xda: {  	s0 =	rddreg [dreg:$0x0];
	s2 =	stileid.u32  }
0xdb: {  	s1 =	rddreg [dreg:$0x1];
	p0 =	sne.s32 s2, $0x0  }
0xdc: {  	s3 =	rddreg [dreg:$0x2];
	[bflag:$0x3] =	sbarrier.arrive $0xFFFF;
	s2 =	simm.s32 @!p0 $0x1C07  }
0xdd: {  	[timem:s3], [sflag:s2] =	dma.local @!p0 [hbm:s0], s1  }
0xde: {  	s0 =	simm.s32 @!p0 $0x7  }
0xdf: {  	_ =	swait.ge @!p0 [sflag:s0], s1  }
0xe0: {  	s1 =	ssub.s32 @!p0 $0x0, s1;
	[sflag:s0] =	ssyncset.done @!p0 $0x0  }
0xe1: {  	[sflag:s0] =	ssyncadd.s32 @!p0 s1  }
0xe2: {  	[bflag:$0x3] =	sbarrier.arrive $0xFFFF  }
0xe3: {  	_ =	shalt  }

// kernel: kernel.29.cloned.1.call-start
scs
__scs_entry_jumppad:
0x0: {  	(pc) =	sbr.rel $0x88, $3  }
0x1: {  	(tag) =	ssettag $0x0;
	lr =	simm.s32 $0x1  }
0x2: {  	[smem:$0x3F92] =	sst lr;
	_ =	strace $0xD0000000  }
0x3: {  	_ = 	snop  }
0x4: {  	_ = 	snop  }
0x5: {  	_ = 	snop  }
0x6: {  	_ = 	snop  }
0x7: {  	_ = 	snop  }
__scs_overlays_trampoline_lowered:
0x8: {  	[smem:$0x3FA1] =	sst s0  }
0x9: {  	[smem:$0x3FA2] =	sst s1  }
0xa: {  	[smem:$0x3FA3] =	sst s2  }
0xb: {  	[smem:$0x3FA4] =	sst s3  }
0xc: {  	[smem:$0x3FA5] =	sst s4  }
0xd: {  	[smem:$0x3FA6] =	sst s5  }
0xe: {  	[smem:$0x3FA7] =	sst s6  }
0xf: {  	[smem:$0x3FA8] =	sst s7  }
0x10: {  	[smem:$0x3FA9] =	sst s8  }
0x11: {  	[smem:$0x3FAA] =	sst s9;
	s0 =	simm.s32 @!p0 $0x0  }
0x12: {  	s1 =	sld [smem:$0x3F90];
	s0 =	simm.s32 @p0 $0x1  }
0x13: {  	[smem:$0x3FAB] =	sst s0;
	s0 =	simm.s32 @!p1 $0x0  }
0x14: {  	s2 =	sld [smem:$0x3F8F];
	s0 =	simm.s32 @p1 $0x1  }
0x15: {  	[smem:$0x3FAC] =	sst s0;
	s0 =	simm.s32 @!p2 $0x0  }
0x16: {  	s3 =	sld [smem:$0x3FDB];
	s0 =	simm.s32 @p2 $0x1  }
0x17: {  	s4 =	simm.s32 $0x1BF5;
	[smem:$0x3FAE] =	sst s0  }
0x18: {  	s0 =	sld [smem:$0x3F91];
	_ =	swait.ge [sflag:s4], $0x0  }
0x19: {  	s7 =	sld [smem:$0x3F92]  }
0x1a: {  	s8 =	sadd.s32 $0xFFFFE003, lr  }
0x1b: {  	s9 =	sadd.s32 $0xFFFFFEF7, lr;
	s5 =	simm.s32 $0xFFFFFFFF;
	p2 =	slt.u32 s8, $0xFFFFF086  }
0x1c: {  	p1 =	slt.u32 s9, $0xF7A;
	s5 =	simm.s32 @!p2 $0x0  }
0x1d: {  	s5 =	simm.s32 @p1 $0x1;
	p0 =	seq.s32 s7, s2  }
0x1e: {  	s7 =	smul.u32 @!p0 $0xF7A, s2;
	p2 =	seq.s32 @!p0 s5, $0x0  }
0x1f: {  	s9 =	smul.u32 $0xF7A, s1;
	s8 =	simm.s32 @!p0 $0x1BF5;
	p2 =	por !p2, p0  }
0x20: {  	[sflag:s8] =	ssyncset.s32 @!p0 $0xFFFFF086;
	s6 =	sadd.s32 @!p0 s3, s7;
	s7 =	simm.s32 @!p0 $0x108  }
0x21: {  	s3 =	sadd.s32 s3, s9;
	s6 =	sadd.s32 @!p0 $0x88, s6;
	s7 =	simm.s32 @p2 $0x1082  }
0x22: {  	[simem:s7], [sflag:s8] =	dma.local @!p0 [hbm:s6], $0xF7A  }
0x23: {  	s9 =	sor.u32 $0xD0000000, s2;
	s6 =	simm.s32 $0x108;
	_ =	swait.ge @!p0 [sflag:s8], $0x0  }
0x24: {  	s3 =	sadd.s32 $0x88, s3;
	s6 =	simm.s32 @!p1 $0x1082;
	[sflag:s4] =	ssyncset.s32 $0xFFFFF086  }
0x25: {  	[simem:s6], [sflag:s4] =	dma.local [hbm:s3], $0xF7A  }
0x26: {  	[smem:$0x3F92] =	sst s1;
	(tag) =	ssettag s2;
	_ =	strace s9  }
0x27: {  	s1 =	sld [smem:$0x3FA2]  }
0x28: {  	s2 =	sld [smem:$0x3FA3]  }
0x29: {  	s4 =	sld [smem:$0x3FA5]  }
0x2a: {  	p0 =	seq.s32 s5, $0x0;
	s5 =	sld [smem:$0x3FA6]  }
0x2b: {  	s6 =	sld [smem:$0x3FA7]  }
0x2c: {  	s7 =	sld [smem:$0x3FA8]  }
0x2d: {  	s3 =	simm.s32 $0x108;
	s8 =	sld [smem:$0x3FA9]  }
0x2e: {  	s3 =	simm.s32 @!p0 $0x1082;
	s9 =	sld [smem:$0x3FAA]  }
0x2f: {  	lr =	sadd.s32 s0, s3;
	s0 =	sld [smem:$0x3FA1]  }
0x30: {  	s3 =	sld [smem:$0x3FA4]  }
0x31: {  	[smem:$0x3FAD] =	sst s10  }
0x32: {  	s10 =	sld [smem:$0x3FAB];
	_ =	sdelay $0x3  }
0x33: {  	p0 =	seq.s32 s10, $0x1;
	s10 =	sld [smem:$0x3FAD];
	_ =	sdelay $0x3  }
0x34: {  	[smem:$0x3FAD] =	sst s10  }
0x35: {  	s10 =	sld [smem:$0x3FAC];
	_ =	sdelay $0x3  }
0x36: {  	p1 =	seq.s32 s10, $0x1;
	s10 =	sld [smem:$0x3FAD];
	_ =	sdelay $0x3  }
0x37: {  	[smem:$0x3FAD] =	sst s10  }
0x38: {  	s10 =	sld [smem:$0x3FAE]  }
0x39: {  	_ = 	snop;
	(pc) =	sbr.ind lr, $3  }
0x3a: {  	_ = 	snop  }
0x3b: {  	_ = 	snop  }
0x3c: {  	p2 =	seq.s32 s10, $0x1;
	s10 =	sld [smem:$0x3FAD]  }
0x3d: {  	_ =	shalt  }
0x3e: {  	_ =	shalt  }
0x3f: {  	_ =	shalt  }
0x40: {  	_ =	shalt  }
0x41: {  	_ =	shalt  }
0x42: {  	_ =	shalt  }
0x43: {  	_ =	shalt  }
0x44: {  	_ =	shalt  }
0x45: {  	_ =	shalt  }
0x46: {  	_ =	shalt  }
0x47: {  	_ =	shalt  }
0x48: {  	_ =	shalt  }
0x49: {  	_ =	shalt  }
0x4a: {  	_ =	shalt  }
0x4b: {  	_ =	shalt  }
0x4c: {  	_ =	shalt  }
0x4d: {  	_ =	shalt  }
0x4e: {  	_ =	shalt  }
0x4f: {  	_ =	shalt  }
0x50: {  	_ =	shalt  }
0x51: {  	_ =	shalt  }
0x52: {  	_ =	shalt  }
0x53: {  	_ =	shalt  }
0x54: {  	_ =	shalt  }
0x55: {  	_ =	shalt  }
0x56: {  	_ =	shalt  }
0x57: {  	_ =	shalt  }
0x58: {  	_ =	shalt  }
0x59: {  	_ =	shalt  }
0x5a: {  	_ =	shalt  }
0x5b: {  	_ =	shalt  }
0x5c: {  	_ =	shalt  }
0x5d: {  	_ =	shalt  }
0x5e: {  	_ =	shalt  }
0x5f: {  	_ =	shalt  }
0x60: {  	_ =	shalt  }
0x61: {  	_ =	shalt  }
0x62: {  	_ =	shalt  }
0x63: {  	_ =	shalt  }
0x64: {  	_ =	shalt  }
0x65: {  	_ =	shalt  }
0x66: {  	_ =	shalt  }
0x67: {  	_ =	shalt  }
0x68: {  	_ =	shalt  }
0x69: {  	_ =	shalt  }
0x6a: {  	_ =	shalt  }
0x6b: {  	_ =	shalt  }
0x6c: {  	_ =	shalt  }
0x6d: {  	_ =	shalt  }
0x6e: {  	_ =	shalt  }
0x6f: {  	_ =	shalt  }
0x70: {  	_ =	shalt  }
0x71: {  	_ =	shalt  }
0x72: {  	_ =	shalt  }
0x73: {  	_ =	shalt  }
0x74: {  	_ =	shalt  }
0x75: {  	_ =	shalt  }
0x76: {  	_ =	shalt  }
0x77: {  	_ =	shalt  }
0x78: {  	_ =	shalt  }
0x79: {  	_ =	shalt  }
0x7a: {  	_ =	shalt  }
0x7b: {  	_ =	shalt  }
0x7c: {  	_ =	shalt  }
0x7d: {  	_ =	shalt  }
0x7e: {  	_ =	shalt  }
0x7f: {  	_ =	shalt  }
0x80: {  	_ =	shalt  }
0x81: {  	_ =	shalt  }
0x82: {  	_ =	shalt  }
0x83: {  	_ =	shalt  }
0x84: {  	_ =	shalt  }
0x85: {  	_ =	shalt  }
0x86: {  	_ =	shalt  }
0x87: {  	_ =	shalt  }
.Lfunc_end0:
.L_simem_size_0:
called_computation.4_lowered:
.L_overlay_start_0:
0x88: {  	s2 =	sld [smem:$0x3FD9]  }
0x89: {  	s3 =	sld [smem:$0x3FFE];
	_ =	sdelay $0x1  }
0x8a: {  	s1 =	srdreg.scid  }
0x8b: {  	s0 =	sand.u32 $0x1, s1  }
0x8c: {  	s16 =	sshll.u32 s0, $0xA;
	s2 =	sadd.s32 s3, s2  }
0x8d: {  	s2 =	sadd.s32 s2, s16  }
0x8e: {  	[smem:$0x3FB9] =	sst s2  }
0x8f: {  	_ = 	snop  }
0x90: {  	(tm) =	ssettm $0x1  }
0x91: {  	s17 =	sld [smem:$0x3FFB];
	_ =	sdelay $0x3  }
0x92: {  	_ =	strace s17  }
0x93: {  	s2 =	sld [smem:$0x3FFC];
	_ =	sdelay $0x3  }
0x94: {  	_ =	strace s2  }
0x95: {  	s2 =	sld [smem:$0x3FFD];
	_ =	sdelay $0x3  }
0x96: {  	_ =	strace s2  }
0x97: {  	_ =	strace $0x8FFFFFFF  }
0x98: {  	s18 =	sld [smem:$0x3FDB];
	_ =	sdelay $0x1  }
0x99: {  	s19 =	simm.s32 $_scs_section_size  }
0x9a: {  	s4 =	simm.s32 $_size__tile_overlayer_lowered;
	s5 =	simm.s32 $_tile_overlayer_lowered  }
0x9b: {  	s22 =	simm.s32 $0x1BFF;
	s21 =	sshll.u32 s5, $0x1;
	s2 =	sadd.s32 s19, s18  }
0x9c: {  	s6 =	simm.s32 $0x0;
	s20 =	sshll.u32 s4, $0x1;
	s4 =	sadd.s32 s21, s2  }
0x9d: {  	[timem:s6], [sflag:s22] =	dma.local [hbm:s4], s20  }
0x9e: {  	_ =	swait.ge [sflag:s22], s20  }
0x9f: {  	s3 =	ssub.s32 $0x0, s20;
	[sflag:s22] =	ssyncset.done $0x0  }
0xa0: {  	[sflag:s22] =	ssyncadd.s32 s3;
	_ =	sdelay $0x1  }
0xa1: {  	s23 =	simm.s32 $0x1B8B  }
0xa2: {  	_ =	swait.ge [sflag:s23], $0x1  }
0xa3: {  	[sflag:s23] =	ssyncset.done $0x0  }
0xa4: {  	s25 =	simm.s32 $0x1B8E;
	s24 =	sld [smem:$0x3FFE];
	[sflag:s23] =	ssyncadd.s32 $0xFFFFFFFF  }
0xa5: {  	s26 =	simm.s32 $execute0_lowered;
	[smem:$0x3FD2] =	sst s25  }
0xa6: {  	s4 =	sshll.u32 s26, $0x1;
	_ =	strace $0x80000052;
	[dreg:$0x1] =	wrdreg $0xFFFFFFFF  }
0xa7: {  	s28 =	simm.s32 $_size_execute0_lowered;
	s2 =	sadd.s32 s2, s4;
	[dreg:$0x0] =	wrdreg $0x0  }
0xa8: {  	s4 =	sshll.u32 s28, $0x1;
	[dreg:$0x2] =	wrdreg s2  }
0xa9: {  	[dreg:$0x3] =	wrdreg s4  }
0xaa: {  	[dreg:$0x4] =	wrdreg $0xC0  }
0xab: {  	_ =	task [dreg:s6], $0x5FFFF  }
0xac: {  	[dreg:$0x1] =	wrdreg $0xFFFFFFFF  }
0xad: {  	[dreg:$0x0] =	wrdreg $0x60  }
0xae: {  	[dreg:$0x2] =	wrdreg s24  }
0xaf: {  	[dreg:$0x3] =	wrdreg $0x0  }
0xb0: {  	[dreg:$0x4] =	wrdreg $0x9  }
0xb1: {  	_ =	task.clear_ibuf [dreg:s6], $0x5FFFF;
	_ =	strace $0x90000052  }
0xb2: {  	s29 =	simm.s32 $0x9;
	_ =	strace $0x80000054  }
0xb3: {  	_ =	swait.ge [sflag:s29], $0x1  }
0xb4: {  	[sflag:s29] =	ssyncadd.s32 $0xFFFFFFFF  }
0xb5: {  	_ =	strace $0x90000054  }
0xb6: {  	_ =	sfence  }
0xb7: {  	s30 =	sld [smem:$0x0];
	_ =	sdelay $0x2  }
0xb8: {  	s31 =	sshll.u32 s1, $0xD;
	s1 =	sshrl.u32 s1, $0x2  }
0xb9: {  	s3 =	sand.u32 $0x4000, s31;
	s1 =	sadd.s32 s1, s30  }
0xba: {  	s0 =	sor.u32 s3, s0;
	s1 =	sshll.u32 s1, $0x11  }
0xbb: {  	s0 =	sor.u32 s1, s0  }
0xbc: {  	s0 =	sadd.s32 $0x8F2B, s0  }
0xbd: {  	[sflag:s0] =	ssyncadd.remote.s32 $0x1  }
0xbe: {  	_ =	sfence.sel $0xFFFF  }
0xbf: {  	[dreg:$0x0] =	wrdreg $0xFFFFFFFF;
	(pc) =	sbr.abs _section_cstart, $3  }
0xc0: {  	[dreg:$0x1] =	wrdreg $0xFFFFFFFF  }
0xc1: {  	_ =	task.clear_ibuf [dreg:s6], $0x2FFFF;
	_ =	strace $0x9FFFFFFF  }
0xc2: {  	(tm) =	ssettm $0x7FFFFFFF  }
0xc3: {  	_ =	shalt  }
tec
execute0_lowered:
.L_overlay_start_1:
0x0: {  	(tag) =	ssettag $0x1  }
0x1: {  	s0 =	rddreg [dreg:$0x0]  }
0x2: {  	s2 =	rddreg [dreg:$0x1];
	s3 =	simm.s32 $0x0  }
0x3: {  	s13 =	stileid.u32;
	s6 =	srdreg.scid;
	s28 =	simm.s32 $0x2  }
0x4: {  	s30 =	simm.s32 $0x5;
	[smem:$0x7FF] =	sst s3;
	s1 =	smul.u32 $0x2700, s13  }
0x5: {  	s4 =	sadd.s32 $0x40600, s0;
	s5 =	sadd.s32 $0x5800, s0;
	s9 =	smul.u32 $0x4E000, s13  }
0x6: {  	s7 =	sadd.s32 $0xF600, s0;
	s6 =	sand.u32 $0x1, s6;
	s18 =	smul.u32 $0x13800, s13  }
0x7: {  	s11 =	sadd.s32 $0xB5C00, s0;
	s21 =	smul.u32 $0x2710, s13;
	p0 =	seq.s32 s13, $0xF  }
0x8: {  	s31 =	simm.s32 $0x3;
	_ =	strace $0x80000053;
	s15 =	smul.u32 $0x138800, s6  }
0x9: {  	s8 =	ssub.s32 $0x2, s6;
	s10 =	sshll.u32 s6, $0x4;
	s6 =	smul.u32 $0x27100, s6  }
0xa: {  	s1 =	sadd.s32 s1, s0;
	s12 =	sshrl.u32 s8, $0x1;
	s10 =	sor.u32 s13, s10  }
0xb: {  	s9 =	sshrl.u32 s9, $0x2;
	s0 =	sadd.s32 $0x8C100, s0;
	s8 =	ssub.s32 s8, s12  }
0xc: {  	s10 =	smul.u32 $0x2710, s10;
	s9 =	sadd.s32 s9, s2;
	[dreg:$0x6] =	wrdreg s0  }
0xd: {  	s1 =	sadd.s32 $0x67800, s1;
	s12 =	sadd.s32 $0x124800, s2;
	[dreg:$0x3] =	wrdreg s9  }
0xe: {  	s23 =	sadd.s32 s18, s15;
	s6 =	sadd.s32 s21, s6;
	[dreg:$0x4] =	wrdreg s1  }
0xf: {  	[dreg:$0x5] =	wrdreg s12;
	s1 =	sshrl.u32 s15, $0x3;
	s25 =	sadd.s32 $0x100, s6  }
0x10: {  	s26 =	smax.u32 s8, $0x1;
	s15 =	simm.s32 $0x13980;
	s6 =	simm.s32 $0x13A80  }
0x11: {  	s8 =	simm.s32 $0x10;
	s14 =	sshrl.u32 s10, $0x3;
	s24 =	sadd.s32 s11, s1  }
0x12: {  	[dreg:$0xf] =	wrdreg s26;
	s29 =	sshrl.u32 s25, $0x3;
	s25 =	simm.s32 $0x80  }
0x13: {  	s26 =	simm.s32 $0x13B80;
	s1 =	simm.s32 $0x6;
	s16 =	sadd.s32 s5, s14  }
0x14: {  	s17 =	sadd.s32 $0x10, s14;
	s19 =	sadd.s32 s7, s14;
	[dreg:$0x7] =	wrdreg s16  }
0x15: {  	s0 =	sadd.s32 $0x4E0, s14;
	s18 =	sadd.s32 s29, s7;
	[dreg:$0x8] =	wrdreg s19  }
0x16: {  	s20 =	sadd.s32 s5, s17;
	s9 =	sadd.s32 s7, s17;
	s22 =	sadd.s32 s5, s0  }
0x17: {  	s0 =	sadd.s32 s7, s0;
	s19 =	sadd.s32 s29, s5;
	[dreg:$0x9] =	wrdreg s20  }
0x18: {  	s16 =	simm.s32 $0x13A00;
	s17 =	simm.s32 $0x17B80;
	[dreg:$0xa] =	wrdreg s9  }
0x19: {  	s5 =	simm.s32 $0x4;
	[dreg:$0xc] =	wrdreg s0;
	s0 =	sshrl.u32 s23, $0x3  }
0x1a: {  	s7 =	simm.s32 $0x13B00;
	[dreg:$0xb] =	wrdreg s22;
	s0 =	sadd.s32 s11, s0  }
0x1b: {  	s9 =	simm.s32 $0x0;
	[dreg:$0xd] =	wrdreg s0;
	s0 =	sadd.s32 $0x24900, s24  }
0x1c: {  	s24 =	simm.s32 $0x1;
	[dreg:$0xe] =	wrdreg s0;
	s0 =	simm.s32 $0x7  }
.LBB2_1:
0x1d: {  	s10 =	rddreg [dreg:$0x5]  }
0x1e: {  	s11 =	simm.s32 @p0 $0x1FC7;
	s12 =	rddreg [dreg:$0x6];
	s10 =	sshrl.u32 @p0 s10, $0x3  }
0x1f: {  	[spmem:s10], [sflag:s11] =	dma.local @p0 [hbm:s12], $0x2800  }
0x20: {  	s11 =	simm.s32 @p0 $0x7  }
0x21: {  	s12 =	stileid.u32;
	_ =	swait.ge @p0 [sflag:s11], $0x2800  }
0x22: {  	s12 =	sshll.u32 @!p0 s12, $0x6;
	[sflag:s11] =	ssyncset.done @p0 $0x0  }
0x23: {  	[sflag:s11] =	ssyncadd.s32 @p0 $0xFFFFD800;
	s11 =	sor.u32 @!p0 $0x1C07, s12;
	s12 =	rddreg [dreg:$0x3]  }
0x24: {  	s13 =	rddreg [dreg:$0x4];
	s12 =	sshrl.u32 @!p0 s12, $0x3  }
0x25: {  	[spmem:s12], [sflag:s11] =	dma.local @!p0 [hbm:s13], $0x2700  }
0x26: {  	s13 =	simm.s32 @!p0 $0x7  }
0x27: {  	_ =	swait.ge @!p0 [sflag:s13], $0x2700  }
0x28: {  	[sflag:s13] =	ssyncset.done @!p0 $0x0  }
0x29: {  	s14 =	simm.s32 $0x13880;
	s23 =	rddreg [dreg:$0x7];
	[sflag:s13] =	ssyncadd.s32 @!p0 $0xFFFFD900  }
0x2a: {  	[tilespmem:s14], [sflag:$0x1] =	stream.linear.gather [hbm4b:s23+s3], $0x80, $0x38;
	[tilespmem:$0x1BB80] =	vst v63  }
0x2b: {  	s29 =	rddreg [dreg:$0x8]  }
0x2c: {  	[tilespmem:s15], [sflag:$0x3] =	stream.linear.gather [hbm4b:s29+s3], $0x80, $0x38;
	[tilespmem:$0x1BB80] =	vst v63  }
0x2d: {  	s21 =	simm.s32 $0x13900;
	s20 =	rddreg [dreg:$0x9]  }
0x2e: {  	[tilespmem:s21], [sflag:$0x2] =	stream.linear.gather [hbm4b:s20+s3], $0x80, $0x38;
	[tilespmem:$0x1BB80] =	vst v63  }
0x2f: {  	s22 =	rddreg [dreg:$0xa]  }
0x30: {  	[tilespmem:s16], [sflag:$0x4] =	stream.linear.gather [hbm4b:s22+s3], $0x80, $0x38;
	[tilespmem:$0x1BB80] =	vst v63  }
0x31: {  	_ =	swait.ge [sflag:s24], $0x80  }
0x32: {  	[sflag:s24] =	ssyncset.done $0x0  }
0x33: {  	[sflag:s24] =	ssyncadd.s32 $0xFFFFFF80  }
0x34: {  	[tilespmem:s26], [sflag:$0x5] =	stream.indirect.gather [hbm4b:s4+s25], $0x80, s14, s25, $0xb8;
	[tilespmem:$0x1BB80] =	vst v63  }
0x35: {  	_ =	swait.ge [sflag:s28], $0x80  }
0x36: {  	s23 =	sand.u32 $0x1, s3;
	[sflag:s28] =	ssyncset.done $0x0  }
0x37: {  	p1 =	seq.s32 s23, $0x1;
	[sflag:s28] =	ssyncadd.s32 $0xFFFFFF80  }
0x38: {  	[tilespmem:s17], [sflag:$0x6] =	stream.indirect.gather [hbm4b:s4+s25], $0x80, s21, s25, $0xb8;
	[tilespmem:$0x1BB80] =	vst v63  }
0x39: {  	s13 =	simm.s32 @p1 $0x6;
	[bflag:$0x0] =	sbarrier.arrive $0xFFFF  }
0x3a: {  	_ =	swait.ge @p1 [sflag:s13], $0x4000;
	p1 =	por p1, p1  }
0x3b: {  	[sflag:s13] =	ssyncset.done @p1 $0x0;
	s14 =	simm.s32 @p1 $0x4  }
0x3c: {  	s15 =	simm.s32 @p1 $0x13900;
	[sflag:s13] =	ssyncadd.s32 @p1 $0xFFFFC000;
	s13 =	simm.s32 @p1 $0x0  }
0x3d: {  	[tilespmem:s15], [sflag:$0x2] =	stream.linear.gather @p1 [hbm4b:s19+s13], $0x80, $0x38;
	[tilespmem:$0x1BB80] =	vst v63  }
0x3e: {  	_ =	swait.ge @p1 [sflag:s14], $0x80  }
0x3f: {  	s16 =	simm.s32 @p1 $0x17B80;
	s17 =	simm.s32 @p1 $0x7;
	[sflag:s14] =	ssyncset.done @p1 $0x0  }
0x40: {  	s20 =	simm.s32 @p1 $0x13A00;
	[sflag:s14] =	ssyncadd.s32 @p1 $0xFFFFFF80;
	s14 =	simm.s32 @p1 $0x80  }
0x41: {  	[spmem:s2] =	stream.indirect.scatter.add.f32 @p1 [tilespmem:s16], [sflag:$0x7], $0x80, s20, s14, $0xb8;
	[tilespmem:$0x1BB80] =	vst v63  }
0x42: {  	_ =	swait.ge @p1 [sflag:s17], $0x4000  }
0x43: {  	[sflag:s17] =	ssyncset.done @p1 $0x0  }
0x44: {  	[sflag:s17] =	ssyncadd.s32 @p1 $0xFFFFC000;
	s17 =	simm.s32 @p1 $0x2  }
0x45: {  	[tilespmem:s20], [sflag:$0x4] =	stream.linear.gather @p1 [hbm4b:s18+s13], $0x80, $0x38;
	[tilespmem:$0x1BB80] =	vst v63  }
0x46: {  	_ =	swait.ge @p1 [sflag:s17], $0x80  }
0x47: {  	[sflag:s17] =	ssyncset.done @p1 $0x0  }
0x48: {  	s13 =	simm.s32 @!p1 $0x5;
	[sflag:s17] =	ssyncadd.s32 @p1 $0xFFFFFF80  }
0x49: {  	[tilespmem:s16], [sflag:$0x6] =	stream.indirect.gather @p1 [hbm4b:s4+s14], $0x80, s15, s14, $0xb8;
	[tilespmem:$0x1BB80] =	vst v63  }
0x4a: {  	_ =	swait.ge @!p1 [sflag:s13], $0x4000  }
0x4b: {  	s20 =	simm.s32 @!p1 $0x13880;
	[sflag:s13] =	ssyncset.done @!p1 $0x0  }
0x4c: {  	s14 =	simm.s32 @!p1 $0x3;
	[sflag:s13] =	ssyncadd.s32 @!p1 $0xFFFFC000;
	s13 =	simm.s32 @!p1 $0x0  }
0x4d: {  	[tilespmem:s20], [sflag:$0x1] =	stream.linear.gather @!p1 [hbm4b:s19+s13], $0x80, $0x38;
	[tilespmem:$0x1BB80] =	vst v63  }
0x4e: {  	_ =	swait.ge @!p1 [sflag:s14], $0x80  }
0x4f: {  	s21 =	simm.s32 @!p1 $0x80;
	s17 =	simm.s32 @!p1 $0x13B80;
	[sflag:s14] =	ssyncset.done @!p1 $0x0  }
0x50: {  	s15 =	simm.s32 @!p1 $0x7;
	[sflag:s14] =	ssyncadd.s32 @!p1 $0xFFFFFF80;
	s14 =	simm.s32 @!p1 $0x13980  }
0x51: {  	[spmem:s2] =	stream.indirect.scatter.add.f32 @!p1 [tilespmem:s17], [sflag:$0x7], $0x80, s14, s21, $0xb8;
	[tilespmem:$0x1BB80] =	vst v63  }
0x52: {  	_ =	swait.ge @!p1 [sflag:s15], $0x4000  }
0x53: {  	s29 =	simm.s32 $0x1;
	[sflag:s15] =	ssyncset.done @!p1 $0x0  }
0x54: {  	s22 =	simm.s32 @!p1 $0x1;
	[sflag:s15] =	ssyncadd.s32 @!p1 $0xFFFFC000;
	s15 =	simm.s32 $0x2  }
0x55: {  	[tilespmem:s14], [sflag:$0x3] =	stream.linear.gather @!p1 [hbm4b:s18+s13], $0x80, $0x38;
	[tilespmem:$0x1BB80] =	vst v63  }
0x56: {  	s13 =	sand.u32 $0x1, s29;
	s14 =	sadd.s32 $0x10, s19;
	_ =	swait.ge @!p1 [sflag:s22], $0x80  }
0x57: {  	p3 =	seq.s32 s13, $0x1;
	s13 =	sadd.s32 $0x10, s18;
	[sflag:s22] =	ssyncset.done @!p1 $0x0  }
.LBB2_2:
0x58: {  	s23 =	simm.s32 @p3 $0x6  }
0x59: {  	[sflag:s22] =	ssyncadd.s32 @!p1 $0xFFFFFF80;
	s16 =	smov.u32 s15;
	s15 =	sadd.s32 $0x1, s15  }
0x5a: {  	[tilespmem:s17], [sflag:$0x5] =	stream.indirect.gather @!p1 [hbm4b:s4+s21], $0x80, s20, s21, $0xb8;
	[tilespmem:$0x1BB80] =	vst v63  }
0x5b: {  	p2 =	sne.s32 s15, $0x4C;
	p1 =	por p3, p3;
	_ =	swait.ge @p3 [sflag:s23], $0x4000  }
0x5c: {  	s17 =	simm.s32 @p1 $0x4;
	[sflag:s23] =	ssyncset.done @p1 $0x0  }
0x5d: {  	s20 =	simm.s32 @p1 $0x0;
	s21 =	simm.s32 @p1 $0x13900;
	[sflag:s23] =	ssyncadd.s32 @p1 $0xFFFFC000  }
0x5e: {  	[tilespmem:s21], [sflag:$0x2] =	stream.linear.gather @p1 [hbm4b:s14+s20], $0x80, $0x38;
	[tilespmem:$0x1BB80] =	vst v63  }
0x5f: {  	_ =	swait.ge @p1 [sflag:s17], $0x80  }
0x60: {  	s22 =	simm.s32 @p1 $0x17B80;
	s23 =	simm.s32 @p1 $0x7;
	[sflag:s17] =	ssyncset.done @p1 $0x0  }
0x61: {  	s29 =	simm.s32 @p1 $0x13A00;
	[sflag:s17] =	ssyncadd.s32 @p1 $0xFFFFFF80;
	s17 =	simm.s32 @p1 $0x80  }
0x62: {  	[spmem:s2] =	stream.indirect.scatter.add.f32 @p1 [tilespmem:s22], [sflag:$0x7], $0x80, s29, s17, $0xb8;
	[tilespmem:$0x1BB80] =	vst v63  }
0x63: {  	_ =	swait.ge @p1 [sflag:s23], $0x4000  }
0x64: {  	[sflag:s23] =	ssyncset.done @p1 $0x0  }
0x65: {  	[sflag:s23] =	ssyncadd.s32 @p1 $0xFFFFC000;
	s23 =	simm.s32 @p1 $0x2  }
0x66: {  	[tilespmem:s29], [sflag:$0x4] =	stream.linear.gather @p1 [hbm4b:s13+s20], $0x80, $0x38;
	[tilespmem:$0x1BB80] =	vst v63  }
0x67: {  	_ =	swait.ge @p1 [sflag:s23], $0x80  }
0x68: {  	[sflag:s23] =	ssyncset.done @p1 $0x0  }
0x69: {  	s20 =	simm.s32 @!p1 $0x5;
	[sflag:s23] =	ssyncadd.s32 @p1 $0xFFFFFF80  }
0x6a: {  	[tilespmem:s22], [sflag:$0x6] =	stream.indirect.gather @p1 [hbm4b:s4+s17], $0x80, s21, s17, $0xb8;
	[tilespmem:$0x1BB80] =	vst v63  }
0x6b: {  	_ =	swait.ge @!p1 [sflag:s20], $0x4000  }
0x6c: {  	s21 =	simm.s32 @!p1 $0x3;
	[sflag:s20] =	ssyncset.done @!p1 $0x0  }
0x6d: {  	s23 =	simm.s32 @!p1 $0x0;
	[sflag:s20] =	ssyncadd.s32 @!p1 $0xFFFFC000;
	s20 =	simm.s32 @!p1 $0x13880  }
0x6e: {  	[tilespmem:s20], [sflag:$0x1] =	stream.linear.gather @!p1 [hbm4b:s14+s23], $0x80, $0x38;
	[tilespmem:$0x1BB80] =	vst v63  }
0x6f: {  	_ =	swait.ge @!p1 [sflag:s21], $0x80  }
0x70: {  	s17 =	simm.s32 @!p1 $0x13B80;
	s22 =	simm.s32 @!p1 $0x7;
	[sflag:s21] =	ssyncset.done @!p1 $0x0  }
0x71: {  	s29 =	simm.s32 @!p1 $0x13980;
	[sflag:s21] =	ssyncadd.s32 @!p1 $0xFFFFFF80;
	s21 =	simm.s32 @!p1 $0x80  }
0x72: {  	[spmem:s2] =	stream.indirect.scatter.add.f32 @!p1 [tilespmem:s17], [sflag:$0x7], $0x80, s29, s21, $0xb8;
	[tilespmem:$0x1BB80] =	vst v63  }
0x73: {  	_ =	swait.ge @!p1 [sflag:s22], $0x4000  }
.Ltmp0:
0x74: {  	[sflag:s22] =	ssyncset.done @!p1 $0x0;
	(pc) =	sbr.rel @p2 .LBB2_2-.Ltmp0, $4  }
0x75: {  	[sflag:s22] =	ssyncadd.s32 @!p1 $0xFFFFC000;
	s22 =	simm.s32 @!p1 $0x1  }
0x76: {  	[tilespmem:s29], [sflag:$0x3] =	stream.linear.gather @!p1 [hbm4b:s13+s23], $0x80, $0x38;
	[tilespmem:$0x1BB80] =	vst v63  }
0x77: {  	s16 =	sand.u32 $0x1, s16;
	s14 =	sadd.s32 $0x10, s14;
	_ =	swait.ge @!p1 [sflag:s22], $0x80  }
0x78: {  	p3 =	seq.s32 s16, $0x1;
	s13 =	sadd.s32 $0x10, s13;
	[sflag:s22] =	ssyncset.done @!p1 $0x0  }
0x79: {  	s15 =	simm.s32 @p3 $0x6;
	[sflag:s22] =	ssyncadd.s32 @!p1 $0xFFFFFF80  }
0x7a: {  	[tilespmem:s17], [sflag:$0x5] =	stream.indirect.gather @!p1 [hbm4b:s4+s21], $0x80, s20, s21, $0xb8;
	[tilespmem:$0x1BB80] =	vst v63  }
0x7b: {  	p1 =	por p3, p3;
	_ =	swait.ge @p3 [sflag:s15], $0x4000  }
0x7c: {  	s16 =	simm.s32 @p1 $0x4;
	[sflag:s15] =	ssyncset.done @p1 $0x0  }
0x7d: {  	s17 =	simm.s32 @p1 $0x13900;
	[sflag:s15] =	ssyncadd.s32 @p1 $0xFFFFC000;
	s15 =	simm.s32 @p1 $0x0  }
0x7e: {  	[tilespmem:s17], [sflag:$0x2] =	stream.linear.gather @p1 [hbm4b:s14+s15], $0x80, $0x38;
	[tilespmem:$0x1BB80] =	vst v63  }
0x7f: {  	_ =	swait.ge @p1 [sflag:s16], $0x80  }
0x80: {  	s20 =	simm.s32 @p1 $0x17B80;
	s21 =	simm.s32 @p1 $0x7;
	[sflag:s16] =	ssyncset.done @p1 $0x0  }
0x81: {  	s22 =	simm.s32 @p1 $0x13A00;
	[sflag:s16] =	ssyncadd.s32 @p1 $0xFFFFFF80;
	s16 =	simm.s32 @p1 $0x80  }
0x82: {  	[spmem:s2] =	stream.indirect.scatter.add.f32 @p1 [tilespmem:s20], [sflag:$0x7], $0x80, s22, s16, $0xb8;
	[tilespmem:$0x1BB80] =	vst v63  }
0x83: {  	_ =	swait.ge @p1 [sflag:s21], $0x4000  }
0x84: {  	[sflag:s21] =	ssyncset.done @p1 $0x0  }
0x85: {  	[sflag:s21] =	ssyncadd.s32 @p1 $0xFFFFC000  }
0x86: {  	[tilespmem:s22], [sflag:$0x4] =	stream.linear.gather @p1 [hbm4b:s13+s15], $0x80, $0x38;
	[tilespmem:$0x1BB80] =	vst v63  }
0x87: {  	s15 =	simm.s32 @p1 $0x2  }
0x88: {  	_ =	swait.ge @p1 [sflag:s15], $0x80  }
0x89: {  	[sflag:s15] =	ssyncset.done @p1 $0x0  }
0x8a: {  	[sflag:s15] =	ssyncadd.s32 @p1 $0xFFFFFF80;
	s15 =	simm.s32 @!p1 $0x5  }
0x8b: {  	[tilespmem:s20], [sflag:$0x6] =	stream.indirect.gather @p1 [hbm4b:s4+s16], $0x80, s17, s16, $0xb8;
	[tilespmem:$0x1BB80] =	vst v63  }
0x8c: {  	_ =	swait.ge @!p1 [sflag:s15], $0x4000  }
0x8d: {  	s16 =	simm.s32 @!p1 $0x3;
	[sflag:s15] =	ssyncset.done @!p1 $0x0  }
0x8e: {  	s17 =	simm.s32 @!p1 $0x13880;
	[sflag:s15] =	ssyncadd.s32 @!p1 $0xFFFFC000;
	s15 =	simm.s32 @!p1 $0x0  }
0x8f: {  	[tilespmem:s17], [sflag:$0x1] =	stream.linear.gather @!p1 [hbm4b:s14+s15], $0x80, $0x38;
	[tilespmem:$0x1BB80] =	vst v63  }
0x90: {  	_ =	swait.ge @!p1 [sflag:s16], $0x80  }
0x91: {  	s21 =	simm.s32 @!p1 $0x13980;
	s20 =	simm.s32 @!p1 $0x7;
	[sflag:s16] =	ssyncset.done @!p1 $0x0  }
0x92: {  	s14 =	simm.s32 @!p1 $0x13B80;
	[sflag:s16] =	ssyncadd.s32 @!p1 $0xFFFFFF80;
	s16 =	simm.s32 @!p1 $0x80  }
0x93: {  	[spmem:s2] =	stream.indirect.scatter.add.f32 @!p1 [tilespmem:s14], [sflag:$0x7], $0x80, s21, s16, $0xb8;
	[tilespmem:$0x1BB80] =	vst v63  }
0x94: {  	_ =	swait.ge @!p1 [sflag:s20], $0x4000  }
0x95: {  	[sflag:s20] =	ssyncset.done @!p1 $0x0  }
0x96: {  	[sflag:s20] =	ssyncadd.s32 @!p1 $0xFFFFC000  }
0x97: {  	[tilespmem:s21], [sflag:$0x3] =	stream.linear.gather @!p1 [hbm4b:s13+s15], $0x80, $0x38;
	[tilespmem:$0x1BB80] =	vst v63  }
0x98: {  	s13 =	simm.s32 @!p1 $0x1  }
0x99: {  	_ =	swait.ge @!p1 [sflag:s13], $0x80  }
0x9a: {  	[sflag:s13] =	ssyncset.done @!p1 $0x0  }
0x9b: {  	[sflag:s13] =	ssyncadd.s32 @!p1 $0xFFFFFF80  }
0x9c: {  	[tilespmem:s14], [sflag:$0x5] =	stream.indirect.gather @!p1 [hbm4b:s4+s16], $0x80, s17, s16, $0xb8;
	[tilespmem:$0x1BB80] =	vst v63  }
0x9d: {  	_ =	swait.ge [sflag:s30], $0x4000  }
0x9e: {  	[sflag:s30] =	ssyncset.done $0x0  }
0x9f: {  	[sflag:s30] =	ssyncadd.s32 $0xFFFFC000  }
0xa0: {  	_ =	swait.ge [sflag:s31], $0x80  }
0xa1: {  	[sflag:s31] =	ssyncset.done $0x0  }
0xa2: {  	s15 =	simm.s32 $0x13980;
	[sflag:s31] =	ssyncadd.s32 $0xFFFFFF80  }
0xa3: {  	[spmem:s2] =	stream.indirect.scatter.add.f32 [tilespmem:s26], [sflag:$0x7], $0x80, s15, s25, $0xb8;
	[tilespmem:$0x1BB80] =	vst v63  }
0xa4: {  	_ =	swait.ge [sflag:s0], $0x4000  }
0xa5: {  	[sflag:s0] =	ssyncset.done $0x0  }
0xa6: {  	[sflag:s0] =	ssyncadd.s32 $0xFFFFC000  }
0xa7: {  	_ =	swait.ge [sflag:s1], $0x4000  }
0xa8: {  	[sflag:s1] =	ssyncset.done $0x0  }
0xa9: {  	[sflag:s1] =	ssyncadd.s32 $0xFFFFC000  }
0xaa: {  	_ =	swait.ge [sflag:s5], $0x80  }
0xab: {  	[sflag:s5] =	ssyncset.done $0x0  }
0xac: {  	s16 =	simm.s32 $0x13A00;
	s17 =	simm.s32 $0x17B80;
	[sflag:s5] =	ssyncadd.s32 $0xFFFFFF80  }
0xad: {  	[spmem:s2] =	stream.indirect.scatter.add.f32 [tilespmem:s17], [sflag:$0x7], $0x80, s16, s25, $0xb8;
	[tilespmem:$0x1BB80] =	vst v63  }
0xae: {  	_ =	swait.ge [sflag:s0], $0x4000  }
0xaf: {  	[sflag:s0] =	ssyncset.done $0x0  }
0xb0: {  	s22 =	rddreg [dreg:$0xb];
	[sflag:s0] =	ssyncadd.s32 $0xFFFFC000  }
0xb1: {  	[tilespmem:s6], [sflag:$0x1] =	stream.linear.gather [hbm4b:s22+s3], $0x10, $0x38;
	[tilespmem:$0x1BB80] =	vst v63  }
0xb2: {  	s23 =	rddreg [dreg:$0xc]  }
0xb3: {  	[tilespmem:s7], [sflag:$0x3] =	stream.linear.gather [hbm4b:s23+s3], $0x10, $0x38;
	[tilespmem:$0x1BB80] =	vst v63  }
0xb4: {  	_ =	swait.ge [sflag:s24], $0x10  }
0xb5: {  	[sflag:s24] =	ssyncset.done $0x0  }
0xb6: {  	[sflag:s24] =	ssyncadd.s32 $0xFFFFFFF0  }
0xb7: {  	[tilespmem:s26], [sflag:$0x5] =	stream.indirect.gather [hbm4b:s4+s8], $0x80, s6, s8, $0xb8;
	[tilespmem:$0x1BB80] =	vst v63  }
0xb8: {  	_ =	swait.ge [sflag:s30], $0x800  }
0xb9: {  	[sflag:s30] =	ssyncset.done $0x0  }
0xba: {  	[sflag:s30] =	ssyncadd.s32 $0xFFFFF800  }
0xbb: {  	_ =	swait.ge [sflag:s31], $0x10  }
0xbc: {  	[sflag:s31] =	ssyncset.done $0x0  }
0xbd: {  	[sflag:s31] =	ssyncadd.s32 $0xFFFFFFF0  }
0xbe: {  	[spmem:s2] =	stream.indirect.scatter.add.f32 [tilespmem:s26], [sflag:$0x7], $0x80, s7, s8, $0xb8;
	[tilespmem:$0x1BB80] =	vst v63  }
0xbf: {  	_ =	swait.ge [sflag:s0], $0x800  }
0xc0: {  	[sflag:s0] =	ssyncset.done $0x0  }
0xc1: {  	[sflag:s0] =	ssyncadd.s32 $0xFFFFF800  }
0xc2: {  	[bflag:$0x0] =	sbarrier.arrive $0xFFFF  }
0xc3: {  	s13 =	simm.s32 @p0 $0x1FC7;
	s14 =	rddreg [dreg:$0xe]  }
0xc4: {  	[hbm:s14], [sflag:s13] =	dma.local @p0 [spmem:s10], $0x2800  }
0xc5: {  	s10 =	simm.s32 @p0 $0x7  }
0xc6: {  	_ =	swait.ge @p0 [sflag:s10], $0x2800  }
0xc7: {  	[sflag:s10] =	ssyncset.done @p0 $0x0  }
0xc8: {  	[sflag:s10] =	ssyncadd.s32 @p0 $0xFFFFD800;
	s10 =	rddreg [dreg:$0xd]  }
0xc9: {  	[hbm:s10], [sflag:s11] =	dma.local @!p0 [spmem:s12], $0x2700  }
0xca: {  	s10 =	simm.s32 @!p0 $0x7  }
0xcb: {  	_ =	swait.ge @!p0 [sflag:s10], $0x2700  }
0xcc: {  	s9 =	sadd.s32 $0x1, s9;
	s29 =	rddreg [dreg:$0xf]  }
0xcd: {  	p1 =	sne.s32 s9, s29  }
.Ltmp1:
0xce: {  	_ = 	snop;
	(pc) =	sbr.rel @p1 .LBB2_1-.Ltmp1, $3  }
0xcf: {  	_ =	sdelay $0x1  }
0xd0: {  	[sflag:s10] =	ssyncset.done @!p0 $0x0  }
0xd1: {  	[sflag:s10] =	ssyncadd.s32 @!p0 $0xFFFFD900  }
0xd2: {  	_ =	sfence.sel $0x180000  }
0xd3: {  	[bflag:$0x0] =	sbarrier.arrive $0xFFFF  }
0xd4: {  	_ =	strace $0x90000053  }
0xd5: {  	s0 =	stileid.u32;
	[bflag:$0x2] =	sbarrier.arrive $0xFFFF  }
0xd6: {  	p0 =	sne.s32 s0, $0x0;
	s0 =	rddreg [dreg:$0x2]  }
0xd7: {  	s0 =	sadd.s32 @!p0 $0x100000, s0  }
0xd8: {  	[sflag:s0] =	ssyncadd.tile.s32 @!p0 $0x1;
	_ =	shalt  }
.Lfunc_end2:
_tile_overlayer_lowered:
.L_overlay_start_2:
0xd9: {  	(tag) =	ssettag $0x2  }
0xda: {  	s0 =	rddreg [dreg:$0x0];
	s2 =	stileid.u32  }
0xdb: {  	s1 =	rddreg [dreg:$0x1];
	p0 =	sne.s32 s2, $0x0  }
0xdc: {  	s3 =	rddreg [dreg:$0x2];
	[bflag:$0x3] =	sbarrier.arrive $0xFFFF;
	s2 =	simm.s32 @!p0 $0x1C07  }
0xdd: {  	[timem:s3], [sflag:s2] =	dma.local @!p0 [hbm:s0], s1  }
0xde: {  	s0 =	simm.s32 @!p0 $0x7  }
0xdf: {  	_ =	swait.ge @!p0 [sflag:s0], s1  }
0xe0: {  	s1 =	ssub.s32 @!p0 $0x0, s1;
	[sflag:s0] =	ssyncset.done @!p0 $0x0  }
0xe1: {  	[sflag:s0] =	ssyncadd.s32 @!p0 s1  }
0xe2: {  	[bflag:$0x3] =	sbarrier.arrive $0xFFFF  }
0xe3: {  	_ =	shalt  }

// kernel: kernel.32.cloned.1.call-start
scs
__scs_entry_jumppad:
0x0: {  	(pc) =	sbr.rel $0x88, $3  }
0x1: {  	(tag) =	ssettag $0x0;
	lr =	simm.s32 $0x1  }
0x2: {  	[smem:$0x3F92] =	sst lr;
	_ =	strace $0xD0000000  }
0x3: {  	_ = 	snop  }
0x4: {  	_ = 	snop  }
0x5: {  	_ = 	snop  }
0x6: {  	_ = 	snop  }
0x7: {  	_ = 	snop  }
__scs_overlays_trampoline_lowered:
0x8: {  	[smem:$0x3FA1] =	sst s0  }
0x9: {  	[smem:$0x3FA2] =	sst s1  }
0xa: {  	[smem:$0x3FA3] =	sst s2  }
0xb: {  	[smem:$0x3FA4] =	sst s3  }
0xc: {  	[smem:$0x3FA5] =	sst s4  }
0xd: {  	[smem:$0x3FA6] =	sst s5  }
0xe: {  	[smem:$0x3FA7] =	sst s6  }
0xf: {  	[smem:$0x3FA8] =	sst s7  }
0x10: {  	[smem:$0x3FA9] =	sst s8  }
0x11: {  	[smem:$0x3FAA] =	sst s9;
	s0 =	simm.s32 @!p0 $0x0  }
0x12: {  	s1 =	sld [smem:$0x3F90];
	s0 =	simm.s32 @p0 $0x1  }
0x13: {  	[smem:$0x3FAB] =	sst s0;
	s0 =	simm.s32 @!p1 $0x0  }
0x14: {  	s2 =	sld [smem:$0x3F8F];
	s0 =	simm.s32 @p1 $0x1  }
0x15: {  	[smem:$0x3FAC] =	sst s0;
	s0 =	simm.s32 @!p2 $0x0  }
0x16: {  	s3 =	sld [smem:$0x3FDB];
	s0 =	simm.s32 @p2 $0x1  }
0x17: {  	s4 =	simm.s32 $0x1BF5;
	[smem:$0x3FAE] =	sst s0  }
0x18: {  	s0 =	sld [smem:$0x3F91];
	_ =	swait.ge [sflag:s4], $0x0  }
0x19: {  	s7 =	sld [smem:$0x3F92]  }
0x1a: {  	s8 =	sadd.s32 $0xFFFFE003, lr  }
0x1b: {  	s9 =	sadd.s32 $0xFFFFFEF7, lr;
	s5 =	simm.s32 $0xFFFFFFFF;
	p2 =	slt.u32 s8, $0xFFFFF086  }
0x1c: {  	p1 =	slt.u32 s9, $0xF7A;
	s5 =	simm.s32 @!p2 $0x0  }
0x1d: {  	s5 =	simm.s32 @p1 $0x1;
	p0 =	seq.s32 s7, s2  }
0x1e: {  	s7 =	smul.u32 @!p0 $0xF7A, s2;
	p2 =	seq.s32 @!p0 s5, $0x0  }
0x1f: {  	s9 =	smul.u32 $0xF7A, s1;
	s8 =	simm.s32 @!p0 $0x1BF5;
	p2 =	por !p2, p0  }
0x20: {  	[sflag:s8] =	ssyncset.s32 @!p0 $0xFFFFF086;
	s6 =	sadd.s32 @!p0 s3, s7;
	s7 =	simm.s32 @!p0 $0x108  }
0x21: {  	s3 =	sadd.s32 s3, s9;
	s6 =	sadd.s32 @!p0 $0x88, s6;
	s7 =	simm.s32 @p2 $0x1082  }
0x22: {  	[simem:s7], [sflag:s8] =	dma.local @!p0 [hbm:s6], $0xF7A  }
0x23: {  	s9 =	sor.u32 $0xD0000000, s2;
	s6 =	simm.s32 $0x108;
	_ =	swait.ge @!p0 [sflag:s8], $0x0  }
0x24: {  	s3 =	sadd.s32 $0x88, s3;
	s6 =	simm.s32 @!p1 $0x1082;
	[sflag:s4] =	ssyncset.s32 $0xFFFFF086  }
0x25: {  	[simem:s6], [sflag:s4] =	dma.local [hbm:s3], $0xF7A  }
0x26: {  	[smem:$0x3F92] =	sst s1;
	(tag) =	ssettag s2;
	_ =	strace s9  }
0x27: {  	s1 =	sld [smem:$0x3FA2]  }
0x28: {  	s2 =	sld [smem:$0x3FA3]  }
0x29: {  	s4 =	sld [smem:$0x3FA5]  }
0x2a: {  	p0 =	seq.s32 s5, $0x0;
	s5 =	sld [smem:$0x3FA6]  }
0x2b: {  	s6 =	sld [smem:$0x3FA7]  }
0x2c: {  	s7 =	sld [smem:$0x3FA8]  }
0x2d: {  	s3 =	simm.s32 $0x108;
	s8 =	sld [smem:$0x3FA9]  }
0x2e: {  	s3 =	simm.s32 @!p0 $0x1082;
	s9 =	sld [smem:$0x3FAA]  }
0x2f: {  	lr =	sadd.s32 s0, s3;
	s0 =	sld [smem:$0x3FA1]  }
0x30: {  	s3 =	sld [smem:$0x3FA4]  }
0x31: {  	[smem:$0x3FAD] =	sst s10  }
0x32: {  	s10 =	sld [smem:$0x3FAB];
	_ =	sdelay $0x3  }
0x33: {  	p0 =	seq.s32 s10, $0x1;
	s10 =	sld [smem:$0x3FAD];
	_ =	sdelay $0x3  }
0x34: {  	[smem:$0x3FAD] =	sst s10  }
0x35: {  	s10 =	sld [smem:$0x3FAC];
	_ =	sdelay $0x3  }
0x36: {  	p1 =	seq.s32 s10, $0x1;
	s10 =	sld [smem:$0x3FAD];
	_ =	sdelay $0x3  }
0x37: {  	[smem:$0x3FAD] =	sst s10  }
0x38: {  	s10 =	sld [smem:$0x3FAE]  }
0x39: {  	_ = 	snop;
	(pc) =	sbr.ind lr, $3  }
0x3a: {  	_ = 	snop  }
0x3b: {  	_ = 	snop  }
0x3c: {  	p2 =	seq.s32 s10, $0x1;
	s10 =	sld [smem:$0x3FAD]  }
0x3d: {  	_ =	shalt  }
0x3e: {  	_ =	shalt  }
0x3f: {  	_ =	shalt  }
0x40: {  	_ =	shalt  }
0x41: {  	_ =	shalt  }
0x42: {  	_ =	shalt  }
0x43: {  	_ =	shalt  }
0x44: {  	_ =	shalt  }
0x45: {  	_ =	shalt  }
0x46: {  	_ =	shalt  }
0x47: {  	_ =	shalt  }
0x48: {  	_ =	shalt  }
0x49: {  	_ =	shalt  }
0x4a: {  	_ =	shalt  }
0x4b: {  	_ =	shalt  }
0x4c: {  	_ =	shalt  }
0x4d: {  	_ =	shalt  }
0x4e: {  	_ =	shalt  }
0x4f: {  	_ =	shalt  }
0x50: {  	_ =	shalt  }
0x51: {  	_ =	shalt  }
0x52: {  	_ =	shalt  }
0x53: {  	_ =	shalt  }
0x54: {  	_ =	shalt  }
0x55: {  	_ =	shalt  }
0x56: {  	_ =	shalt  }
0x57: {  	_ =	shalt  }
0x58: {  	_ =	shalt  }
0x59: {  	_ =	shalt  }
0x5a: {  	_ =	shalt  }
0x5b: {  	_ =	shalt  }
0x5c: {  	_ =	shalt  }
0x5d: {  	_ =	shalt  }
0x5e: {  	_ =	shalt  }
0x5f: {  	_ =	shalt  }
0x60: {  	_ =	shalt  }
0x61: {  	_ =	shalt  }
0x62: {  	_ =	shalt  }
0x63: {  	_ =	shalt  }
0x64: {  	_ =	shalt  }
0x65: {  	_ =	shalt  }
0x66: {  	_ =	shalt  }
0x67: {  	_ =	shalt  }
0x68: {  	_ =	shalt  }
0x69: {  	_ =	shalt  }
0x6a: {  	_ =	shalt  }
0x6b: {  	_ =	shalt  }
0x6c: {  	_ =	shalt  }
0x6d: {  	_ =	shalt  }
0x6e: {  	_ =	shalt  }
0x6f: {  	_ =	shalt  }
0x70: {  	_ =	shalt  }
0x71: {  	_ =	shalt  }
0x72: {  	_ =	shalt  }
0x73: {  	_ =	shalt  }
0x74: {  	_ =	shalt  }
0x75: {  	_ =	shalt  }
0x76: {  	_ =	shalt  }
0x77: {  	_ =	shalt  }
0x78: {  	_ =	shalt  }
0x79: {  	_ =	shalt  }
0x7a: {  	_ =	shalt  }
0x7b: {  	_ =	shalt  }
0x7c: {  	_ =	shalt  }
0x7d: {  	_ =	shalt  }
0x7e: {  	_ =	shalt  }
0x7f: {  	_ =	shalt  }
0x80: {  	_ =	shalt  }
0x81: {  	_ =	shalt  }
0x82: {  	_ =	shalt  }
0x83: {  	_ =	shalt  }
0x84: {  	_ =	shalt  }
0x85: {  	_ =	shalt  }
0x86: {  	_ =	shalt  }
0x87: {  	_ =	shalt  }
.Lfunc_end0:
.L_simem_size_0:
called_computation.5_lowered:
.L_overlay_start_0:
0x88: {  	s2 =	sld [smem:$0x3FD9]  }
0x89: {  	s3 =	sld [smem:$0x3FFE];
	_ =	sdelay $0x1  }
0x8a: {  	s1 =	srdreg.scid  }
0x8b: {  	s0 =	sand.u32 $0x1, s1  }
0x8c: {  	s16 =	sshll.u32 s0, $0xA;
	s2 =	sadd.s32 s3, s2  }
0x8d: {  	s2 =	sadd.s32 s2, s16  }
0x8e: {  	[smem:$0x3FB9] =	sst s2  }
0x8f: {  	_ = 	snop  }
0x90: {  	(tm) =	ssettm $0x1  }
0x91: {  	s17 =	sld [smem:$0x3FFB];
	_ =	sdelay $0x3  }
0x92: {  	_ =	strace s17  }
0x93: {  	s2 =	sld [smem:$0x3FFC];
	_ =	sdelay $0x3  }
0x94: {  	_ =	strace s2  }
0x95: {  	s2 =	sld [smem:$0x3FFD];
	_ =	sdelay $0x3  }
0x96: {  	_ =	strace s2  }
0x97: {  	_ =	strace $0x8FFFFFFF  }
0x98: {  	s18 =	sld [smem:$0x3FDB];
	_ =	sdelay $0x1  }
0x99: {  	s19 =	simm.s32 $_scs_section_size  }
0x9a: {  	s4 =	simm.s32 $_size__tile_overlayer_lowered;
	s5 =	simm.s32 $_tile_overlayer_lowered  }
0x9b: {  	s22 =	simm.s32 $0x1BFF;
	s21 =	sshll.u32 s5, $0x1;
	s2 =	sadd.s32 s19, s18  }
0x9c: {  	s6 =	simm.s32 $0x0;
	s20 =	sshll.u32 s4, $0x1;
	s4 =	sadd.s32 s21, s2  }
0x9d: {  	[timem:s6], [sflag:s22] =	dma.local [hbm:s4], s20  }
0x9e: {  	_ =	swait.ge [sflag:s22], s20  }
0x9f: {  	s3 =	ssub.s32 $0x0, s20;
	[sflag:s22] =	ssyncset.done $0x0  }
0xa0: {  	[sflag:s22] =	ssyncadd.s32 s3;
	_ =	sdelay $0x1  }
0xa1: {  	s23 =	simm.s32 $0x1B8B  }
0xa2: {  	_ =	swait.ge [sflag:s23], $0x1  }
0xa3: {  	[sflag:s23] =	ssyncset.done $0x0  }
0xa4: {  	s25 =	simm.s32 $0x1B8E;
	s24 =	sld [smem:$0x3FFE];
	[sflag:s23] =	ssyncadd.s32 $0xFFFFFFFF  }
0xa5: {  	s26 =	simm.s32 $execute0_lowered;
	[smem:$0x3FD2] =	sst s25  }
0xa6: {  	s4 =	sshll.u32 s26, $0x1;
	_ =	strace $0x80000055;
	[dreg:$0x1] =	wrdreg $0xFFFFFFFF  }
0xa7: {  	s28 =	simm.s32 $_size_execute0_lowered;
	s2 =	sadd.s32 s2, s4;
	[dreg:$0x0] =	wrdreg $0x0  }
0xa8: {  	s4 =	sshll.u32 s28, $0x1;
	[dreg:$0x2] =	wrdreg s2  }
0xa9: {  	[dreg:$0x3] =	wrdreg s4  }
0xaa: {  	[dreg:$0x4] =	wrdreg $0xC0  }
0xab: {  	_ =	task [dreg:s6], $0x5FFFF  }
0xac: {  	[dreg:$0x1] =	wrdreg $0xFFFFFFFF  }
0xad: {  	[dreg:$0x0] =	wrdreg $0x60  }
0xae: {  	[dreg:$0x2] =	wrdreg s24  }
0xaf: {  	[dreg:$0x3] =	wrdreg $0x0  }
0xb0: {  	[dreg:$0x4] =	wrdreg $0x9  }
0xb1: {  	_ =	task.clear_ibuf [dreg:s6], $0x5FFFF;
	_ =	strace $0x90000055  }
0xb2: {  	s29 =	simm.s32 $0x9;
	_ =	strace $0x80000057  }
0xb3: {  	_ =	swait.ge [sflag:s29], $0x1  }
0xb4: {  	[sflag:s29] =	ssyncadd.s32 $0xFFFFFFFF  }
0xb5: {  	_ =	strace $0x90000057  }
0xb6: {  	_ =	sfence  }
0xb7: {  	s30 =	sld [smem:$0x0];
	_ =	sdelay $0x2  }
0xb8: {  	s31 =	sshll.u32 s1, $0xD;
	s1 =	sshrl.u32 s1, $0x2  }
0xb9: {  	s3 =	sand.u32 $0x4000, s31;
	s1 =	sadd.s32 s1, s30  }
0xba: {  	s0 =	sor.u32 s3, s0;
	s1 =	sshll.u32 s1, $0x11  }
0xbb: {  	s0 =	sor.u32 s1, s0  }
0xbc: {  	s0 =	sadd.s32 $0x8F2B, s0  }
0xbd: {  	[sflag:s0] =	ssyncadd.remote.s32 $0x1  }
0xbe: {  	_ =	sfence.sel $0xFFFF  }
0xbf: {  	[dreg:$0x0] =	wrdreg $0xFFFFFFFF;
	(pc) =	sbr.abs _section_cstart, $3  }
0xc0: {  	[dreg:$0x1] =	wrdreg $0xFFFFFFFF  }
0xc1: {  	_ =	task.clear_ibuf [dreg:s6], $0x2FFFF;
	_ =	strace $0x9FFFFFFF  }
0xc2: {  	(tm) =	ssettm $0x7FFFFFFF  }
0xc3: {  	_ =	shalt  }
tec
execute0_lowered:
.L_overlay_start_1:
0x0: {  	(tag) =	ssettag $0x1  }
0x1: {  	s0 =	rddreg [dreg:$0x0]  }
0x2: {  	s2 =	rddreg [dreg:$0x1];
	s3 =	simm.s32 $0x0  }
0x3: {  	s13 =	stileid.u32;
	s6 =	srdreg.scid;
	s28 =	simm.s32 $0x2  }
0x4: {  	s30 =	simm.s32 $0x5;
	[smem:$0x7FF] =	sst s3;
	s1 =	smul.u32 $0x2700, s13  }
0x5: {  	s4 =	sadd.s32 $0x40600, s0;
	s5 =	sadd.s32 $0x5800, s0;
	s9 =	smul.u32 $0x4E000, s13  }
0x6: {  	s7 =	sadd.s32 $0xF600, s0;
	s6 =	sand.u32 $0x1, s6;
	s18 =	smul.u32 $0x13800, s13  }
0x7: {  	s11 =	sadd.s32 $0xDCE00, s0;
	s21 =	smul.u32 $0x2710, s13;
	p0 =	seq.s32 s13, $0xF  }
0x8: {  	s31 =	simm.s32 $0x3;
	_ =	strace $0x80000056;
	s15 =	smul.u32 $0x138800, s6  }
0x9: {  	s8 =	ssub.s32 $0x2, s6;
	s10 =	sshll.u32 s6, $0x4;
	s6 =	smul.u32 $0x27100, s6  }
0xa: {  	s1 =	sadd.s32 s1, s0;
	s12 =	sshrl.u32 s8, $0x1;
	s10 =	sor.u32 s13, s10  }
0xb: {  	s9 =	sshrl.u32 s9, $0x2;
	s0 =	sadd.s32 $0x8C100, s0;
	s8 =	ssub.s32 s8, s12  }
0xc: {  	s10 =	smul.u32 $0x2710, s10;
	s9 =	sadd.s32 s9, s2;
	[dreg:$0x6] =	wrdreg s0  }
0xd: {  	s1 =	sadd.s32 $0x67800, s1;
	s12 =	sadd.s32 $0x124800, s2;
	[dreg:$0x3] =	wrdreg s9  }
0xe: {  	s23 =	sadd.s32 s18, s15;
	s6 =	sadd.s32 s21, s6;
	[dreg:$0x4] =	wrdreg s1  }
0xf: {  	[dreg:$0x5] =	wrdreg s12;
	s1 =	sshrl.u32 s15, $0x3;
	s25 =	sadd.s32 $0x100, s6  }
0x10: {  	s26 =	smax.u32 s8, $0x1;
	s15 =	simm.s32 $0x13980;
	s6 =	simm.s32 $0x13A80  }
0x11: {  	s8 =	simm.s32 $0x10;
	s14 =	sshrl.u32 s10, $0x3;
	s24 =	sadd.s32 s11, s1  }
0x12: {  	[dreg:$0xf] =	wrdreg s26;
	s29 =	sshrl.u32 s25, $0x3;
	s25 =	simm.s32 $0x80  }
0x13: {  	s26 =	simm.s32 $0x13B80;
	s1 =	simm.s32 $0x6;
	s16 =	sadd.s32 s5, s14  }
0x14: {  	s17 =	sadd.s32 $0x10, s14;
	s19 =	sadd.s32 s7, s14;
	[dreg:$0x7] =	wrdreg s16  }
0x15: {  	s0 =	sadd.s32 $0x4E0, s14;
	s18 =	sadd.s32 s29, s7;
	[dreg:$0x8] =	wrdreg s19  }
0x16: {  	s20 =	sadd.s32 s5, s17;
	s9 =	sadd.s32 s7, s17;
	s22 =	sadd.s32 s5, s0  }
0x17: {  	s0 =	sadd.s32 s7, s0;
	s19 =	sadd.s32 s29, s5;
	[dreg:$0x9] =	wrdreg s20  }
0x18: {  	s16 =	simm.s32 $0x13A00;
	s17 =	simm.s32 $0x17B80;
	[dreg:$0xa] =	wrdreg s9  }
0x19: {  	s5 =	simm.s32 $0x4;
	[dreg:$0xc] =	wrdreg s0;
	s0 =	sshrl.u32 s23, $0x3  }
0x1a: {  	s7 =	simm.s32 $0x13B00;
	[dreg:$0xb] =	wrdreg s22;
	s0 =	sadd.s32 s11, s0  }
0x1b: {  	s9 =	simm.s32 $0x0;
	[dreg:$0xd] =	wrdreg s0;
	s0 =	sadd.s32 $0x24900, s24  }
0x1c: {  	s24 =	simm.s32 $0x1;
	[dreg:$0xe] =	wrdreg s0;
	s0 =	simm.s32 $0x7  }
.LBB2_1:
0x1d: {  	s10 =	rddreg [dreg:$0x5]  }
0x1e: {  	s11 =	simm.s32 @p0 $0x1FC7;
	s12 =	rddreg [dreg:$0x6];
	s10 =	sshrl.u32 @p0 s10, $0x3  }
0x1f: {  	[spmem:s10], [sflag:s11] =	dma.local @p0 [hbm:s12], $0x2800  }
0x20: {  	s11 =	simm.s32 @p0 $0x7  }
0x21: {  	s12 =	stileid.u32;
	_ =	swait.ge @p0 [sflag:s11], $0x2800  }
0x22: {  	s12 =	sshll.u32 @!p0 s12, $0x6;
	[sflag:s11] =	ssyncset.done @p0 $0x0  }
0x23: {  	[sflag:s11] =	ssyncadd.s32 @p0 $0xFFFFD800;
	s11 =	sor.u32 @!p0 $0x1C07, s12;
	s12 =	rddreg [dreg:$0x3]  }
0x24: {  	s13 =	rddreg [dreg:$0x4];
	s12 =	sshrl.u32 @!p0 s12, $0x3  }
0x25: {  	[spmem:s12], [sflag:s11] =	dma.local @!p0 [hbm:s13], $0x2700  }
0x26: {  	s13 =	simm.s32 @!p0 $0x7  }
0x27: {  	_ =	swait.ge @!p0 [sflag:s13], $0x2700  }
0x28: {  	[sflag:s13] =	ssyncset.done @!p0 $0x0  }
0x29: {  	s14 =	simm.s32 $0x13880;
	s23 =	rddreg [dreg:$0x7];
	[sflag:s13] =	ssyncadd.s32 @!p0 $0xFFFFD900  }
0x2a: {  	[tilespmem:s14], [sflag:$0x1] =	stream.linear.gather [hbm4b:s23+s3], $0x80, $0x38;
	[tilespmem:$0x1BB80] =	vst v63  }
0x2b: {  	s29 =	rddreg [dreg:$0x8]  }
0x2c: {  	[tilespmem:s15], [sflag:$0x3] =	stream.linear.gather [hbm4b:s29+s3], $0x80, $0x38;
	[tilespmem:$0x1BB80] =	vst v63  }
0x2d: {  	s21 =	simm.s32 $0x13900;
	s20 =	rddreg [dreg:$0x9]  }
0x2e: {  	[tilespmem:s21], [sflag:$0x2] =	stream.linear.gather [hbm4b:s20+s3], $0x80, $0x38;
	[tilespmem:$0x1BB80] =	vst v63  }
0x2f: {  	s22 =	rddreg [dreg:$0xa]  }
0x30: {  	[tilespmem:s16], [sflag:$0x4] =	stream.linear.gather [hbm4b:s22+s3], $0x80, $0x38;
	[tilespmem:$0x1BB80] =	vst v63  }
0x31: {  	_ =	swait.ge [sflag:s24], $0x80  }
0x32: {  	[sflag:s24] =	ssyncset.done $0x0  }
0x33: {  	[sflag:s24] =	ssyncadd.s32 $0xFFFFFF80  }
0x34: {  	[tilespmem:s26], [sflag:$0x5] =	stream.indirect.gather [hbm4b:s4+s25], $0x80, s14, s25, $0xb8;
	[tilespmem:$0x1BB80] =	vst v63  }
0x35: {  	_ =	swait.ge [sflag:s28], $0x80  }
0x36: {  	s23 =	sand.u32 $0x1, s3;
	[sflag:s28] =	ssyncset.done $0x0  }
0x37: {  	p1 =	seq.s32 s23, $0x1;
	[sflag:s28] =	ssyncadd.s32 $0xFFFFFF80  }
0x38: {  	[tilespmem:s17], [sflag:$0x6] =	stream.indirect.gather [hbm4b:s4+s25], $0x80, s21, s25, $0xb8;
	[tilespmem:$0x1BB80] =	vst v63  }
0x39: {  	s13 =	simm.s32 @p1 $0x6;
	[bflag:$0x0] =	sbarrier.arrive $0xFFFF  }
0x3a: {  	_ =	swait.ge @p1 [sflag:s13], $0x4000;
	p1 =	por p1, p1  }
0x3b: {  	[sflag:s13] =	ssyncset.done @p1 $0x0;
	s14 =	simm.s32 @p1 $0x4  }
0x3c: {  	s15 =	simm.s32 @p1 $0x13900;
	[sflag:s13] =	ssyncadd.s32 @p1 $0xFFFFC000;
	s13 =	simm.s32 @p1 $0x0  }
0x3d: {  	[tilespmem:s15], [sflag:$0x2] =	stream.linear.gather @p1 [hbm4b:s19+s13], $0x80, $0x38;
	[tilespmem:$0x1BB80] =	vst v63  }
0x3e: {  	_ =	swait.ge @p1 [sflag:s14], $0x80  }
0x3f: {  	s16 =	simm.s32 @p1 $0x17B80;
	s17 =	simm.s32 @p1 $0x7;
	[sflag:s14] =	ssyncset.done @p1 $0x0  }
0x40: {  	s20 =	simm.s32 @p1 $0x13A00;
	[sflag:s14] =	ssyncadd.s32 @p1 $0xFFFFFF80;
	s14 =	simm.s32 @p1 $0x80  }
0x41: {  	[spmem:s2] =	stream.indirect.scatter.add.f32 @p1 [tilespmem:s16], [sflag:$0x7], $0x80, s20, s14, $0xb8;
	[tilespmem:$0x1BB80] =	vst v63  }
0x42: {  	_ =	swait.ge @p1 [sflag:s17], $0x4000  }
0x43: {  	[sflag:s17] =	ssyncset.done @p1 $0x0  }
0x44: {  	[sflag:s17] =	ssyncadd.s32 @p1 $0xFFFFC000;
	s17 =	simm.s32 @p1 $0x2  }
0x45: {  	[tilespmem:s20], [sflag:$0x4] =	stream.linear.gather @p1 [hbm4b:s18+s13], $0x80, $0x38;
	[tilespmem:$0x1BB80] =	vst v63  }
0x46: {  	_ =	swait.ge @p1 [sflag:s17], $0x80  }
0x47: {  	[sflag:s17] =	ssyncset.done @p1 $0x0  }
0x48: {  	s13 =	simm.s32 @!p1 $0x5;
	[sflag:s17] =	ssyncadd.s32 @p1 $0xFFFFFF80  }
0x49: {  	[tilespmem:s16], [sflag:$0x6] =	stream.indirect.gather @p1 [hbm4b:s4+s14], $0x80, s15, s14, $0xb8;
	[tilespmem:$0x1BB80] =	vst v63  }
0x4a: {  	_ =	swait.ge @!p1 [sflag:s13], $0x4000  }
0x4b: {  	s20 =	simm.s32 @!p1 $0x13880;
	[sflag:s13] =	ssyncset.done @!p1 $0x0  }
0x4c: {  	s14 =	simm.s32 @!p1 $0x3;
	[sflag:s13] =	ssyncadd.s32 @!p1 $0xFFFFC000;
	s13 =	simm.s32 @!p1 $0x0  }
0x4d: {  	[tilespmem:s20], [sflag:$0x1] =	stream.linear.gather @!p1 [hbm4b:s19+s13], $0x80, $0x38;
	[tilespmem:$0x1BB80] =	vst v63  }
0x4e: {  	_ =	swait.ge @!p1 [sflag:s14], $0x80  }
0x4f: {  	s21 =	simm.s32 @!p1 $0x80;
	s17 =	simm.s32 @!p1 $0x13B80;
	[sflag:s14] =	ssyncset.done @!p1 $0x0  }
0x50: {  	s15 =	simm.s32 @!p1 $0x7;
	[sflag:s14] =	ssyncadd.s32 @!p1 $0xFFFFFF80;
	s14 =	simm.s32 @!p1 $0x13980  }
0x51: {  	[spmem:s2] =	stream.indirect.scatter.add.f32 @!p1 [tilespmem:s17], [sflag:$0x7], $0x80, s14, s21, $0xb8;
	[tilespmem:$0x1BB80] =	vst v63  }
0x52: {  	_ =	swait.ge @!p1 [sflag:s15], $0x4000  }
0x53: {  	s29 =	simm.s32 $0x1;
	[sflag:s15] =	ssyncset.done @!p1 $0x0  }
0x54: {  	s22 =	simm.s32 @!p1 $0x1;
	[sflag:s15] =	ssyncadd.s32 @!p1 $0xFFFFC000;
	s15 =	simm.s32 $0x2  }
0x55: {  	[tilespmem:s14], [sflag:$0x3] =	stream.linear.gather @!p1 [hbm4b:s18+s13], $0x80, $0x38;
	[tilespmem:$0x1BB80] =	vst v63  }
0x56: {  	s13 =	sand.u32 $0x1, s29;
	s14 =	sadd.s32 $0x10, s19;
	_ =	swait.ge @!p1 [sflag:s22], $0x80  }
0x57: {  	p3 =	seq.s32 s13, $0x1;
	s13 =	sadd.s32 $0x10, s18;
	[sflag:s22] =	ssyncset.done @!p1 $0x0  }
.LBB2_2:
0x58: {  	s23 =	simm.s32 @p3 $0x6  }
0x59: {  	[sflag:s22] =	ssyncadd.s32 @!p1 $0xFFFFFF80;
	s16 =	smov.u32 s15;
	s15 =	sadd.s32 $0x1, s15  }
0x5a: {  	[tilespmem:s17], [sflag:$0x5] =	stream.indirect.gather @!p1 [hbm4b:s4+s21], $0x80, s20, s21, $0xb8;
	[tilespmem:$0x1BB80] =	vst v63  }
0x5b: {  	p2 =	sne.s32 s15, $0x4C;
	p1 =	por p3, p3;
	_ =	swait.ge @p3 [sflag:s23], $0x4000  }
0x5c: {  	s17 =	simm.s32 @p1 $0x4;
	[sflag:s23] =	ssyncset.done @p1 $0x0  }
0x5d: {  	s20 =	simm.s32 @p1 $0x0;
	s21 =	simm.s32 @p1 $0x13900;
	[sflag:s23] =	ssyncadd.s32 @p1 $0xFFFFC000  }
0x5e: {  	[tilespmem:s21], [sflag:$0x2] =	stream.linear.gather @p1 [hbm4b:s14+s20], $0x80, $0x38;
	[tilespmem:$0x1BB80] =	vst v63  }
0x5f: {  	_ =	swait.ge @p1 [sflag:s17], $0x80  }
0x60: {  	s22 =	simm.s32 @p1 $0x17B80;
	s23 =	simm.s32 @p1 $0x7;
	[sflag:s17] =	ssyncset.done @p1 $0x0  }
0x61: {  	s29 =	simm.s32 @p1 $0x13A00;
	[sflag:s17] =	ssyncadd.s32 @p1 $0xFFFFFF80;
	s17 =	simm.s32 @p1 $0x80  }
0x62: {  	[spmem:s2] =	stream.indirect.scatter.add.f32 @p1 [tilespmem:s22], [sflag:$0x7], $0x80, s29, s17, $0xb8;
	[tilespmem:$0x1BB80] =	vst v63  }
0x63: {  	_ =	swait.ge @p1 [sflag:s23], $0x4000  }
0x64: {  	[sflag:s23] =	ssyncset.done @p1 $0x0  }
0x65: {  	[sflag:s23] =	ssyncadd.s32 @p1 $0xFFFFC000;
	s23 =	simm.s32 @p1 $0x2  }
0x66: {  	[tilespmem:s29], [sflag:$0x4] =	stream.linear.gather @p1 [hbm4b:s13+s20], $0x80, $0x38;
	[tilespmem:$0x1BB80] =	vst v63  }
0x67: {  	_ =	swait.ge @p1 [sflag:s23], $0x80  }
0x68: {  	[sflag:s23] =	ssyncset.done @p1 $0x0  }
0x69: {  	s20 =	simm.s32 @!p1 $0x5;
	[sflag:s23] =	ssyncadd.s32 @p1 $0xFFFFFF80  }
0x6a: {  	[tilespmem:s22], [sflag:$0x6] =	stream.indirect.gather @p1 [hbm4b:s4+s17], $0x80, s21, s17, $0xb8;
	[tilespmem:$0x1BB80] =	vst v63  }
0x6b: {  	_ =	swait.ge @!p1 [sflag:s20], $0x4000  }
0x6c: {  	s21 =	simm.s32 @!p1 $0x3;
	[sflag:s20] =	ssyncset.done @!p1 $0x0  }
0x6d: {  	s23 =	simm.s32 @!p1 $0x0;
	[sflag:s20] =	ssyncadd.s32 @!p1 $0xFFFFC000;
	s20 =	simm.s32 @!p1 $0x13880  }
0x6e: {  	[tilespmem:s20], [sflag:$0x1] =	stream.linear.gather @!p1 [hbm4b:s14+s23], $0x80, $0x38;
	[tilespmem:$0x1BB80] =	vst v63  }
0x6f: {  	_ =	swait.ge @!p1 [sflag:s21], $0x80  }
0x70: {  	s17 =	simm.s32 @!p1 $0x13B80;
	s22 =	simm.s32 @!p1 $0x7;
	[sflag:s21] =	ssyncset.done @!p1 $0x0  }
0x71: {  	s29 =	simm.s32 @!p1 $0x13980;
	[sflag:s21] =	ssyncadd.s32 @!p1 $0xFFFFFF80;
	s21 =	simm.s32 @!p1 $0x80  }
0x72: {  	[spmem:s2] =	stream.indirect.scatter.add.f32 @!p1 [tilespmem:s17], [sflag:$0x7], $0x80, s29, s21, $0xb8;
	[tilespmem:$0x1BB80] =	vst v63  }
0x73: {  	_ =	swait.ge @!p1 [sflag:s22], $0x4000  }
.Ltmp0:
0x74: {  	[sflag:s22] =	ssyncset.done @!p1 $0x0;
	(pc) =	sbr.rel @p2 .LBB2_2-.Ltmp0, $4  }
0x75: {  	[sflag:s22] =	ssyncadd.s32 @!p1 $0xFFFFC000;
	s22 =	simm.s32 @!p1 $0x1  }
0x76: {  	[tilespmem:s29], [sflag:$0x3] =	stream.linear.gather @!p1 [hbm4b:s13+s23], $0x80, $0x38;
	[tilespmem:$0x1BB80] =	vst v63  }
0x77: {  	s16 =	sand.u32 $0x1, s16;
	s14 =	sadd.s32 $0x10, s14;
	_ =	swait.ge @!p1 [sflag:s22], $0x80  }
0x78: {  	p3 =	seq.s32 s16, $0x1;
	s13 =	sadd.s32 $0x10, s13;
	[sflag:s22] =	ssyncset.done @!p1 $0x0  }
0x79: {  	s15 =	simm.s32 @p3 $0x6;
	[sflag:s22] =	ssyncadd.s32 @!p1 $0xFFFFFF80  }
0x7a: {  	[tilespmem:s17], [sflag:$0x5] =	stream.indirect.gather @!p1 [hbm4b:s4+s21], $0x80, s20, s21, $0xb8;
	[tilespmem:$0x1BB80] =	vst v63  }
0x7b: {  	p1 =	por p3, p3;
	_ =	swait.ge @p3 [sflag:s15], $0x4000  }
0x7c: {  	s16 =	simm.s32 @p1 $0x4;
	[sflag:s15] =	ssyncset.done @p1 $0x0  }
0x7d: {  	s17 =	simm.s32 @p1 $0x13900;
	[sflag:s15] =	ssyncadd.s32 @p1 $0xFFFFC000;
	s15 =	simm.s32 @p1 $0x0  }
0x7e: {  	[tilespmem:s17], [sflag:$0x2] =	stream.linear.gather @p1 [hbm4b:s14+s15], $0x80, $0x38;
	[tilespmem:$0x1BB80] =	vst v63  }
0x7f: {  	_ =	swait.ge @p1 [sflag:s16], $0x80  }
0x80: {  	s20 =	simm.s32 @p1 $0x17B80;
	s21 =	simm.s32 @p1 $0x7;
	[sflag:s16] =	ssyncset.done @p1 $0x0  }
0x81: {  	s22 =	simm.s32 @p1 $0x13A00;
	[sflag:s16] =	ssyncadd.s32 @p1 $0xFFFFFF80;
	s16 =	simm.s32 @p1 $0x80  }
0x82: {  	[spmem:s2] =	stream.indirect.scatter.add.f32 @p1 [tilespmem:s20], [sflag:$0x7], $0x80, s22, s16, $0xb8;
	[tilespmem:$0x1BB80] =	vst v63  }
0x83: {  	_ =	swait.ge @p1 [sflag:s21], $0x4000  }
0x84: {  	[sflag:s21] =	ssyncset.done @p1 $0x0  }
0x85: {  	[sflag:s21] =	ssyncadd.s32 @p1 $0xFFFFC000  }
0x86: {  	[tilespmem:s22], [sflag:$0x4] =	stream.linear.gather @p1 [hbm4b:s13+s15], $0x80, $0x38;
	[tilespmem:$0x1BB80] =	vst v63  }
0x87: {  	s15 =	simm.s32 @p1 $0x2  }
0x88: {  	_ =	swait.ge @p1 [sflag:s15], $0x80  }
0x89: {  	[sflag:s15] =	ssyncset.done @p1 $0x0  }
0x8a: {  	[sflag:s15] =	ssyncadd.s32 @p1 $0xFFFFFF80;
	s15 =	simm.s32 @!p1 $0x5  }
0x8b: {  	[tilespmem:s20], [sflag:$0x6] =	stream.indirect.gather @p1 [hbm4b:s4+s16], $0x80, s17, s16, $0xb8;
	[tilespmem:$0x1BB80] =	vst v63  }
0x8c: {  	_ =	swait.ge @!p1 [sflag:s15], $0x4000  }
0x8d: {  	s16 =	simm.s32 @!p1 $0x3;
	[sflag:s15] =	ssyncset.done @!p1 $0x0  }
0x8e: {  	s17 =	simm.s32 @!p1 $0x13880;
	[sflag:s15] =	ssyncadd.s32 @!p1 $0xFFFFC000;
	s15 =	simm.s32 @!p1 $0x0  }
0x8f: {  	[tilespmem:s17], [sflag:$0x1] =	stream.linear.gather @!p1 [hbm4b:s14+s15], $0x80, $0x38;
	[tilespmem:$0x1BB80] =	vst v63  }
0x90: {  	_ =	swait.ge @!p1 [sflag:s16], $0x80  }
0x91: {  	s21 =	simm.s32 @!p1 $0x13980;
	s20 =	simm.s32 @!p1 $0x7;
	[sflag:s16] =	ssyncset.done @!p1 $0x0  }
0x92: {  	s14 =	simm.s32 @!p1 $0x13B80;
	[sflag:s16] =	ssyncadd.s32 @!p1 $0xFFFFFF80;
	s16 =	simm.s32 @!p1 $0x80  }
0x93: {  	[spmem:s2] =	stream.indirect.scatter.add.f32 @!p1 [tilespmem:s14], [sflag:$0x7], $0x80, s21, s16, $0xb8;
	[tilespmem:$0x1BB80] =	vst v63  }
0x94: {  	_ =	swait.ge @!p1 [sflag:s20], $0x4000  }
0x95: {  	[sflag:s20] =	ssyncset.done @!p1 $0x0  }
0x96: {  	[sflag:s20] =	ssyncadd.s32 @!p1 $0xFFFFC000  }
0x97: {  	[tilespmem:s21], [sflag:$0x3] =	stream.linear.gather @!p1 [hbm4b:s13+s15], $0x80, $0x38;
	[tilespmem:$0x1BB80] =	vst v63  }
0x98: {  	s13 =	simm.s32 @!p1 $0x1  }
0x99: {  	_ =	swait.ge @!p1 [sflag:s13], $0x80  }
0x9a: {  	[sflag:s13] =	ssyncset.done @!p1 $0x0  }
0x9b: {  	[sflag:s13] =	ssyncadd.s32 @!p1 $0xFFFFFF80  }
0x9c: {  	[tilespmem:s14], [sflag:$0x5] =	stream.indirect.gather @!p1 [hbm4b:s4+s16], $0x80, s17, s16, $0xb8;
	[tilespmem:$0x1BB80] =	vst v63  }
0x9d: {  	_ =	swait.ge [sflag:s30], $0x4000  }
0x9e: {  	[sflag:s30] =	ssyncset.done $0x0  }
0x9f: {  	[sflag:s30] =	ssyncadd.s32 $0xFFFFC000  }
0xa0: {  	_ =	swait.ge [sflag:s31], $0x80  }
0xa1: {  	[sflag:s31] =	ssyncset.done $0x0  }
0xa2: {  	s15 =	simm.s32 $0x13980;
	[sflag:s31] =	ssyncadd.s32 $0xFFFFFF80  }
0xa3: {  	[spmem:s2] =	stream.indirect.scatter.add.f32 [tilespmem:s26], [sflag:$0x7], $0x80, s15, s25, $0xb8;
	[tilespmem:$0x1BB80] =	vst v63  }
0xa4: {  	_ =	swait.ge [sflag:s0], $0x4000  }
0xa5: {  	[sflag:s0] =	ssyncset.done $0x0  }
0xa6: {  	[sflag:s0] =	ssyncadd.s32 $0xFFFFC000  }
0xa7: {  	_ =	swait.ge [sflag:s1], $0x4000  }
0xa8: {  	[sflag:s1] =	ssyncset.done $0x0  }
0xa9: {  	[sflag:s1] =	ssyncadd.s32 $0xFFFFC000  }
0xaa: {  	_ =	swait.ge [sflag:s5], $0x80  }
0xab: {  	[sflag:s5] =	ssyncset.done $0x0  }
0xac: {  	s16 =	simm.s32 $0x13A00;
	s17 =	simm.s32 $0x17B80;
	[sflag:s5] =	ssyncadd.s32 $0xFFFFFF80  }
0xad: {  	[spmem:s2] =	stream.indirect.scatter.add.f32 [tilespmem:s17], [sflag:$0x7], $0x80, s16, s25, $0xb8;
	[tilespmem:$0x1BB80] =	vst v63  }
0xae: {  	_ =	swait.ge [sflag:s0], $0x4000  }
0xaf: {  	[sflag:s0] =	ssyncset.done $0x0  }
0xb0: {  	s22 =	rddreg [dreg:$0xb];
	[sflag:s0] =	ssyncadd.s32 $0xFFFFC000  }
0xb1: {  	[tilespmem:s6], [sflag:$0x1] =	stream.linear.gather [hbm4b:s22+s3], $0x10, $0x38;
	[tilespmem:$0x1BB80] =	vst v63  }
0xb2: {  	s23 =	rddreg [dreg:$0xc]  }
0xb3: {  	[tilespmem:s7], [sflag:$0x3] =	stream.linear.gather [hbm4b:s23+s3], $0x10, $0x38;
	[tilespmem:$0x1BB80] =	vst v63  }
0xb4: {  	_ =	swait.ge [sflag:s24], $0x10  }
0xb5: {  	[sflag:s24] =	ssyncset.done $0x0  }
0xb6: {  	[sflag:s24] =	ssyncadd.s32 $0xFFFFFFF0  }
0xb7: {  	[tilespmem:s26], [sflag:$0x5] =	stream.indirect.gather [hbm4b:s4+s8], $0x80, s6, s8, $0xb8;
	[tilespmem:$0x1BB80] =	vst v63  }
0xb8: {  	_ =	swait.ge [sflag:s30], $0x800  }
0xb9: {  	[sflag:s30] =	ssyncset.done $0x0  }
0xba: {  	[sflag:s30] =	ssyncadd.s32 $0xFFFFF800  }
0xbb: {  	_ =	swait.ge [sflag:s31], $0x10  }
0xbc: {  	[sflag:s31] =	ssyncset.done $0x0  }
0xbd: {  	[sflag:s31] =	ssyncadd.s32 $0xFFFFFFF0  }
0xbe: {  	[spmem:s2] =	stream.indirect.scatter.add.f32 [tilespmem:s26], [sflag:$0x7], $0x80, s7, s8, $0xb8;
	[tilespmem:$0x1BB80] =	vst v63  }
0xbf: {  	_ =	swait.ge [sflag:s0], $0x800  }
0xc0: {  	[sflag:s0] =	ssyncset.done $0x0  }
0xc1: {  	[sflag:s0] =	ssyncadd.s32 $0xFFFFF800  }
0xc2: {  	[bflag:$0x0] =	sbarrier.arrive $0xFFFF  }
0xc3: {  	s13 =	simm.s32 @p0 $0x1FC7;
	s14 =	rddreg [dreg:$0xe]  }
0xc4: {  	[hbm:s14], [sflag:s13] =	dma.local @p0 [spmem:s10], $0x2800  }
0xc5: {  	s10 =	simm.s32 @p0 $0x7  }
0xc6: {  	_ =	swait.ge @p0 [sflag:s10], $0x2800  }
0xc7: {  	[sflag:s10] =	ssyncset.done @p0 $0x0  }
0xc8: {  	[sflag:s10] =	ssyncadd.s32 @p0 $0xFFFFD800;
	s10 =	rddreg [dreg:$0xd]  }
0xc9: {  	[hbm:s10], [sflag:s11] =	dma.local @!p0 [spmem:s12], $0x2700  }
0xca: {  	s10 =	simm.s32 @!p0 $0x7  }
0xcb: {  	_ =	swait.ge @!p0 [sflag:s10], $0x2700  }
0xcc: {  	s9 =	sadd.s32 $0x1, s9;
	s29 =	rddreg [dreg:$0xf]  }
0xcd: {  	p1 =	sne.s32 s9, s29  }
.Ltmp1:
0xce: {  	_ = 	snop;
	(pc) =	sbr.rel @p1 .LBB2_1-.Ltmp1, $3  }
0xcf: {  	_ =	sdelay $0x1  }
0xd0: {  	[sflag:s10] =	ssyncset.done @!p0 $0x0  }
0xd1: {  	[sflag:s10] =	ssyncadd.s32 @!p0 $0xFFFFD900  }
0xd2: {  	_ =	sfence.sel $0x180000  }
0xd3: {  	[bflag:$0x0] =	sbarrier.arrive $0xFFFF  }
0xd4: {  	_ =	strace $0x90000056  }
0xd5: {  	s0 =	stileid.u32;
	[bflag:$0x2] =	sbarrier.arrive $0xFFFF  }
0xd6: {  	p0 =	sne.s32 s0, $0x0;
	s0 =	rddreg [dreg:$0x2]  }
0xd7: {  	s0 =	sadd.s32 @!p0 $0x100000, s0  }
0xd8: {  	[sflag:s0] =	ssyncadd.tile.s32 @!p0 $0x1;
	_ =	shalt  }
.Lfunc_end2:
_tile_overlayer_lowered:
.L_overlay_start_2:
0xd9: {  	(tag) =	ssettag $0x2  }
0xda: {  	s0 =	rddreg [dreg:$0x0];
	s2 =	stileid.u32  }
0xdb: {  	s1 =	rddreg [dreg:$0x1];
	p0 =	sne.s32 s2, $0x0  }
0xdc: {  	s3 =	rddreg [dreg:$0x2];
	[bflag:$0x3] =	sbarrier.arrive $0xFFFF;
	s2 =	simm.s32 @!p0 $0x1C07  }
0xdd: {  	[timem:s3], [sflag:s2] =	dma.local @!p0 [hbm:s0], s1  }
0xde: {  	s0 =	simm.s32 @!p0 $0x7  }
0xdf: {  	_ =	swait.ge @!p0 [sflag:s0], s1  }
0xe0: {  	s1 =	ssub.s32 @!p0 $0x0, s1;
	[sflag:s0] =	ssyncset.done @!p0 $0x0  }
0xe1: {  	[sflag:s0] =	ssyncadd.s32 @!p0 s1  }
0xe2: {  	[bflag:$0x3] =	sbarrier.arrive $0xFFFF  }
0xe3: {  	_ =	shalt  }

</sc_bundles>
